<compile_context>
chip_gen: v7x
topology: tpu7x:2x2x1
jax: 0.10.2.dev20260603
libtpu: 0.0.44.dev20260713+nightly
codegen_flags: <defaults>
</compile_context>

<pallas_src>
import functools

import jax
import jax.numpy as jnp
from jax import lax
from jax.experimental import pallas as pl
from jax.experimental.pallas import tpu as pltpu
from jax.experimental.pallas import tpu_sc as plsc

N = 10000
E = 160000
H = 16
LAT = 128

NC = 2
NS = 16
NW = NC * NS
C = 128
CH_W = 40
E_PAD = NW * CH_W * C
ROWS = NW * CH_W
N_TAB = 10240
ROWS_T = N_TAB // NS
SEC = 64
DUMP = N


NB = 6
LA = 3


def _gather_body(h_hbm, src_hbm, out_hbm, idx_v, rows_v, gsem, osem):
    c = lax.axis_index("c")
    s = lax.axis_index("s")
    w = s * NC + c
    base = w * CH_W
    pltpu.sync_copy(src_hbm.at[pl.ds(base, CH_W)], idx_v)

    for k0 in range(LA):
        pltpu.make_async_copy(h_hbm.at[idx_v.at[k0]], rows_v.at[k0],
                              gsem.at[k0]).start()

    def chunk(k, carry):
        slot = lax.rem(k, NB)
        pltpu.make_async_copy(h_hbm.at[idx_v.at[k]], rows_v.at[slot],
                              gsem.at[slot]).wait()
        pltpu.make_async_copy(rows_v.at[slot], out_hbm.at[base + k],
                              osem.at[slot]).start()

        @pl.when(k + LA < CH_W)
        def _():
            nslot = lax.rem(k + LA, NB)

            @pl.when(k >= LA)
            def _():
                pltpu.make_async_copy(rows_v.at[nslot],
                                      out_hbm.at[base + k - LA],
                                      osem.at[nslot]).wait()

            pltpu.make_async_copy(h_hbm.at[idx_v.at[k + LA]],
                                  rows_v.at[nslot], gsem.at[nslot]).start()

        return carry

    lax.fori_loop(0, CH_W, chunk, 0)

    def drain(k, carry):
        slot = lax.rem(k, NB)
        pltpu.make_async_copy(rows_v.at[slot], out_hbm.at[base + k],
                              osem.at[slot]).wait()
        return carry

    lax.fori_loop(CH_W - 2 * LA, CH_W, drain, 0)


def _scatter_body(msg_hbm, dst_hbm, out_hbm, idx_v, msg_v, stage_v, acc_sh, sem):
    c = lax.axis_index("c")
    s = lax.axis_index("s")
    w = s * NC + c

    def zrow(i, carry):
        for j in range(8):
            stage_v[i, pl.ds(j * H, H)] = jnp.zeros((H,), jnp.float32)
        return carry

    lax.fori_loop(0, SEC, zrow, 0)

    def zsec(j, carry):
        pltpu.sync_copy(stage_v, acc_sh.at[pl.ds(s * ROWS_T + j * SEC, SEC)])
        return carry

    lax.fori_loop(0, ROWS_T // SEC, zsec, 0)
    plsc.subcore_barrier()

    base = w * CH_W
    pltpu.sync_copy(dst_hbm.at[pl.ds(base, CH_W)], idx_v)

    pltpu.make_async_copy(msg_hbm.at[base], msg_v.at[0], sem.at[0]).start()

    def body(k, carry):
        slot = lax.rem(k, 2)
        pltpu.make_async_copy(msg_hbm.at[base + k], msg_v.at[slot],
                              sem.at[slot]).wait()

        @pl.when(k + 1 < CH_W)
        def _():
            nslot = lax.rem(k + 1, 2)
            pltpu.make_async_copy(msg_hbm.at[base + k + 1],
                                  msg_v.at[nslot], sem.at[nslot]).start()

        pltpu.sync_copy(msg_v.at[slot], acc_sh.at[idx_v.at[k]], add=True)
        return carry

    lax.fori_loop(0, CH_W, body, 0)
    plsc.subcore_barrier()

    def osec(j, carry):
        pltpu.sync_copy(acc_sh.at[pl.ds(s * ROWS_T + j * SEC, SEC)], stage_v)
        pltpu.sync_copy(stage_v, out_hbm.at[c].at[pl.ds(s * ROWS_T + j * SEC, SEC)])
        return carry

    lax.fori_loop(0, ROWS_T // SEC, osec, 0)


@functools.cache
def _sc_kernels():
    mesh = plsc.VectorSubcoreMesh(core_axis_name="c", subcore_axis_name="s")
    gather = functools.partial(
        pl.kernel, mesh=mesh,
        out_type=jax.ShapeDtypeStruct((ROWS, C, 128), jnp.float32),
        scratch_types=[
            pltpu.VMEM((CH_W, C), jnp.int32),
            pltpu.VMEM((NB, C, 128), jnp.float32),
            pltpu.SemaphoreType.DMA((NB,)),
            pltpu.SemaphoreType.DMA((NB,)),
        ],
    )(_gather_body)
    scatter = functools.partial(
        pl.kernel, mesh=mesh,
        out_type=jax.ShapeDtypeStruct((NC, N_TAB, 128), jnp.float32),
        scratch_types=[
            pltpu.VMEM((CH_W, C), jnp.int32),
            pltpu.VMEM((2, C, 128), jnp.float32),
            pltpu.VMEM((SEC, 128), jnp.float32),
            pltpu.VMEM_SHARED((N_TAB, 128), jnp.float32),
            pltpu.SemaphoreType.DMA((2,)),
        ],
    )(_scatter_body)
    return gather, scatter



BE = 2048


def _msg_body(dist_ref, hs_ref, w1_ref, b1_ref, w2p_ref, b2_ref, r_ref, s_ref,
              c16_ref, out_ref):
    d = dist_ref[...]
    hs = hs_ref[...]
    e = jnp.maximum(d * w1_ref[...] + b1_ref[...], 0.0)
    a = jnp.dot(hs, w2p_ref[...], preferred_element_type=jnp.float32)
    er = jnp.dot(e, r_ref[...], preferred_element_type=jnp.float32)
    m = jnp.dot(a * er, s_ref[...], preferred_element_type=jnp.float32)
    m = m + jnp.dot(hs, b2_ref[...], preferred_element_type=jnp.float32)
    out_ref[...] = m + c16_ref[...]


def _tc_msg(distp, hsrc, w1, b1, w2p, b2m, r_mat, s_mat, c16):
    grid = (E_PAD // BE,)
    return pl.pallas_call(
        _msg_body,
        grid=grid,
        in_specs=[
            pl.BlockSpec((BE, 1), lambda i: (i, 0)),
            pl.BlockSpec((BE, 128), lambda i: (i, 0)),
            pl.BlockSpec((1, H), lambda i: (0, 0)),
            pl.BlockSpec((1, H), lambda i: (0, 0)),
            pl.BlockSpec((128, H * H), lambda i: (0, 0)),
            pl.BlockSpec((128, 128), lambda i: (0, 0)),
            pl.BlockSpec((H, H * H), lambda i: (0, 0)),
            pl.BlockSpec((H * H, 128), lambda i: (0, 0)),
            pl.BlockSpec((1, 128), lambda i: (0, 0)),
        ],
        out_specs=pl.BlockSpec((BE, 128), lambda i: (i, 0)),
        out_shape=jax.ShapeDtypeStruct((E_PAD, 128), jnp.float32),
    )(distp, hsrc, w1, b1, w2p, b2m, r_mat, s_mat, c16)


def _bn_body(aggp_ref, h_ref, cb_ref, g_ref, b_ref, p_ref, out_ref):
    agg = aggp_ref[0, :N, :H] + aggp_ref[1, :N, :H]
    deg = aggp_ref[0, :N, H:H + 1] + aggp_ref[1, :N, H:H + 1]
    deg = jnp.maximum(deg, 1.0)
    hn = agg / deg + cb_ref[...]
    mean = jnp.mean(hn, axis=0, keepdims=True)
    var = jnp.mean((hn - mean) ** 2, axis=0, keepdims=True)
    inv = lax.rsqrt(var + 1e-5)
    hn = (hn - mean) * inv * g_ref[...] + b_ref[...]
    hn = jnp.maximum(hn, 0.0)
    out_ref[...] = h_ref[...] + jnp.dot(hn, p_ref[...],
                                        preferred_element_type=jnp.float32)


def _tc_bn(aggp, h, cb, g, b, p_mat):
    return pl.pallas_call(
        _bn_body,
        out_shape=jax.ShapeDtypeStruct((N, 128), jnp.float32),
    )(aggp, h, cb.reshape(1, H), g.reshape(1, H), b.reshape(1, H), p_mat)


def _embed_body(pos_ref, w_ref, b_ref, out_ref):
    out_ref[...] = (
        jnp.dot(pos_ref[...], w_ref[...], preferred_element_type=jnp.float32)
        + b_ref[...]
    )


def _read_body(h_ref, muw_ref, mub_ref, lvw_ref, lvb_ref, mu_ref, lv_ref):
    hg = jnp.mean(h_ref[...], axis=0, keepdims=True)
    mu_ref[...] = (
        jnp.dot(hg, muw_ref[...], preferred_element_type=jnp.float32)
        + mub_ref[...]
    )
    lv_ref[...] = (
        jnp.dot(hg, lvw_ref[...], preferred_element_type=jnp.float32)
        + lvb_ref[...]
    )



def kernel(pos, edge_index, dist, node_w, node_b, ew1, eb1, ew2, eb2,
           conv_bias, bn_gamma, bn_beta, mu_w, mu_b, lv_w, lv_b):
    L = ew1.shape[0]
    src = edge_index[0]
    dst = edge_index[1]
    pad = E_PAD - E
    srcp = jnp.concatenate([src, jnp.zeros((pad,), jnp.int32)]).reshape(ROWS, C)
    dstp = jnp.concatenate([dst, jnp.full((pad,), DUMP, jnp.int32)]).reshape(ROWS, C)
    distp = jnp.concatenate([dist, jnp.zeros((pad, 1), jnp.float32)], axis=0)

    pos8 = jnp.pad(pos, ((0, 0), (0, 8 - pos.shape[1])))
    nw128 = jnp.pad(node_w, ((0, 8 - node_w.shape[0]), (0, 128 - H)))
    nb128 = jnp.pad(node_b, (0, 128 - H)).reshape(1, 128)
    h = pl.pallas_call(
        _embed_body,
        out_shape=jax.ShapeDtypeStruct((N, 128), jnp.float32),
    )(pos8, nw128, nb128)

    sc_gather, sc_scatter = _sc_kernels()

    r_mat = jnp.repeat(jnp.eye(H, dtype=jnp.float32), H, axis=1)
    s_mat = jnp.pad(jnp.tile(jnp.eye(H, dtype=jnp.float32), (H, 1)),
                    ((0, 0), (0, 128 - H)))
    p_mat = jnp.eye(H, 128, dtype=jnp.float32)
    c16 = (jnp.arange(128) == H).astype(jnp.float32).reshape(1, 128)

    for i in range(L):
        w2p = ew2[i].reshape(H, H, H).transpose(1, 0, 2).reshape(H, H * H)
        w2p = jnp.pad(w2p, ((0, 128 - H), (0, 0)))
        b2m = jnp.pad(eb2[i].reshape(H, H), ((0, 128 - H), (0, 128 - H)))
        hsrc = sc_gather(h, srcp).reshape(E_PAD, 128)
        msg = _tc_msg(distp, hsrc, ew1[i], eb1[i].reshape(1, H), w2p, b2m,
                      r_mat, s_mat, c16)
        aggp = sc_scatter(msg.reshape(ROWS, C, 128), dstp)
        h = _tc_bn(aggp, h, conv_bias[i], bn_gamma[i], bn_beta[i], p_mat)

    muw128 = jnp.pad(mu_w, ((0, 128 - H), (0, 0)))
    lvw128 = jnp.pad(lv_w, ((0, 128 - H), (0, 0)))
    mu, lv = pl.pallas_call(
        _read_body,
        out_shape=(jax.ShapeDtypeStruct((1, LAT), jnp.float32),
                   jax.ShapeDtypeStruct((1, LAT), jnp.float32)),
    )(h, muw128, mu_b.reshape(1, LAT), lvw128, lv_b.reshape(1, LAT))
    return mu, lv

# --- scband reference (transcript-rebuilt; emitter-appended) ---
"""Pipeline reference for scband-gnnencoder-66967130079873 (READ-ONLY COPY).

The authoritative reference and input builder live on the scoring server;
editing this copy changes nothing except your own understanding.
"""

import jax, jax.numpy as jnp
import numpy as np

N = 10000
E = 160000
F_IN = 3
H = 16
LAT = 128
L = 3


def setup_inputs(seed: int = 0) -> dict:
    key = jax.random.key(seed)
    ks = jax.random.split(key, 16)
    pos = jax.random.normal(ks[0], (N, F_IN), dtype=jnp.float32)
    edge_index = jax.random.randint(ks[1], (2, E), 0, N, dtype=jnp.int32)
    dist = jax.random.uniform(ks[2], (E, 1), dtype=jnp.float32)
    s = 0.1
    node_w = jax.random.normal(ks[3], (F_IN, H), dtype=jnp.float32) * s
    node_b = jnp.zeros((H,), jnp.float32)
    ew1 = jax.random.normal(ks[4], (L, 1, H), dtype=jnp.float32) * s
    eb1 = jnp.zeros((L, H), jnp.float32)
    ew2 = jax.random.normal(ks[5], (L, H, H * H), dtype=jnp.float32) * s
    eb2 = jnp.zeros((L, H * H), jnp.float32)
    conv_bias = jnp.zeros((L, H), jnp.float32)
    bn_gamma = jnp.ones((L, H), jnp.float32)
    bn_beta = jnp.zeros((L, H), jnp.float32)
    mu_w = jax.random.normal(ks[6], (H, LAT), dtype=jnp.float32) * s
    mu_b = jnp.zeros((LAT,), jnp.float32)
    lv_w = jax.random.normal(ks[7], (H, LAT), dtype=jnp.float32) * s
    lv_b = jnp.zeros((LAT,), jnp.float32)
    return {"pos": pos, "edge_index": edge_index, "dist": dist,
            "node_w": node_w, "node_b": node_b,
            "ew1": ew1, "eb1": eb1, "ew2": ew2, "eb2": eb2,
            "conv_bias": conv_bias, "bn_gamma": bn_gamma, "bn_beta": bn_beta,
            "mu_w": mu_w, "mu_b": mu_b, "lv_w": lv_w, "lv_b": lv_b}


def reference(pos, edge_index, dist, node_w, node_b, ew1, eb1, ew2, eb2,
              conv_bias, bn_gamma, bn_beta, mu_w, mu_b, lv_w, lv_b):
    src = edge_index[0]
    dst = edge_index[1]
    # node embedding
    h = pos @ node_w + node_b
    # in-degree for 'mean' aggregator (clamped to avoid div by zero, as DGL does)
    deg = jax.ops.segment_sum(jnp.ones((E,), jnp.float32), dst, num_segments=N)
    deg = jnp.clip(deg, 1.0, None)
    for i in range(L):
        # edge network: 1 -> H -> H*H, per-edge weight matrix
        e = jax.nn.relu(dist @ ew1[i] + eb1[i])
        We = (e @ ew2[i] + eb2[i]).reshape(E, H, H)
        # NNConv message: gather source feats, per-edge matmul
        msg = jnp.einsum('ei,eio->eo', h[src], We)
        # mean aggregation over incoming edges (scatter-add + degree normalize)
        agg = jax.ops.segment_sum(msg, dst, num_segments=N) / deg[:, None]
        hn = agg + conv_bias[i]
        # BatchNorm1d (training mode: batch statistics, biased variance)
        mean = jnp.mean(hn, axis=0)
        var = jnp.var(hn, axis=0)
        hn = (hn - mean) / jnp.sqrt(var + 1e-5) * bn_gamma[i] + bn_beta[i]
        hn = jax.nn.relu(hn)
        h = h + hn
    # dgl.mean_nodes over a single graph
    hg = jnp.mean(h, axis=0, keepdims=True)
    mu = hg @ mu_w + mu_b
    logvar = hg @ lv_w + lv_b
    return mu, logvar

if __name__ == "__main__":
    import jax
    _d = setup_inputs()
    print(jax.jit(kernel)(*tuple(_d.values())))

</pallas_src>

<mosaic_0001>
#map = affine_map<(d0, d1) -> (0, 0)>
#map1 = affine_map<(d0, d1) -> (0, 0, 0)>
module attributes {stable_mosaic.version = 14 : i64} {
  func.func @_gather_body(%arg0: i32, %arg1: i32, %arg2: memref<10000x128xf32, #tpu.memory_space<hbm>>, %arg3: memref<1280x128xi32, #tpu.memory_space<hbm>>, %arg4: memref<1280x128x128xf32, #tpu.memory_space<hbm>>, %arg5: memref<40x128xi32, #tpu.memory_space<vmem>>, %arg6: memref<6x128x128xf32, #tpu.memory_space<vmem>>, %arg7: memref<6x!tpu.dma_semaphore, #tpu.memory_space<semaphore_mem>>, %arg8: memref<6x!tpu.dma_semaphore, #tpu.memory_space<semaphore_mem>>) attributes {dimension_semantics = [#tpu.dimension_semantics<core_parallel>, #tpu.dimension_semantics<subcore_parallel>], iteration_bounds = array<i64: 2, 16>, scalar_prefetch = 0 : i64, scratch_operands = 4 : i64, tpu.core_type = #tpu.core_type<sc_vector_subcore>, window_params = [{transform_indices = #map}, {transform_indices = #map}, {transform_indices = #map1}]} {
    %mul3A = arith.constant 2 : i32
    %mul3A_0 = arith.muli %arg1, %mul3A : i32
    %add3A = arith.addi %mul3A_0, %arg0 : i32
    %mul3A_1 = arith.constant 40 : i32
    %mul3A_2 = arith.muli %add3A, %mul3A_1 : i32
    "tpu.region"() ({
      %run_scoped3A = tpu.sem_alloc : memref<!tpu.dma_semaphore, #tpu.memory_space<semaphore_mem>>
      %dma_start3A_58 = arith.constant 0 : i32
      %dma_start3A_59 = tpu.memref_slice %arg3[%mul3A_2, %dma_start3A_58] : memref<1280x128xi32, #tpu.memory_space<hbm>> -> memref<40x128xi32, #tpu.memory_space<hbm>>
      %dma_start3A_60 = arith.constant 0 : i32
      %dma_start3A_61 = tpu.memref_slice %arg3[%mul3A_2, %dma_start3A_60] : memref<1280x128xi32, #tpu.memory_space<hbm>> -> memref<40x128xi32, #tpu.memory_space<hbm>>
      tpu.enqueue_dma source(%dma_start3A_61 : memref<40x128xi32, #tpu.memory_space<hbm>>) target(%arg5 : memref<40x128xi32, #tpu.memory_space<vmem>>) target_semaphore(%run_scoped3A : memref<!tpu.dma_semaphore, #tpu.memory_space<semaphore_mem>>)
      %dma_wait3A = arith.constant 0 : i32
      %dma_wait3A_62 = tpu.memref_slice %arg3[%mul3A_2, %dma_wait3A] : memref<1280x128xi32, #tpu.memory_space<hbm>> -> memref<40x128xi32, #tpu.memory_space<hbm>>
      %dma_wait3A_63 = arith.constant 0 : i32
      %dma_wait3A_64 = tpu.memref_slice %arg3[%mul3A_2, %dma_wait3A_63] : memref<1280x128xi32, #tpu.memory_space<hbm>> -> memref<40x128xi32, #tpu.memory_space<hbm>>
      tpu.wait_dma2 semaphore(%run_scoped3A : memref<!tpu.dma_semaphore, #tpu.memory_space<semaphore_mem>>) src(%dma_wait3A_64 : memref<40x128xi32, #tpu.memory_space<hbm>>) dst(%arg5 : memref<40x128xi32, #tpu.memory_space<vmem>>)
      tpu.yield
    }) : () -> ()
    %dma_start3A = arith.constant 0 : i32
    %dma_start3A_3 = arith.constant 0 : i32
    %dma_start3A_4 = arith.constant 0 : i32
    %dma_start3A_5 = arith.constant 0 : i32
    %dma_start3A_6 = arith.constant 0 : i32
    %dma_start3A_7 = tpu.memref_slice %arg6[%dma_start3A_3, %dma_start3A_5, %dma_start3A_6] : memref<6x128x128xf32, #tpu.memory_space<vmem>> -> memref<1x128x128xf32, #tpu.memory_space<vmem>>
    %dma_start3A_8 = tpu.memref_squeeze %dma_start3A_7 : memref<1x128x128xf32, #tpu.memory_space<vmem>> -> memref<128x128xf32, #tpu.memory_space<vmem>>
    %dma_start3A_9 = arith.constant 0 : i32
    %dma_start3A_10 = tpu.memref_slice %arg5[%dma_start3A, %dma_start3A_9] : memref<40x128xi32, #tpu.memory_space<vmem>> -> memref<1x128xi32, #tpu.memory_space<vmem>>
    %dma_start3A_11 = tpu.memref_squeeze %dma_start3A_10 : memref<1x128xi32, #tpu.memory_space<vmem>> -> memref<128xi32, #tpu.memory_space<vmem>>
    %dma_start3A_12 = arith.constant 0 : i32
    %dma_start3A_13 = arith.constant 0 : i32
    %dma_start3A_14 = tpu.memref_slice %arg2[%dma_start3A_12, %dma_start3A_13] : memref<10000x128xf32, #tpu.memory_space<hbm>> -> memref<10000x128xf32, #tpu.memory_space<hbm>>
    %dma_start3A_15 = tpu.memref_slice %arg7[%dma_start3A_4] : memref<6x!tpu.dma_semaphore, #tpu.memory_space<semaphore_mem>> -> memref<1x!tpu.dma_semaphore, #tpu.memory_space<semaphore_mem>>
    %dma_start3A_16 = tpu.memref_squeeze %dma_start3A_15 : memref<1x!tpu.dma_semaphore, #tpu.memory_space<semaphore_mem>> -> memref<!tpu.dma_semaphore, #tpu.memory_space<semaphore_mem>>
    tpu.enqueue_indirect_dma source(%dma_start3A_14 : memref<10000x128xf32, #tpu.memory_space<hbm>>) target(%dma_start3A_8 : memref<128x128xf32, #tpu.memory_space<vmem>>) offsets(%dma_start3A_11 : memref<128xi32, #tpu.memory_space<vmem>>) semaphore(%dma_start3A_16 : memref<!tpu.dma_semaphore, #tpu.memory_space<semaphore_mem>>)
    %dma_start3A_17 = arith.constant 1 : i32
    %dma_start3A_18 = arith.constant 1 : i32
    %dma_start3A_19 = arith.constant 1 : i32
    %dma_start3A_20 = arith.constant 0 : i32
    %dma_start3A_21 = arith.constant 0 : i32
    %dma_start3A_22 = tpu.memref_slice %arg6[%dma_start3A_18, %dma_start3A_20, %dma_start3A_21] : memref<6x128x128xf32, #tpu.memory_space<vmem>> -> memref<1x128x128xf32, #tpu.memory_space<vmem>>
    %dma_start3A_23 = tpu.memref_squeeze %dma_start3A_22 : memref<1x128x128xf32, #tpu.memory_space<vmem>> -> memref<128x128xf32, #tpu.memory_space<vmem>>
    %dma_start3A_24 = arith.constant 0 : i32
    %dma_start3A_25 = tpu.memref_slice %arg5[%dma_start3A_17, %dma_start3A_24] : memref<40x128xi32, #tpu.memory_space<vmem>> -> memref<1x128xi32, #tpu.memory_space<vmem>>
    %dma_start3A_26 = tpu.memref_squeeze %dma_start3A_25 : memref<1x128xi32, #tpu.memory_space<vmem>> -> memref<128xi32, #tpu.memory_space<vmem>>
    %dma_start3A_27 = arith.constant 0 : i32
    %dma_start3A_28 = arith.constant 0 : i32
    %dma_start3A_29 = tpu.memref_slice %arg2[%dma_start3A_27, %dma_start3A_28] : memref<10000x128xf32, #tpu.memory_space<hbm>> -> memref<10000x128xf32, #tpu.memory_space<hbm>>
    %dma_start3A_30 = tpu.memref_slice %arg7[%dma_start3A_19] : memref<6x!tpu.dma_semaphore, #tpu.memory_space<semaphore_mem>> -> memref<1x!tpu.dma_semaphore, #tpu.memory_space<semaphore_mem>>
    %dma_start3A_31 = tpu.memref_squeeze %dma_start3A_30 : memref<1x!tpu.dma_semaphore, #tpu.memory_space<semaphore_mem>> -> memref<!tpu.dma_semaphore, #tpu.memory_space<semaphore_mem>>
    tpu.enqueue_indirect_dma source(%dma_start3A_29 : memref<10000x128xf32, #tpu.memory_space<hbm>>) target(%dma_start3A_23 : memref<128x128xf32, #tpu.memory_space<vmem>>) offsets(%dma_start3A_26 : memref<128xi32, #tpu.memory_space<vmem>>) semaphore(%dma_start3A_31 : memref<!tpu.dma_semaphore, #tpu.memory_space<semaphore_mem>>)
    %dma_start3A_32 = arith.constant 2 : i32
    %dma_start3A_33 = arith.constant 2 : i32
    %dma_start3A_34 = arith.constant 2 : i32
    %dma_start3A_35 = arith.constant 0 : i32
    %dma_start3A_36 = arith.constant 0 : i32
    %dma_start3A_37 = tpu.memref_slice %arg6[%dma_start3A_33, %dma_start3A_35, %dma_start3A_36] : memref<6x128x128xf32, #tpu.memory_space<vmem>> -> memref<1x128x128xf32, #tpu.memory_space<vmem>>
    %dma_start3A_38 = tpu.memref_squeeze %dma_start3A_37 : memref<1x128x128xf32, #tpu.memory_space<vmem>> -> memref<128x128xf32, #tpu.memory_space<vmem>>
    %dma_start3A_39 = arith.constant 0 : i32
    %dma_start3A_40 = tpu.memref_slice %arg5[%dma_start3A_32, %dma_start3A_39] : memref<40x128xi32, #tpu.memory_space<vmem>> -> memref<1x128xi32, #tpu.memory_space<vmem>>
    %dma_start3A_41 = tpu.memref_squeeze %dma_start3A_40 : memref<1x128xi32, #tpu.memory_space<vmem>> -> memref<128xi32, #tpu.memory_space<vmem>>
    %dma_start3A_42 = arith.constant 0 : i32
    %dma_start3A_43 = arith.constant 0 : i32
    %dma_start3A_44 = tpu.memref_slice %arg2[%dma_start3A_42, %dma_start3A_43] : memref<10000x128xf32, #tpu.memory_space<hbm>> -> memref<10000x128xf32, #tpu.memory_space<hbm>>
    %dma_start3A_45 = tpu.memref_slice %arg7[%dma_start3A_34] : memref<6x!tpu.dma_semaphore, #tpu.memory_space<semaphore_mem>> -> memref<1x!tpu.dma_semaphore, #tpu.memory_space<semaphore_mem>>
    %dma_start3A_46 = tpu.memref_squeeze %dma_start3A_45 : memref<1x!tpu.dma_semaphore, #tpu.memory_space<semaphore_mem>> -> memref<!tpu.dma_semaphore, #tpu.memory_space<semaphore_mem>>
    tpu.enqueue_indirect_dma source(%dma_start3A_44 : memref<10000x128xf32, #tpu.memory_space<hbm>>) target(%dma_start3A_38 : memref<128x128xf32, #tpu.memory_space<vmem>>) offsets(%dma_start3A_41 : memref<128xi32, #tpu.memory_space<vmem>>) semaphore(%dma_start3A_46 : memref<!tpu.dma_semaphore, #tpu.memory_space<semaphore_mem>>)
    %scan3A = arith.constant 0 : i32
    %scan3A_47 = arith.constant 0 : i32
    %scan3A_48 = arith.constant 40 : i32
    %scan3A_49 = arith.addi %scan3A_47, %scan3A_48 : i32
    %scan3A_50 = arith.constant 1 : i32
    scf.for %scan3A_58 = %scan3A_47 to %scan3A_49 step %scan3A_50  : i32 {
      %rem3A = arith.constant 6 : i32
      %rem3A_59 = arith.remsi %scan3A_58, %rem3A : i32
      %dma_wait3A = arith.constant 0 : i32
      %dma_wait3A_60 = arith.constant 0 : i32
      %dma_wait3A_61 = tpu.memref_slice %arg6[%rem3A_59, %dma_wait3A, %dma_wait3A_60] : memref<6x128x128xf32, #tpu.memory_space<vmem>> -> memref<1x128x128xf32, #tpu.memory_space<vmem>>
      %dma_wait3A_62 = tpu.memref_squeeze %dma_wait3A_61 : memref<1x128x128xf32, #tpu.memory_space<vmem>> -> memref<128x128xf32, #tpu.memory_space<vmem>>
      %dma_wait3A_63 = arith.constant 0 : i32
      %dma_wait3A_64 = tpu.memref_slice %arg5[%scan3A_58, %dma_wait3A_63] : memref<40x128xi32, #tpu.memory_space<vmem>> -> memref<1x128xi32, #tpu.memory_space<vmem>>
      %dma_wait3A_65 = tpu.memref_squeeze %dma_wait3A_64 : memref<1x128xi32, #tpu.memory_space<vmem>> -> memref<128xi32, #tpu.memory_space<vmem>>
      %dma_wait3A_66 = arith.constant 0 : i32
      %dma_wait3A_67 = arith.constant 0 : i32
      %dma_wait3A_68 = tpu.memref_slice %arg2[%dma_wait3A_66, %dma_wait3A_67] : memref<10000x128xf32, #tpu.memory_space<hbm>> -> memref<10000x128xf32, #tpu.memory_space<hbm>>
      %dma_wait3A_69 = tpu.memref_slice %arg7[%rem3A_59] : memref<6x!tpu.dma_semaphore, #tpu.memory_space<semaphore_mem>> -> memref<1x!tpu.dma_semaphore, #tpu.memory_space<semaphore_mem>>
      %dma_wait3A_70 = tpu.memref_squeeze %dma_wait3A_69 : memref<1x!tpu.dma_semaphore, #tpu.memory_space<semaphore_mem>> -> memref<!tpu.dma_semaphore, #tpu.memory_space<semaphore_mem>>
      tpu.wait_indirect_dma semaphore(%dma_wait3A_70 : memref<!tpu.dma_semaphore, #tpu.memory_space<semaphore_mem>>) src(%dma_wait3A_68 : memref<10000x128xf32, #tpu.memory_space<hbm>>) dst(%dma_wait3A_62 : memref<128x128xf32, #tpu.memory_space<vmem>>)
      %add3A_71 = arith.addi %mul3A_2, %scan3A_58 : i32
      %dma_start3A_72 = arith.constant 0 : i32
      %dma_start3A_73 = arith.constant 0 : i32
      %dma_start3A_74 = tpu.memref_slice %arg6[%rem3A_59, %dma_start3A_72, %dma_start3A_73] : memref<6x128x128xf32, #tpu.memory_space<vmem>> -> memref<1x128x128xf32, #tpu.memory_space<vmem>>
      %dma_start3A_75 = tpu.memref_squeeze %dma_start3A_74 : memref<1x128x128xf32, #tpu.memory_space<vmem>> -> memref<128x128xf32, #tpu.memory_space<vmem>>
      %dma_start3A_76 = arith.constant 0 : i32
      %dma_start3A_77 = arith.constant 0 : i32
      %dma_start3A_78 = tpu.memref_slice %arg4[%add3A_71, %dma_start3A_76, %dma_start3A_77] : memref<1280x128x128xf32, #tpu.memory_space<hbm>> -> memref<1x128x128xf32, #tpu.memory_space<hbm>>
      %dma_start3A_79 = tpu.memref_squeeze %dma_start3A_78 : memref<1x128x128xf32, #tpu.memory_space<hbm>> -> memref<128x128xf32, #tpu.memory_space<hbm>>
      %dma_start3A_80 = tpu.memref_slice %arg8[%rem3A_59] : memref<6x!tpu.dma_semaphore, #tpu.memory_space<semaphore_mem>> -> memref<1x!tpu.dma_semaphore, #tpu.memory_space<semaphore_mem>>
      %dma_start3A_81 = tpu.memref_squeeze %dma_start3A_80 : memref<1x!tpu.dma_semaphore, #tpu.memory_space<semaphore_mem>> -> memref<!tpu.dma_semaphore, #tpu.memory_space<semaphore_mem>>
      %dma_start3A_82 = arith.constant 0 : i32
      %dma_start3A_83 = arith.constant 0 : i32
      %dma_start3A_84 = tpu.memref_slice %arg4[%add3A_71, %dma_start3A_82, %dma_start3A_83] : memref<1280x128x128xf32, #tpu.memory_space<hbm>> -> memref<1x128x128xf32, #tpu.memory_space<hbm>>
      %dma_start3A_85 = tpu.memref_squeeze %dma_start3A_84 : memref<1x128x128xf32, #tpu.memory_space<hbm>> -> memref<128x128xf32, #tpu.memory_space<hbm>>
      %dma_start3A_86 = arith.constant 0 : i32
      %dma_start3A_87 = arith.constant 0 : i32
      %dma_start3A_88 = tpu.memref_slice %arg6[%rem3A_59, %dma_start3A_86, %dma_start3A_87] : memref<6x128x128xf32, #tpu.memory_space<vmem>> -> memref<1x128x128xf32, #tpu.memory_space<vmem>>
      %dma_start3A_89 = tpu.memref_squeeze %dma_start3A_88 : memref<1x128x128xf32, #tpu.memory_space<vmem>> -> memref<128x128xf32, #tpu.memory_space<vmem>>
      tpu.enqueue_dma source(%dma_start3A_89 : memref<128x128xf32, #tpu.memory_space<vmem>>) target(%dma_start3A_85 : memref<128x128xf32, #tpu.memory_space<hbm>>) target_semaphore(%dma_start3A_81 : memref<!tpu.dma_semaphore, #tpu.memory_space<semaphore_mem>>)
      %add3A_90 = arith.constant 3 : i32
      %add3A_91 = arith.addi %scan3A_58, %add3A_90 : i32
      %lt3A = arith.constant 40 : i32
      %lt3A_92 = arith.cmpi slt, %add3A_91, %lt3A : i32
      %convert_element_type3A = arith.extui %lt3A_92 : i1 to i32
      %cond3A = arith.constant 0 : i32
      %cond3A_93 = arith.cmpi ne, %convert_element_type3A, %cond3A : i32
      scf.if %cond3A_93 {
        %add3A_94 = arith.constant 3 : i32
        %add3A_95 = arith.addi %scan3A_58, %add3A_94 : i32
        %rem3A_96 = arith.constant 6 : i32
        %rem3A_97 = arith.remsi %add3A_95, %rem3A_96 : i32
        %ge3A = arith.constant 3 : i32
        %ge3A_98 = arith.cmpi sge, %scan3A_58, %ge3A : i32
        %convert_element_type3A_99 = arith.extui %ge3A_98 : i1 to i32
        %cond3A_100 = arith.constant 0 : i32
        %cond3A_101 = arith.cmpi ne, %convert_element_type3A_99, %cond3A_100 : i32
        scf.if %cond3A_101 {
          %add3A_116 = arith.addi %mul3A_2, %scan3A_58 : i32
          %sub3A = arith.constant 3 : i32
          %sub3A_117 = arith.subi %add3A_116, %sub3A : i32
          %dma_wait3A_118 = arith.constant 0 : i32
          %dma_wait3A_119 = arith.constant 0 : i32
          %dma_wait3A_120 = tpu.memref_slice %arg6[%rem3A_97, %dma_wait3A_118, %dma_wait3A_119] : memref<6x128x128xf32, #tpu.memory_space<vmem>> -> memref<1x128x128xf32, #tpu.memory_space<vmem>>
          %dma_wait3A_121 = tpu.memref_squeeze %dma_wait3A_120 : memref<1x128x128xf32, #tpu.memory_space<vmem>> -> memref<128x128xf32, #tpu.memory_space<vmem>>
          %dma_wait3A_122 = arith.constant 0 : i32
          %dma_wait3A_123 = arith.constant 0 : i32
          %dma_wait3A_124 = tpu.memref_slice %arg4[%sub3A_117, %dma_wait3A_122, %dma_wait3A_123] : memref<1280x128x128xf32, #tpu.memory_space<hbm>> -> memref<1x128x128xf32, #tpu.memory_space<hbm>>
          %dma_wait3A_125 = tpu.memref_squeeze %dma_wait3A_124 : memref<1x128x128xf32, #tpu.memory_space<hbm>> -> memref<128x128xf32, #tpu.memory_space<hbm>>
          %dma_wait3A_126 = tpu.memref_slice %arg8[%rem3A_97] : memref<6x!tpu.dma_semaphore, #tpu.memory_space<semaphore_mem>> -> memref<1x!tpu.dma_semaphore, #tpu.memory_space<semaphore_mem>>
          %dma_wait3A_127 = tpu.memref_squeeze %dma_wait3A_126 : memref<1x!tpu.dma_semaphore, #tpu.memory_space<semaphore_mem>> -> memref<!tpu.dma_semaphore, #tpu.memory_space<semaphore_mem>>
          %dma_wait3A_128 = arith.constant 0 : i32
          %dma_wait3A_129 = arith.constant 0 : i32
          %dma_wait3A_130 = tpu.memref_slice %arg4[%sub3A_117, %dma_wait3A_128, %dma_wait3A_129] : memref<1280x128x128xf32, #tpu.memory_space<hbm>> -> memref<1x128x128xf32, #tpu.memory_space<hbm>>
          %dma_wait3A_131 = tpu.memref_squeeze %dma_wait3A_130 : memref<1x128x128xf32, #tpu.memory_space<hbm>> -> memref<128x128xf32, #tpu.memory_space<hbm>>
          %dma_wait3A_132 = arith.constant 0 : i32
          %dma_wait3A_133 = arith.constant 0 : i32
          %dma_wait3A_134 = tpu.memref_slice %arg6[%rem3A_97, %dma_wait3A_132, %dma_wait3A_133] : memref<6x128x128xf32, #tpu.memory_space<vmem>> -> memref<1x128x128xf32, #tpu.memory_space<vmem>>
          %dma_wait3A_135 = tpu.memref_squeeze %dma_wait3A_134 : memref<1x128x128xf32, #tpu.memory_space<vmem>> -> memref<128x128xf32, #tpu.memory_space<vmem>>
          tpu.wait_dma2 semaphore(%dma_wait3A_127 : memref<!tpu.dma_semaphore, #tpu.memory_space<semaphore_mem>>) src(%dma_wait3A_135 : memref<128x128xf32, #tpu.memory_space<vmem>>) dst(%dma_wait3A_131 : memref<128x128xf32, #tpu.memory_space<hbm>>)
        } else {
        }
        %add3A_102 = arith.constant 3 : i32
        %add3A_103 = arith.addi %scan3A_58, %add3A_102 : i32
        %dma_start3A_104 = arith.constant 0 : i32
        %dma_start3A_105 = arith.constant 0 : i32
        %dma_start3A_106 = tpu.memref_slice %arg6[%rem3A_97, %dma_start3A_104, %dma_start3A_105] : memref<6x128x128xf32, #tpu.memory_space<vmem>> -> memref<1x128x128xf32, #tpu.memory_space<vmem>>
        %dma_start3A_107 = tpu.memref_squeeze %dma_start3A_106 : memref<1x128x128xf32, #tpu.memory_space<vmem>> -> memref<128x128xf32, #tpu.memory_space<vmem>>
        %dma_start3A_108 = arith.constant 0 : i32
        %dma_start3A_109 = tpu.memref_slice %arg5[%add3A_103, %dma_start3A_108] : memref<40x128xi32, #tpu.memory_space<vmem>> -> memref<1x128xi32, #tpu.memory_space<vmem>>
        %dma_start3A_110 = tpu.memref_squeeze %dma_start3A_109 : memref<1x128xi32, #tpu.memory_space<vmem>> -> memref<128xi32, #tpu.memory_space<vmem>>
        %dma_start3A_111 = arith.constant 0 : i32
        %dma_start3A_112 = arith.constant 0 : i32
        %dma_start3A_113 = tpu.memref_slice %arg2[%dma_start3A_111, %dma_start3A_112] : memref<10000x128xf32, #tpu.memory_space<hbm>> -> memref<10000x128xf32, #tpu.memory_space<hbm>>
        %dma_start3A_114 = tpu.memref_slice %arg7[%rem3A_97] : memref<6x!tpu.dma_semaphore, #tpu.memory_space<semaphore_mem>> -> memref<1x!tpu.dma_semaphore, #tpu.memory_space<semaphore_mem>>
        %dma_start3A_115 = tpu.memref_squeeze %dma_start3A_114 : memref<1x!tpu.dma_semaphore, #tpu.memory_space<semaphore_mem>> -> memref<!tpu.dma_semaphore, #tpu.memory_space<semaphore_mem>>
        tpu.enqueue_indirect_dma source(%dma_start3A_113 : memref<10000x128xf32, #tpu.memory_space<hbm>>) target(%dma_start3A_107 : memref<128x128xf32, #tpu.memory_space<vmem>>) offsets(%dma_start3A_110 : memref<128xi32, #tpu.memory_space<vmem>>) semaphore(%dma_start3A_115 : memref<!tpu.dma_semaphore, #tpu.memory_space<semaphore_mem>>)
      } else {
      }
    }
    %scan3A_51 = arith.constant 40 : i32
    %scan3A_52 = arith.constant 0 : i32
    %scan3A_53 = arith.constant 34 : i32
    %scan3A_54 = arith.constant 6 : i32
    %scan3A_55 = arith.addi %scan3A_53, %scan3A_54 : i32
    %scan3A_56 = arith.constant 1 : i32
    scf.for %scan3A_58 = %scan3A_53 to %scan3A_55 step %scan3A_56  : i32 {
      %rem3A = arith.constant 6 : i32
      %rem3A_59 = arith.remsi %scan3A_58, %rem3A : i32
      %add3A_60 = arith.addi %mul3A_2, %scan3A_58 : i32
      %dma_wait3A = arith.constant 0 : i32
      %dma_wait3A_61 = arith.constant 0 : i32
      %dma_wait3A_62 = tpu.memref_slice %arg6[%rem3A_59, %dma_wait3A, %dma_wait3A_61] : memref<6x128x128xf32, #tpu.memory_space<vmem>> -> memref<1x128x128xf32, #tpu.memory_space<vmem>>
      %dma_wait3A_63 = tpu.memref_squeeze %dma_wait3A_62 : memref<1x128x128xf32, #tpu.memory_space<vmem>> -> memref<128x128xf32, #tpu.memory_space<vmem>>
      %dma_wait3A_64 = arith.constant 0 : i32
      %dma_wait3A_65 = arith.constant 0 : i32
      %dma_wait3A_66 = tpu.memref_slice %arg4[%add3A_60, %dma_wait3A_64, %dma_wait3A_65] : memref<1280x128x128xf32, #tpu.memory_space<hbm>> -> memref<1x128x128xf32, #tpu.memory_space<hbm>>
      %dma_wait3A_67 = tpu.memref_squeeze %dma_wait3A_66 : memref<1x128x128xf32, #tpu.memory_space<hbm>> -> memref<128x128xf32, #tpu.memory_space<hbm>>
      %dma_wait3A_68 = tpu.memref_slice %arg8[%rem3A_59] : memref<6x!tpu.dma_semaphore, #tpu.memory_space<semaphore_mem>> -> memref<1x!tpu.dma_semaphore, #tpu.memory_space<semaphore_mem>>
      %dma_wait3A_69 = tpu.memref_squeeze %dma_wait3A_68 : memref<1x!tpu.dma_semaphore, #tpu.memory_space<semaphore_mem>> -> memref<!tpu.dma_semaphore, #tpu.memory_space<semaphore_mem>>
      %dma_wait3A_70 = arith.constant 0 : i32
      %dma_wait3A_71 = arith.constant 0 : i32
      %dma_wait3A_72 = tpu.memref_slice %arg4[%add3A_60, %dma_wait3A_70, %dma_wait3A_71] : memref<1280x128x128xf32, #tpu.memory_space<hbm>> -> memref<1x128x128xf32, #tpu.memory_space<hbm>>
      %dma_wait3A_73 = tpu.memref_squeeze %dma_wait3A_72 : memref<1x128x128xf32, #tpu.memory_space<hbm>> -> memref<128x128xf32, #tpu.memory_space<hbm>>
      %dma_wait3A_74 = arith.constant 0 : i32
      %dma_wait3A_75 = arith.constant 0 : i32
      %dma_wait3A_76 = tpu.memref_slice %arg6[%rem3A_59, %dma_wait3A_74, %dma_wait3A_75] : memref<6x128x128xf32, #tpu.memory_space<vmem>> -> memref<1x128x128xf32, #tpu.memory_space<vmem>>
      %dma_wait3A_77 = tpu.memref_squeeze %dma_wait3A_76 : memref<1x128x128xf32, #tpu.memory_space<vmem>> -> memref<128x128xf32, #tpu.memory_space<vmem>>
      tpu.wait_dma2 semaphore(%dma_wait3A_69 : memref<!tpu.dma_semaphore, #tpu.memory_space<semaphore_mem>>) src(%dma_wait3A_77 : memref<128x128xf32, #tpu.memory_space<vmem>>) dst(%dma_wait3A_73 : memref<128x128xf32, #tpu.memory_space<hbm>>)
    }
    %scan3A_57 = arith.constant 6 : i32
    return
  }
}

#map = affine_map<(d0, d1) -> (0, 0, 0)>
#map1 = affine_map<(d0, d1) -> (0, 0)>
module attributes {stable_mosaic.version = 14 : i64} {
  func.func @_scatter_body(%arg0: i32, %arg1: i32, %arg2: memref<1280x128x128xf32, #tpu.memory_space<hbm>>, %arg3: memref<1280x128xi32, #tpu.memory_space<hbm>>, %arg4: memref<2x10240x128xf32, #tpu.memory_space<hbm>>, %arg5: memref<40x128xi32, #tpu.memory_space<vmem>>, %arg6: memref<2x128x128xf32, #tpu.memory_space<vmem>>, %arg7: memref<64x128xf32, #tpu.memory_space<vmem>>, %arg8: memref<10240x128xf32, #tpu.memory_space<vmem_shared>>, %arg9: memref<2x!tpu.dma_semaphore, #tpu.memory_space<semaphore_mem>>) attributes {dimension_semantics = [#tpu.dimension_semantics<core_parallel>, #tpu.dimension_semantics<subcore_parallel>], iteration_bounds = array<i64: 2, 16>, scalar_prefetch = 0 : i64, scratch_operands = 5 : i64, tpu.core_type = #tpu.core_type<sc_vector_subcore>, window_params = [{transform_indices = #map}, {transform_indices = #map1}, {transform_indices = #map}]} {
    %mul3A = arith.constant 2 : i32
    %mul3A_0 = arith.muli %arg1, %mul3A : i32
    %add3A = arith.addi %mul3A_0, %arg0 : i32
    %scan3A = arith.constant 0 : i32
    %scan3A_1 = arith.constant 0 : i32
    %scan3A_2 = arith.constant 64 : i32
    %scan3A_3 = arith.addi %scan3A_1, %scan3A_2 : i32
    %scan3A_4 = arith.constant 1 : i32
    scf.for %scan3A_46 = %scan3A_1 to %scan3A_3 step %scan3A_4  : i32 {
      %broadcast_in_dim3A = arith.constant 0.000000e+00 : f32
      %broadcast_in_dim3A_47 = vector.broadcast %broadcast_in_dim3A : f32 to vector<16xf32>
      %swap3A = arith.index_cast %scan3A_46 : i32 to index
      %swap3A_48 = arith.constant 0 : index
      %swap3A_49 = tpu.vector_load %arg7[%swap3A, %swap3A_48] {strides = array<i32>} : memref<64x128xf32, #tpu.memory_space<vmem>>, vector<1x16xf32>,
      %swap3A_50 = vector.shape_cast %swap3A_49 : vector<1x16xf32> to vector<16xf32>
      %swap3A_51 = vector.shape_cast %broadcast_in_dim3A_47 : vector<16xf32> to vector<1x16xf32>
      tpu.vector_store %arg7[%swap3A, %swap3A_48], %swap3A_51 {strides = array<i32>} : memref<64x128xf32, #tpu.memory_space<vmem>>, vector<1x16xf32>,
      %broadcast_in_dim3A_52 = arith.constant 0.000000e+00 : f32
      %broadcast_in_dim3A_53 = vector.broadcast %broadcast_in_dim3A_52 : f32 to vector<16xf32>
      %swap3A_54 = arith.index_cast %scan3A_46 : i32 to index
      %swap3A_55 = arith.constant 16 : index
      %swap3A_56 = tpu.vector_load %arg7[%swap3A_54, %swap3A_55] {strides = array<i32>} : memref<64x128xf32, #tpu.memory_space<vmem>>, vector<1x16xf32>,
      %swap3A_57 = vector.shape_cast %swap3A_56 : vector<1x16xf32> to vector<16xf32>
      %swap3A_58 = vector.shape_cast %broadcast_in_dim3A_53 : vector<16xf32> to vector<1x16xf32>
      tpu.vector_store %arg7[%swap3A_54, %swap3A_55], %swap3A_58 {strides = array<i32>} : memref<64x128xf32, #tpu.memory_space<vmem>>, vector<1x16xf32>,
      %broadcast_in_dim3A_59 = arith.constant 0.000000e+00 : f32
      %broadcast_in_dim3A_60 = vector.broadcast %broadcast_in_dim3A_59 : f32 to vector<16xf32>
      %swap3A_61 = arith.index_cast %scan3A_46 : i32 to index
      %swap3A_62 = arith.constant 32 : index
      %swap3A_63 = tpu.vector_load %arg7[%swap3A_61, %swap3A_62] {strides = array<i32>} : memref<64x128xf32, #tpu.memory_space<vmem>>, vector<1x16xf32>,
      %swap3A_64 = vector.shape_cast %swap3A_63 : vector<1x16xf32> to vector<16xf32>
      %swap3A_65 = vector.shape_cast %broadcast_in_dim3A_60 : vector<16xf32> to vector<1x16xf32>
      tpu.vector_store %arg7[%swap3A_61, %swap3A_62], %swap3A_65 {strides = array<i32>} : memref<64x128xf32, #tpu.memory_space<vmem>>, vector<1x16xf32>,
      %broadcast_in_dim3A_66 = arith.constant 0.000000e+00 : f32
      %broadcast_in_dim3A_67 = vector.broadcast %broadcast_in_dim3A_66 : f32 to vector<16xf32>
      %swap3A_68 = arith.index_cast %scan3A_46 : i32 to index
      %swap3A_69 = arith.constant 48 : index
      %swap3A_70 = tpu.vector_load %arg7[%swap3A_68, %swap3A_69] {strides = array<i32>} : memref<64x128xf32, #tpu.memory_space<vmem>>, vector<1x16xf32>,
      %swap3A_71 = vector.shape_cast %swap3A_70 : vector<1x16xf32> to vector<16xf32>
      %swap3A_72 = vector.shape_cast %broadcast_in_dim3A_67 : vector<16xf32> to vector<1x16xf32>
      tpu.vector_store %arg7[%swap3A_68, %swap3A_69], %swap3A_72 {strides = array<i32>} : memref<64x128xf32, #tpu.memory_space<vmem>>, vector<1x16xf32>,
      %broadcast_in_dim3A_73 = arith.constant 0.000000e+00 : f32
      %broadcast_in_dim3A_74 = vector.broadcast %broadcast_in_dim3A_73 : f32 to vector<16xf32>
      %swap3A_75 = arith.index_cast %scan3A_46 : i32 to index
      %swap3A_76 = arith.constant 64 : index
      %swap3A_77 = tpu.vector_load %arg7[%swap3A_75, %swap3A_76] {strides = array<i32>} : memref<64x128xf32, #tpu.memory_space<vmem>>, vector<1x16xf32>,
      %swap3A_78 = vector.shape_cast %swap3A_77 : vector<1x16xf32> to vector<16xf32>
      %swap3A_79 = vector.shape_cast %broadcast_in_dim3A_74 : vector<16xf32> to vector<1x16xf32>
      tpu.vector_store %arg7[%swap3A_75, %swap3A_76], %swap3A_79 {strides = array<i32>} : memref<64x128xf32, #tpu.memory_space<vmem>>, vector<1x16xf32>,
      %broadcast_in_dim3A_80 = arith.constant 0.000000e+00 : f32
      %broadcast_in_dim3A_81 = vector.broadcast %broadcast_in_dim3A_80 : f32 to vector<16xf32>
      %swap3A_82 = arith.index_cast %scan3A_46 : i32 to index
      %swap3A_83 = arith.constant 80 : index
      %swap3A_84 = tpu.vector_load %arg7[%swap3A_82, %swap3A_83] {strides = array<i32>} : memref<64x128xf32, #tpu.memory_space<vmem>>, vector<1x16xf32>,
      %swap3A_85 = vector.shape_cast %swap3A_84 : vector<1x16xf32> to vector<16xf32>
      %swap3A_86 = vector.shape_cast %broadcast_in_dim3A_81 : vector<16xf32> to vector<1x16xf32>
      tpu.vector_store %arg7[%swap3A_82, %swap3A_83], %swap3A_86 {strides = array<i32>} : memref<64x128xf32, #tpu.memory_space<vmem>>, vector<1x16xf32>,
      %broadcast_in_dim3A_87 = arith.constant 0.000000e+00 : f32
      %broadcast_in_dim3A_88 = vector.broadcast %broadcast_in_dim3A_87 : f32 to vector<16xf32>
      %swap3A_89 = arith.index_cast %scan3A_46 : i32 to index
      %swap3A_90 = arith.constant 96 : index
      %swap3A_91 = tpu.vector_load %arg7[%swap3A_89, %swap3A_90] {strides = array<i32>} : memref<64x128xf32, #tpu.memory_space<vmem>>, vector<1x16xf32>,
      %swap3A_92 = vector.shape_cast %swap3A_91 : vector<1x16xf32> to vector<16xf32>
      %swap3A_93 = vector.shape_cast %broadcast_in_dim3A_88 : vector<16xf32> to vector<1x16xf32>
      tpu.vector_store %arg7[%swap3A_89, %swap3A_90], %swap3A_93 {strides = array<i32>} : memref<64x128xf32, #tpu.memory_space<vmem>>, vector<1x16xf32>,
      %broadcast_in_dim3A_94 = arith.constant 0.000000e+00 : f32
      %broadcast_in_dim3A_95 = vector.broadcast %broadcast_in_dim3A_94 : f32 to vector<16xf32>
      %swap3A_96 = arith.index_cast %scan3A_46 : i32 to index
      %swap3A_97 = arith.constant 112 : index
      %swap3A_98 = tpu.vector_load %arg7[%swap3A_96, %swap3A_97] {strides = array<i32>} : memref<64x128xf32, #tpu.memory_space<vmem>>, vector<1x16xf32>,
      %swap3A_99 = vector.shape_cast %swap3A_98 : vector<1x16xf32> to vector<16xf32>
      %swap3A_100 = vector.shape_cast %broadcast_in_dim3A_95 : vector<16xf32> to vector<1x16xf32>
      tpu.vector_store %arg7[%swap3A_96, %swap3A_97], %swap3A_100 {strides = array<i32>} : memref<64x128xf32, #tpu.memory_space<vmem>>, vector<1x16xf32>,
    }
    %scan3A_5 = arith.constant 64 : i32
    %scan3A_6 = arith.constant 0 : i32
    %scan3A_7 = arith.constant 0 : i32
    %scan3A_8 = arith.constant 10 : i32
    %scan3A_9 = arith.addi %scan3A_7, %scan3A_8 : i32
    %scan3A_10 = arith.constant 1 : i32
    scf.for %scan3A_46 = %scan3A_7 to %scan3A_9 step %scan3A_10  : i32 {
      %mul3A_47 = arith.constant 640 : i32
      %mul3A_48 = arith.muli %arg1, %mul3A_47 : i32
      %mul3A_49 = arith.constant 64 : i32
      %mul3A_50 = arith.muli %scan3A_46, %mul3A_49 : i32
      %add3A_51 = arith.addi %mul3A_48, %mul3A_50 : i32
      "tpu.region"() ({
        %run_scoped3A = tpu.sem_alloc : memref<!tpu.dma_semaphore, #tpu.memory_space<semaphore_mem>>
        %dma_start3A_52 = arith.constant 0 : i32
        %dma_start3A_53 = tpu.memref_slice %arg8[%add3A_51, %dma_start3A_52] : memref<10240x128xf32, #tpu.memory_space<vmem_shared>> -> memref<64x128xf32, #tpu.memory_space<vmem_shared>>
        %dma_start3A_54 = arith.constant 0 : i32
        %dma_start3A_55 = tpu.memref_slice %arg8[%add3A_51, %dma_start3A_54] : memref<10240x128xf32, #tpu.memory_space<vmem_shared>> -> memref<64x128xf32, #tpu.memory_space<vmem_shared>>
        tpu.enqueue_dma source(%arg7 : memref<64x128xf32, #tpu.memory_space<vmem>>) target(%dma_start3A_55 : memref<64x128xf32, #tpu.memory_space<vmem_shared>>) target_semaphore(%run_scoped3A : memref<!tpu.dma_semaphore, #tpu.memory_space<semaphore_mem>>)
        %dma_wait3A = arith.constant 0 : i32
        %dma_wait3A_56 = tpu.memref_slice %arg8[%add3A_51, %dma_wait3A] : memref<10240x128xf32, #tpu.memory_space<vmem_shared>> -> memref<64x128xf32, #tpu.memory_space<vmem_shared>>
        %dma_wait3A_57 = arith.constant 0 : i32
        %dma_wait3A_58 = tpu.memref_slice %arg8[%add3A_51, %dma_wait3A_57] : memref<10240x128xf32, #tpu.memory_space<vmem_shared>> -> memref<64x128xf32, #tpu.memory_space<vmem_shared>>
        tpu.wait_dma2 semaphore(%run_scoped3A : memref<!tpu.dma_semaphore, #tpu.memory_space<semaphore_mem>>) src(%arg7 : memref<64x128xf32, #tpu.memory_space<vmem>>) dst(%dma_wait3A_58 : memref<64x128xf32, #tpu.memory_space<vmem_shared>>)
        tpu.yield
      }) : () -> ()
    }
    %scan3A_11 = arith.constant 10 : i32
    %barrier3A = arith.constant 0 : index
    tpu.barrier barrier_id(%barrier3A)
    %mul3A_12 = arith.constant 40 : i32
    %mul3A_13 = arith.muli %add3A, %mul3A_12 : i32
    "tpu.region"() ({
      %run_scoped3A = tpu.sem_alloc : memref<!tpu.dma_semaphore, #tpu.memory_space<semaphore_mem>>
      %dma_start3A_46 = arith.constant 0 : i32
      %dma_start3A_47 = tpu.memref_slice %arg3[%mul3A_13, %dma_start3A_46] : memref<1280x128xi32, #tpu.memory_space<hbm>> -> memref<40x128xi32, #tpu.memory_space<hbm>>
      %dma_start3A_48 = arith.constant 0 : i32
      %dma_start3A_49 = tpu.memref_slice %arg3[%mul3A_13, %dma_start3A_48] : memref<1280x128xi32, #tpu.memory_space<hbm>> -> memref<40x128xi32, #tpu.memory_space<hbm>>
      tpu.enqueue_dma source(%dma_start3A_49 : memref<40x128xi32, #tpu.memory_space<hbm>>) target(%arg5 : memref<40x128xi32, #tpu.memory_space<vmem>>) target_semaphore(%run_scoped3A : memref<!tpu.dma_semaphore, #tpu.memory_space<semaphore_mem>>)
      %dma_wait3A = arith.constant 0 : i32
      %dma_wait3A_50 = tpu.memref_slice %arg3[%mul3A_13, %dma_wait3A] : memref<1280x128xi32, #tpu.memory_space<hbm>> -> memref<40x128xi32, #tpu.memory_space<hbm>>
      %dma_wait3A_51 = arith.constant 0 : i32
      %dma_wait3A_52 = tpu.memref_slice %arg3[%mul3A_13, %dma_wait3A_51] : memref<1280x128xi32, #tpu.memory_space<hbm>> -> memref<40x128xi32, #tpu.memory_space<hbm>>
      tpu.wait_dma2 semaphore(%run_scoped3A : memref<!tpu.dma_semaphore, #tpu.memory_space<semaphore_mem>>) src(%dma_wait3A_52 : memref<40x128xi32, #tpu.memory_space<hbm>>) dst(%arg5 : memref<40x128xi32, #tpu.memory_space<vmem>>)
      tpu.yield
    }) : () -> ()
    %dma_start3A = arith.constant 0 : i32
    %dma_start3A_14 = arith.constant 0 : i32
    %dma_start3A_15 = arith.constant 0 : i32
    %dma_start3A_16 = arith.constant 0 : i32
    %dma_start3A_17 = tpu.memref_slice %arg6[%dma_start3A, %dma_start3A_15, %dma_start3A_16] : memref<2x128x128xf32, #tpu.memory_space<vmem>> -> memref<1x128x128xf32, #tpu.memory_space<vmem>>
    %dma_start3A_18 = tpu.memref_squeeze %dma_start3A_17 : memref<1x128x128xf32, #tpu.memory_space<vmem>> -> memref<128x128xf32, #tpu.memory_space<vmem>>
    %dma_start3A_19 = arith.constant 0 : i32
    %dma_start3A_20 = arith.constant 0 : i32
    %dma_start3A_21 = tpu.memref_slice %arg2[%mul3A_13, %dma_start3A_19, %dma_start3A_20] : memref<1280x128x128xf32, #tpu.memory_space<hbm>> -> memref<1x128x128xf32, #tpu.memory_space<hbm>>
    %dma_start3A_22 = tpu.memref_squeeze %dma_start3A_21 : memref<1x128x128xf32, #tpu.memory_space<hbm>> -> memref<128x128xf32, #tpu.memory_space<hbm>>
    %dma_start3A_23 = tpu.memref_slice %arg9[%dma_start3A_14] : memref<2x!tpu.dma_semaphore, #tpu.memory_space<semaphore_mem>> -> memref<1x!tpu.dma_semaphore, #tpu.memory_space<semaphore_mem>>
    %dma_start3A_24 = tpu.memref_squeeze %dma_start3A_23 : memref<1x!tpu.dma_semaphore, #tpu.memory_space<semaphore_mem>> -> memref<!tpu.dma_semaphore, #tpu.memory_space<semaphore_mem>>
    %dma_start3A_25 = arith.constant 0 : i32
    %dma_start3A_26 = arith.constant 0 : i32
    %dma_start3A_27 = tpu.memref_slice %arg6[%dma_start3A, %dma_start3A_25, %dma_start3A_26] : memref<2x128x128xf32, #tpu.memory_space<vmem>> -> memref<1x128x128xf32, #tpu.memory_space<vmem>>
    %dma_start3A_28 = tpu.memref_squeeze %dma_start3A_27 : memref<1x128x128xf32, #tpu.memory_space<vmem>> -> memref<128x128xf32, #tpu.memory_space<vmem>>
    %dma_start3A_29 = arith.constant 0 : i32
    %dma_start3A_30 = arith.constant 0 : i32
    %dma_start3A_31 = tpu.memref_slice %arg2[%mul3A_13, %dma_start3A_29, %dma_start3A_30] : memref<1280x128x128xf32, #tpu.memory_space<hbm>> -> memref<1x128x128xf32, #tpu.memory_space<hbm>>
    %dma_start3A_32 = tpu.memref_squeeze %dma_start3A_31 : memref<1x128x128xf32, #tpu.memory_space<hbm>> -> memref<128x128xf32, #tpu.memory_space<hbm>>
    tpu.enqueue_dma source(%dma_start3A_32 : memref<128x128xf32, #tpu.memory_space<hbm>>) target(%dma_start3A_28 : memref<128x128xf32, #tpu.memory_space<vmem>>) target_semaphore(%dma_start3A_24 : memref<!tpu.dma_semaphore, #tpu.memory_space<semaphore_mem>>)
    %scan3A_33 = arith.constant 0 : i32
    %scan3A_34 = arith.constant 0 : i32
    %scan3A_35 = arith.constant 40 : i32
    %scan3A_36 = arith.addi %scan3A_34, %scan3A_35 : i32
    %scan3A_37 = arith.constant 1 : i32
    scf.for %scan3A_46 = %scan3A_34 to %scan3A_36 step %scan3A_37  : i32 {
      %rem3A = arith.constant 2 : i32
      %rem3A_47 = arith.remsi %scan3A_46, %rem3A : i32
      %add3A_48 = arith.addi %mul3A_13, %scan3A_46 : i32
      %dma_wait3A = arith.constant 0 : i32
      %dma_wait3A_49 = arith.constant 0 : i32
      %dma_wait3A_50 = tpu.memref_slice %arg6[%rem3A_47, %dma_wait3A, %dma_wait3A_49] : memref<2x128x128xf32, #tpu.memory_space<vmem>> -> memref<1x128x128xf32, #tpu.memory_space<vmem>>
      %dma_wait3A_51 = tpu.memref_squeeze %dma_wait3A_50 : memref<1x128x128xf32, #tpu.memory_space<vmem>> -> memref<128x128xf32, #tpu.memory_space<vmem>>
      %dma_wait3A_52 = arith.constant 0 : i32
      %dma_wait3A_53 = arith.constant 0 : i32
      %dma_wait3A_54 = tpu.memref_slice %arg2[%add3A_48, %dma_wait3A_52, %dma_wait3A_53] : memref<1280x128x128xf32, #tpu.memory_space<hbm>> -> memref<1x128x128xf32, #tpu.memory_space<hbm>>
      %dma_wait3A_55 = tpu.memref_squeeze %dma_wait3A_54 : memref<1x128x128xf32, #tpu.memory_space<hbm>> -> memref<128x128xf32, #tpu.memory_space<hbm>>
      %dma_wait3A_56 = tpu.memref_slice %arg9[%rem3A_47] : memref<2x!tpu.dma_semaphore, #tpu.memory_space<semaphore_mem>> -> memref<1x!tpu.dma_semaphore, #tpu.memory_space<semaphore_mem>>
      %dma_wait3A_57 = tpu.memref_squeeze %dma_wait3A_56 : memref<1x!tpu.dma_semaphore, #tpu.memory_space<semaphore_mem>> -> memref<!tpu.dma_semaphore, #tpu.memory_space<semaphore_mem>>
      %dma_wait3A_58 = arith.constant 0 : i32
      %dma_wait3A_59 = arith.constant 0 : i32
      %dma_wait3A_60 = tpu.memref_slice %arg6[%rem3A_47, %dma_wait3A_58, %dma_wait3A_59] : memref<2x128x128xf32, #tpu.memory_space<vmem>> -> memref<1x128x128xf32, #tpu.memory_space<vmem>>
      %dma_wait3A_61 = tpu.memref_squeeze %dma_wait3A_60 : memref<1x128x128xf32, #tpu.memory_space<vmem>> -> memref<128x128xf32, #tpu.memory_space<vmem>>
      %dma_wait3A_62 = arith.constant 0 : i32
      %dma_wait3A_63 = arith.constant 0 : i32
      %dma_wait3A_64 = tpu.memref_slice %arg2[%add3A_48, %dma_wait3A_62, %dma_wait3A_63] : memref<1280x128x128xf32, #tpu.memory_space<hbm>> -> memref<1x128x128xf32, #tpu.memory_space<hbm>>
      %dma_wait3A_65 = tpu.memref_squeeze %dma_wait3A_64 : memref<1x128x128xf32, #tpu.memory_space<hbm>> -> memref<128x128xf32, #tpu.memory_space<hbm>>
      tpu.wait_dma2 semaphore(%dma_wait3A_57 : memref<!tpu.dma_semaphore, #tpu.memory_space<semaphore_mem>>) src(%dma_wait3A_65 : memref<128x128xf32, #tpu.memory_space<hbm>>) dst(%dma_wait3A_61 : memref<128x128xf32, #tpu.memory_space<vmem>>)
      %add3A_66 = arith.constant 1 : i32
      %add3A_67 = arith.addi %scan3A_46, %add3A_66 : i32
      %lt3A = arith.constant 40 : i32
      %lt3A_68 = arith.cmpi slt, %add3A_67, %lt3A : i32
      %convert_element_type3A = arith.extui %lt3A_68 : i1 to i32
      %cond3A = arith.constant 0 : i32
      %cond3A_69 = arith.cmpi ne, %convert_element_type3A, %cond3A : i32
      scf.if %cond3A_69 {
        %add3A_70 = arith.constant 1 : i32
        %add3A_71 = arith.addi %scan3A_46, %add3A_70 : i32
        %rem3A_72 = arith.constant 2 : i32
        %rem3A_73 = arith.remsi %add3A_71, %rem3A_72 : i32
        %add3A_74 = arith.addi %mul3A_13, %scan3A_46 : i32
        %add3A_75 = arith.constant 1 : i32
        %add3A_76 = arith.addi %add3A_74, %add3A_75 : i32
        %dma_start3A_77 = arith.constant 0 : i32
        %dma_start3A_78 = arith.constant 0 : i32
        %dma_start3A_79 = tpu.memref_slice %arg6[%rem3A_73, %dma_start3A_77, %dma_start3A_78] : memref<2x128x128xf32, #tpu.memory_space<vmem>> -> memref<1x128x128xf32, #tpu.memory_space<vmem>>
        %dma_start3A_80 = tpu.memref_squeeze %dma_start3A_79 : memref<1x128x128xf32, #tpu.memory_space<vmem>> -> memref<128x128xf32, #tpu.memory_space<vmem>>
        %dma_start3A_81 = arith.constant 0 : i32
        %dma_start3A_82 = arith.constant 0 : i32
        %dma_start3A_83 = tpu.memref_slice %arg2[%add3A_76, %dma_start3A_81, %dma_start3A_82] : memref<1280x128x128xf32, #tpu.memory_space<hbm>> -> memref<1x128x128xf32, #tpu.memory_space<hbm>>
        %dma_start3A_84 = tpu.memref_squeeze %dma_start3A_83 : memref<1x128x128xf32, #tpu.memory_space<hbm>> -> memref<128x128xf32, #tpu.memory_space<hbm>>
        %dma_start3A_85 = tpu.memref_slice %arg9[%rem3A_73] : memref<2x!tpu.dma_semaphore, #tpu.memory_space<semaphore_mem>> -> memref<1x!tpu.dma_semaphore, #tpu.memory_space<semaphore_mem>>
        %dma_start3A_86 = tpu.memref_squeeze %dma_start3A_85 : memref<1x!tpu.dma_semaphore, #tpu.memory_space<semaphore_mem>> -> memref<!tpu.dma_semaphore, #tpu.memory_space<semaphore_mem>>
        %dma_start3A_87 = arith.constant 0 : i32
        %dma_start3A_88 = arith.constant 0 : i32
        %dma_start3A_89 = tpu.memref_slice %arg6[%rem3A_73, %dma_start3A_87, %dma_start3A_88] : memref<2x128x128xf32, #tpu.memory_space<vmem>> -> memref<1x128x128xf32, #tpu.memory_space<vmem>>
        %dma_start3A_90 = tpu.memref_squeeze %dma_start3A_89 : memref<1x128x128xf32, #tpu.memory_space<vmem>> -> memref<128x128xf32, #tpu.memory_space<vmem>>
        %dma_start3A_91 = arith.constant 0 : i32
        %dma_start3A_92 = arith.constant 0 : i32
        %dma_start3A_93 = tpu.memref_slice %arg2[%add3A_76, %dma_start3A_91, %dma_start3A_92] : memref<1280x128x128xf32, #tpu.memory_space<hbm>> -> memref<1x128x128xf32, #tpu.memory_space<hbm>>
        %dma_start3A_94 = tpu.memref_squeeze %dma_start3A_93 : memref<1x128x128xf32, #tpu.memory_space<hbm>> -> memref<128x128xf32, #tpu.memory_space<hbm>>
        tpu.enqueue_dma source(%dma_start3A_94 : memref<128x128xf32, #tpu.memory_space<hbm>>) target(%dma_start3A_90 : memref<128x128xf32, #tpu.memory_space<vmem>>) target_semaphore(%dma_start3A_86 : memref<!tpu.dma_semaphore, #tpu.memory_space<semaphore_mem>>)
      } else {
      }
      "tpu.region"() ({
        %run_scoped3A = tpu.sem_alloc : memref<!tpu.dma_semaphore, #tpu.memory_space<semaphore_mem>>
        %dma_start3A_70 = arith.constant 0 : i32
        %dma_start3A_71 = arith.constant 0 : i32
        %dma_start3A_72 = tpu.memref_slice %arg6[%rem3A_47, %dma_start3A_70, %dma_start3A_71] : memref<2x128x128xf32, #tpu.memory_space<vmem>> -> memref<1x128x128xf32, #tpu.memory_space<vmem>>
        %dma_start3A_73 = tpu.memref_squeeze %dma_start3A_72 : memref<1x128x128xf32, #tpu.memory_space<vmem>> -> memref<128x128xf32, #tpu.memory_space<vmem>>
        %dma_start3A_74 = arith.constant 0 : i32
        %dma_start3A_75 = tpu.memref_slice %arg5[%scan3A_46, %dma_start3A_74] : memref<40x128xi32, #tpu.memory_space<vmem>> -> memref<1x128xi32, #tpu.memory_space<vmem>>
        %dma_start3A_76 = tpu.memref_squeeze %dma_start3A_75 : memref<1x128xi32, #tpu.memory_space<vmem>> -> memref<128xi32, #tpu.memory_space<vmem>>
        %dma_start3A_77 = arith.constant 0 : i32
        %dma_start3A_78 = arith.constant 0 : i32
        %dma_start3A_79 = tpu.memref_slice %arg8[%dma_start3A_77, %dma_start3A_78] : memref<10240x128xf32, #tpu.memory_space<vmem_shared>> -> memref<10240x128xf32, #tpu.memory_space<vmem_shared>>
        tpu.enqueue_indirect_dma source(%dma_start3A_73 : memref<128x128xf32, #tpu.memory_space<vmem>>) target(%dma_start3A_79 : memref<10240x128xf32, #tpu.memory_space<vmem_shared>>) offsets(%dma_start3A_76 : memref<128xi32, #tpu.memory_space<vmem>>) semaphore(%run_scoped3A : memref<!tpu.dma_semaphore, #tpu.memory_space<semaphore_mem>>) {add = true}
        %dma_wait3A_80 = arith.constant 0 : i32
        %dma_wait3A_81 = arith.constant 0 : i32
        %dma_wait3A_82 = tpu.memref_slice %arg6[%rem3A_47, %dma_wait3A_80, %dma_wait3A_81] : memref<2x128x128xf32, #tpu.memory_space<vmem>> -> memref<1x128x128xf32, #tpu.memory_space<vmem>>
        %dma_wait3A_83 = tpu.memref_squeeze %dma_wait3A_82 : memref<1x128x128xf32, #tpu.memory_space<vmem>> -> memref<128x128xf32, #tpu.memory_space<vmem>>
        %dma_wait3A_84 = arith.constant 0 : i32
        %dma_wait3A_85 = tpu.memref_slice %arg5[%scan3A_46, %dma_wait3A_84] : memref<40x128xi32, #tpu.memory_space<vmem>> -> memref<1x128xi32, #tpu.memory_space<vmem>>
        %dma_wait3A_86 = tpu.memref_squeeze %dma_wait3A_85 : memref<1x128xi32, #tpu.memory_space<vmem>> -> memref<128xi32, #tpu.memory_space<vmem>>
        %dma_wait3A_87 = arith.constant 0 : i32
        %dma_wait3A_88 = arith.constant 0 : i32
        %dma_wait3A_89 = tpu.memref_slice %arg8[%dma_wait3A_87, %dma_wait3A_88] : memref<10240x128xf32, #tpu.memory_space<vmem_shared>> -> memref<10240x128xf32, #tpu.memory_space<vmem_shared>>
        tpu.wait_indirect_dma semaphore(%run_scoped3A : memref<!tpu.dma_semaphore, #tpu.memory_space<semaphore_mem>>) src(%dma_wait3A_83 : memref<128x128xf32, #tpu.memory_space<vmem>>) dst(%dma_wait3A_89 : memref<10240x128xf32, #tpu.memory_space<vmem_shared>>)
        tpu.yield
      }) : () -> ()
    }
    %scan3A_38 = arith.constant 40 : i32
    %barrier3A_39 = arith.constant 0 : index
    tpu.barrier barrier_id(%barrier3A_39)
    %scan3A_40 = arith.constant 0 : i32
    %scan3A_41 = arith.constant 0 : i32
    %scan3A_42 = arith.constant 10 : i32
    %scan3A_43 = arith.addi %scan3A_41, %scan3A_42 : i32
    %scan3A_44 = arith.constant 1 : i32
    scf.for %scan3A_46 = %scan3A_41 to %scan3A_43 step %scan3A_44  : i32 {
      %mul3A_47 = arith.constant 640 : i32
      %mul3A_48 = arith.muli %arg1, %mul3A_47 : i32
      %mul3A_49 = arith.constant 64 : i32
      %mul3A_50 = arith.muli %scan3A_46, %mul3A_49 : i32
      %add3A_51 = arith.addi %mul3A_48, %mul3A_50 : i32
      "tpu.region"() ({
        %run_scoped3A = tpu.sem_alloc : memref<!tpu.dma_semaphore, #tpu.memory_space<semaphore_mem>>
        %dma_start3A_57 = arith.constant 0 : i32
        %dma_start3A_58 = tpu.memref_slice %arg8[%add3A_51, %dma_start3A_57] : memref<10240x128xf32, #tpu.memory_space<vmem_shared>> -> memref<64x128xf32, #tpu.memory_space<vmem_shared>>
        %dma_start3A_59 = arith.constant 0 : i32
        %dma_start3A_60 = tpu.memref_slice %arg8[%add3A_51, %dma_start3A_59] : memref<10240x128xf32, #tpu.memory_space<vmem_shared>> -> memref<64x128xf32, #tpu.memory_space<vmem_shared>>
        tpu.enqueue_dma source(%dma_start3A_60 : memref<64x128xf32, #tpu.memory_space<vmem_shared>>) target(%arg7 : memref<64x128xf32, #tpu.memory_space<vmem>>) target_semaphore(%run_scoped3A : memref<!tpu.dma_semaphore, #tpu.memory_space<semaphore_mem>>)
        %dma_wait3A = arith.constant 0 : i32
        %dma_wait3A_61 = tpu.memref_slice %arg8[%add3A_51, %dma_wait3A] : memref<10240x128xf32, #tpu.memory_space<vmem_shared>> -> memref<64x128xf32, #tpu.memory_space<vmem_shared>>
        %dma_wait3A_62 = arith.constant 0 : i32
        %dma_wait3A_63 = tpu.memref_slice %arg8[%add3A_51, %dma_wait3A_62] : memref<10240x128xf32, #tpu.memory_space<vmem_shared>> -> memref<64x128xf32, #tpu.memory_space<vmem_shared>>
        tpu.wait_dma2 semaphore(%run_scoped3A : memref<!tpu.dma_semaphore, #tpu.memory_space<semaphore_mem>>) src(%dma_wait3A_63 : memref<64x128xf32, #tpu.memory_space<vmem_shared>>) dst(%arg7 : memref<64x128xf32, #tpu.memory_space<vmem>>)
        tpu.yield
      }) : () -> ()
      %mul3A_52 = arith.constant 640 : i32
      %mul3A_53 = arith.muli %arg1, %mul3A_52 : i32
      %mul3A_54 = arith.constant 64 : i32
      %mul3A_55 = arith.muli %scan3A_46, %mul3A_54 : i32
      %add3A_56 = arith.addi %mul3A_53, %mul3A_55 : i32
      "tpu.region"() ({
        %run_scoped3A = tpu.sem_alloc : memref<!tpu.dma_semaphore, #tpu.memory_space<semaphore_mem>>
        %dma_start3A_57 = arith.constant 0 : i32
        %dma_start3A_58 = arith.constant 0 : i32
        %dma_start3A_59 = tpu.memref_slice %arg4[%arg0, %dma_start3A_57, %dma_start3A_58] : memref<2x10240x128xf32, #tpu.memory_space<hbm>> -> memref<1x10240x128xf32, #tpu.memory_space<hbm>>
        %dma_start3A_60 = tpu.memref_squeeze %dma_start3A_59 : memref<1x10240x128xf32, #tpu.memory_space<hbm>> -> memref<10240x128xf32, #tpu.memory_space<hbm>>
        %dma_start3A_61 = arith.constant 0 : i32
        %dma_start3A_62 = tpu.memref_slice %dma_start3A_60[%add3A_56, %dma_start3A_61] : memref<10240x128xf32, #tpu.memory_space<hbm>> -> memref<64x128xf32, #tpu.memory_space<hbm>>
        %dma_start3A_63 = arith.constant 0 : i32
        %dma_start3A_64 = arith.constant 0 : i32
        %dma_start3A_65 = tpu.memref_slice %arg4[%arg0, %dma_start3A_63, %dma_start3A_64] : memref<2x10240x128xf32, #tpu.memory_space<hbm>> -> memref<1x10240x128xf32, #tpu.memory_space<hbm>>
        %dma_start3A_66 = tpu.memref_squeeze %dma_start3A_65 : memref<1x10240x128xf32, #tpu.memory_space<hbm>> -> memref<10240x128xf32, #tpu.memory_space<hbm>>
        %dma_start3A_67 = arith.constant 0 : i32
        %dma_start3A_68 = tpu.memref_slice %dma_start3A_66[%add3A_56, %dma_start3A_67] : memref<10240x128xf32, #tpu.memory_space<hbm>> -> memref<64x128xf32, #tpu.memory_space<hbm>>
        tpu.enqueue_dma source(%arg7 : memref<64x128xf32, #tpu.memory_space<vmem>>) target(%dma_start3A_68 : memref<64x128xf32, #tpu.memory_space<hbm>>) target_semaphore(%run_scoped3A : memref<!tpu.dma_semaphore, #tpu.memory_space<semaphore_mem>>)
        %dma_wait3A = arith.constant 0 : i32
        %dma_wait3A_69 = arith.constant 0 : i32
        %dma_wait3A_70 = tpu.memref_slice %arg4[%arg0, %dma_wait3A, %dma_wait3A_69] : memref<2x10240x128xf32, #tpu.memory_space<hbm>> -> memref<1x10240x128xf32, #tpu.memory_space<hbm>>
        %dma_wait3A_71 = tpu.memref_squeeze %dma_wait3A_70 : memref<1x10240x128xf32, #tpu.memory_space<hbm>> -> memref<10240x128xf32, #tpu.memory_space<hbm>>
        %dma_wait3A_72 = arith.constant 0 : i32
        %dma_wait3A_73 = tpu.memref_slice %dma_wait3A_71[%add3A_56, %dma_wait3A_72] : memref<10240x128xf32, #tpu.memory_space<hbm>> -> memref<64x128xf32, #tpu.memory_space<hbm>>
        %dma_wait3A_74 = arith.constant 0 : i32
        %dma_wait3A_75 = arith.constant 0 : i32
        %dma_wait3A_76 = tpu.memref_slice %arg4[%arg0, %dma_wait3A_74, %dma_wait3A_75] : memref<2x10240x128xf32, #tpu.memory_space<hbm>> -> memref<1x10240x128xf32, #tpu.memory_space<hbm>>
        %dma_wait3A_77 = tpu.memref_squeeze %dma_wait3A_76 : memref<1x10240x128xf32, #tpu.memory_space<hbm>> -> memref<10240x128xf32, #tpu.memory_space<hbm>>
        %dma_wait3A_78 = arith.constant 0 : i32
        %dma_wait3A_79 = tpu.memref_slice %dma_wait3A_77[%add3A_56, %dma_wait3A_78] : memref<10240x128xf32, #tpu.memory_space<hbm>> -> memref<64x128xf32, #tpu.memory_space<hbm>>
        tpu.wait_dma2 semaphore(%run_scoped3A : memref<!tpu.dma_semaphore, #tpu.memory_space<semaphore_mem>>) src(%arg7 : memref<64x128xf32, #tpu.memory_space<vmem>>) dst(%dma_wait3A_79 : memref<64x128xf32, #tpu.memory_space<hbm>>)
        tpu.yield
      }) : () -> ()
    }
    %scan3A_45 = arith.constant 10 : i32
    return
  }
}

#map = affine_map<(d0, d1) -> (0, 0)>
#map1 = affine_map<(d0, d1) -> (0, 0, 0)>
module attributes {stable_mosaic.version = 14 : i64} {
  func.func @_gather_body(%arg0: i32, %arg1: i32, %arg2: memref<10000x128xf32, #tpu.memory_space<hbm>>, %arg3: memref<1280x128xi32, #tpu.memory_space<hbm>>, %arg4: memref<1280x128x128xf32, #tpu.memory_space<hbm>>, %arg5: memref<40x128xi32, #tpu.memory_space<vmem>>, %arg6: memref<6x128x128xf32, #tpu.memory_space<vmem>>, %arg7: memref<6x!tpu.dma_semaphore, #tpu.memory_space<semaphore_mem>>, %arg8: memref<6x!tpu.dma_semaphore, #tpu.memory_space<semaphore_mem>>) attributes {dimension_semantics = [#tpu.dimension_semantics<core_parallel>, #tpu.dimension_semantics<subcore_parallel>], iteration_bounds = array<i64: 2, 16>, scalar_prefetch = 0 : i64, scratch_operands = 4 : i64, tpu.core_type = #tpu.core_type<sc_vector_subcore>, window_params = [{transform_indices = #map}, {transform_indices = #map}, {transform_indices = #map1}]} {
    %mul3A = arith.constant 2 : i32
    %mul3A_0 = arith.muli %arg1, %mul3A : i32
    %add3A = arith.addi %mul3A_0, %arg0 : i32
    %mul3A_1 = arith.constant 40 : i32
    %mul3A_2 = arith.muli %add3A, %mul3A_1 : i32
    "tpu.region"() ({
      %run_scoped3A = tpu.sem_alloc : memref<!tpu.dma_semaphore, #tpu.memory_space<semaphore_mem>>
      %dma_start3A_58 = arith.constant 0 : i32
      %dma_start3A_59 = tpu.memref_slice %arg3[%mul3A_2, %dma_start3A_58] : memref<1280x128xi32, #tpu.memory_space<hbm>> -> memref<40x128xi32, #tpu.memory_space<hbm>>
      %dma_start3A_60 = arith.constant 0 : i32
      %dma_start3A_61 = tpu.memref_slice %arg3[%mul3A_2, %dma_start3A_60] : memref<1280x128xi32, #tpu.memory_space<hbm>> -> memref<40x128xi32, #tpu.memory_space<hbm>>
      tpu.enqueue_dma source(%dma_start3A_61 : memref<40x128xi32, #tpu.memory_space<hbm>>) target(%arg5 : memref<40x128xi32, #tpu.memory_space<vmem>>) target_semaphore(%run_scoped3A : memref<!tpu.dma_semaphore, #tpu.memory_space<semaphore_mem>>)
      %dma_wait3A = arith.constant 0 : i32
      %dma_wait3A_62 = tpu.memref_slice %arg3[%mul3A_2, %dma_wait3A] : memref<1280x128xi32, #tpu.memory_space<hbm>> -> memref<40x128xi32, #tpu.memory_space<hbm>>
      %dma_wait3A_63 = arith.constant 0 : i32
      %dma_wait3A_64 = tpu.memref_slice %arg3[%mul3A_2, %dma_wait3A_63] : memref<1280x128xi32, #tpu.memory_space<hbm>> -> memref<40x128xi32, #tpu.memory_space<hbm>>
      tpu.wait_dma2 semaphore(%run_scoped3A : memref<!tpu.dma_semaphore, #tpu.memory_space<semaphore_mem>>) src(%dma_wait3A_64 : memref<40x128xi32, #tpu.memory_space<hbm>>) dst(%arg5 : memref<40x128xi32, #tpu.memory_space<vmem>>)
      tpu.yield
    }) : () -> ()
    %dma_start3A = arith.constant 0 : i32
    %dma_start3A_3 = arith.constant 0 : i32
    %dma_start3A_4 = arith.constant 0 : i32
    %dma_start3A_5 = arith.constant 0 : i32
    %dma_start3A_6 = arith.constant 0 : i32
    %dma_start3A_7 = tpu.memref_slice %arg6[%dma_start3A_3, %dma_start3A_5, %dma_start3A_6] : memref<6x128x128xf32, #tpu.memory_space<vmem>> -> memref<1x128x128xf32, #tpu.memory_space<vmem>>
    %dma_start3A_8 = tpu.memref_squeeze %dma_start3A_7 : memref<1x128x128xf32, #tpu.memory_space<vmem>> -> memref<128x128xf32, #tpu.memory_space<vmem>>
    %dma_start3A_9 = arith.constant 0 : i32
    %dma_start3A_10 = tpu.memref_slice %arg5[%dma_start3A, %dma_start3A_9] : memref<40x128xi32, #tpu.memory_space<vmem>> -> memref<1x128xi32, #tpu.memory_space<vmem>>
    %dma_start3A_11 = tpu.memref_squeeze %dma_start3A_10 : memref<1x128xi32, #tpu.memory_space<vmem>> -> memref<128xi32, #tpu.memory_space<vmem>>
    %dma_start3A_12 = arith.constant 0 : i32
    %dma_start3A_13 = arith.constant 0 : i32
    %dma_start3A_14 = tpu.memref_slice %arg2[%dma_start3A_12, %dma_start3A_13] : memref<10000x128xf32, #tpu.memory_space<hbm>> -> memref<10000x128xf32, #tpu.memory_space<hbm>>
    %dma_start3A_15 = tpu.memref_slice %arg7[%dma_start3A_4] : memref<6x!tpu.dma_semaphore, #tpu.memory_space<semaphore_mem>> -> memref<1x!tpu.dma_semaphore, #tpu.memory_space<semaphore_mem>>
    %dma_start3A_16 = tpu.memref_squeeze %dma_start3A_15 : memref<1x!tpu.dma_semaphore, #tpu.memory_space<semaphore_mem>> -> memref<!tpu.dma_semaphore, #tpu.memory_space<semaphore_mem>>
    tpu.enqueue_indirect_dma source(%dma_start3A_14 : memref<10000x128xf32, #tpu.memory_space<hbm>>) target(%dma_start3A_8 : memref<128x128xf32, #tpu.memory_space<vmem>>) offsets(%dma_start3A_11 : memref<128xi32, #tpu.memory_space<vmem>>) semaphore(%dma_start3A_16 : memref<!tpu.dma_semaphore, #tpu.memory_space<semaphore_mem>>)
    %dma_start3A_17 = arith.constant 1 : i32
    %dma_start3A_18 = arith.constant 1 : i32
    %dma_start3A_19 = arith.constant 1 : i32
    %dma_start3A_20 = arith.constant 0 : i32
    %dma_start3A_21 = arith.constant 0 : i32
    %dma_start3A_22 = tpu.memref_slice %arg6[%dma_start3A_18, %dma_start3A_20, %dma_start3A_21] : memref<6x128x128xf32, #tpu.memory_space<vmem>> -> memref<1x128x128xf32, #tpu.memory_space<vmem>>
    %dma_start3A_23 = tpu.memref_squeeze %dma_start3A_22 : memref<1x128x128xf32, #tpu.memory_space<vmem>> -> memref<128x128xf32, #tpu.memory_space<vmem>>
    %dma_start3A_24 = arith.constant 0 : i32
    %dma_start3A_25 = tpu.memref_slice %arg5[%dma_start3A_17, %dma_start3A_24] : memref<40x128xi32, #tpu.memory_space<vmem>> -> memref<1x128xi32, #tpu.memory_space<vmem>>
    %dma_start3A_26 = tpu.memref_squeeze %dma_start3A_25 : memref<1x128xi32, #tpu.memory_space<vmem>> -> memref<128xi32, #tpu.memory_space<vmem>>
    %dma_start3A_27 = arith.constant 0 : i32
    %dma_start3A_28 = arith.constant 0 : i32
    %dma_start3A_29 = tpu.memref_slice %arg2[%dma_start3A_27, %dma_start3A_28] : memref<10000x128xf32, #tpu.memory_space<hbm>> -> memref<10000x128xf32, #tpu.memory_space<hbm>>
    %dma_start3A_30 = tpu.memref_slice %arg7[%dma_start3A_19] : memref<6x!tpu.dma_semaphore, #tpu.memory_space<semaphore_mem>> -> memref<1x!tpu.dma_semaphore, #tpu.memory_space<semaphore_mem>>
    %dma_start3A_31 = tpu.memref_squeeze %dma_start3A_30 : memref<1x!tpu.dma_semaphore, #tpu.memory_space<semaphore_mem>> -> memref<!tpu.dma_semaphore, #tpu.memory_space<semaphore_mem>>
    tpu.enqueue_indirect_dma source(%dma_start3A_29 : memref<10000x128xf32, #tpu.memory_space<hbm>>) target(%dma_start3A_23 : memref<128x128xf32, #tpu.memory_space<vmem>>) offsets(%dma_start3A_26 : memref<128xi32, #tpu.memory_space<vmem>>) semaphore(%dma_start3A_31 : memref<!tpu.dma_semaphore, #tpu.memory_space<semaphore_mem>>)
    %dma_start3A_32 = arith.constant 2 : i32
    %dma_start3A_33 = arith.constant 2 : i32
    %dma_start3A_34 = arith.constant 2 : i32
    %dma_start3A_35 = arith.constant 0 : i32
    %dma_start3A_36 = arith.constant 0 : i32
    %dma_start3A_37 = tpu.memref_slice %arg6[%dma_start3A_33, %dma_start3A_35, %dma_start3A_36] : memref<6x128x128xf32, #tpu.memory_space<vmem>> -> memref<1x128x128xf32, #tpu.memory_space<vmem>>
    %dma_start3A_38 = tpu.memref_squeeze %dma_start3A_37 : memref<1x128x128xf32, #tpu.memory_space<vmem>> -> memref<128x128xf32, #tpu.memory_space<vmem>>
    %dma_start3A_39 = arith.constant 0 : i32
    %dma_start3A_40 = tpu.memref_slice %arg5[%dma_start3A_32, %dma_start3A_39] : memref<40x128xi32, #tpu.memory_space<vmem>> -> memref<1x128xi32, #tpu.memory_space<vmem>>
    %dma_start3A_41 = tpu.memref_squeeze %dma_start3A_40 : memref<1x128xi32, #tpu.memory_space<vmem>> -> memref<128xi32, #tpu.memory_space<vmem>>
    %dma_start3A_42 = arith.constant 0 : i32
    %dma_start3A_43 = arith.constant 0 : i32
    %dma_start3A_44 = tpu.memref_slice %arg2[%dma_start3A_42, %dma_start3A_43] : memref<10000x128xf32, #tpu.memory_space<hbm>> -> memref<10000x128xf32, #tpu.memory_space<hbm>>
    %dma_start3A_45 = tpu.memref_slice %arg7[%dma_start3A_34] : memref<6x!tpu.dma_semaphore, #tpu.memory_space<semaphore_mem>> -> memref<1x!tpu.dma_semaphore, #tpu.memory_space<semaphore_mem>>
    %dma_start3A_46 = tpu.memref_squeeze %dma_start3A_45 : memref<1x!tpu.dma_semaphore, #tpu.memory_space<semaphore_mem>> -> memref<!tpu.dma_semaphore, #tpu.memory_space<semaphore_mem>>
    tpu.enqueue_indirect_dma source(%dma_start3A_44 : memref<10000x128xf32, #tpu.memory_space<hbm>>) target(%dma_start3A_38 : memref<128x128xf32, #tpu.memory_space<vmem>>) offsets(%dma_start3A_41 : memref<128xi32, #tpu.memory_space<vmem>>) semaphore(%dma_start3A_46 : memref<!tpu.dma_semaphore, #tpu.memory_space<semaphore_mem>>)
    %scan3A = arith.constant 0 : i32
    %scan3A_47 = arith.constant 0 : i32
    %scan3A_48 = arith.constant 40 : i32
    %scan3A_49 = arith.addi %scan3A_47, %scan3A_48 : i32
    %scan3A_50 = arith.constant 1 : i32
    scf.for %scan3A_58 = %scan3A_47 to %scan3A_49 step %scan3A_50  : i32 {
      %rem3A = arith.constant 6 : i32
      %rem3A_59 = arith.remsi %scan3A_58, %rem3A : i32
      %dma_wait3A = arith.constant 0 : i32
      %dma_wait3A_60 = arith.constant 0 : i32
      %dma_wait3A_61 = tpu.memref_slice %arg6[%rem3A_59, %dma_wait3A, %dma_wait3A_60] : memref<6x128x128xf32, #tpu.memory_space<vmem>> -> memref<1x128x128xf32, #tpu.memory_space<vmem>>
      %dma_wait3A_62 = tpu.memref_squeeze %dma_wait3A_61 : memref<1x128x128xf32, #tpu.memory_space<vmem>> -> memref<128x128xf32, #tpu.memory_space<vmem>>
      %dma_wait3A_63 = arith.constant 0 : i32
      %dma_wait3A_64 = tpu.memref_slice %arg5[%scan3A_58, %dma_wait3A_63] : memref<40x128xi32, #tpu.memory_space<vmem>> -> memref<1x128xi32, #tpu.memory_space<vmem>>
      %dma_wait3A_65 = tpu.memref_squeeze %dma_wait3A_64 : memref<1x128xi32, #tpu.memory_space<vmem>> -> memref<128xi32, #tpu.memory_space<vmem>>
      %dma_wait3A_66 = arith.constant 0 : i32
      %dma_wait3A_67 = arith.constant 0 : i32
      %dma_wait3A_68 = tpu.memref_slice %arg2[%dma_wait3A_66, %dma_wait3A_67] : memref<10000x128xf32, #tpu.memory_space<hbm>> -> memref<10000x128xf32, #tpu.memory_space<hbm>>
      %dma_wait3A_69 = tpu.memref_slice %arg7[%rem3A_59] : memref<6x!tpu.dma_semaphore, #tpu.memory_space<semaphore_mem>> -> memref<1x!tpu.dma_semaphore, #tpu.memory_space<semaphore_mem>>
      %dma_wait3A_70 = tpu.memref_squeeze %dma_wait3A_69 : memref<1x!tpu.dma_semaphore, #tpu.memory_space<semaphore_mem>> -> memref<!tpu.dma_semaphore, #tpu.memory_space<semaphore_mem>>
      tpu.wait_indirect_dma semaphore(%dma_wait3A_70 : memref<!tpu.dma_semaphore, #tpu.memory_space<semaphore_mem>>) src(%dma_wait3A_68 : memref<10000x128xf32, #tpu.memory_space<hbm>>) dst(%dma_wait3A_62 : memref<128x128xf32, #tpu.memory_space<vmem>>)
      %add3A_71 = arith.addi %mul3A_2, %scan3A_58 : i32
      %dma_start3A_72 = arith.constant 0 : i32
      %dma_start3A_73 = arith.constant 0 : i32
      %dma_start3A_74 = tpu.memref_slice %arg6[%rem3A_59, %dma_start3A_72, %dma_start3A_73] : memref<6x128x128xf32, #tpu.memory_space<vmem>> -> memref<1x128x128xf32, #tpu.memory_space<vmem>>
      %dma_start3A_75 = tpu.memref_squeeze %dma_start3A_74 : memref<1x128x128xf32, #tpu.memory_space<vmem>> -> memref<128x128xf32, #tpu.memory_space<vmem>>
      %dma_start3A_76 = arith.constant 0 : i32
      %dma_start3A_77 = arith.constant 0 : i32
      %dma_start3A_78 = tpu.memref_slice %arg4[%add3A_71, %dma_start3A_76, %dma_start3A_77] : memref<1280x128x128xf32, #tpu.memory_space<hbm>> -> memref<1x128x128xf32, #tpu.memory_space<hbm>>
      %dma_start3A_79 = tpu.memref_squeeze %dma_start3A_78 : memref<1x128x128xf32, #tpu.memory_space<hbm>> -> memref<128x128xf32, #tpu.memory_space<hbm>>
      %dma_start3A_80 = tpu.memref_slice %arg8[%rem3A_59] : memref<6x!tpu.dma_semaphore, #tpu.memory_space<semaphore_mem>> -> memref<1x!tpu.dma_semaphore, #tpu.memory_space<semaphore_mem>>
      %dma_start3A_81 = tpu.memref_squeeze %dma_start3A_80 : memref<1x!tpu.dma_semaphore, #tpu.memory_space<semaphore_mem>> -> memref<!tpu.dma_semaphore, #tpu.memory_space<semaphore_mem>>
      %dma_start3A_82 = arith.constant 0 : i32
      %dma_start3A_83 = arith.constant 0 : i32
      %dma_start3A_84 = tpu.memref_slice %arg4[%add3A_71, %dma_start3A_82, %dma_start3A_83] : memref<1280x128x128xf32, #tpu.memory_space<hbm>> -> memref<1x128x128xf32, #tpu.memory_space<hbm>>
      %dma_start3A_85 = tpu.memref_squeeze %dma_start3A_84 : memref<1x128x128xf32, #tpu.memory_space<hbm>> -> memref<128x128xf32, #tpu.memory_space<hbm>>
      %dma_start3A_86 = arith.constant 0 : i32
      %dma_start3A_87 = arith.constant 0 : i32
      %dma_start3A_88 = tpu.memref_slice %arg6[%rem3A_59, %dma_start3A_86, %dma_start3A_87] : memref<6x128x128xf32, #tpu.memory_space<vmem>> -> memref<1x128x128xf32, #tpu.memory_space<vmem>>
      %dma_start3A_89 = tpu.memref_squeeze %dma_start3A_88 : memref<1x128x128xf32, #tpu.memory_space<vmem>> -> memref<128x128xf32, #tpu.memory_space<vmem>>
      tpu.enqueue_dma source(%dma_start3A_89 : memref<128x128xf32, #tpu.memory_space<vmem>>) target(%dma_start3A_85 : memref<128x128xf32, #tpu.memory_space<hbm>>) target_semaphore(%dma_start3A_81 : memref<!tpu.dma_semaphore, #tpu.memory_space<semaphore_mem>>)
      %add3A_90 = arith.constant 3 : i32
      %add3A_91 = arith.addi %scan3A_58, %add3A_90 : i32
      %lt3A = arith.constant 40 : i32
      %lt3A_92 = arith.cmpi slt, %add3A_91, %lt3A : i32
      %convert_element_type3A = arith.extui %lt3A_92 : i1 to i32
      %cond3A = arith.constant 0 : i32
      %cond3A_93 = arith.cmpi ne, %convert_element_type3A, %cond3A : i32
      scf.if %cond3A_93 {
        %add3A_94 = arith.constant 3 : i32
        %add3A_95 = arith.addi %scan3A_58, %add3A_94 : i32
        %rem3A_96 = arith.constant 6 : i32
        %rem3A_97 = arith.remsi %add3A_95, %rem3A_96 : i32
        %ge3A = arith.constant 3 : i32
        %ge3A_98 = arith.cmpi sge, %scan3A_58, %ge3A : i32
        %convert_element_type3A_99 = arith.extui %ge3A_98 : i1 to i32
        %cond3A_100 = arith.constant 0 : i32
        %cond3A_101 = arith.cmpi ne, %convert_element_type3A_99, %cond3A_100 : i32
        scf.if %cond3A_101 {
          %add3A_116 = arith.addi %mul3A_2, %scan3A_58 : i32
          %sub3A = arith.constant 3 : i32
          %sub3A_117 = arith.subi %add3A_116, %sub3A : i32
          %dma_wait3A_118 = arith.constant 0 : i32
          %dma_wait3A_119 = arith.constant 0 : i32
          %dma_wait3A_120 = tpu.memref_slice %arg6[%rem3A_97, %dma_wait3A_118, %dma_wait3A_119] : memref<6x128x128xf32, #tpu.memory_space<vmem>> -> memref<1x128x128xf32, #tpu.memory_space<vmem>>
          %dma_wait3A_121 = tpu.memref_squeeze %dma_wait3A_120 : memref<1x128x128xf32, #tpu.memory_space<vmem>> -> memref<128x128xf32, #tpu.memory_space<vmem>>
          %dma_wait3A_122 = arith.constant 0 : i32
          %dma_wait3A_123 = arith.constant 0 : i32
          %dma_wait3A_124 = tpu.memref_slice %arg4[%sub3A_117, %dma_wait3A_122, %dma_wait3A_123] : memref<1280x128x128xf32, #tpu.memory_space<hbm>> -> memref<1x128x128xf32, #tpu.memory_space<hbm>>
          %dma_wait3A_125 = tpu.memref_squeeze %dma_wait3A_124 : memref<1x128x128xf32, #tpu.memory_space<hbm>> -> memref<128x128xf32, #tpu.memory_space<hbm>>
          %dma_wait3A_126 = tpu.memref_slice %arg8[%rem3A_97] : memref<6x!tpu.dma_semaphore, #tpu.memory_space<semaphore_mem>> -> memref<1x!tpu.dma_semaphore, #tpu.memory_space<semaphore_mem>>
          %dma_wait3A_127 = tpu.memref_squeeze %dma_wait3A_126 : memref<1x!tpu.dma_semaphore, #tpu.memory_space<semaphore_mem>> -> memref<!tpu.dma_semaphore, #tpu.memory_space<semaphore_mem>>
          %dma_wait3A_128 = arith.constant 0 : i32
          %dma_wait3A_129 = arith.constant 0 : i32
          %dma_wait3A_130 = tpu.memref_slice %arg4[%sub3A_117, %dma_wait3A_128, %dma_wait3A_129] : memref<1280x128x128xf32, #tpu.memory_space<hbm>> -> memref<1x128x128xf32, #tpu.memory_space<hbm>>
          %dma_wait3A_131 = tpu.memref_squeeze %dma_wait3A_130 : memref<1x128x128xf32, #tpu.memory_space<hbm>> -> memref<128x128xf32, #tpu.memory_space<hbm>>
          %dma_wait3A_132 = arith.constant 0 : i32
          %dma_wait3A_133 = arith.constant 0 : i32
          %dma_wait3A_134 = tpu.memref_slice %arg6[%rem3A_97, %dma_wait3A_132, %dma_wait3A_133] : memref<6x128x128xf32, #tpu.memory_space<vmem>> -> memref<1x128x128xf32, #tpu.memory_space<vmem>>
          %dma_wait3A_135 = tpu.memref_squeeze %dma_wait3A_134 : memref<1x128x128xf32, #tpu.memory_space<vmem>> -> memref<128x128xf32, #tpu.memory_space<vmem>>
          tpu.wait_dma2 semaphore(%dma_wait3A_127 : memref<!tpu.dma_semaphore, #tpu.memory_space<semaphore_mem>>) src(%dma_wait3A_135 : memref<128x128xf32, #tpu.memory_space<vmem>>) dst(%dma_wait3A_131 : memref<128x128xf32, #tpu.memory_space<hbm>>)
        } else {
        }
        %add3A_102 = arith.constant 3 : i32
        %add3A_103 = arith.addi %scan3A_58, %add3A_102 : i32
        %dma_start3A_104 = arith.constant 0 : i32
        %dma_start3A_105 = arith.constant 0 : i32
        %dma_start3A_106 = tpu.memref_slice %arg6[%rem3A_97, %dma_start3A_104, %dma_start3A_105] : memref<6x128x128xf32, #tpu.memory_space<vmem>> -> memref<1x128x128xf32, #tpu.memory_space<vmem>>
        %dma_start3A_107 = tpu.memref_squeeze %dma_start3A_106 : memref<1x128x128xf32, #tpu.memory_space<vmem>> -> memref<128x128xf32, #tpu.memory_space<vmem>>
        %dma_start3A_108 = arith.constant 0 : i32
        %dma_start3A_109 = tpu.memref_slice %arg5[%add3A_103, %dma_start3A_108] : memref<40x128xi32, #tpu.memory_space<vmem>> -> memref<1x128xi32, #tpu.memory_space<vmem>>
        %dma_start3A_110 = tpu.memref_squeeze %dma_start3A_109 : memref<1x128xi32, #tpu.memory_space<vmem>> -> memref<128xi32, #tpu.memory_space<vmem>>
        %dma_start3A_111 = arith.constant 0 : i32
        %dma_start3A_112 = arith.constant 0 : i32
        %dma_start3A_113 = tpu.memref_slice %arg2[%dma_start3A_111, %dma_start3A_112] : memref<10000x128xf32, #tpu.memory_space<hbm>> -> memref<10000x128xf32, #tpu.memory_space<hbm>>
        %dma_start3A_114 = tpu.memref_slice %arg7[%rem3A_97] : memref<6x!tpu.dma_semaphore, #tpu.memory_space<semaphore_mem>> -> memref<1x!tpu.dma_semaphore, #tpu.memory_space<semaphore_mem>>
        %dma_start3A_115 = tpu.memref_squeeze %dma_start3A_114 : memref<1x!tpu.dma_semaphore, #tpu.memory_space<semaphore_mem>> -> memref<!tpu.dma_semaphore, #tpu.memory_space<semaphore_mem>>
        tpu.enqueue_indirect_dma source(%dma_start3A_113 : memref<10000x128xf32, #tpu.memory_space<hbm>>) target(%dma_start3A_107 : memref<128x128xf32, #tpu.memory_space<vmem>>) offsets(%dma_start3A_110 : memref<128xi32, #tpu.memory_space<vmem>>) semaphore(%dma_start3A_115 : memref<!tpu.dma_semaphore, #tpu.memory_space<semaphore_mem>>)
      } else {
      }
    }
    %scan3A_51 = arith.constant 40 : i32
    %scan3A_52 = arith.constant 0 : i32
    %scan3A_53 = arith.constant 34 : i32
    %scan3A_54 = arith.constant 6 : i32
    %scan3A_55 = arith.addi %scan3A_53, %scan3A_54 : i32
    %scan3A_56 = arith.constant 1 : i32
    scf.for %scan3A_58 = %scan3A_53 to %scan3A_55 step %scan3A_56  : i32 {
      %rem3A = arith.constant 6 : i32
      %rem3A_59 = arith.remsi %scan3A_58, %rem3A : i32
      %add3A_60 = arith.addi %mul3A_2, %scan3A_58 : i32
      %dma_wait3A = arith.constant 0 : i32
      %dma_wait3A_61 = arith.constant 0 : i32
      %dma_wait3A_62 = tpu.memref_slice %arg6[%rem3A_59, %dma_wait3A, %dma_wait3A_61] : memref<6x128x128xf32, #tpu.memory_space<vmem>> -> memref<1x128x128xf32, #tpu.memory_space<vmem>>
      %dma_wait3A_63 = tpu.memref_squeeze %dma_wait3A_62 : memref<1x128x128xf32, #tpu.memory_space<vmem>> -> memref<128x128xf32, #tpu.memory_space<vmem>>
      %dma_wait3A_64 = arith.constant 0 : i32
      %dma_wait3A_65 = arith.constant 0 : i32
      %dma_wait3A_66 = tpu.memref_slice %arg4[%add3A_60, %dma_wait3A_64, %dma_wait3A_65] : memref<1280x128x128xf32, #tpu.memory_space<hbm>> -> memref<1x128x128xf32, #tpu.memory_space<hbm>>
      %dma_wait3A_67 = tpu.memref_squeeze %dma_wait3A_66 : memref<1x128x128xf32, #tpu.memory_space<hbm>> -> memref<128x128xf32, #tpu.memory_space<hbm>>
      %dma_wait3A_68 = tpu.memref_slice %arg8[%rem3A_59] : memref<6x!tpu.dma_semaphore, #tpu.memory_space<semaphore_mem>> -> memref<1x!tpu.dma_semaphore, #tpu.memory_space<semaphore_mem>>
      %dma_wait3A_69 = tpu.memref_squeeze %dma_wait3A_68 : memref<1x!tpu.dma_semaphore, #tpu.memory_space<semaphore_mem>> -> memref<!tpu.dma_semaphore, #tpu.memory_space<semaphore_mem>>
      %dma_wait3A_70 = arith.constant 0 : i32
      %dma_wait3A_71 = arith.constant 0 : i32
      %dma_wait3A_72 = tpu.memref_slice %arg4[%add3A_60, %dma_wait3A_70, %dma_wait3A_71] : memref<1280x128x128xf32, #tpu.memory_space<hbm>> -> memref<1x128x128xf32, #tpu.memory_space<hbm>>
      %dma_wait3A_73 = tpu.memref_squeeze %dma_wait3A_72 : memref<1x128x128xf32, #tpu.memory_space<hbm>> -> memref<128x128xf32, #tpu.memory_space<hbm>>
      %dma_wait3A_74 = arith.constant 0 : i32
      %dma_wait3A_75 = arith.constant 0 : i32
      %dma_wait3A_76 = tpu.memref_slice %arg6[%rem3A_59, %dma_wait3A_74, %dma_wait3A_75] : memref<6x128x128xf32, #tpu.memory_space<vmem>> -> memref<1x128x128xf32, #tpu.memory_space<vmem>>
      %dma_wait3A_77 = tpu.memref_squeeze %dma_wait3A_76 : memref<1x128x128xf32, #tpu.memory_space<vmem>> -> memref<128x128xf32, #tpu.memory_space<vmem>>
      tpu.wait_dma2 semaphore(%dma_wait3A_69 : memref<!tpu.dma_semaphore, #tpu.memory_space<semaphore_mem>>) src(%dma_wait3A_77 : memref<128x128xf32, #tpu.memory_space<vmem>>) dst(%dma_wait3A_73 : memref<128x128xf32, #tpu.memory_space<hbm>>)
    }
    %scan3A_57 = arith.constant 6 : i32
    return
  }
}

#map = affine_map<(d0, d1) -> (0, 0, 0)>
#map1 = affine_map<(d0, d1) -> (0, 0)>
module attributes {stable_mosaic.version = 14 : i64} {
  func.func @_scatter_body(%arg0: i32, %arg1: i32, %arg2: memref<1280x128x128xf32, #tpu.memory_space<hbm>>, %arg3: memref<1280x128xi32, #tpu.memory_space<hbm>>, %arg4: memref<2x10240x128xf32, #tpu.memory_space<hbm>>, %arg5: memref<40x128xi32, #tpu.memory_space<vmem>>, %arg6: memref<2x128x128xf32, #tpu.memory_space<vmem>>, %arg7: memref<64x128xf32, #tpu.memory_space<vmem>>, %arg8: memref<10240x128xf32, #tpu.memory_space<vmem_shared>>, %arg9: memref<2x!tpu.dma_semaphore, #tpu.memory_space<semaphore_mem>>) attributes {dimension_semantics = [#tpu.dimension_semantics<core_parallel>, #tpu.dimension_semantics<subcore_parallel>], iteration_bounds = array<i64: 2, 16>, scalar_prefetch = 0 : i64, scratch_operands = 5 : i64, tpu.core_type = #tpu.core_type<sc_vector_subcore>, window_params = [{transform_indices = #map}, {transform_indices = #map1}, {transform_indices = #map}]} {
    %mul3A = arith.constant 2 : i32
    %mul3A_0 = arith.muli %arg1, %mul3A : i32
    %add3A = arith.addi %mul3A_0, %arg0 : i32
    %scan3A = arith.constant 0 : i32
    %scan3A_1 = arith.constant 0 : i32
    %scan3A_2 = arith.constant 64 : i32
    %scan3A_3 = arith.addi %scan3A_1, %scan3A_2 : i32
    %scan3A_4 = arith.constant 1 : i32
    scf.for %scan3A_46 = %scan3A_1 to %scan3A_3 step %scan3A_4  : i32 {
      %broadcast_in_dim3A = arith.constant 0.000000e+00 : f32
      %broadcast_in_dim3A_47 = vector.broadcast %broadcast_in_dim3A : f32 to vector<16xf32>
      %swap3A = arith.index_cast %scan3A_46 : i32 to index
      %swap3A_48 = arith.constant 0 : index
      %swap3A_49 = tpu.vector_load %arg7[%swap3A, %swap3A_48] {strides = array<i32>} : memref<64x128xf32, #tpu.memory_space<vmem>>, vector<1x16xf32>,
      %swap3A_50 = vector.shape_cast %swap3A_49 : vector<1x16xf32> to vector<16xf32>
      %swap3A_51 = vector.shape_cast %broadcast_in_dim3A_47 : vector<16xf32> to vector<1x16xf32>
      tpu.vector_store %arg7[%swap3A, %swap3A_48], %swap3A_51 {strides = array<i32>} : memref<64x128xf32, #tpu.memory_space<vmem>>, vector<1x16xf32>,
      %broadcast_in_dim3A_52 = arith.constant 0.000000e+00 : f32
      %broadcast_in_dim3A_53 = vector.broadcast %broadcast_in_dim3A_52 : f32 to vector<16xf32>
      %swap3A_54 = arith.index_cast %scan3A_46 : i32 to index
      %swap3A_55 = arith.constant 16 : index
      %swap3A_56 = tpu.vector_load %arg7[%swap3A_54, %swap3A_55] {strides = array<i32>} : memref<64x128xf32, #tpu.memory_space<vmem>>, vector<1x16xf32>,
      %swap3A_57 = vector.shape_cast %swap3A_56 : vector<1x16xf32> to vector<16xf32>
      %swap3A_58 = vector.shape_cast %broadcast_in_dim3A_53 : vector<16xf32> to vector<1x16xf32>
      tpu.vector_store %arg7[%swap3A_54, %swap3A_55], %swap3A_58 {strides = array<i32>} : memref<64x128xf32, #tpu.memory_space<vmem>>, vector<1x16xf32>,
      %broadcast_in_dim3A_59 = arith.constant 0.000000e+00 : f32
      %broadcast_in_dim3A_60 = vector.broadcast %broadcast_in_dim3A_59 : f32 to vector<16xf32>
      %swap3A_61 = arith.index_cast %scan3A_46 : i32 to index
      %swap3A_62 = arith.constant 32 : index
      %swap3A_63 = tpu.vector_load %arg7[%swap3A_61, %swap3A_62] {strides = array<i32>} : memref<64x128xf32, #tpu.memory_space<vmem>>, vector<1x16xf32>,
      %swap3A_64 = vector.shape_cast %swap3A_63 : vector<1x16xf32> to vector<16xf32>
      %swap3A_65 = vector.shape_cast %broadcast_in_dim3A_60 : vector<16xf32> to vector<1x16xf32>
      tpu.vector_store %arg7[%swap3A_61, %swap3A_62], %swap3A_65 {strides = array<i32>} : memref<64x128xf32, #tpu.memory_space<vmem>>, vector<1x16xf32>,
      %broadcast_in_dim3A_66 = arith.constant 0.000000e+00 : f32
      %broadcast_in_dim3A_67 = vector.broadcast %broadcast_in_dim3A_66 : f32 to vector<16xf32>
      %swap3A_68 = arith.index_cast %scan3A_46 : i32 to index
      %swap3A_69 = arith.constant 48 : index
      %swap3A_70 = tpu.vector_load %arg7[%swap3A_68, %swap3A_69] {strides = array<i32>} : memref<64x128xf32, #tpu.memory_space<vmem>>, vector<1x16xf32>,
      %swap3A_71 = vector.shape_cast %swap3A_70 : vector<1x16xf32> to vector<16xf32>
      %swap3A_72 = vector.shape_cast %broadcast_in_dim3A_67 : vector<16xf32> to vector<1x16xf32>
      tpu.vector_store %arg7[%swap3A_68, %swap3A_69], %swap3A_72 {strides = array<i32>} : memref<64x128xf32, #tpu.memory_space<vmem>>, vector<1x16xf32>,
      %broadcast_in_dim3A_73 = arith.constant 0.000000e+00 : f32
      %broadcast_in_dim3A_74 = vector.broadcast %broadcast_in_dim3A_73 : f32 to vector<16xf32>
      %swap3A_75 = arith.index_cast %scan3A_46 : i32 to index
      %swap3A_76 = arith.constant 64 : index
      %swap3A_77 = tpu.vector_load %arg7[%swap3A_75, %swap3A_76] {strides = array<i32>} : memref<64x128xf32, #tpu.memory_space<vmem>>, vector<1x16xf32>,
      %swap3A_78 = vector.shape_cast %swap3A_77 : vector<1x16xf32> to vector<16xf32>
      %swap3A_79 = vector.shape_cast %broadcast_in_dim3A_74 : vector<16xf32> to vector<1x16xf32>
      tpu.vector_store %arg7[%swap3A_75, %swap3A_76], %swap3A_79 {strides = array<i32>} : memref<64x128xf32, #tpu.memory_space<vmem>>, vector<1x16xf32>,
      %broadcast_in_dim3A_80 = arith.constant 0.000000e+00 : f32
      %broadcast_in_dim3A_81 = vector.broadcast %broadcast_in_dim3A_80 : f32 to vector<16xf32>
      %swap3A_82 = arith.index_cast %scan3A_46 : i32 to index
      %swap3A_83 = arith.constant 80 : index
      %swap3A_84 = tpu.vector_load %arg7[%swap3A_82, %swap3A_83] {strides = array<i32>} : memref<64x128xf32, #tpu.memory_space<vmem>>, vector<1x16xf32>,
      %swap3A_85 = vector.shape_cast %swap3A_84 : vector<1x16xf32> to vector<16xf32>
      %swap3A_86 = vector.shape_cast %broadcast_in_dim3A_81 : vector<16xf32> to vector<1x16xf32>
      tpu.vector_store %arg7[%swap3A_82, %swap3A_83], %swap3A_86 {strides = array<i32>} : memref<64x128xf32, #tpu.memory_space<vmem>>, vector<1x16xf32>,
      %broadcast_in_dim3A_87 = arith.constant 0.000000e+00 : f32
      %broadcast_in_dim3A_88 = vector.broadcast %broadcast_in_dim3A_87 : f32 to vector<16xf32>
      %swap3A_89 = arith.index_cast %scan3A_46 : i32 to index
      %swap3A_90 = arith.constant 96 : index
      %swap3A_91 = tpu.vector_load %arg7[%swap3A_89, %swap3A_90] {strides = array<i32>} : memref<64x128xf32, #tpu.memory_space<vmem>>, vector<1x16xf32>,
      %swap3A_92 = vector.shape_cast %swap3A_91 : vector<1x16xf32> to vector<16xf32>
      %swap3A_93 = vector.shape_cast %broadcast_in_dim3A_88 : vector<16xf32> to vector<1x16xf32>
      tpu.vector_store %arg7[%swap3A_89, %swap3A_90], %swap3A_93 {strides = array<i32>} : memref<64x128xf32, #tpu.memory_space<vmem>>, vector<1x16xf32>,
      %broadcast_in_dim3A_94 = arith.constant 0.000000e+00 : f32
      %broadcast_in_dim3A_95 = vector.broadcast %broadcast_in_dim3A_94 : f32 to vector<16xf32>
      %swap3A_96 = arith.index_cast %scan3A_46 : i32 to index
      %swap3A_97 = arith.constant 112 : index
      %swap3A_98 = tpu.vector_load %arg7[%swap3A_96, %swap3A_97] {strides = array<i32>} : memref<64x128xf32, #tpu.memory_space<vmem>>, vector<1x16xf32>,
      %swap3A_99 = vector.shape_cast %swap3A_98 : vector<1x16xf32> to vector<16xf32>
      %swap3A_100 = vector.shape_cast %broadcast_in_dim3A_95 : vector<16xf32> to vector<1x16xf32>
      tpu.vector_store %arg7[%swap3A_96, %swap3A_97], %swap3A_100 {strides = array<i32>} : memref<64x128xf32, #tpu.memory_space<vmem>>, vector<1x16xf32>,
    }
    %scan3A_5 = arith.constant 64 : i32
    %scan3A_6 = arith.constant 0 : i32
    %scan3A_7 = arith.constant 0 : i32
    %scan3A_8 = arith.constant 10 : i32
    %scan3A_9 = arith.addi %scan3A_7, %scan3A_8 : i32
    %scan3A_10 = arith.constant 1 : i32
    scf.for %scan3A_46 = %scan3A_7 to %scan3A_9 step %scan3A_10  : i32 {
      %mul3A_47 = arith.constant 640 : i32
      %mul3A_48 = arith.muli %arg1, %mul3A_47 : i32
      %mul3A_49 = arith.constant 64 : i32
      %mul3A_50 = arith.muli %scan3A_46, %mul3A_49 : i32
      %add3A_51 = arith.addi %mul3A_48, %mul3A_50 : i32
      "tpu.region"() ({
        %run_scoped3A = tpu.sem_alloc : memref<!tpu.dma_semaphore, #tpu.memory_space<semaphore_mem>>
        %dma_start3A_52 = arith.constant 0 : i32
        %dma_start3A_53 = tpu.memref_slice %arg8[%add3A_51, %dma_start3A_52] : memref<10240x128xf32, #tpu.memory_space<vmem_shared>> -> memref<64x128xf32, #tpu.memory_space<vmem_shared>>
        %dma_start3A_54 = arith.constant 0 : i32
        %dma_start3A_55 = tpu.memref_slice %arg8[%add3A_51, %dma_start3A_54] : memref<10240x128xf32, #tpu.memory_space<vmem_shared>> -> memref<64x128xf32, #tpu.memory_space<vmem_shared>>
        tpu.enqueue_dma source(%arg7 : memref<64x128xf32, #tpu.memory_space<vmem>>) target(%dma_start3A_55 : memref<64x128xf32, #tpu.memory_space<vmem_shared>>) target_semaphore(%run_scoped3A : memref<!tpu.dma_semaphore, #tpu.memory_space<semaphore_mem>>)
        %dma_wait3A = arith.constant 0 : i32
        %dma_wait3A_56 = tpu.memref_slice %arg8[%add3A_51, %dma_wait3A] : memref<10240x128xf32, #tpu.memory_space<vmem_shared>> -> memref<64x128xf32, #tpu.memory_space<vmem_shared>>
        %dma_wait3A_57 = arith.constant 0 : i32
        %dma_wait3A_58 = tpu.memref_slice %arg8[%add3A_51, %dma_wait3A_57] : memref<10240x128xf32, #tpu.memory_space<vmem_shared>> -> memref<64x128xf32, #tpu.memory_space<vmem_shared>>
        tpu.wait_dma2 semaphore(%run_scoped3A : memref<!tpu.dma_semaphore, #tpu.memory_space<semaphore_mem>>) src(%arg7 : memref<64x128xf32, #tpu.memory_space<vmem>>) dst(%dma_wait3A_58 : memref<64x128xf32, #tpu.memory_space<vmem_shared>>)
        tpu.yield
      }) : () -> ()
    }
    %scan3A_11 = arith.constant 10 : i32
    %barrier3A = arith.constant 0 : index
    tpu.barrier barrier_id(%barrier3A)
    %mul3A_12 = arith.constant 40 : i32
    %mul3A_13 = arith.muli %add3A, %mul3A_12 : i32
    "tpu.region"() ({
      %run_scoped3A = tpu.sem_alloc : memref<!tpu.dma_semaphore, #tpu.memory_space<semaphore_mem>>
      %dma_start3A_46 = arith.constant 0 : i32
      %dma_start3A_47 = tpu.memref_slice %arg3[%mul3A_13, %dma_start3A_46] : memref<1280x128xi32, #tpu.memory_space<hbm>> -> memref<40x128xi32, #tpu.memory_space<hbm>>
      %dma_start3A_48 = arith.constant 0 : i32
      %dma_start3A_49 = tpu.memref_slice %arg3[%mul3A_13, %dma_start3A_48] : memref<1280x128xi32, #tpu.memory_space<hbm>> -> memref<40x128xi32, #tpu.memory_space<hbm>>
      tpu.enqueue_dma source(%dma_start3A_49 : memref<40x128xi32, #tpu.memory_space<hbm>>) target(%arg5 : memref<40x128xi32, #tpu.memory_space<vmem>>) target_semaphore(%run_scoped3A : memref<!tpu.dma_semaphore, #tpu.memory_space<semaphore_mem>>)
      %dma_wait3A = arith.constant 0 : i32
      %dma_wait3A_50 = tpu.memref_slice %arg3[%mul3A_13, %dma_wait3A] : memref<1280x128xi32, #tpu.memory_space<hbm>> -> memref<40x128xi32, #tpu.memory_space<hbm>>
      %dma_wait3A_51 = arith.constant 0 : i32
      %dma_wait3A_52 = tpu.memref_slice %arg3[%mul3A_13, %dma_wait3A_51] : memref<1280x128xi32, #tpu.memory_space<hbm>> -> memref<40x128xi32, #tpu.memory_space<hbm>>
      tpu.wait_dma2 semaphore(%run_scoped3A : memref<!tpu.dma_semaphore, #tpu.memory_space<semaphore_mem>>) src(%dma_wait3A_52 : memref<40x128xi32, #tpu.memory_space<hbm>>) dst(%arg5 : memref<40x128xi32, #tpu.memory_space<vmem>>)
      tpu.yield
    }) : () -> ()
    %dma_start3A = arith.constant 0 : i32
    %dma_start3A_14 = arith.constant 0 : i32
    %dma_start3A_15 = arith.constant 0 : i32
    %dma_start3A_16 = arith.constant 0 : i32
    %dma_start3A_17 = tpu.memref_slice %arg6[%dma_start3A, %dma_start3A_15, %dma_start3A_16] : memref<2x128x128xf32, #tpu.memory_space<vmem>> -> memref<1x128x128xf32, #tpu.memory_space<vmem>>
    %dma_start3A_18 = tpu.memref_squeeze %dma_start3A_17 : memref<1x128x128xf32, #tpu.memory_space<vmem>> -> memref<128x128xf32, #tpu.memory_space<vmem>>
    %dma_start3A_19 = arith.constant 0 : i32
    %dma_start3A_20 = arith.constant 0 : i32
    %dma_start3A_21 = tpu.memref_slice %arg2[%mul3A_13, %dma_start3A_19, %dma_start3A_20] : memref<1280x128x128xf32, #tpu.memory_space<hbm>> -> memref<1x128x128xf32, #tpu.memory_space<hbm>>
    %dma_start3A_22 = tpu.memref_squeeze %dma_start3A_21 : memref<1x128x128xf32, #tpu.memory_space<hbm>> -> memref<128x128xf32, #tpu.memory_space<hbm>>
    %dma_start3A_23 = tpu.memref_slice %arg9[%dma_start3A_14] : memref<2x!tpu.dma_semaphore, #tpu.memory_space<semaphore_mem>> -> memref<1x!tpu.dma_semaphore, #tpu.memory_space<semaphore_mem>>
    %dma_start3A_24 = tpu.memref_squeeze %dma_start3A_23 : memref<1x!tpu.dma_semaphore, #tpu.memory_space<semaphore_mem>> -> memref<!tpu.dma_semaphore, #tpu.memory_space<semaphore_mem>>
    %dma_start3A_25 = arith.constant 0 : i32
    %dma_start3A_26 = arith.constant 0 : i32
    %dma_start3A_27 = tpu.memref_slice %arg6[%dma_start3A, %dma_start3A_25, %dma_start3A_26] : memref<2x128x128xf32, #tpu.memory_space<vmem>> -> memref<1x128x128xf32, #tpu.memory_space<vmem>>
    %dma_start3A_28 = tpu.memref_squeeze %dma_start3A_27 : memref<1x128x128xf32, #tpu.memory_space<vmem>> -> memref<128x128xf32, #tpu.memory_space<vmem>>
    %dma_start3A_29 = arith.constant 0 : i32
    %dma_start3A_30 = arith.constant 0 : i32
    %dma_start3A_31 = tpu.memref_slice %arg2[%mul3A_13, %dma_start3A_29, %dma_start3A_30] : memref<1280x128x128xf32, #tpu.memory_space<hbm>> -> memref<1x128x128xf32, #tpu.memory_space<hbm>>
    %dma_start3A_32 = tpu.memref_squeeze %dma_start3A_31 : memref<1x128x128xf32, #tpu.memory_space<hbm>> -> memref<128x128xf32, #tpu.memory_space<hbm>>
    tpu.enqueue_dma source(%dma_start3A_32 : memref<128x128xf32, #tpu.memory_space<hbm>>) target(%dma_start3A_28 : memref<128x128xf32, #tpu.memory_space<vmem>>) target_semaphore(%dma_start3A_24 : memref<!tpu.dma_semaphore, #tpu.memory_space<semaphore_mem>>)
    %scan3A_33 = arith.constant 0 : i32
    %scan3A_34 = arith.constant 0 : i32
    %scan3A_35 = arith.constant 40 : i32
    %scan3A_36 = arith.addi %scan3A_34, %scan3A_35 : i32
    %scan3A_37 = arith.constant 1 : i32
    scf.for %scan3A_46 = %scan3A_34 to %scan3A_36 step %scan3A_37  : i32 {
      %rem3A = arith.constant 2 : i32
      %rem3A_47 = arith.remsi %scan3A_46, %rem3A : i32
      %add3A_48 = arith.addi %mul3A_13, %scan3A_46 : i32
      %dma_wait3A = arith.constant 0 : i32
      %dma_wait3A_49 = arith.constant 0 : i32
      %dma_wait3A_50 = tpu.memref_slice %arg6[%rem3A_47, %dma_wait3A, %dma_wait3A_49] : memref<2x128x128xf32, #tpu.memory_space<vmem>> -> memref<1x128x128xf32, #tpu.memory_space<vmem>>
      %dma_wait3A_51 = tpu.memref_squeeze %dma_wait3A_50 : memref<1x128x128xf32, #tpu.memory_space<vmem>> -> memref<128x128xf32, #tpu.memory_space<vmem>>
      %dma_wait3A_52 = arith.constant 0 : i32
      %dma_wait3A_53 = arith.constant 0 : i32
      %dma_wait3A_54 = tpu.memref_slice %arg2[%add3A_48, %dma_wait3A_52, %dma_wait3A_53] : memref<1280x128x128xf32, #tpu.memory_space<hbm>> -> memref<1x128x128xf32, #tpu.memory_space<hbm>>
      %dma_wait3A_55 = tpu.memref_squeeze %dma_wait3A_54 : memref<1x128x128xf32, #tpu.memory_space<hbm>> -> memref<128x128xf32, #tpu.memory_space<hbm>>
      %dma_wait3A_56 = tpu.memref_slice %arg9[%rem3A_47] : memref<2x!tpu.dma_semaphore, #tpu.memory_space<semaphore_mem>> -> memref<1x!tpu.dma_semaphore, #tpu.memory_space<semaphore_mem>>
      %dma_wait3A_57 = tpu.memref_squeeze %dma_wait3A_56 : memref<1x!tpu.dma_semaphore, #tpu.memory_space<semaphore_mem>> -> memref<!tpu.dma_semaphore, #tpu.memory_space<semaphore_mem>>
      %dma_wait3A_58 = arith.constant 0 : i32
      %dma_wait3A_59 = arith.constant 0 : i32
      %dma_wait3A_60 = tpu.memref_slice %arg6[%rem3A_47, %dma_wait3A_58, %dma_wait3A_59] : memref<2x128x128xf32, #tpu.memory_space<vmem>> -> memref<1x128x128xf32, #tpu.memory_space<vmem>>
      %dma_wait3A_61 = tpu.memref_squeeze %dma_wait3A_60 : memref<1x128x128xf32, #tpu.memory_space<vmem>> -> memref<128x128xf32, #tpu.memory_space<vmem>>
      %dma_wait3A_62 = arith.constant 0 : i32
      %dma_wait3A_63 = arith.constant 0 : i32
      %dma_wait3A_64 = tpu.memref_slice %arg2[%add3A_48, %dma_wait3A_62, %dma_wait3A_63] : memref<1280x128x128xf32, #tpu.memory_space<hbm>> -> memref<1x128x128xf32, #tpu.memory_space<hbm>>
      %dma_wait3A_65 = tpu.memref_squeeze %dma_wait3A_64 : memref<1x128x128xf32, #tpu.memory_space<hbm>> -> memref<128x128xf32, #tpu.memory_space<hbm>>
      tpu.wait_dma2 semaphore(%dma_wait3A_57 : memref<!tpu.dma_semaphore, #tpu.memory_space<semaphore_mem>>) src(%dma_wait3A_65 : memref<128x128xf32, #tpu.memory_space<hbm>>) dst(%dma_wait3A_61 : memref<128x128xf32, #tpu.memory_space<vmem>>)
      %add3A_66 = arith.constant 1 : i32
      %add3A_67 = arith.addi %scan3A_46, %add3A_66 : i32
      %lt3A = arith.constant 40 : i32
      %lt3A_68 = arith.cmpi slt, %add3A_67, %lt3A : i32
      %convert_element_type3A = arith.extui %lt3A_68 : i1 to i32
      %cond3A = arith.constant 0 : i32
      %cond3A_69 = arith.cmpi ne, %convert_element_type3A, %cond3A : i32
      scf.if %cond3A_69 {
        %add3A_70 = arith.constant 1 : i32
        %add3A_71 = arith.addi %scan3A_46, %add3A_70 : i32
        %rem3A_72 = arith.constant 2 : i32
        %rem3A_73 = arith.remsi %add3A_71, %rem3A_72 : i32
        %add3A_74 = arith.addi %mul3A_13, %scan3A_46 : i32
        %add3A_75 = arith.constant 1 : i32
        %add3A_76 = arith.addi %add3A_74, %add3A_75 : i32
        %dma_start3A_77 = arith.constant 0 : i32
        %dma_start3A_78 = arith.constant 0 : i32
        %dma_start3A_79 = tpu.memref_slice %arg6[%rem3A_73, %dma_start3A_77, %dma_start3A_78] : memref<2x128x128xf32, #tpu.memory_space<vmem>> -> memref<1x128x128xf32, #tpu.memory_space<vmem>>
        %dma_start3A_80 = tpu.memref_squeeze %dma_start3A_79 : memref<1x128x128xf32, #tpu.memory_space<vmem>> -> memref<128x128xf32, #tpu.memory_space<vmem>>
        %dma_start3A_81 = arith.constant 0 : i32
        %dma_start3A_82 = arith.constant 0 : i32
        %dma_start3A_83 = tpu.memref_slice %arg2[%add3A_76, %dma_start3A_81, %dma_start3A_82] : memref<1280x128x128xf32, #tpu.memory_space<hbm>> -> memref<1x128x128xf32, #tpu.memory_space<hbm>>
        %dma_start3A_84 = tpu.memref_squeeze %dma_start3A_83 : memref<1x128x128xf32, #tpu.memory_space<hbm>> -> memref<128x128xf32, #tpu.memory_space<hbm>>
        %dma_start3A_85 = tpu.memref_slice %arg9[%rem3A_73] : memref<2x!tpu.dma_semaphore, #tpu.memory_space<semaphore_mem>> -> memref<1x!tpu.dma_semaphore, #tpu.memory_space<semaphore_mem>>
        %dma_start3A_86 = tpu.memref_squeeze %dma_start3A_85 : memref<1x!tpu.dma_semaphore, #tpu.memory_space<semaphore_mem>> -> memref<!tpu.dma_semaphore, #tpu.memory_space<semaphore_mem>>
        %dma_start3A_87 = arith.constant 0 : i32
        %dma_start3A_88 = arith.constant 0 : i32
        %dma_start3A_89 = tpu.memref_slice %arg6[%rem3A_73, %dma_start3A_87, %dma_start3A_88] : memref<2x128x128xf32, #tpu.memory_space<vmem>> -> memref<1x128x128xf32, #tpu.memory_space<vmem>>
        %dma_start3A_90 = tpu.memref_squeeze %dma_start3A_89 : memref<1x128x128xf32, #tpu.memory_space<vmem>> -> memref<128x128xf32, #tpu.memory_space<vmem>>
        %dma_start3A_91 = arith.constant 0 : i32
        %dma_start3A_92 = arith.constant 0 : i32
        %dma_start3A_93 = tpu.memref_slice %arg2[%add3A_76, %dma_start3A_91, %dma_start3A_92] : memref<1280x128x128xf32, #tpu.memory_space<hbm>> -> memref<1x128x128xf32, #tpu.memory_space<hbm>>
        %dma_start3A_94 = tpu.memref_squeeze %dma_start3A_93 : memref<1x128x128xf32, #tpu.memory_space<hbm>> -> memref<128x128xf32, #tpu.memory_space<hbm>>
        tpu.enqueue_dma source(%dma_start3A_94 : memref<128x128xf32, #tpu.memory_space<hbm>>) target(%dma_start3A_90 : memref<128x128xf32, #tpu.memory_space<vmem>>) target_semaphore(%dma_start3A_86 : memref<!tpu.dma_semaphore, #tpu.memory_space<semaphore_mem>>)
      } else {
      }
      "tpu.region"() ({
        %run_scoped3A = tpu.sem_alloc : memref<!tpu.dma_semaphore, #tpu.memory_space<semaphore_mem>>
        %dma_start3A_70 = arith.constant 0 : i32
        %dma_start3A_71 = arith.constant 0 : i32
        %dma_start3A_72 = tpu.memref_slice %arg6[%rem3A_47, %dma_start3A_70, %dma_start3A_71] : memref<2x128x128xf32, #tpu.memory_space<vmem>> -> memref<1x128x128xf32, #tpu.memory_space<vmem>>
        %dma_start3A_73 = tpu.memref_squeeze %dma_start3A_72 : memref<1x128x128xf32, #tpu.memory_space<vmem>> -> memref<128x128xf32, #tpu.memory_space<vmem>>
        %dma_start3A_74 = arith.constant 0 : i32
        %dma_start3A_75 = tpu.memref_slice %arg5[%scan3A_46, %dma_start3A_74] : memref<40x128xi32, #tpu.memory_space<vmem>> -> memref<1x128xi32, #tpu.memory_space<vmem>>
        %dma_start3A_76 = tpu.memref_squeeze %dma_start3A_75 : memref<1x128xi32, #tpu.memory_space<vmem>> -> memref<128xi32, #tpu.memory_space<vmem>>
        %dma_start3A_77 = arith.constant 0 : i32
        %dma_start3A_78 = arith.constant 0 : i32
        %dma_start3A_79 = tpu.memref_slice %arg8[%dma_start3A_77, %dma_start3A_78] : memref<10240x128xf32, #tpu.memory_space<vmem_shared>> -> memref<10240x128xf32, #tpu.memory_space<vmem_shared>>
        tpu.enqueue_indirect_dma source(%dma_start3A_73 : memref<128x128xf32, #tpu.memory_space<vmem>>) target(%dma_start3A_79 : memref<10240x128xf32, #tpu.memory_space<vmem_shared>>) offsets(%dma_start3A_76 : memref<128xi32, #tpu.memory_space<vmem>>) semaphore(%run_scoped3A : memref<!tpu.dma_semaphore, #tpu.memory_space<semaphore_mem>>) {add = true}
        %dma_wait3A_80 = arith.constant 0 : i32
        %dma_wait3A_81 = arith.constant 0 : i32
        %dma_wait3A_82 = tpu.memref_slice %arg6[%rem3A_47, %dma_wait3A_80, %dma_wait3A_81] : memref<2x128x128xf32, #tpu.memory_space<vmem>> -> memref<1x128x128xf32, #tpu.memory_space<vmem>>
        %dma_wait3A_83 = tpu.memref_squeeze %dma_wait3A_82 : memref<1x128x128xf32, #tpu.memory_space<vmem>> -> memref<128x128xf32, #tpu.memory_space<vmem>>
        %dma_wait3A_84 = arith.constant 0 : i32
        %dma_wait3A_85 = tpu.memref_slice %arg5[%scan3A_46, %dma_wait3A_84] : memref<40x128xi32, #tpu.memory_space<vmem>> -> memref<1x128xi32, #tpu.memory_space<vmem>>
        %dma_wait3A_86 = tpu.memref_squeeze %dma_wait3A_85 : memref<1x128xi32, #tpu.memory_space<vmem>> -> memref<128xi32, #tpu.memory_space<vmem>>
        %dma_wait3A_87 = arith.constant 0 : i32
        %dma_wait3A_88 = arith.constant 0 : i32
        %dma_wait3A_89 = tpu.memref_slice %arg8[%dma_wait3A_87, %dma_wait3A_88] : memref<10240x128xf32, #tpu.memory_space<vmem_shared>> -> memref<10240x128xf32, #tpu.memory_space<vmem_shared>>
        tpu.wait_indirect_dma semaphore(%run_scoped3A : memref<!tpu.dma_semaphore, #tpu.memory_space<semaphore_mem>>) src(%dma_wait3A_83 : memref<128x128xf32, #tpu.memory_space<vmem>>) dst(%dma_wait3A_89 : memref<10240x128xf32, #tpu.memory_space<vmem_shared>>)
        tpu.yield
      }) : () -> ()
    }
    %scan3A_38 = arith.constant 40 : i32
    %barrier3A_39 = arith.constant 0 : index
    tpu.barrier barrier_id(%barrier3A_39)
    %scan3A_40 = arith.constant 0 : i32
    %scan3A_41 = arith.constant 0 : i32
    %scan3A_42 = arith.constant 10 : i32
    %scan3A_43 = arith.addi %scan3A_41, %scan3A_42 : i32
    %scan3A_44 = arith.constant 1 : i32
    scf.for %scan3A_46 = %scan3A_41 to %scan3A_43 step %scan3A_44  : i32 {
      %mul3A_47 = arith.constant 640 : i32
      %mul3A_48 = arith.muli %arg1, %mul3A_47 : i32
      %mul3A_49 = arith.constant 64 : i32
      %mul3A_50 = arith.muli %scan3A_46, %mul3A_49 : i32
      %add3A_51 = arith.addi %mul3A_48, %mul3A_50 : i32
      "tpu.region"() ({
        %run_scoped3A = tpu.sem_alloc : memref<!tpu.dma_semaphore, #tpu.memory_space<semaphore_mem>>
        %dma_start3A_57 = arith.constant 0 : i32
        %dma_start3A_58 = tpu.memref_slice %arg8[%add3A_51, %dma_start3A_57] : memref<10240x128xf32, #tpu.memory_space<vmem_shared>> -> memref<64x128xf32, #tpu.memory_space<vmem_shared>>
        %dma_start3A_59 = arith.constant 0 : i32
        %dma_start3A_60 = tpu.memref_slice %arg8[%add3A_51, %dma_start3A_59] : memref<10240x128xf32, #tpu.memory_space<vmem_shared>> -> memref<64x128xf32, #tpu.memory_space<vmem_shared>>
        tpu.enqueue_dma source(%dma_start3A_60 : memref<64x128xf32, #tpu.memory_space<vmem_shared>>) target(%arg7 : memref<64x128xf32, #tpu.memory_space<vmem>>) target_semaphore(%run_scoped3A : memref<!tpu.dma_semaphore, #tpu.memory_space<semaphore_mem>>)
        %dma_wait3A = arith.constant 0 : i32
        %dma_wait3A_61 = tpu.memref_slice %arg8[%add3A_51, %dma_wait3A] : memref<10240x128xf32, #tpu.memory_space<vmem_shared>> -> memref<64x128xf32, #tpu.memory_space<vmem_shared>>
        %dma_wait3A_62 = arith.constant 0 : i32
        %dma_wait3A_63 = tpu.memref_slice %arg8[%add3A_51, %dma_wait3A_62] : memref<10240x128xf32, #tpu.memory_space<vmem_shared>> -> memref<64x128xf32, #tpu.memory_space<vmem_shared>>
        tpu.wait_dma2 semaphore(%run_scoped3A : memref<!tpu.dma_semaphore, #tpu.memory_space<semaphore_mem>>) src(%dma_wait3A_63 : memref<64x128xf32, #tpu.memory_space<vmem_shared>>) dst(%arg7 : memref<64x128xf32, #tpu.memory_space<vmem>>)
        tpu.yield
      }) : () -> ()
      %mul3A_52 = arith.constant 640 : i32
      %mul3A_53 = arith.muli %arg1, %mul3A_52 : i32
      %mul3A_54 = arith.constant 64 : i32
      %mul3A_55 = arith.muli %scan3A_46, %mul3A_54 : i32
      %add3A_56 = arith.addi %mul3A_53, %mul3A_55 : i32
      "tpu.region"() ({
        %run_scoped3A = tpu.sem_alloc : memref<!tpu.dma_semaphore, #tpu.memory_space<semaphore_mem>>
        %dma_start3A_57 = arith.constant 0 : i32
        %dma_start3A_58 = arith.constant 0 : i32
        %dma_start3A_59 = tpu.memref_slice %arg4[%arg0, %dma_start3A_57, %dma_start3A_58] : memref<2x10240x128xf32, #tpu.memory_space<hbm>> -> memref<1x10240x128xf32, #tpu.memory_space<hbm>>
        %dma_start3A_60 = tpu.memref_squeeze %dma_start3A_59 : memref<1x10240x128xf32, #tpu.memory_space<hbm>> -> memref<10240x128xf32, #tpu.memory_space<hbm>>
        %dma_start3A_61 = arith.constant 0 : i32
        %dma_start3A_62 = tpu.memref_slice %dma_start3A_60[%add3A_56, %dma_start3A_61] : memref<10240x128xf32, #tpu.memory_space<hbm>> -> memref<64x128xf32, #tpu.memory_space<hbm>>
        %dma_start3A_63 = arith.constant 0 : i32
        %dma_start3A_64 = arith.constant 0 : i32
        %dma_start3A_65 = tpu.memref_slice %arg4[%arg0, %dma_start3A_63, %dma_start3A_64] : memref<2x10240x128xf32, #tpu.memory_space<hbm>> -> memref<1x10240x128xf32, #tpu.memory_space<hbm>>
        %dma_start3A_66 = tpu.memref_squeeze %dma_start3A_65 : memref<1x10240x128xf32, #tpu.memory_space<hbm>> -> memref<10240x128xf32, #tpu.memory_space<hbm>>
        %dma_start3A_67 = arith.constant 0 : i32
        %dma_start3A_68 = tpu.memref_slice %dma_start3A_66[%add3A_56, %dma_start3A_67] : memref<10240x128xf32, #tpu.memory_space<hbm>> -> memref<64x128xf32, #tpu.memory_space<hbm>>
        tpu.enqueue_dma source(%arg7 : memref<64x128xf32, #tpu.memory_space<vmem>>) target(%dma_start3A_68 : memref<64x128xf32, #tpu.memory_space<hbm>>) target_semaphore(%run_scoped3A : memref<!tpu.dma_semaphore, #tpu.memory_space<semaphore_mem>>)
        %dma_wait3A = arith.constant 0 : i32
        %dma_wait3A_69 = arith.constant 0 : i32
        %dma_wait3A_70 = tpu.memref_slice %arg4[%arg0, %dma_wait3A, %dma_wait3A_69] : memref<2x10240x128xf32, #tpu.memory_space<hbm>> -> memref<1x10240x128xf32, #tpu.memory_space<hbm>>
        %dma_wait3A_71 = tpu.memref_squeeze %dma_wait3A_70 : memref<1x10240x128xf32, #tpu.memory_space<hbm>> -> memref<10240x128xf32, #tpu.memory_space<hbm>>
        %dma_wait3A_72 = arith.constant 0 : i32
        %dma_wait3A_73 = tpu.memref_slice %dma_wait3A_71[%add3A_56, %dma_wait3A_72] : memref<10240x128xf32, #tpu.memory_space<hbm>> -> memref<64x128xf32, #tpu.memory_space<hbm>>
        %dma_wait3A_74 = arith.constant 0 : i32
        %dma_wait3A_75 = arith.constant 0 : i32
        %dma_wait3A_76 = tpu.memref_slice %arg4[%arg0, %dma_wait3A_74, %dma_wait3A_75] : memref<2x10240x128xf32, #tpu.memory_space<hbm>> -> memref<1x10240x128xf32, #tpu.memory_space<hbm>>
        %dma_wait3A_77 = tpu.memref_squeeze %dma_wait3A_76 : memref<1x10240x128xf32, #tpu.memory_space<hbm>> -> memref<10240x128xf32, #tpu.memory_space<hbm>>
        %dma_wait3A_78 = arith.constant 0 : i32
        %dma_wait3A_79 = tpu.memref_slice %dma_wait3A_77[%add3A_56, %dma_wait3A_78] : memref<10240x128xf32, #tpu.memory_space<hbm>> -> memref<64x128xf32, #tpu.memory_space<hbm>>
        tpu.wait_dma2 semaphore(%run_scoped3A : memref<!tpu.dma_semaphore, #tpu.memory_space<semaphore_mem>>) src(%arg7 : memref<64x128xf32, #tpu.memory_space<vmem>>) dst(%dma_wait3A_79 : memref<64x128xf32, #tpu.memory_space<hbm>>)
        tpu.yield
      }) : () -> ()
    }
    %scan3A_45 = arith.constant 10 : i32
    return
  }
}

#map = affine_map<(d0, d1) -> (0, 0)>
#map1 = affine_map<(d0, d1) -> (0, 0, 0)>
module attributes {stable_mosaic.version = 14 : i64} {
  func.func @_gather_body(%arg0: i32, %arg1: i32, %arg2: memref<10000x128xf32, #tpu.memory_space<hbm>>, %arg3: memref<1280x128xi32, #tpu.memory_space<hbm>>, %arg4: memref<1280x128x128xf32, #tpu.memory_space<hbm>>, %arg5: memref<40x128xi32, #tpu.memory_space<vmem>>, %arg6: memref<6x128x128xf32, #tpu.memory_space<vmem>>, %arg7: memref<6x!tpu.dma_semaphore, #tpu.memory_space<semaphore_mem>>, %arg8: memref<6x!tpu.dma_semaphore, #tpu.memory_space<semaphore_mem>>) attributes {dimension_semantics = [#tpu.dimension_semantics<core_parallel>, #tpu.dimension_semantics<subcore_parallel>], iteration_bounds = array<i64: 2, 16>, scalar_prefetch = 0 : i64, scratch_operands = 4 : i64, tpu.core_type = #tpu.core_type<sc_vector_subcore>, window_params = [{transform_indices = #map}, {transform_indices = #map}, {transform_indices = #map1}]} {
    %mul3A = arith.constant 2 : i32
    %mul3A_0 = arith.muli %arg1, %mul3A : i32
    %add3A = arith.addi %mul3A_0, %arg0 : i32
    %mul3A_1 = arith.constant 40 : i32
    %mul3A_2 = arith.muli %add3A, %mul3A_1 : i32
    "tpu.region"() ({
      %run_scoped3A = tpu.sem_alloc : memref<!tpu.dma_semaphore, #tpu.memory_space<semaphore_mem>>
      %dma_start3A_58 = arith.constant 0 : i32
      %dma_start3A_59 = tpu.memref_slice %arg3[%mul3A_2, %dma_start3A_58] : memref<1280x128xi32, #tpu.memory_space<hbm>> -> memref<40x128xi32, #tpu.memory_space<hbm>>
      %dma_start3A_60 = arith.constant 0 : i32
      %dma_start3A_61 = tpu.memref_slice %arg3[%mul3A_2, %dma_start3A_60] : memref<1280x128xi32, #tpu.memory_space<hbm>> -> memref<40x128xi32, #tpu.memory_space<hbm>>
      tpu.enqueue_dma source(%dma_start3A_61 : memref<40x128xi32, #tpu.memory_space<hbm>>) target(%arg5 : memref<40x128xi32, #tpu.memory_space<vmem>>) target_semaphore(%run_scoped3A : memref<!tpu.dma_semaphore, #tpu.memory_space<semaphore_mem>>)
      %dma_wait3A = arith.constant 0 : i32
      %dma_wait3A_62 = tpu.memref_slice %arg3[%mul3A_2, %dma_wait3A] : memref<1280x128xi32, #tpu.memory_space<hbm>> -> memref<40x128xi32, #tpu.memory_space<hbm>>
      %dma_wait3A_63 = arith.constant 0 : i32
      %dma_wait3A_64 = tpu.memref_slice %arg3[%mul3A_2, %dma_wait3A_63] : memref<1280x128xi32, #tpu.memory_space<hbm>> -> memref<40x128xi32, #tpu.memory_space<hbm>>
      tpu.wait_dma2 semaphore(%run_scoped3A : memref<!tpu.dma_semaphore, #tpu.memory_space<semaphore_mem>>) src(%dma_wait3A_64 : memref<40x128xi32, #tpu.memory_space<hbm>>) dst(%arg5 : memref<40x128xi32, #tpu.memory_space<vmem>>)
      tpu.yield
    }) : () -> ()
    %dma_start3A = arith.constant 0 : i32
    %dma_start3A_3 = arith.constant 0 : i32
    %dma_start3A_4 = arith.constant 0 : i32
    %dma_start3A_5 = arith.constant 0 : i32
    %dma_start3A_6 = arith.constant 0 : i32
    %dma_start3A_7 = tpu.memref_slice %arg6[%dma_start3A_3, %dma_start3A_5, %dma_start3A_6] : memref<6x128x128xf32, #tpu.memory_space<vmem>> -> memref<1x128x128xf32, #tpu.memory_space<vmem>>
    %dma_start3A_8 = tpu.memref_squeeze %dma_start3A_7 : memref<1x128x128xf32, #tpu.memory_space<vmem>> -> memref<128x128xf32, #tpu.memory_space<vmem>>
    %dma_start3A_9 = arith.constant 0 : i32
    %dma_start3A_10 = tpu.memref_slice %arg5[%dma_start3A, %dma_start3A_9] : memref<40x128xi32, #tpu.memory_space<vmem>> -> memref<1x128xi32, #tpu.memory_space<vmem>>
    %dma_start3A_11 = tpu.memref_squeeze %dma_start3A_10 : memref<1x128xi32, #tpu.memory_space<vmem>> -> memref<128xi32, #tpu.memory_space<vmem>>
    %dma_start3A_12 = arith.constant 0 : i32
    %dma_start3A_13 = arith.constant 0 : i32
    %dma_start3A_14 = tpu.memref_slice %arg2[%dma_start3A_12, %dma_start3A_13] : memref<10000x128xf32, #tpu.memory_space<hbm>> -> memref<10000x128xf32, #tpu.memory_space<hbm>>
    %dma_start3A_15 = tpu.memref_slice %arg7[%dma_start3A_4] : memref<6x!tpu.dma_semaphore, #tpu.memory_space<semaphore_mem>> -> memref<1x!tpu.dma_semaphore, #tpu.memory_space<semaphore_mem>>
    %dma_start3A_16 = tpu.memref_squeeze %dma_start3A_15 : memref<1x!tpu.dma_semaphore, #tpu.memory_space<semaphore_mem>> -> memref<!tpu.dma_semaphore, #tpu.memory_space<semaphore_mem>>
    tpu.enqueue_indirect_dma source(%dma_start3A_14 : memref<10000x128xf32, #tpu.memory_space<hbm>>) target(%dma_start3A_8 : memref<128x128xf32, #tpu.memory_space<vmem>>) offsets(%dma_start3A_11 : memref<128xi32, #tpu.memory_space<vmem>>) semaphore(%dma_start3A_16 : memref<!tpu.dma_semaphore, #tpu.memory_space<semaphore_mem>>)
    %dma_start3A_17 = arith.constant 1 : i32
    %dma_start3A_18 = arith.constant 1 : i32
    %dma_start3A_19 = arith.constant 1 : i32
    %dma_start3A_20 = arith.constant 0 : i32
    %dma_start3A_21 = arith.constant 0 : i32
    %dma_start3A_22 = tpu.memref_slice %arg6[%dma_start3A_18, %dma_start3A_20, %dma_start3A_21] : memref<6x128x128xf32, #tpu.memory_space<vmem>> -> memref<1x128x128xf32, #tpu.memory_space<vmem>>
    %dma_start3A_23 = tpu.memref_squeeze %dma_start3A_22 : memref<1x128x128xf32, #tpu.memory_space<vmem>> -> memref<128x128xf32, #tpu.memory_space<vmem>>
    %dma_start3A_24 = arith.constant 0 : i32
    %dma_start3A_25 = tpu.memref_slice %arg5[%dma_start3A_17, %dma_start3A_24] : memref<40x128xi32, #tpu.memory_space<vmem>> -> memref<1x128xi32, #tpu.memory_space<vmem>>
    %dma_start3A_26 = tpu.memref_squeeze %dma_start3A_25 : memref<1x128xi32, #tpu.memory_space<vmem>> -> memref<128xi32, #tpu.memory_space<vmem>>
    %dma_start3A_27 = arith.constant 0 : i32
    %dma_start3A_28 = arith.constant 0 : i32
    %dma_start3A_29 = tpu.memref_slice %arg2[%dma_start3A_27, %dma_start3A_28] : memref<10000x128xf32, #tpu.memory_space<hbm>> -> memref<10000x128xf32, #tpu.memory_space<hbm>>
    %dma_start3A_30 = tpu.memref_slice %arg7[%dma_start3A_19] : memref<6x!tpu.dma_semaphore, #tpu.memory_space<semaphore_mem>> -> memref<1x!tpu.dma_semaphore, #tpu.memory_space<semaphore_mem>>
    %dma_start3A_31 = tpu.memref_squeeze %dma_start3A_30 : memref<1x!tpu.dma_semaphore, #tpu.memory_space<semaphore_mem>> -> memref<!tpu.dma_semaphore, #tpu.memory_space<semaphore_mem>>
    tpu.enqueue_indirect_dma source(%dma_start3A_29 : memref<10000x128xf32, #tpu.memory_space<hbm>>) target(%dma_start3A_23 : memref<128x128xf32, #tpu.memory_space<vmem>>) offsets(%dma_start3A_26 : memref<128xi32, #tpu.memory_space<vmem>>) semaphore(%dma_start3A_31 : memref<!tpu.dma_semaphore, #tpu.memory_space<semaphore_mem>>)
    %dma_start3A_32 = arith.constant 2 : i32
    %dma_start3A_33 = arith.constant 2 : i32
    %dma_start3A_34 = arith.constant 2 : i32
    %dma_start3A_35 = arith.constant 0 : i32
    %dma_start3A_36 = arith.constant 0 : i32
    %dma_start3A_37 = tpu.memref_slice %arg6[%dma_start3A_33, %dma_start3A_35, %dma_start3A_36] : memref<6x128x128xf32, #tpu.memory_space<vmem>> -> memref<1x128x128xf32, #tpu.memory_space<vmem>>
    %dma_start3A_38 = tpu.memref_squeeze %dma_start3A_37 : memref<1x128x128xf32, #tpu.memory_space<vmem>> -> memref<128x128xf32, #tpu.memory_space<vmem>>
    %dma_start3A_39 = arith.constant 0 : i32
    %dma_start3A_40 = tpu.memref_slice %arg5[%dma_start3A_32, %dma_start3A_39] : memref<40x128xi32, #tpu.memory_space<vmem>> -> memref<1x128xi32, #tpu.memory_space<vmem>>
    %dma_start3A_41 = tpu.memref_squeeze %dma_start3A_40 : memref<1x128xi32, #tpu.memory_space<vmem>> -> memref<128xi32, #tpu.memory_space<vmem>>
    %dma_start3A_42 = arith.constant 0 : i32
    %dma_start3A_43 = arith.constant 0 : i32
    %dma_start3A_44 = tpu.memref_slice %arg2[%dma_start3A_42, %dma_start3A_43] : memref<10000x128xf32, #tpu.memory_space<hbm>> -> memref<10000x128xf32, #tpu.memory_space<hbm>>
    %dma_start3A_45 = tpu.memref_slice %arg7[%dma_start3A_34] : memref<6x!tpu.dma_semaphore, #tpu.memory_space<semaphore_mem>> -> memref<1x!tpu.dma_semaphore, #tpu.memory_space<semaphore_mem>>
    %dma_start3A_46 = tpu.memref_squeeze %dma_start3A_45 : memref<1x!tpu.dma_semaphore, #tpu.memory_space<semaphore_mem>> -> memref<!tpu.dma_semaphore, #tpu.memory_space<semaphore_mem>>
    tpu.enqueue_indirect_dma source(%dma_start3A_44 : memref<10000x128xf32, #tpu.memory_space<hbm>>) target(%dma_start3A_38 : memref<128x128xf32, #tpu.memory_space<vmem>>) offsets(%dma_start3A_41 : memref<128xi32, #tpu.memory_space<vmem>>) semaphore(%dma_start3A_46 : memref<!tpu.dma_semaphore, #tpu.memory_space<semaphore_mem>>)
    %scan3A = arith.constant 0 : i32
    %scan3A_47 = arith.constant 0 : i32
    %scan3A_48 = arith.constant 40 : i32
    %scan3A_49 = arith.addi %scan3A_47, %scan3A_48 : i32
    %scan3A_50 = arith.constant 1 : i32
    scf.for %scan3A_58 = %scan3A_47 to %scan3A_49 step %scan3A_50  : i32 {
      %rem3A = arith.constant 6 : i32
      %rem3A_59 = arith.remsi %scan3A_58, %rem3A : i32
      %dma_wait3A = arith.constant 0 : i32
      %dma_wait3A_60 = arith.constant 0 : i32
      %dma_wait3A_61 = tpu.memref_slice %arg6[%rem3A_59, %dma_wait3A, %dma_wait3A_60] : memref<6x128x128xf32, #tpu.memory_space<vmem>> -> memref<1x128x128xf32, #tpu.memory_space<vmem>>
      %dma_wait3A_62 = tpu.memref_squeeze %dma_wait3A_61 : memref<1x128x128xf32, #tpu.memory_space<vmem>> -> memref<128x128xf32, #tpu.memory_space<vmem>>
      %dma_wait3A_63 = arith.constant 0 : i32
      %dma_wait3A_64 = tpu.memref_slice %arg5[%scan3A_58, %dma_wait3A_63] : memref<40x128xi32, #tpu.memory_space<vmem>> -> memref<1x128xi32, #tpu.memory_space<vmem>>
      %dma_wait3A_65 = tpu.memref_squeeze %dma_wait3A_64 : memref<1x128xi32, #tpu.memory_space<vmem>> -> memref<128xi32, #tpu.memory_space<vmem>>
      %dma_wait3A_66 = arith.constant 0 : i32
      %dma_wait3A_67 = arith.constant 0 : i32
      %dma_wait3A_68 = tpu.memref_slice %arg2[%dma_wait3A_66, %dma_wait3A_67] : memref<10000x128xf32, #tpu.memory_space<hbm>> -> memref<10000x128xf32, #tpu.memory_space<hbm>>
      %dma_wait3A_69 = tpu.memref_slice %arg7[%rem3A_59] : memref<6x!tpu.dma_semaphore, #tpu.memory_space<semaphore_mem>> -> memref<1x!tpu.dma_semaphore, #tpu.memory_space<semaphore_mem>>
      %dma_wait3A_70 = tpu.memref_squeeze %dma_wait3A_69 : memref<1x!tpu.dma_semaphore, #tpu.memory_space<semaphore_mem>> -> memref<!tpu.dma_semaphore, #tpu.memory_space<semaphore_mem>>
      tpu.wait_indirect_dma semaphore(%dma_wait3A_70 : memref<!tpu.dma_semaphore, #tpu.memory_space<semaphore_mem>>) src(%dma_wait3A_68 : memref<10000x128xf32, #tpu.memory_space<hbm>>) dst(%dma_wait3A_62 : memref<128x128xf32, #tpu.memory_space<vmem>>)
      %add3A_71 = arith.addi %mul3A_2, %scan3A_58 : i32
      %dma_start3A_72 = arith.constant 0 : i32
      %dma_start3A_73 = arith.constant 0 : i32
      %dma_start3A_74 = tpu.memref_slice %arg6[%rem3A_59, %dma_start3A_72, %dma_start3A_73] : memref<6x128x128xf32, #tpu.memory_space<vmem>> -> memref<1x128x128xf32, #tpu.memory_space<vmem>>
      %dma_start3A_75 = tpu.memref_squeeze %dma_start3A_74 : memref<1x128x128xf32, #tpu.memory_space<vmem>> -> memref<128x128xf32, #tpu.memory_space<vmem>>
      %dma_start3A_76 = arith.constant 0 : i32
      %dma_start3A_77 = arith.constant 0 : i32
      %dma_start3A_78 = tpu.memref_slice %arg4[%add3A_71, %dma_start3A_76, %dma_start3A_77] : memref<1280x128x128xf32, #tpu.memory_space<hbm>> -> memref<1x128x128xf32, #tpu.memory_space<hbm>>
      %dma_start3A_79 = tpu.memref_squeeze %dma_start3A_78 : memref<1x128x128xf32, #tpu.memory_space<hbm>> -> memref<128x128xf32, #tpu.memory_space<hbm>>
      %dma_start3A_80 = tpu.memref_slice %arg8[%rem3A_59] : memref<6x!tpu.dma_semaphore, #tpu.memory_space<semaphore_mem>> -> memref<1x!tpu.dma_semaphore, #tpu.memory_space<semaphore_mem>>
      %dma_start3A_81 = tpu.memref_squeeze %dma_start3A_80 : memref<1x!tpu.dma_semaphore, #tpu.memory_space<semaphore_mem>> -> memref<!tpu.dma_semaphore, #tpu.memory_space<semaphore_mem>>
      %dma_start3A_82 = arith.constant 0 : i32
      %dma_start3A_83 = arith.constant 0 : i32
      %dma_start3A_84 = tpu.memref_slice %arg4[%add3A_71, %dma_start3A_82, %dma_start3A_83] : memref<1280x128x128xf32, #tpu.memory_space<hbm>> -> memref<1x128x128xf32, #tpu.memory_space<hbm>>
      %dma_start3A_85 = tpu.memref_squeeze %dma_start3A_84 : memref<1x128x128xf32, #tpu.memory_space<hbm>> -> memref<128x128xf32, #tpu.memory_space<hbm>>
      %dma_start3A_86 = arith.constant 0 : i32
      %dma_start3A_87 = arith.constant 0 : i32
      %dma_start3A_88 = tpu.memref_slice %arg6[%rem3A_59, %dma_start3A_86, %dma_start3A_87] : memref<6x128x128xf32, #tpu.memory_space<vmem>> -> memref<1x128x128xf32, #tpu.memory_space<vmem>>
      %dma_start3A_89 = tpu.memref_squeeze %dma_start3A_88 : memref<1x128x128xf32, #tpu.memory_space<vmem>> -> memref<128x128xf32, #tpu.memory_space<vmem>>
      tpu.enqueue_dma source(%dma_start3A_89 : memref<128x128xf32, #tpu.memory_space<vmem>>) target(%dma_start3A_85 : memref<128x128xf32, #tpu.memory_space<hbm>>) target_semaphore(%dma_start3A_81 : memref<!tpu.dma_semaphore, #tpu.memory_space<semaphore_mem>>)
      %add3A_90 = arith.constant 3 : i32
      %add3A_91 = arith.addi %scan3A_58, %add3A_90 : i32
      %lt3A = arith.constant 40 : i32
      %lt3A_92 = arith.cmpi slt, %add3A_91, %lt3A : i32
      %convert_element_type3A = arith.extui %lt3A_92 : i1 to i32
      %cond3A = arith.constant 0 : i32
      %cond3A_93 = arith.cmpi ne, %convert_element_type3A, %cond3A : i32
      scf.if %cond3A_93 {
        %add3A_94 = arith.constant 3 : i32
        %add3A_95 = arith.addi %scan3A_58, %add3A_94 : i32
        %rem3A_96 = arith.constant 6 : i32
        %rem3A_97 = arith.remsi %add3A_95, %rem3A_96 : i32
        %ge3A = arith.constant 3 : i32
        %ge3A_98 = arith.cmpi sge, %scan3A_58, %ge3A : i32
        %convert_element_type3A_99 = arith.extui %ge3A_98 : i1 to i32
        %cond3A_100 = arith.constant 0 : i32
        %cond3A_101 = arith.cmpi ne, %convert_element_type3A_99, %cond3A_100 : i32
        scf.if %cond3A_101 {
          %add3A_116 = arith.addi %mul3A_2, %scan3A_58 : i32
          %sub3A = arith.constant 3 : i32
          %sub3A_117 = arith.subi %add3A_116, %sub3A : i32
          %dma_wait3A_118 = arith.constant 0 : i32
          %dma_wait3A_119 = arith.constant 0 : i32
          %dma_wait3A_120 = tpu.memref_slice %arg6[%rem3A_97, %dma_wait3A_118, %dma_wait3A_119] : memref<6x128x128xf32, #tpu.memory_space<vmem>> -> memref<1x128x128xf32, #tpu.memory_space<vmem>>
          %dma_wait3A_121 = tpu.memref_squeeze %dma_wait3A_120 : memref<1x128x128xf32, #tpu.memory_space<vmem>> -> memref<128x128xf32, #tpu.memory_space<vmem>>
          %dma_wait3A_122 = arith.constant 0 : i32
          %dma_wait3A_123 = arith.constant 0 : i32
          %dma_wait3A_124 = tpu.memref_slice %arg4[%sub3A_117, %dma_wait3A_122, %dma_wait3A_123] : memref<1280x128x128xf32, #tpu.memory_space<hbm>> -> memref<1x128x128xf32, #tpu.memory_space<hbm>>
          %dma_wait3A_125 = tpu.memref_squeeze %dma_wait3A_124 : memref<1x128x128xf32, #tpu.memory_space<hbm>> -> memref<128x128xf32, #tpu.memory_space<hbm>>
          %dma_wait3A_126 = tpu.memref_slice %arg8[%rem3A_97] : memref<6x!tpu.dma_semaphore, #tpu.memory_space<semaphore_mem>> -> memref<1x!tpu.dma_semaphore, #tpu.memory_space<semaphore_mem>>
          %dma_wait3A_127 = tpu.memref_squeeze %dma_wait3A_126 : memref<1x!tpu.dma_semaphore, #tpu.memory_space<semaphore_mem>> -> memref<!tpu.dma_semaphore, #tpu.memory_space<semaphore_mem>>
          %dma_wait3A_128 = arith.constant 0 : i32
          %dma_wait3A_129 = arith.constant 0 : i32
          %dma_wait3A_130 = tpu.memref_slice %arg4[%sub3A_117, %dma_wait3A_128, %dma_wait3A_129] : memref<1280x128x128xf32, #tpu.memory_space<hbm>> -> memref<1x128x128xf32, #tpu.memory_space<hbm>>
          %dma_wait3A_131 = tpu.memref_squeeze %dma_wait3A_130 : memref<1x128x128xf32, #tpu.memory_space<hbm>> -> memref<128x128xf32, #tpu.memory_space<hbm>>
          %dma_wait3A_132 = arith.constant 0 : i32
          %dma_wait3A_133 = arith.constant 0 : i32
          %dma_wait3A_134 = tpu.memref_slice %arg6[%rem3A_97, %dma_wait3A_132, %dma_wait3A_133] : memref<6x128x128xf32, #tpu.memory_space<vmem>> -> memref<1x128x128xf32, #tpu.memory_space<vmem>>
          %dma_wait3A_135 = tpu.memref_squeeze %dma_wait3A_134 : memref<1x128x128xf32, #tpu.memory_space<vmem>> -> memref<128x128xf32, #tpu.memory_space<vmem>>
          tpu.wait_dma2 semaphore(%dma_wait3A_127 : memref<!tpu.dma_semaphore, #tpu.memory_space<semaphore_mem>>) src(%dma_wait3A_135 : memref<128x128xf32, #tpu.memory_space<vmem>>) dst(%dma_wait3A_131 : memref<128x128xf32, #tpu.memory_space<hbm>>)
        } else {
        }
        %add3A_102 = arith.constant 3 : i32
        %add3A_103 = arith.addi %scan3A_58, %add3A_102 : i32
        %dma_start3A_104 = arith.constant 0 : i32
        %dma_start3A_105 = arith.constant 0 : i32
        %dma_start3A_106 = tpu.memref_slice %arg6[%rem3A_97, %dma_start3A_104, %dma_start3A_105] : memref<6x128x128xf32, #tpu.memory_space<vmem>> -> memref<1x128x128xf32, #tpu.memory_space<vmem>>
        %dma_start3A_107 = tpu.memref_squeeze %dma_start3A_106 : memref<1x128x128xf32, #tpu.memory_space<vmem>> -> memref<128x128xf32, #tpu.memory_space<vmem>>
        %dma_start3A_108 = arith.constant 0 : i32
        %dma_start3A_109 = tpu.memref_slice %arg5[%add3A_103, %dma_start3A_108] : memref<40x128xi32, #tpu.memory_space<vmem>> -> memref<1x128xi32, #tpu.memory_space<vmem>>
        %dma_start3A_110 = tpu.memref_squeeze %dma_start3A_109 : memref<1x128xi32, #tpu.memory_space<vmem>> -> memref<128xi32, #tpu.memory_space<vmem>>
        %dma_start3A_111 = arith.constant 0 : i32
        %dma_start3A_112 = arith.constant 0 : i32
        %dma_start3A_113 = tpu.memref_slice %arg2[%dma_start3A_111, %dma_start3A_112] : memref<10000x128xf32, #tpu.memory_space<hbm>> -> memref<10000x128xf32, #tpu.memory_space<hbm>>
        %dma_start3A_114 = tpu.memref_slice %arg7[%rem3A_97] : memref<6x!tpu.dma_semaphore, #tpu.memory_space<semaphore_mem>> -> memref<1x!tpu.dma_semaphore, #tpu.memory_space<semaphore_mem>>
        %dma_start3A_115 = tpu.memref_squeeze %dma_start3A_114 : memref<1x!tpu.dma_semaphore, #tpu.memory_space<semaphore_mem>> -> memref<!tpu.dma_semaphore, #tpu.memory_space<semaphore_mem>>
        tpu.enqueue_indirect_dma source(%dma_start3A_113 : memref<10000x128xf32, #tpu.memory_space<hbm>>) target(%dma_start3A_107 : memref<128x128xf32, #tpu.memory_space<vmem>>) offsets(%dma_start3A_110 : memref<128xi32, #tpu.memory_space<vmem>>) semaphore(%dma_start3A_115 : memref<!tpu.dma_semaphore, #tpu.memory_space<semaphore_mem>>)
      } else {
      }
    }
    %scan3A_51 = arith.constant 40 : i32
    %scan3A_52 = arith.constant 0 : i32
    %scan3A_53 = arith.constant 34 : i32
    %scan3A_54 = arith.constant 6 : i32
    %scan3A_55 = arith.addi %scan3A_53, %scan3A_54 : i32
    %scan3A_56 = arith.constant 1 : i32
    scf.for %scan3A_58 = %scan3A_53 to %scan3A_55 step %scan3A_56  : i32 {
      %rem3A = arith.constant 6 : i32
      %rem3A_59 = arith.remsi %scan3A_58, %rem3A : i32
      %add3A_60 = arith.addi %mul3A_2, %scan3A_58 : i32
      %dma_wait3A = arith.constant 0 : i32
      %dma_wait3A_61 = arith.constant 0 : i32
      %dma_wait3A_62 = tpu.memref_slice %arg6[%rem3A_59, %dma_wait3A, %dma_wait3A_61] : memref<6x128x128xf32, #tpu.memory_space<vmem>> -> memref<1x128x128xf32, #tpu.memory_space<vmem>>
      %dma_wait3A_63 = tpu.memref_squeeze %dma_wait3A_62 : memref<1x128x128xf32, #tpu.memory_space<vmem>> -> memref<128x128xf32, #tpu.memory_space<vmem>>
      %dma_wait3A_64 = arith.constant 0 : i32
      %dma_wait3A_65 = arith.constant 0 : i32
      %dma_wait3A_66 = tpu.memref_slice %arg4[%add3A_60, %dma_wait3A_64, %dma_wait3A_65] : memref<1280x128x128xf32, #tpu.memory_space<hbm>> -> memref<1x128x128xf32, #tpu.memory_space<hbm>>
      %dma_wait3A_67 = tpu.memref_squeeze %dma_wait3A_66 : memref<1x128x128xf32, #tpu.memory_space<hbm>> -> memref<128x128xf32, #tpu.memory_space<hbm>>
      %dma_wait3A_68 = tpu.memref_slice %arg8[%rem3A_59] : memref<6x!tpu.dma_semaphore, #tpu.memory_space<semaphore_mem>> -> memref<1x!tpu.dma_semaphore, #tpu.memory_space<semaphore_mem>>
      %dma_wait3A_69 = tpu.memref_squeeze %dma_wait3A_68 : memref<1x!tpu.dma_semaphore, #tpu.memory_space<semaphore_mem>> -> memref<!tpu.dma_semaphore, #tpu.memory_space<semaphore_mem>>
      %dma_wait3A_70 = arith.constant 0 : i32
      %dma_wait3A_71 = arith.constant 0 : i32
      %dma_wait3A_72 = tpu.memref_slice %arg4[%add3A_60, %dma_wait3A_70, %dma_wait3A_71] : memref<1280x128x128xf32, #tpu.memory_space<hbm>> -> memref<1x128x128xf32, #tpu.memory_space<hbm>>
      %dma_wait3A_73 = tpu.memref_squeeze %dma_wait3A_72 : memref<1x128x128xf32, #tpu.memory_space<hbm>> -> memref<128x128xf32, #tpu.memory_space<hbm>>
      %dma_wait3A_74 = arith.constant 0 : i32
      %dma_wait3A_75 = arith.constant 0 : i32
      %dma_wait3A_76 = tpu.memref_slice %arg6[%rem3A_59, %dma_wait3A_74, %dma_wait3A_75] : memref<6x128x128xf32, #tpu.memory_space<vmem>> -> memref<1x128x128xf32, #tpu.memory_space<vmem>>
      %dma_wait3A_77 = tpu.memref_squeeze %dma_wait3A_76 : memref<1x128x128xf32, #tpu.memory_space<vmem>> -> memref<128x128xf32, #tpu.memory_space<vmem>>
      tpu.wait_dma2 semaphore(%dma_wait3A_69 : memref<!tpu.dma_semaphore, #tpu.memory_space<semaphore_mem>>) src(%dma_wait3A_77 : memref<128x128xf32, #tpu.memory_space<vmem>>) dst(%dma_wait3A_73 : memref<128x128xf32, #tpu.memory_space<hbm>>)
    }
    %scan3A_57 = arith.constant 6 : i32
    return
  }
}

#map = affine_map<(d0, d1) -> (0, 0, 0)>
#map1 = affine_map<(d0, d1) -> (0, 0)>
module attributes {stable_mosaic.version = 14 : i64} {
  func.func @_scatter_body(%arg0: i32, %arg1: i32, %arg2: memref<1280x128x128xf32, #tpu.memory_space<hbm>>, %arg3: memref<1280x128xi32, #tpu.memory_space<hbm>>, %arg4: memref<2x10240x128xf32, #tpu.memory_space<hbm>>, %arg5: memref<40x128xi32, #tpu.memory_space<vmem>>, %arg6: memref<2x128x128xf32, #tpu.memory_space<vmem>>, %arg7: memref<64x128xf32, #tpu.memory_space<vmem>>, %arg8: memref<10240x128xf32, #tpu.memory_space<vmem_shared>>, %arg9: memref<2x!tpu.dma_semaphore, #tpu.memory_space<semaphore_mem>>) attributes {dimension_semantics = [#tpu.dimension_semantics<core_parallel>, #tpu.dimension_semantics<subcore_parallel>], iteration_bounds = array<i64: 2, 16>, scalar_prefetch = 0 : i64, scratch_operands = 5 : i64, tpu.core_type = #tpu.core_type<sc_vector_subcore>, window_params = [{transform_indices = #map}, {transform_indices = #map1}, {transform_indices = #map}]} {
    %mul3A = arith.constant 2 : i32
    %mul3A_0 = arith.muli %arg1, %mul3A : i32
    %add3A = arith.addi %mul3A_0, %arg0 : i32
    %scan3A = arith.constant 0 : i32
    %scan3A_1 = arith.constant 0 : i32
    %scan3A_2 = arith.constant 64 : i32
    %scan3A_3 = arith.addi %scan3A_1, %scan3A_2 : i32
    %scan3A_4 = arith.constant 1 : i32
    scf.for %scan3A_46 = %scan3A_1 to %scan3A_3 step %scan3A_4  : i32 {
      %broadcast_in_dim3A = arith.constant 0.000000e+00 : f32
      %broadcast_in_dim3A_47 = vector.broadcast %broadcast_in_dim3A : f32 to vector<16xf32>
      %swap3A = arith.index_cast %scan3A_46 : i32 to index
      %swap3A_48 = arith.constant 0 : index
      %swap3A_49 = tpu.vector_load %arg7[%swap3A, %swap3A_48] {strides = array<i32>} : memref<64x128xf32, #tpu.memory_space<vmem>>, vector<1x16xf32>,
      %swap3A_50 = vector.shape_cast %swap3A_49 : vector<1x16xf32> to vector<16xf32>
      %swap3A_51 = vector.shape_cast %broadcast_in_dim3A_47 : vector<16xf32> to vector<1x16xf32>
      tpu.vector_store %arg7[%swap3A, %swap3A_48], %swap3A_51 {strides = array<i32>} : memref<64x128xf32, #tpu.memory_space<vmem>>, vector<1x16xf32>,
      %broadcast_in_dim3A_52 = arith.constant 0.000000e+00 : f32
      %broadcast_in_dim3A_53 = vector.broadcast %broadcast_in_dim3A_52 : f32 to vector<16xf32>
      %swap3A_54 = arith.index_cast %scan3A_46 : i32 to index
      %swap3A_55 = arith.constant 16 : index
      %swap3A_56 = tpu.vector_load %arg7[%swap3A_54, %swap3A_55] {strides = array<i32>} : memref<64x128xf32, #tpu.memory_space<vmem>>, vector<1x16xf32>,
      %swap3A_57 = vector.shape_cast %swap3A_56 : vector<1x16xf32> to vector<16xf32>
      %swap3A_58 = vector.shape_cast %broadcast_in_dim3A_53 : vector<16xf32> to vector<1x16xf32>
      tpu.vector_store %arg7[%swap3A_54, %swap3A_55], %swap3A_58 {strides = array<i32>} : memref<64x128xf32, #tpu.memory_space<vmem>>, vector<1x16xf32>,
      %broadcast_in_dim3A_59 = arith.constant 0.000000e+00 : f32
      %broadcast_in_dim3A_60 = vector.broadcast %broadcast_in_dim3A_59 : f32 to vector<16xf32>
      %swap3A_61 = arith.index_cast %scan3A_46 : i32 to index
      %swap3A_62 = arith.constant 32 : index
      %swap3A_63 = tpu.vector_load %arg7[%swap3A_61, %swap3A_62] {strides = array<i32>} : memref<64x128xf32, #tpu.memory_space<vmem>>, vector<1x16xf32>,
      %swap3A_64 = vector.shape_cast %swap3A_63 : vector<1x16xf32> to vector<16xf32>
      %swap3A_65 = vector.shape_cast %broadcast_in_dim3A_60 : vector<16xf32> to vector<1x16xf32>
      tpu.vector_store %arg7[%swap3A_61, %swap3A_62], %swap3A_65 {strides = array<i32>} : memref<64x128xf32, #tpu.memory_space<vmem>>, vector<1x16xf32>,
      %broadcast_in_dim3A_66 = arith.constant 0.000000e+00 : f32
      %broadcast_in_dim3A_67 = vector.broadcast %broadcast_in_dim3A_66 : f32 to vector<16xf32>
      %swap3A_68 = arith.index_cast %scan3A_46 : i32 to index
      %swap3A_69 = arith.constant 48 : index
      %swap3A_70 = tpu.vector_load %arg7[%swap3A_68, %swap3A_69] {strides = array<i32>} : memref<64x128xf32, #tpu.memory_space<vmem>>, vector<1x16xf32>,
      %swap3A_71 = vector.shape_cast %swap3A_70 : vector<1x16xf32> to vector<16xf32>
      %swap3A_72 = vector.shape_cast %broadcast_in_dim3A_67 : vector<16xf32> to vector<1x16xf32>
      tpu.vector_store %arg7[%swap3A_68, %swap3A_69], %swap3A_72 {strides = array<i32>} : memref<64x128xf32, #tpu.memory_space<vmem>>, vector<1x16xf32>,
      %broadcast_in_dim3A_73 = arith.constant 0.000000e+00 : f32
      %broadcast_in_dim3A_74 = vector.broadcast %broadcast_in_dim3A_73 : f32 to vector<16xf32>
      %swap3A_75 = arith.index_cast %scan3A_46 : i32 to index
      %swap3A_76 = arith.constant 64 : index
      %swap3A_77 = tpu.vector_load %arg7[%swap3A_75, %swap3A_76] {strides = array<i32>} : memref<64x128xf32, #tpu.memory_space<vmem>>, vector<1x16xf32>,
      %swap3A_78 = vector.shape_cast %swap3A_77 : vector<1x16xf32> to vector<16xf32>
      %swap3A_79 = vector.shape_cast %broadcast_in_dim3A_74 : vector<16xf32> to vector<1x16xf32>
      tpu.vector_store %arg7[%swap3A_75, %swap3A_76], %swap3A_79 {strides = array<i32>} : memref<64x128xf32, #tpu.memory_space<vmem>>, vector<1x16xf32>,
      %broadcast_in_dim3A_80 = arith.constant 0.000000e+00 : f32
      %broadcast_in_dim3A_81 = vector.broadcast %broadcast_in_dim3A_80 : f32 to vector<16xf32>
      %swap3A_82 = arith.index_cast %scan3A_46 : i32 to index
      %swap3A_83 = arith.constant 80 : index
      %swap3A_84 = tpu.vector_load %arg7[%swap3A_82, %swap3A_83] {strides = array<i32>} : memref<64x128xf32, #tpu.memory_space<vmem>>, vector<1x16xf32>,
      %swap3A_85 = vector.shape_cast %swap3A_84 : vector<1x16xf32> to vector<16xf32>
      %swap3A_86 = vector.shape_cast %broadcast_in_dim3A_81 : vector<16xf32> to vector<1x16xf32>
      tpu.vector_store %arg7[%swap3A_82, %swap3A_83], %swap3A_86 {strides = array<i32>} : memref<64x128xf32, #tpu.memory_space<vmem>>, vector<1x16xf32>,
      %broadcast_in_dim3A_87 = arith.constant 0.000000e+00 : f32
      %broadcast_in_dim3A_88 = vector.broadcast %broadcast_in_dim3A_87 : f32 to vector<16xf32>
      %swap3A_89 = arith.index_cast %scan3A_46 : i32 to index
      %swap3A_90 = arith.constant 96 : index
      %swap3A_91 = tpu.vector_load %arg7[%swap3A_89, %swap3A_90] {strides = array<i32>} : memref<64x128xf32, #tpu.memory_space<vmem>>, vector<1x16xf32>,
      %swap3A_92 = vector.shape_cast %swap3A_91 : vector<1x16xf32> to vector<16xf32>
      %swap3A_93 = vector.shape_cast %broadcast_in_dim3A_88 : vector<16xf32> to vector<1x16xf32>
      tpu.vector_store %arg7[%swap3A_89, %swap3A_90], %swap3A_93 {strides = array<i32>} : memref<64x128xf32, #tpu.memory_space<vmem>>, vector<1x16xf32>,
      %broadcast_in_dim3A_94 = arith.constant 0.000000e+00 : f32
      %broadcast_in_dim3A_95 = vector.broadcast %broadcast_in_dim3A_94 : f32 to vector<16xf32>
      %swap3A_96 = arith.index_cast %scan3A_46 : i32 to index
      %swap3A_97 = arith.constant 112 : index
      %swap3A_98 = tpu.vector_load %arg7[%swap3A_96, %swap3A_97] {strides = array<i32>} : memref<64x128xf32, #tpu.memory_space<vmem>>, vector<1x16xf32>,
      %swap3A_99 = vector.shape_cast %swap3A_98 : vector<1x16xf32> to vector<16xf32>
      %swap3A_100 = vector.shape_cast %broadcast_in_dim3A_95 : vector<16xf32> to vector<1x16xf32>
      tpu.vector_store %arg7[%swap3A_96, %swap3A_97], %swap3A_100 {strides = array<i32>} : memref<64x128xf32, #tpu.memory_space<vmem>>, vector<1x16xf32>,
    }
    %scan3A_5 = arith.constant 64 : i32
    %scan3A_6 = arith.constant 0 : i32
    %scan3A_7 = arith.constant 0 : i32
    %scan3A_8 = arith.constant 10 : i32
    %scan3A_9 = arith.addi %scan3A_7, %scan3A_8 : i32
    %scan3A_10 = arith.constant 1 : i32
    scf.for %scan3A_46 = %scan3A_7 to %scan3A_9 step %scan3A_10  : i32 {
      %mul3A_47 = arith.constant 640 : i32
      %mul3A_48 = arith.muli %arg1, %mul3A_47 : i32
      %mul3A_49 = arith.constant 64 : i32
      %mul3A_50 = arith.muli %scan3A_46, %mul3A_49 : i32
      %add3A_51 = arith.addi %mul3A_48, %mul3A_50 : i32
      "tpu.region"() ({
        %run_scoped3A = tpu.sem_alloc : memref<!tpu.dma_semaphore, #tpu.memory_space<semaphore_mem>>
        %dma_start3A_52 = arith.constant 0 : i32
        %dma_start3A_53 = tpu.memref_slice %arg8[%add3A_51, %dma_start3A_52] : memref<10240x128xf32, #tpu.memory_space<vmem_shared>> -> memref<64x128xf32, #tpu.memory_space<vmem_shared>>
        %dma_start3A_54 = arith.constant 0 : i32
        %dma_start3A_55 = tpu.memref_slice %arg8[%add3A_51, %dma_start3A_54] : memref<10240x128xf32, #tpu.memory_space<vmem_shared>> -> memref<64x128xf32, #tpu.memory_space<vmem_shared>>
        tpu.enqueue_dma source(%arg7 : memref<64x128xf32, #tpu.memory_space<vmem>>) target(%dma_start3A_55 : memref<64x128xf32, #tpu.memory_space<vmem_shared>>) target_semaphore(%run_scoped3A : memref<!tpu.dma_semaphore, #tpu.memory_space<semaphore_mem>>)
        %dma_wait3A = arith.constant 0 : i32
        %dma_wait3A_56 = tpu.memref_slice %arg8[%add3A_51, %dma_wait3A] : memref<10240x128xf32, #tpu.memory_space<vmem_shared>> -> memref<64x128xf32, #tpu.memory_space<vmem_shared>>
        %dma_wait3A_57 = arith.constant 0 : i32
        %dma_wait3A_58 = tpu.memref_slice %arg8[%add3A_51, %dma_wait3A_57] : memref<10240x128xf32, #tpu.memory_space<vmem_shared>> -> memref<64x128xf32, #tpu.memory_space<vmem_shared>>
        tpu.wait_dma2 semaphore(%run_scoped3A : memref<!tpu.dma_semaphore, #tpu.memory_space<semaphore_mem>>) src(%arg7 : memref<64x128xf32, #tpu.memory_space<vmem>>) dst(%dma_wait3A_58 : memref<64x128xf32, #tpu.memory_space<vmem_shared>>)
        tpu.yield
      }) : () -> ()
    }
    %scan3A_11 = arith.constant 10 : i32
    %barrier3A = arith.constant 0 : index
    tpu.barrier barrier_id(%barrier3A)
    %mul3A_12 = arith.constant 40 : i32
    %mul3A_13 = arith.muli %add3A, %mul3A_12 : i32
    "tpu.region"() ({
      %run_scoped3A = tpu.sem_alloc : memref<!tpu.dma_semaphore, #tpu.memory_space<semaphore_mem>>
      %dma_start3A_46 = arith.constant 0 : i32
      %dma_start3A_47 = tpu.memref_slice %arg3[%mul3A_13, %dma_start3A_46] : memref<1280x128xi32, #tpu.memory_space<hbm>> -> memref<40x128xi32, #tpu.memory_space<hbm>>
      %dma_start3A_48 = arith.constant 0 : i32
      %dma_start3A_49 = tpu.memref_slice %arg3[%mul3A_13, %dma_start3A_48] : memref<1280x128xi32, #tpu.memory_space<hbm>> -> memref<40x128xi32, #tpu.memory_space<hbm>>
      tpu.enqueue_dma source(%dma_start3A_49 : memref<40x128xi32, #tpu.memory_space<hbm>>) target(%arg5 : memref<40x128xi32, #tpu.memory_space<vmem>>) target_semaphore(%run_scoped3A : memref<!tpu.dma_semaphore, #tpu.memory_space<semaphore_mem>>)
      %dma_wait3A = arith.constant 0 : i32
      %dma_wait3A_50 = tpu.memref_slice %arg3[%mul3A_13, %dma_wait3A] : memref<1280x128xi32, #tpu.memory_space<hbm>> -> memref<40x128xi32, #tpu.memory_space<hbm>>
      %dma_wait3A_51 = arith.constant 0 : i32
      %dma_wait3A_52 = tpu.memref_slice %arg3[%mul3A_13, %dma_wait3A_51] : memref<1280x128xi32, #tpu.memory_space<hbm>> -> memref<40x128xi32, #tpu.memory_space<hbm>>
      tpu.wait_dma2 semaphore(%run_scoped3A : memref<!tpu.dma_semaphore, #tpu.memory_space<semaphore_mem>>) src(%dma_wait3A_52 : memref<40x128xi32, #tpu.memory_space<hbm>>) dst(%arg5 : memref<40x128xi32, #tpu.memory_space<vmem>>)
      tpu.yield
    }) : () -> ()
    %dma_start3A = arith.constant 0 : i32
    %dma_start3A_14 = arith.constant 0 : i32
    %dma_start3A_15 = arith.constant 0 : i32
    %dma_start3A_16 = arith.constant 0 : i32
    %dma_start3A_17 = tpu.memref_slice %arg6[%dma_start3A, %dma_start3A_15, %dma_start3A_16] : memref<2x128x128xf32, #tpu.memory_space<vmem>> -> memref<1x128x128xf32, #tpu.memory_space<vmem>>
    %dma_start3A_18 = tpu.memref_squeeze %dma_start3A_17 : memref<1x128x128xf32, #tpu.memory_space<vmem>> -> memref<128x128xf32, #tpu.memory_space<vmem>>
    %dma_start3A_19 = arith.constant 0 : i32
    %dma_start3A_20 = arith.constant 0 : i32
    %dma_start3A_21 = tpu.memref_slice %arg2[%mul3A_13, %dma_start3A_19, %dma_start3A_20] : memref<1280x128x128xf32, #tpu.memory_space<hbm>> -> memref<1x128x128xf32, #tpu.memory_space<hbm>>
    %dma_start3A_22 = tpu.memref_squeeze %dma_start3A_21 : memref<1x128x128xf32, #tpu.memory_space<hbm>> -> memref<128x128xf32, #tpu.memory_space<hbm>>
    %dma_start3A_23 = tpu.memref_slice %arg9[%dma_start3A_14] : memref<2x!tpu.dma_semaphore, #tpu.memory_space<semaphore_mem>> -> memref<1x!tpu.dma_semaphore, #tpu.memory_space<semaphore_mem>>
    %dma_start3A_24 = tpu.memref_squeeze %dma_start3A_23 : memref<1x!tpu.dma_semaphore, #tpu.memory_space<semaphore_mem>> -> memref<!tpu.dma_semaphore, #tpu.memory_space<semaphore_mem>>
    %dma_start3A_25 = arith.constant 0 : i32
    %dma_start3A_26 = arith.constant 0 : i32
    %dma_start3A_27 = tpu.memref_slice %arg6[%dma_start3A, %dma_start3A_25, %dma_start3A_26] : memref<2x128x128xf32, #tpu.memory_space<vmem>> -> memref<1x128x128xf32, #tpu.memory_space<vmem>>
    %dma_start3A_28 = tpu.memref_squeeze %dma_start3A_27 : memref<1x128x128xf32, #tpu.memory_space<vmem>> -> memref<128x128xf32, #tpu.memory_space<vmem>>
    %dma_start3A_29 = arith.constant 0 : i32
    %dma_start3A_30 = arith.constant 0 : i32
    %dma_start3A_31 = tpu.memref_slice %arg2[%mul3A_13, %dma_start3A_29, %dma_start3A_30] : memref<1280x128x128xf32, #tpu.memory_space<hbm>> -> memref<1x128x128xf32, #tpu.memory_space<hbm>>
    %dma_start3A_32 = tpu.memref_squeeze %dma_start3A_31 : memref<1x128x128xf32, #tpu.memory_space<hbm>> -> memref<128x128xf32, #tpu.memory_space<hbm>>
    tpu.enqueue_dma source(%dma_start3A_32 : memref<128x128xf32, #tpu.memory_space<hbm>>) target(%dma_start3A_28 : memref<128x128xf32, #tpu.memory_space<vmem>>) target_semaphore(%dma_start3A_24 : memref<!tpu.dma_semaphore, #tpu.memory_space<semaphore_mem>>)
    %scan3A_33 = arith.constant 0 : i32
    %scan3A_34 = arith.constant 0 : i32
    %scan3A_35 = arith.constant 40 : i32
    %scan3A_36 = arith.addi %scan3A_34, %scan3A_35 : i32
    %scan3A_37 = arith.constant 1 : i32
    scf.for %scan3A_46 = %scan3A_34 to %scan3A_36 step %scan3A_37  : i32 {
      %rem3A = arith.constant 2 : i32
      %rem3A_47 = arith.remsi %scan3A_46, %rem3A : i32
      %add3A_48 = arith.addi %mul3A_13, %scan3A_46 : i32
      %dma_wait3A = arith.constant 0 : i32
      %dma_wait3A_49 = arith.constant 0 : i32
      %dma_wait3A_50 = tpu.memref_slice %arg6[%rem3A_47, %dma_wait3A, %dma_wait3A_49] : memref<2x128x128xf32, #tpu.memory_space<vmem>> -> memref<1x128x128xf32, #tpu.memory_space<vmem>>
      %dma_wait3A_51 = tpu.memref_squeeze %dma_wait3A_50 : memref<1x128x128xf32, #tpu.memory_space<vmem>> -> memref<128x128xf32, #tpu.memory_space<vmem>>
      %dma_wait3A_52 = arith.constant 0 : i32
      %dma_wait3A_53 = arith.constant 0 : i32
      %dma_wait3A_54 = tpu.memref_slice %arg2[%add3A_48, %dma_wait3A_52, %dma_wait3A_53] : memref<1280x128x128xf32, #tpu.memory_space<hbm>> -> memref<1x128x128xf32, #tpu.memory_space<hbm>>
      %dma_wait3A_55 = tpu.memref_squeeze %dma_wait3A_54 : memref<1x128x128xf32, #tpu.memory_space<hbm>> -> memref<128x128xf32, #tpu.memory_space<hbm>>
      %dma_wait3A_56 = tpu.memref_slice %arg9[%rem3A_47] : memref<2x!tpu.dma_semaphore, #tpu.memory_space<semaphore_mem>> -> memref<1x!tpu.dma_semaphore, #tpu.memory_space<semaphore_mem>>
      %dma_wait3A_57 = tpu.memref_squeeze %dma_wait3A_56 : memref<1x!tpu.dma_semaphore, #tpu.memory_space<semaphore_mem>> -> memref<!tpu.dma_semaphore, #tpu.memory_space<semaphore_mem>>
      %dma_wait3A_58 = arith.constant 0 : i32
      %dma_wait3A_59 = arith.constant 0 : i32
      %dma_wait3A_60 = tpu.memref_slice %arg6[%rem3A_47, %dma_wait3A_58, %dma_wait3A_59] : memref<2x128x128xf32, #tpu.memory_space<vmem>> -> memref<1x128x128xf32, #tpu.memory_space<vmem>>
      %dma_wait3A_61 = tpu.memref_squeeze %dma_wait3A_60 : memref<1x128x128xf32, #tpu.memory_space<vmem>> -> memref<128x128xf32, #tpu.memory_space<vmem>>
      %dma_wait3A_62 = arith.constant 0 : i32
      %dma_wait3A_63 = arith.constant 0 : i32
      %dma_wait3A_64 = tpu.memref_slice %arg2[%add3A_48, %dma_wait3A_62, %dma_wait3A_63] : memref<1280x128x128xf32, #tpu.memory_space<hbm>> -> memref<1x128x128xf32, #tpu.memory_space<hbm>>
      %dma_wait3A_65 = tpu.memref_squeeze %dma_wait3A_64 : memref<1x128x128xf32, #tpu.memory_space<hbm>> -> memref<128x128xf32, #tpu.memory_space<hbm>>
      tpu.wait_dma2 semaphore(%dma_wait3A_57 : memref<!tpu.dma_semaphore, #tpu.memory_space<semaphore_mem>>) src(%dma_wait3A_65 : memref<128x128xf32, #tpu.memory_space<hbm>>) dst(%dma_wait3A_61 : memref<128x128xf32, #tpu.memory_space<vmem>>)
      %add3A_66 = arith.constant 1 : i32
      %add3A_67 = arith.addi %scan3A_46, %add3A_66 : i32
      %lt3A = arith.constant 40 : i32
      %lt3A_68 = arith.cmpi slt, %add3A_67, %lt3A : i32
      %convert_element_type3A = arith.extui %lt3A_68 : i1 to i32
      %cond3A = arith.constant 0 : i32
      %cond3A_69 = arith.cmpi ne, %convert_element_type3A, %cond3A : i32
      scf.if %cond3A_69 {
        %add3A_70 = arith.constant 1 : i32
        %add3A_71 = arith.addi %scan3A_46, %add3A_70 : i32
        %rem3A_72 = arith.constant 2 : i32
        %rem3A_73 = arith.remsi %add3A_71, %rem3A_72 : i32
        %add3A_74 = arith.addi %mul3A_13, %scan3A_46 : i32
        %add3A_75 = arith.constant 1 : i32
        %add3A_76 = arith.addi %add3A_74, %add3A_75 : i32
        %dma_start3A_77 = arith.constant 0 : i32
        %dma_start3A_78 = arith.constant 0 : i32
        %dma_start3A_79 = tpu.memref_slice %arg6[%rem3A_73, %dma_start3A_77, %dma_start3A_78] : memref<2x128x128xf32, #tpu.memory_space<vmem>> -> memref<1x128x128xf32, #tpu.memory_space<vmem>>
        %dma_start3A_80 = tpu.memref_squeeze %dma_start3A_79 : memref<1x128x128xf32, #tpu.memory_space<vmem>> -> memref<128x128xf32, #tpu.memory_space<vmem>>
        %dma_start3A_81 = arith.constant 0 : i32
        %dma_start3A_82 = arith.constant 0 : i32
        %dma_start3A_83 = tpu.memref_slice %arg2[%add3A_76, %dma_start3A_81, %dma_start3A_82] : memref<1280x128x128xf32, #tpu.memory_space<hbm>> -> memref<1x128x128xf32, #tpu.memory_space<hbm>>
        %dma_start3A_84 = tpu.memref_squeeze %dma_start3A_83 : memref<1x128x128xf32, #tpu.memory_space<hbm>> -> memref<128x128xf32, #tpu.memory_space<hbm>>
        %dma_start3A_85 = tpu.memref_slice %arg9[%rem3A_73] : memref<2x!tpu.dma_semaphore, #tpu.memory_space<semaphore_mem>> -> memref<1x!tpu.dma_semaphore, #tpu.memory_space<semaphore_mem>>
        %dma_start3A_86 = tpu.memref_squeeze %dma_start3A_85 : memref<1x!tpu.dma_semaphore, #tpu.memory_space<semaphore_mem>> -> memref<!tpu.dma_semaphore, #tpu.memory_space<semaphore_mem>>
        %dma_start3A_87 = arith.constant 0 : i32
        %dma_start3A_88 = arith.constant 0 : i32
        %dma_start3A_89 = tpu.memref_slice %arg6[%rem3A_73, %dma_start3A_87, %dma_start3A_88] : memref<2x128x128xf32, #tpu.memory_space<vmem>> -> memref<1x128x128xf32, #tpu.memory_space<vmem>>
        %dma_start3A_90 = tpu.memref_squeeze %dma_start3A_89 : memref<1x128x128xf32, #tpu.memory_space<vmem>> -> memref<128x128xf32, #tpu.memory_space<vmem>>
        %dma_start3A_91 = arith.constant 0 : i32
        %dma_start3A_92 = arith.constant 0 : i32
        %dma_start3A_93 = tpu.memref_slice %arg2[%add3A_76, %dma_start3A_91, %dma_start3A_92] : memref<1280x128x128xf32, #tpu.memory_space<hbm>> -> memref<1x128x128xf32, #tpu.memory_space<hbm>>
        %dma_start3A_94 = tpu.memref_squeeze %dma_start3A_93 : memref<1x128x128xf32, #tpu.memory_space<hbm>> -> memref<128x128xf32, #tpu.memory_space<hbm>>
        tpu.enqueue_dma source(%dma_start3A_94 : memref<128x128xf32, #tpu.memory_space<hbm>>) target(%dma_start3A_90 : memref<128x128xf32, #tpu.memory_space<vmem>>) target_semaphore(%dma_start3A_86 : memref<!tpu.dma_semaphore, #tpu.memory_space<semaphore_mem>>)
      } else {
      }
      "tpu.region"() ({
        %run_scoped3A = tpu.sem_alloc : memref<!tpu.dma_semaphore, #tpu.memory_space<semaphore_mem>>
        %dma_start3A_70 = arith.constant 0 : i32
        %dma_start3A_71 = arith.constant 0 : i32
        %dma_start3A_72 = tpu.memref_slice %arg6[%rem3A_47, %dma_start3A_70, %dma_start3A_71] : memref<2x128x128xf32, #tpu.memory_space<vmem>> -> memref<1x128x128xf32, #tpu.memory_space<vmem>>
        %dma_start3A_73 = tpu.memref_squeeze %dma_start3A_72 : memref<1x128x128xf32, #tpu.memory_space<vmem>> -> memref<128x128xf32, #tpu.memory_space<vmem>>
        %dma_start3A_74 = arith.constant 0 : i32
        %dma_start3A_75 = tpu.memref_slice %arg5[%scan3A_46, %dma_start3A_74] : memref<40x128xi32, #tpu.memory_space<vmem>> -> memref<1x128xi32, #tpu.memory_space<vmem>>
        %dma_start3A_76 = tpu.memref_squeeze %dma_start3A_75 : memref<1x128xi32, #tpu.memory_space<vmem>> -> memref<128xi32, #tpu.memory_space<vmem>>
        %dma_start3A_77 = arith.constant 0 : i32
        %dma_start3A_78 = arith.constant 0 : i32
        %dma_start3A_79 = tpu.memref_slice %arg8[%dma_start3A_77, %dma_start3A_78] : memref<10240x128xf32, #tpu.memory_space<vmem_shared>> -> memref<10240x128xf32, #tpu.memory_space<vmem_shared>>
        tpu.enqueue_indirect_dma source(%dma_start3A_73 : memref<128x128xf32, #tpu.memory_space<vmem>>) target(%dma_start3A_79 : memref<10240x128xf32, #tpu.memory_space<vmem_shared>>) offsets(%dma_start3A_76 : memref<128xi32, #tpu.memory_space<vmem>>) semaphore(%run_scoped3A : memref<!tpu.dma_semaphore, #tpu.memory_space<semaphore_mem>>) {add = true}
        %dma_wait3A_80 = arith.constant 0 : i32
        %dma_wait3A_81 = arith.constant 0 : i32
        %dma_wait3A_82 = tpu.memref_slice %arg6[%rem3A_47, %dma_wait3A_80, %dma_wait3A_81] : memref<2x128x128xf32, #tpu.memory_space<vmem>> -> memref<1x128x128xf32, #tpu.memory_space<vmem>>
        %dma_wait3A_83 = tpu.memref_squeeze %dma_wait3A_82 : memref<1x128x128xf32, #tpu.memory_space<vmem>> -> memref<128x128xf32, #tpu.memory_space<vmem>>
        %dma_wait3A_84 = arith.constant 0 : i32
        %dma_wait3A_85 = tpu.memref_slice %arg5[%scan3A_46, %dma_wait3A_84] : memref<40x128xi32, #tpu.memory_space<vmem>> -> memref<1x128xi32, #tpu.memory_space<vmem>>
        %dma_wait3A_86 = tpu.memref_squeeze %dma_wait3A_85 : memref<1x128xi32, #tpu.memory_space<vmem>> -> memref<128xi32, #tpu.memory_space<vmem>>
        %dma_wait3A_87 = arith.constant 0 : i32
        %dma_wait3A_88 = arith.constant 0 : i32
        %dma_wait3A_89 = tpu.memref_slice %arg8[%dma_wait3A_87, %dma_wait3A_88] : memref<10240x128xf32, #tpu.memory_space<vmem_shared>> -> memref<10240x128xf32, #tpu.memory_space<vmem_shared>>
        tpu.wait_indirect_dma semaphore(%run_scoped3A : memref<!tpu.dma_semaphore, #tpu.memory_space<semaphore_mem>>) src(%dma_wait3A_83 : memref<128x128xf32, #tpu.memory_space<vmem>>) dst(%dma_wait3A_89 : memref<10240x128xf32, #tpu.memory_space<vmem_shared>>)
        tpu.yield
      }) : () -> ()
    }
    %scan3A_38 = arith.constant 40 : i32
    %barrier3A_39 = arith.constant 0 : index
    tpu.barrier barrier_id(%barrier3A_39)
    %scan3A_40 = arith.constant 0 : i32
    %scan3A_41 = arith.constant 0 : i32
    %scan3A_42 = arith.constant 10 : i32
    %scan3A_43 = arith.addi %scan3A_41, %scan3A_42 : i32
    %scan3A_44 = arith.constant 1 : i32
    scf.for %scan3A_46 = %scan3A_41 to %scan3A_43 step %scan3A_44  : i32 {
      %mul3A_47 = arith.constant 640 : i32
      %mul3A_48 = arith.muli %arg1, %mul3A_47 : i32
      %mul3A_49 = arith.constant 64 : i32
      %mul3A_50 = arith.muli %scan3A_46, %mul3A_49 : i32
      %add3A_51 = arith.addi %mul3A_48, %mul3A_50 : i32
      "tpu.region"() ({
        %run_scoped3A = tpu.sem_alloc : memref<!tpu.dma_semaphore, #tpu.memory_space<semaphore_mem>>
        %dma_start3A_57 = arith.constant 0 : i32
        %dma_start3A_58 = tpu.memref_slice %arg8[%add3A_51, %dma_start3A_57] : memref<10240x128xf32, #tpu.memory_space<vmem_shared>> -> memref<64x128xf32, #tpu.memory_space<vmem_shared>>
        %dma_start3A_59 = arith.constant 0 : i32
        %dma_start3A_60 = tpu.memref_slice %arg8[%add3A_51, %dma_start3A_59] : memref<10240x128xf32, #tpu.memory_space<vmem_shared>> -> memref<64x128xf32, #tpu.memory_space<vmem_shared>>
        tpu.enqueue_dma source(%dma_start3A_60 : memref<64x128xf32, #tpu.memory_space<vmem_shared>>) target(%arg7 : memref<64x128xf32, #tpu.memory_space<vmem>>) target_semaphore(%run_scoped3A : memref<!tpu.dma_semaphore, #tpu.memory_space<semaphore_mem>>)
        %dma_wait3A = arith.constant 0 : i32
        %dma_wait3A_61 = tpu.memref_slice %arg8[%add3A_51, %dma_wait3A] : memref<10240x128xf32, #tpu.memory_space<vmem_shared>> -> memref<64x128xf32, #tpu.memory_space<vmem_shared>>
        %dma_wait3A_62 = arith.constant 0 : i32
        %dma_wait3A_63 = tpu.memref_slice %arg8[%add3A_51, %dma_wait3A_62] : memref<10240x128xf32, #tpu.memory_space<vmem_shared>> -> memref<64x128xf32, #tpu.memory_space<vmem_shared>>
        tpu.wait_dma2 semaphore(%run_scoped3A : memref<!tpu.dma_semaphore, #tpu.memory_space<semaphore_mem>>) src(%dma_wait3A_63 : memref<64x128xf32, #tpu.memory_space<vmem_shared>>) dst(%arg7 : memref<64x128xf32, #tpu.memory_space<vmem>>)
        tpu.yield
      }) : () -> ()
      %mul3A_52 = arith.constant 640 : i32
      %mul3A_53 = arith.muli %arg1, %mul3A_52 : i32
      %mul3A_54 = arith.constant 64 : i32
      %mul3A_55 = arith.muli %scan3A_46, %mul3A_54 : i32
      %add3A_56 = arith.addi %mul3A_53, %mul3A_55 : i32
      "tpu.region"() ({
        %run_scoped3A = tpu.sem_alloc : memref<!tpu.dma_semaphore, #tpu.memory_space<semaphore_mem>>
        %dma_start3A_57 = arith.constant 0 : i32
        %dma_start3A_58 = arith.constant 0 : i32
        %dma_start3A_59 = tpu.memref_slice %arg4[%arg0, %dma_start3A_57, %dma_start3A_58] : memref<2x10240x128xf32, #tpu.memory_space<hbm>> -> memref<1x10240x128xf32, #tpu.memory_space<hbm>>
        %dma_start3A_60 = tpu.memref_squeeze %dma_start3A_59 : memref<1x10240x128xf32, #tpu.memory_space<hbm>> -> memref<10240x128xf32, #tpu.memory_space<hbm>>
        %dma_start3A_61 = arith.constant 0 : i32
        %dma_start3A_62 = tpu.memref_slice %dma_start3A_60[%add3A_56, %dma_start3A_61] : memref<10240x128xf32, #tpu.memory_space<hbm>> -> memref<64x128xf32, #tpu.memory_space<hbm>>
        %dma_start3A_63 = arith.constant 0 : i32
        %dma_start3A_64 = arith.constant 0 : i32
        %dma_start3A_65 = tpu.memref_slice %arg4[%arg0, %dma_start3A_63, %dma_start3A_64] : memref<2x10240x128xf32, #tpu.memory_space<hbm>> -> memref<1x10240x128xf32, #tpu.memory_space<hbm>>
        %dma_start3A_66 = tpu.memref_squeeze %dma_start3A_65 : memref<1x10240x128xf32, #tpu.memory_space<hbm>> -> memref<10240x128xf32, #tpu.memory_space<hbm>>
        %dma_start3A_67 = arith.constant 0 : i32
        %dma_start3A_68 = tpu.memref_slice %dma_start3A_66[%add3A_56, %dma_start3A_67] : memref<10240x128xf32, #tpu.memory_space<hbm>> -> memref<64x128xf32, #tpu.memory_space<hbm>>
        tpu.enqueue_dma source(%arg7 : memref<64x128xf32, #tpu.memory_space<vmem>>) target(%dma_start3A_68 : memref<64x128xf32, #tpu.memory_space<hbm>>) target_semaphore(%run_scoped3A : memref<!tpu.dma_semaphore, #tpu.memory_space<semaphore_mem>>)
        %dma_wait3A = arith.constant 0 : i32
        %dma_wait3A_69 = arith.constant 0 : i32
        %dma_wait3A_70 = tpu.memref_slice %arg4[%arg0, %dma_wait3A, %dma_wait3A_69] : memref<2x10240x128xf32, #tpu.memory_space<hbm>> -> memref<1x10240x128xf32, #tpu.memory_space<hbm>>
        %dma_wait3A_71 = tpu.memref_squeeze %dma_wait3A_70 : memref<1x10240x128xf32, #tpu.memory_space<hbm>> -> memref<10240x128xf32, #tpu.memory_space<hbm>>
        %dma_wait3A_72 = arith.constant 0 : i32
        %dma_wait3A_73 = tpu.memref_slice %dma_wait3A_71[%add3A_56, %dma_wait3A_72] : memref<10240x128xf32, #tpu.memory_space<hbm>> -> memref<64x128xf32, #tpu.memory_space<hbm>>
        %dma_wait3A_74 = arith.constant 0 : i32
        %dma_wait3A_75 = arith.constant 0 : i32
        %dma_wait3A_76 = tpu.memref_slice %arg4[%arg0, %dma_wait3A_74, %dma_wait3A_75] : memref<2x10240x128xf32, #tpu.memory_space<hbm>> -> memref<1x10240x128xf32, #tpu.memory_space<hbm>>
        %dma_wait3A_77 = tpu.memref_squeeze %dma_wait3A_76 : memref<1x10240x128xf32, #tpu.memory_space<hbm>> -> memref<10240x128xf32, #tpu.memory_space<hbm>>
        %dma_wait3A_78 = arith.constant 0 : i32
        %dma_wait3A_79 = tpu.memref_slice %dma_wait3A_77[%add3A_56, %dma_wait3A_78] : memref<10240x128xf32, #tpu.memory_space<hbm>> -> memref<64x128xf32, #tpu.memory_space<hbm>>
        tpu.wait_dma2 semaphore(%run_scoped3A : memref<!tpu.dma_semaphore, #tpu.memory_space<semaphore_mem>>) src(%arg7 : memref<64x128xf32, #tpu.memory_space<vmem>>) dst(%dma_wait3A_79 : memref<64x128xf32, #tpu.memory_space<hbm>>)
        tpu.yield
      }) : () -> ()
    }
    %scan3A_45 = arith.constant 10 : i32
    return
  }
}

module attributes {stable_mosaic.version = 14 : i64} {
  func.func @_embed_body(%arg0: memref<10000x8xf32, #tpu.memory_space<vmem>>, %arg1: memref<8x128xf32, #tpu.memory_space<vmem>>, %arg2: memref<1x128xf32, #tpu.memory_space<vmem>>, %arg3: memref<10000x128xf32, #tpu.memory_space<vmem>>) attributes {dimension_semantics = [], scalar_prefetch = 0 : i64, scratch_operands = 0 : i64, tpu.core_type = #tpu.core_type<tc>} {
    %get3A = arith.constant 0 : index
    %get3A_0 = arith.constant 0 : index
    %get3A_1 = vector.load %arg0[%get3A, %get3A_0] : memref<10000x8xf32, #tpu.memory_space<vmem>>, vector<10000x8xf32>
    %get3A_2 = arith.constant 0 : index
    %get3A_3 = arith.constant 0 : index
    %get3A_4 = vector.load %arg1[%get3A_2, %get3A_3] : memref<8x128xf32, #tpu.memory_space<vmem>>, vector<8x128xf32>
    %dot_general3A = arith.constant dense<0.000000e+00> : vector<10000x128xf32>
    %dot_general3A_5 = tpu.matmul %get3A_1, %get3A_4, %dot_general3A {dimension_numbers = #tpu.dot_dimension_numbers<[1], [0], [0], [1], [0, 0, 1, 1], [], []>, transpose_lhs_hint = false} : vector<10000x8xf32>, vector<8x128xf32>, vector<10000x128xf32> -> vector<10000x128xf32>
    %get3A_6 = arith.constant 0 : index
    %get3A_7 = arith.constant 0 : index
    %get3A_8 = vector.load %arg2[%get3A_6, %get3A_7] : memref<1x128xf32, #tpu.memory_space<vmem>>, vector<1x128xf32>
    %add3A = vector.broadcast %get3A_8 : vector<1x128xf32> to vector<10000x128xf32>
    %add3A_9 = arith.addf %dot_general3A_5, %add3A : vector<10000x128xf32>
    %swap3A = arith.constant 0 : index
    %swap3A_10 = arith.constant 0 : index
    %swap3A_11 = vector.load %arg3[%swap3A, %swap3A_10] : memref<10000x128xf32, #tpu.memory_space<vmem>>, vector<10000x128xf32>
    tpu.vector_store %arg3[%swap3A, %swap3A_10], %add3A_9 {strides = array<i32>} : memref<10000x128xf32, #tpu.memory_space<vmem>>, vector<10000x128xf32>,
    return
  }
}

module attributes {stable_mosaic.version = 14 : i64} {
  func.func @_msg_body(%arg0: i32, %arg1: memref<2048x1xf32, #tpu.memory_space<vmem>>, %arg2: memref<2048x128xf32, #tpu.memory_space<vmem>>, %arg3: memref<1x16xf32, #tpu.memory_space<vmem>>, %arg4: memref<1x16xf32, #tpu.memory_space<vmem>>, %arg5: memref<128x256xf32, #tpu.memory_space<vmem>>, %arg6: memref<128x128xf32, #tpu.memory_space<vmem>>, %arg7: memref<16x256xf32, #tpu.memory_space<vmem>>, %arg8: memref<256x128xf32, #tpu.memory_space<vmem>>, %arg9: memref<1x128xf32, #tpu.memory_space<vmem>>, %arg10: memref<2048x128xf32, #tpu.memory_space<vmem>>) attributes {dimension_semantics = [#tpu.dimension_semantics<arbitrary>], iteration_bounds = array<i64: 80>, scalar_prefetch = 0 : i64, scratch_operands = 0 : i64, tpu.core_type = #tpu.core_type<tc>, window_params = [{transform_indices = @transform_0, window_bounds = array<i64: 2048, 1>}, {transform_indices = @transform_1, window_bounds = array<i64: 2048, 128>}, {pipeline_mode = #tpu.pipeline_mode<synchronous>, transform_indices = @transform_2, window_bounds = array<i64: 1, 16>}, {pipeline_mode = #tpu.pipeline_mode<synchronous>, transform_indices = @transform_3, window_bounds = array<i64: 1, 16>}, {pipeline_mode = #tpu.pipeline_mode<synchronous>, transform_indices = @transform_4, window_bounds = array<i64: 128, 256>}, {pipeline_mode = #tpu.pipeline_mode<synchronous>, transform_indices = @transform_5, window_bounds = array<i64: 128, 128>}, {pipeline_mode = #tpu.pipeline_mode<synchronous>, transform_indices = @transform_6, window_bounds = array<i64: 16, 256>}, {pipeline_mode = #tpu.pipeline_mode<synchronous>, transform_indices = @transform_7, window_bounds = array<i64: 256, 128>}, {pipeline_mode = #tpu.pipeline_mode<synchronous>, transform_indices = @transform_8, window_bounds = array<i64: 1, 128>}, {transform_indices = @transform_9, window_bounds = array<i64: 2048, 128>}]} {
    %get3A = arith.constant 0 : index
    %get3A_0 = arith.constant 0 : index
    %get3A_1 = vector.load %arg1[%get3A, %get3A_0] : memref<2048x1xf32, #tpu.memory_space<vmem>>, vector<2048x1xf32>
    %get3A_2 = arith.constant 0 : index
    %get3A_3 = arith.constant 0 : index
    %get3A_4 = vector.load %arg2[%get3A_2, %get3A_3] : memref<2048x128xf32, #tpu.memory_space<vmem>>, vector<2048x128xf32>
    %get3A_5 = arith.constant 0 : index
    %get3A_6 = arith.constant 0 : index
    %get3A_7 = vector.load %arg3[%get3A_5, %get3A_6] : memref<1x16xf32, #tpu.memory_space<vmem>>, vector<1x16xf32>
    %mul3A = vector.broadcast %get3A_1 : vector<2048x1xf32> to vector<2048x16xf32>
    %mul3A_8 = vector.broadcast %get3A_7 : vector<1x16xf32> to vector<2048x16xf32>
    %mul3A_9 = arith.mulf %mul3A, %mul3A_8 : vector<2048x16xf32>
    %get3A_10 = arith.constant 0 : index
    %get3A_11 = arith.constant 0 : index
    %get3A_12 = vector.load %arg4[%get3A_10, %get3A_11] : memref<1x16xf32, #tpu.memory_space<vmem>>, vector<1x16xf32>
    %add3A = vector.broadcast %get3A_12 : vector<1x16xf32> to vector<2048x16xf32>
    %add3A_13 = arith.addf %mul3A_9, %add3A : vector<2048x16xf32>
    %max3A = arith.constant 0.000000e+00 : f32
    %max3A_14 = vector.broadcast %max3A : f32 to vector<2048x16xf32>
    %max3A_15 = arith.maximumf %add3A_13, %max3A_14 : vector<2048x16xf32>
    %get3A_16 = arith.constant 0 : index
    %get3A_17 = arith.constant 0 : index
    %get3A_18 = vector.load %arg5[%get3A_16, %get3A_17] : memref<128x256xf32, #tpu.memory_space<vmem>>, vector<128x256xf32>
    %dot_general3A = arith.constant dense<0.000000e+00> : vector<2048x256xf32>
    %dot_general3A_19 = tpu.matmul %get3A_4, %get3A_18, %dot_general3A {dimension_numbers = #tpu.dot_dimension_numbers<[1], [0], [0], [1], [0, 0, 1, 1], [], []>, transpose_lhs_hint = false} : vector<2048x128xf32>, vector<128x256xf32>, vector<2048x256xf32> -> vector<2048x256xf32>
    %get3A_20 = arith.constant 0 : index
    %get3A_21 = arith.constant 0 : index
    %get3A_22 = vector.load %arg7[%get3A_20, %get3A_21] : memref<16x256xf32, #tpu.memory_space<vmem>>, vector<16x256xf32>
    %dot_general3A_23 = arith.constant dense<0.000000e+00> : vector<2048x256xf32>
    %dot_general3A_24 = tpu.matmul %max3A_15, %get3A_22, %dot_general3A_23 {dimension_numbers = #tpu.dot_dimension_numbers<[1], [0], [0], [1], [0, 0, 1, 1], [], []>, transpose_lhs_hint = false} : vector<2048x16xf32>, vector<16x256xf32>, vector<2048x256xf32> -> vector<2048x256xf32>
    %mul3A_25 = arith.mulf %dot_general3A_19, %dot_general3A_24 : vector<2048x256xf32>
    %get3A_26 = arith.constant 0 : index
    %get3A_27 = arith.constant 0 : index
    %get3A_28 = vector.load %arg8[%get3A_26, %get3A_27] : memref<256x128xf32, #tpu.memory_space<vmem>>, vector<256x128xf32>
    %dot_general3A_29 = arith.constant dense<0.000000e+00> : vector<2048x128xf32>
    %dot_general3A_30 = tpu.matmul %mul3A_25, %get3A_28, %dot_general3A_29 {dimension_numbers = #tpu.dot_dimension_numbers<[1], [0], [0], [1], [0, 0, 1, 1], [], []>, transpose_lhs_hint = false} : vector<2048x256xf32>, vector<256x128xf32>, vector<2048x128xf32> -> vector<2048x128xf32>
    %get3A_31 = arith.constant 0 : index
    %get3A_32 = arith.constant 0 : index
    %get3A_33 = vector.load %arg6[%get3A_31, %get3A_32] : memref<128x128xf32, #tpu.memory_space<vmem>>, vector<128x128xf32>
    %dot_general3A_34 = arith.constant dense<0.000000e+00> : vector<2048x128xf32>
    %dot_general3A_35 = tpu.matmul %get3A_4, %get3A_33, %dot_general3A_34 {dimension_numbers = #tpu.dot_dimension_numbers<[1], [0], [0], [1], [0, 0, 1, 1], [], []>, transpose_lhs_hint = false} : vector<2048x128xf32>, vector<128x128xf32>, vector<2048x128xf32> -> vector<2048x128xf32>
    %add3A_36 = arith.addf %dot_general3A_30, %dot_general3A_35 : vector<2048x128xf32>
    %get3A_37 = arith.constant 0 : index
    %get3A_38 = arith.constant 0 : index
    %get3A_39 = vector.load %arg9[%get3A_37, %get3A_38] : memref<1x128xf32, #tpu.memory_space<vmem>>, vector<1x128xf32>
    %add3A_40 = vector.broadcast %get3A_39 : vector<1x128xf32> to vector<2048x128xf32>
    %add3A_41 = arith.addf %add3A_36, %add3A_40 : vector<2048x128xf32>
    %swap3A = arith.constant 0 : index
    %swap3A_42 = arith.constant 0 : index
    %swap3A_43 = vector.load %arg10[%swap3A, %swap3A_42] : memref<2048x128xf32, #tpu.memory_space<vmem>>, vector<2048x128xf32>
    tpu.vector_store %arg10[%swap3A, %swap3A_42], %add3A_41 {strides = array<i32>} : memref<2048x128xf32, #tpu.memory_space<vmem>>, vector<2048x128xf32>,
    return
  }
  func.func @transform_0(%arg0: i32) -> (i32, i32) {
    %c0_i32 = arith.constant 0 : i32
    %c0_i32_0 = arith.constant 0 : i32
    return %arg0, %c0_i32 : i32, i32
  }
  func.func @transform_1(%arg0: i32) -> (i32, i32) {
    %c0_i32 = arith.constant 0 : i32
    %c0_i32_0 = arith.constant 0 : i32
    return %arg0, %c0_i32 : i32, i32
  }
  func.func @transform_2(%arg0: i32) -> (i32, i32) {
    %c0_i32 = arith.constant 0 : i32
    %c0_i32_0 = arith.constant 0 : i32
    %c0_i32_1 = arith.constant 0 : i32
    return %c0_i32, %c0_i32_0 : i32, i32
  }
  func.func @transform_3(%arg0: i32) -> (i32, i32) {
    %c0_i32 = arith.constant 0 : i32
    %c0_i32_0 = arith.constant 0 : i32
    %c0_i32_1 = arith.constant 0 : i32
    return %c0_i32, %c0_i32_0 : i32, i32
  }
  func.func @transform_4(%arg0: i32) -> (i32, i32) {
    %c0_i32 = arith.constant 0 : i32
    %c0_i32_0 = arith.constant 0 : i32
    %c0_i32_1 = arith.constant 0 : i32
    return %c0_i32, %c0_i32_0 : i32, i32
  }
  func.func @transform_5(%arg0: i32) -> (i32, i32) {
    %c0_i32 = arith.constant 0 : i32
    %c0_i32_0 = arith.constant 0 : i32
    %c0_i32_1 = arith.constant 0 : i32
    return %c0_i32, %c0_i32_0 : i32, i32
  }
  func.func @transform_6(%arg0: i32) -> (i32, i32) {
    %c0_i32 = arith.constant 0 : i32
    %c0_i32_0 = arith.constant 0 : i32
    %c0_i32_1 = arith.constant 0 : i32
    return %c0_i32, %c0_i32_0 : i32, i32
  }
  func.func @transform_7(%arg0: i32) -> (i32, i32) {
    %c0_i32 = arith.constant 0 : i32
    %c0_i32_0 = arith.constant 0 : i32
    %c0_i32_1 = arith.constant 0 : i32
    return %c0_i32, %c0_i32_0 : i32, i32
  }
  func.func @transform_8(%arg0: i32) -> (i32, i32) {
    %c0_i32 = arith.constant 0 : i32
    %c0_i32_0 = arith.constant 0 : i32
    %c0_i32_1 = arith.constant 0 : i32
    return %c0_i32, %c0_i32_0 : i32, i32
  }
  func.func @transform_9(%arg0: i32) -> (i32, i32) {
    %c0_i32 = arith.constant 0 : i32
    %c0_i32_0 = arith.constant 0 : i32
    return %arg0, %c0_i32 : i32, i32
  }
}

module attributes {stable_mosaic.version = 14 : i64} {
  func.func @_bn_body(%arg0: memref<2x10240x128xf32, #tpu.memory_space<vmem>>, %arg1: memref<10000x128xf32, #tpu.memory_space<vmem>>, %arg2: memref<1x16xf32, #tpu.memory_space<vmem>>, %arg3: memref<1x16xf32, #tpu.memory_space<vmem>>, %arg4: memref<1x16xf32, #tpu.memory_space<vmem>>, %arg5: memref<16x128xf32, #tpu.memory_space<vmem>>, %arg6: memref<10000x128xf32, #tpu.memory_space<vmem>>) attributes {dimension_semantics = [], scalar_prefetch = 0 : i64, scratch_operands = 0 : i64, tpu.core_type = #tpu.core_type<tc>} {
    %get3A = arith.constant 0 : index
    %get3A_0 = arith.constant 0 : index
    %get3A_1 = arith.constant 0 : index
    %get3A_2 = vector.load %arg0[%get3A, %get3A_0, %get3A_1] : memref<2x10240x128xf32, #tpu.memory_space<vmem>>, vector<1x10000x16xf32>
    %get3A_3 = vector.shape_cast %get3A_2 : vector<1x10000x16xf32> to vector<10000x16xf32>
    %get3A_4 = arith.constant 1 : index
    %get3A_5 = arith.constant 0 : index
    %get3A_6 = arith.constant 0 : index
    %get3A_7 = vector.load %arg0[%get3A_4, %get3A_5, %get3A_6] : memref<2x10240x128xf32, #tpu.memory_space<vmem>>, vector<1x10000x16xf32>
    %get3A_8 = vector.shape_cast %get3A_7 : vector<1x10000x16xf32> to vector<10000x16xf32>
    %add3A = arith.addf %get3A_3, %get3A_8 : vector<10000x16xf32>
    %get3A_9 = arith.constant 0 : index
    %get3A_10 = arith.constant 0 : index
    %get3A_11 = arith.constant 16 : index
    %get3A_12 = vector.load %arg0[%get3A_9, %get3A_10, %get3A_11] : memref<2x10240x128xf32, #tpu.memory_space<vmem>>, vector<1x10000x1xf32>
    %get3A_13 = vector.shape_cast %get3A_12 : vector<1x10000x1xf32> to vector<10000x1xf32>
    %get3A_14 = arith.constant 1 : index
    %get3A_15 = arith.constant 0 : index
    %get3A_16 = arith.constant 16 : index
    %get3A_17 = vector.load %arg0[%get3A_14, %get3A_15, %get3A_16] : memref<2x10240x128xf32, #tpu.memory_space<vmem>>, vector<1x10000x1xf32>
    %get3A_18 = vector.shape_cast %get3A_17 : vector<1x10000x1xf32> to vector<10000x1xf32>
    %add3A_19 = arith.addf %get3A_13, %get3A_18 : vector<10000x1xf32>
    %max3A = arith.constant 1.000000e+00 : f32
    %max3A_20 = vector.broadcast %max3A : f32 to vector<10000x1xf32>
    %max3A_21 = arith.maximumf %add3A_19, %max3A_20 : vector<10000x1xf32>
    %div3A = vector.broadcast %max3A_21 : vector<10000x1xf32> to vector<10000x16xf32>
    %div3A_22 = arith.divf %add3A, %div3A : vector<10000x16xf32>
    %get3A_23 = arith.constant 0 : index
    %get3A_24 = arith.constant 0 : index
    %get3A_25 = vector.load %arg2[%get3A_23, %get3A_24] : memref<1x16xf32, #tpu.memory_space<vmem>>, vector<1x16xf32>
    %add3A_26 = vector.broadcast %get3A_25 : vector<1x16xf32> to vector<10000x16xf32>
    %add3A_27 = arith.addf %div3A_22, %add3A_26 : vector<10000x16xf32>
    %reduce_sum3A = arith.constant dense<0.000000e+00> : vector<16xf32>
    %reduce_sum3A_28 = vector.multi_reduction <add>, %add3A_27, %reduce_sum3A [0] : vector<10000x16xf32> to vector<16xf32>
    %broadcast_in_dim3A = vector.shape_cast %reduce_sum3A_28 : vector<16xf32> to vector<1x16xf32>
    %div3A_29 = arith.constant 1.000000e+04 : f32
    %div3A_30 = vector.broadcast %div3A_29 : f32 to vector<1x16xf32>
    %div3A_31 = arith.divf %broadcast_in_dim3A, %div3A_30 : vector<1x16xf32>
    %sub3A = vector.broadcast %div3A_31 : vector<1x16xf32> to vector<10000x16xf32>
    %sub3A_32 = arith.subf %add3A_27, %sub3A : vector<10000x16xf32>
    %integer_pow3A = arith.mulf %sub3A_32, %sub3A_32 : vector<10000x16xf32>
    %reduce_sum3A_33 = arith.constant dense<0.000000e+00> : vector<16xf32>
    %reduce_sum3A_34 = vector.multi_reduction <add>, %integer_pow3A, %reduce_sum3A_33 [0] : vector<10000x16xf32> to vector<16xf32>
    %broadcast_in_dim3A_35 = vector.shape_cast %reduce_sum3A_34 : vector<16xf32> to vector<1x16xf32>
    %div3A_36 = arith.constant 1.000000e+04 : f32
    %div3A_37 = vector.broadcast %div3A_36 : f32 to vector<1x16xf32>
    %div3A_38 = arith.divf %broadcast_in_dim3A_35, %div3A_37 : vector<1x16xf32>
    %add3A_39 = arith.constant 9.99999974E-6 : f32
    %add3A_40 = vector.broadcast %add3A_39 : f32 to vector<1x16xf32>
    %add3A_41 = arith.addf %div3A_38, %add3A_40 : vector<1x16xf32>
    %rsqrt3A = math.rsqrt %add3A_41 : vector<1x16xf32>
    %sub3A_42 = vector.broadcast %div3A_31 : vector<1x16xf32> to vector<10000x16xf32>
    %sub3A_43 = arith.subf %add3A_27, %sub3A_42 : vector<10000x16xf32>
    %mul3A = vector.broadcast %rsqrt3A : vector<1x16xf32> to vector<10000x16xf32>
    %mul3A_44 = arith.mulf %sub3A_43, %mul3A : vector<10000x16xf32>
    %get3A_45 = arith.constant 0 : index
    %get3A_46 = arith.constant 0 : index
    %get3A_47 = vector.load %arg3[%get3A_45, %get3A_46] : memref<1x16xf32, #tpu.memory_space<vmem>>, vector<1x16xf32>
    %mul3A_48 = vector.broadcast %get3A_47 : vector<1x16xf32> to vector<10000x16xf32>
    %mul3A_49 = arith.mulf %mul3A_44, %mul3A_48 : vector<10000x16xf32>
    %get3A_50 = arith.constant 0 : index
    %get3A_51 = arith.constant 0 : index
    %get3A_52 = vector.load %arg4[%get3A_50, %get3A_51] : memref<1x16xf32, #tpu.memory_space<vmem>>, vector<1x16xf32>
    %add3A_53 = vector.broadcast %get3A_52 : vector<1x16xf32> to vector<10000x16xf32>
    %add3A_54 = arith.addf %mul3A_49, %add3A_53 : vector<10000x16xf32>
    %max3A_55 = arith.constant 0.000000e+00 : f32
    %max3A_56 = vector.broadcast %max3A_55 : f32 to vector<10000x16xf32>
    %max3A_57 = arith.maximumf %add3A_54, %max3A_56 : vector<10000x16xf32>
    %get3A_58 = arith.constant 0 : index
    %get3A_59 = arith.constant 0 : index
    %get3A_60 = vector.load %arg1[%get3A_58, %get3A_59] : memref<10000x128xf32, #tpu.memory_space<vmem>>, vector<10000x128xf32>
    %get3A_61 = arith.constant 0 : index
    %get3A_62 = arith.constant 0 : index
    %get3A_63 = vector.load %arg5[%get3A_61, %get3A_62] : memref<16x128xf32, #tpu.memory_space<vmem>>, vector<16x128xf32>
    %dot_general3A = arith.constant dense<0.000000e+00> : vector<10000x128xf32>
    %dot_general3A_64 = tpu.matmul %max3A_57, %get3A_63, %dot_general3A {dimension_numbers = #tpu.dot_dimension_numbers<[1], [0], [0], [1], [0, 0, 1, 1], [], []>, transpose_lhs_hint = false} : vector<10000x16xf32>, vector<16x128xf32>, vector<10000x128xf32> -> vector<10000x128xf32>
    %add3A_65 = arith.addf %get3A_60, %dot_general3A_64 : vector<10000x128xf32>
    %swap3A = arith.constant 0 : index
    %swap3A_66 = arith.constant 0 : index
    %swap3A_67 = vector.load %arg6[%swap3A, %swap3A_66] : memref<10000x128xf32, #tpu.memory_space<vmem>>, vector<10000x128xf32>
    tpu.vector_store %arg6[%swap3A, %swap3A_66], %add3A_65 {strides = array<i32>} : memref<10000x128xf32, #tpu.memory_space<vmem>>, vector<10000x128xf32>,
    return
  }
}

module attributes {stable_mosaic.version = 14 : i64} {
  func.func @_read_body(%arg0: memref<10000x128xf32, #tpu.memory_space<vmem>>, %arg1: memref<128x128xf32, #tpu.memory_space<vmem>>, %arg2: memref<1x128xf32, #tpu.memory_space<vmem>>, %arg3: memref<128x128xf32, #tpu.memory_space<vmem>>, %arg4: memref<1x128xf32, #tpu.memory_space<vmem>>, %arg5: memref<1x128xf32, #tpu.memory_space<vmem>>, %arg6: memref<1x128xf32, #tpu.memory_space<vmem>>) attributes {dimension_semantics = [], scalar_prefetch = 0 : i64, scratch_operands = 0 : i64, tpu.core_type = #tpu.core_type<tc>} {
    %get3A = arith.constant 0 : index
    %get3A_0 = arith.constant 0 : index
    %get3A_1 = vector.load %arg0[%get3A, %get3A_0] : memref<10000x128xf32, #tpu.memory_space<vmem>>, vector<10000x128xf32>
    %reduce_sum3A = arith.constant dense<0.000000e+00> : vector<128xf32>
    %reduce_sum3A_2 = vector.multi_reduction <add>, %get3A_1, %reduce_sum3A [0] : vector<10000x128xf32> to vector<128xf32>
    %broadcast_in_dim3A = vector.shape_cast %reduce_sum3A_2 : vector<128xf32> to vector<1x128xf32>
    %div3A = arith.constant 1.000000e+04 : f32
    %div3A_3 = vector.broadcast %div3A : f32 to vector<1x128xf32>
    %div3A_4 = arith.divf %broadcast_in_dim3A, %div3A_3 : vector<1x128xf32>
    %get3A_5 = arith.constant 0 : index
    %get3A_6 = arith.constant 0 : index
    %get3A_7 = vector.load %arg1[%get3A_5, %get3A_6] : memref<128x128xf32, #tpu.memory_space<vmem>>, vector<128x128xf32>
    %dot_general3A = arith.constant dense<0.000000e+00> : vector<1x128xf32>
    %dot_general3A_8 = tpu.matmul %div3A_4, %get3A_7, %dot_general3A {dimension_numbers = #tpu.dot_dimension_numbers<[1], [0], [0], [1], [0, 0, 1, 1], [], []>, transpose_lhs_hint = false} : vector<1x128xf32>, vector<128x128xf32>, vector<1x128xf32> -> vector<1x128xf32>
    %get3A_9 = arith.constant 0 : index
    %get3A_10 = arith.constant 0 : index
    %get3A_11 = vector.load %arg2[%get3A_9, %get3A_10] : memref<1x128xf32, #tpu.memory_space<vmem>>, vector<1x128xf32>
    %add3A = arith.addf %dot_general3A_8, %get3A_11 : vector<1x128xf32>
    %swap3A = arith.constant 0 : index
    %swap3A_12 = arith.constant 0 : index
    %swap3A_13 = vector.load %arg5[%swap3A, %swap3A_12] : memref<1x128xf32, #tpu.memory_space<vmem>>, vector<1x128xf32>
    tpu.vector_store %arg5[%swap3A, %swap3A_12], %add3A {strides = array<i32>} : memref<1x128xf32, #tpu.memory_space<vmem>>, vector<1x128xf32>,
    %get3A_14 = arith.constant 0 : index
    %get3A_15 = arith.constant 0 : index
    %get3A_16 = vector.load %arg3[%get3A_14, %get3A_15] : memref<128x128xf32, #tpu.memory_space<vmem>>, vector<128x128xf32>
    %dot_general3A_17 = arith.constant dense<0.000000e+00> : vector<1x128xf32>
    %dot_general3A_18 = tpu.matmul %div3A_4, %get3A_16, %dot_general3A_17 {dimension_numbers = #tpu.dot_dimension_numbers<[1], [0], [0], [1], [0, 0, 1, 1], [], []>, transpose_lhs_hint = false} : vector<1x128xf32>, vector<128x128xf32>, vector<1x128xf32> -> vector<1x128xf32>
    %get3A_19 = arith.constant 0 : index
    %get3A_20 = arith.constant 0 : index
    %get3A_21 = vector.load %arg4[%get3A_19, %get3A_20] : memref<1x128xf32, #tpu.memory_space<vmem>>, vector<1x128xf32>
    %add3A_22 = arith.addf %dot_general3A_18, %get3A_21 : vector<1x128xf32>
    %swap3A_23 = arith.constant 0 : index
    %swap3A_24 = arith.constant 0 : index
    %swap3A_25 = vector.load %arg6[%swap3A_23, %swap3A_24] : memref<1x128xf32, #tpu.memory_space<vmem>>, vector<1x128xf32>
    tpu.vector_store %arg6[%swap3A_23, %swap3A_24], %add3A_22 {strides = array<i32>} : memref<1x128xf32, #tpu.memory_space<vmem>>, vector<1x128xf32>,
    return
  }
}

</mosaic_0001>

<sc_bundles>
// kernel: kernel.16.cloned.1.call-start
scs
__scs_entry_jumppad:
0x0: {  	(pc) =	sbr.rel $0x88, $3  }
0x1: {  	(tag) =	ssettag $0x0;
	lr =	simm.s32 $0x1  }
0x2: {  	[smem:$0x3F91] =	sst lr;
	_ =	strace $0xD0000000  }
0x3: {  	_ = 	snop  }
0x4: {  	_ = 	snop  }
0x5: {  	_ = 	snop  }
0x6: {  	_ = 	snop  }
0x7: {  	_ = 	snop  }
__scs_overlays_trampoline_lowered:
0x8: {  	[smem:$0x3FA0] =	sst s0  }
0x9: {  	[smem:$0x3FA1] =	sst s1  }
0xa: {  	[smem:$0x3FA2] =	sst s2  }
0xb: {  	[smem:$0x3FA3] =	sst s3  }
0xc: {  	[smem:$0x3FA4] =	sst s4  }
0xd: {  	[smem:$0x3FA5] =	sst s5  }
0xe: {  	[smem:$0x3FA6] =	sst s6  }
0xf: {  	[smem:$0x3FA7] =	sst s7  }
0x10: {  	[smem:$0x3FA8] =	sst s8  }
0x11: {  	[smem:$0x3FA9] =	sst s9;
	s0 =	simm.s32 @!p0 $0x0  }
0x12: {  	s1 =	sld [smem:$0x3F8F];
	s0 =	simm.s32 @p0 $0x1  }
0x13: {  	[smem:$0x3FAA] =	sst s0;
	s0 =	simm.s32 @!p1 $0x0  }
0x14: {  	s2 =	sld [smem:$0x3F8E];
	s0 =	simm.s32 @p1 $0x1  }
0x15: {  	[smem:$0x3FAB] =	sst s0;
	s0 =	simm.s32 @!p2 $0x0  }
0x16: {  	s3 =	sld [smem:$0x3FDB];
	s0 =	simm.s32 @p2 $0x1  }
0x17: {  	s4 =	simm.s32 $0x1BF5;
	[smem:$0x3FAD] =	sst s0  }
0x18: {  	s0 =	sld [smem:$0x3F90];
	_ =	swait.ge [sflag:s4], $0x0  }
0x19: {  	s7 =	sld [smem:$0x3F91]  }
0x1a: {  	s8 =	sadd.s32 $0xFFFFE003, lr  }
0x1b: {  	s9 =	sadd.s32 $0xFFFFFEF7, lr;
	s5 =	simm.s32 $0xFFFFFFFF;
	p2 =	slt.u32 s8, $0xFFFFF086  }
0x1c: {  	p1 =	slt.u32 s9, $0xF7A;
	s5 =	simm.s32 @!p2 $0x0  }
0x1d: {  	s5 =	simm.s32 @p1 $0x1;
	p0 =	seq.s32 s7, s2  }
0x1e: {  	s7 =	smul.u32 @!p0 $0xF7A, s2;
	p2 =	seq.s32 @!p0 s5, $0x0  }
0x1f: {  	s9 =	smul.u32 $0xF7A, s1;
	s8 =	simm.s32 @!p0 $0x1BF5;
	p2 =	por !p2, p0  }
0x20: {  	[sflag:s8] =	ssyncset.s32 @!p0 $0xFFFFF086;
	s6 =	sadd.s32 @!p0 s3, s7;
	s7 =	simm.s32 @!p0 $0x108  }
0x21: {  	s3 =	sadd.s32 s3, s9;
	s6 =	sadd.s32 @!p0 $0x88, s6;
	s7 =	simm.s32 @p2 $0x1082  }
0x22: {  	[simem:s7], [sflag:s8] =	dma.local @!p0 [hbm:s6], $0xF7A  }
0x23: {  	s9 =	sor.u32 $0xD0000000, s2;
	s6 =	simm.s32 $0x108;
	_ =	swait.ge @!p0 [sflag:s8], $0x0  }
0x24: {  	s3 =	sadd.s32 $0x88, s3;
	s6 =	simm.s32 @!p1 $0x1082;
	[sflag:s4] =	ssyncset.s32 $0xFFFFF086  }
0x25: {  	[simem:s6], [sflag:s4] =	dma.local [hbm:s3], $0xF7A  }
0x26: {  	[smem:$0x3F91] =	sst s1;
	(tag) =	ssettag s2;
	_ =	strace s9  }
0x27: {  	s1 =	sld [smem:$0x3FA1]  }
0x28: {  	s2 =	sld [smem:$0x3FA2]  }
0x29: {  	s4 =	sld [smem:$0x3FA4]  }
0x2a: {  	p0 =	seq.s32 s5, $0x0;
	s5 =	sld [smem:$0x3FA5]  }
0x2b: {  	s6 =	sld [smem:$0x3FA6]  }
0x2c: {  	s7 =	sld [smem:$0x3FA7]  }
0x2d: {  	s3 =	simm.s32 $0x108;
	s8 =	sld [smem:$0x3FA8]  }
0x2e: {  	s3 =	simm.s32 @!p0 $0x1082;
	s9 =	sld [smem:$0x3FA9]  }
0x2f: {  	lr =	sadd.s32 s0, s3;
	s0 =	sld [smem:$0x3FA0]  }
0x30: {  	s3 =	sld [smem:$0x3FA3]  }
0x31: {  	[smem:$0x3FAC] =	sst s10  }
0x32: {  	s10 =	sld [smem:$0x3FAA];
	_ =	sdelay $0x3  }
0x33: {  	p0 =	seq.s32 s10, $0x1;
	s10 =	sld [smem:$0x3FAC];
	_ =	sdelay $0x3  }
0x34: {  	[smem:$0x3FAC] =	sst s10  }
0x35: {  	s10 =	sld [smem:$0x3FAB];
	_ =	sdelay $0x3  }
0x36: {  	p1 =	seq.s32 s10, $0x1;
	s10 =	sld [smem:$0x3FAC];
	_ =	sdelay $0x3  }
0x37: {  	[smem:$0x3FAC] =	sst s10  }
0x38: {  	s10 =	sld [smem:$0x3FAD]  }
0x39: {  	_ = 	snop;
	(pc) =	sbr.ind lr, $3  }
0x3a: {  	_ = 	snop  }
0x3b: {  	_ = 	snop  }
0x3c: {  	p2 =	seq.s32 s10, $0x1;
	s10 =	sld [smem:$0x3FAC]  }
0x3d: {  	_ =	shalt  }
0x3e: {  	_ =	shalt  }
0x3f: {  	_ =	shalt  }
0x40: {  	_ =	shalt  }
0x41: {  	_ =	shalt  }
0x42: {  	_ =	shalt  }
0x43: {  	_ =	shalt  }
0x44: {  	_ =	shalt  }
0x45: {  	_ =	shalt  }
0x46: {  	_ =	shalt  }
0x47: {  	_ =	shalt  }
0x48: {  	_ =	shalt  }
0x49: {  	_ =	shalt  }
0x4a: {  	_ =	shalt  }
0x4b: {  	_ =	shalt  }
0x4c: {  	_ =	shalt  }
0x4d: {  	_ =	shalt  }
0x4e: {  	_ =	shalt  }
0x4f: {  	_ =	shalt  }
0x50: {  	_ =	shalt  }
0x51: {  	_ =	shalt  }
0x52: {  	_ =	shalt  }
0x53: {  	_ =	shalt  }
0x54: {  	_ =	shalt  }
0x55: {  	_ =	shalt  }
0x56: {  	_ =	shalt  }
0x57: {  	_ =	shalt  }
0x58: {  	_ =	shalt  }
0x59: {  	_ =	shalt  }
0x5a: {  	_ =	shalt  }
0x5b: {  	_ =	shalt  }
0x5c: {  	_ =	shalt  }
0x5d: {  	_ =	shalt  }
0x5e: {  	_ =	shalt  }
0x5f: {  	_ =	shalt  }
0x60: {  	_ =	shalt  }
0x61: {  	_ =	shalt  }
0x62: {  	_ =	shalt  }
0x63: {  	_ =	shalt  }
0x64: {  	_ =	shalt  }
0x65: {  	_ =	shalt  }
0x66: {  	_ =	shalt  }
0x67: {  	_ =	shalt  }
0x68: {  	_ =	shalt  }
0x69: {  	_ =	shalt  }
0x6a: {  	_ =	shalt  }
0x6b: {  	_ =	shalt  }
0x6c: {  	_ =	shalt  }
0x6d: {  	_ =	shalt  }
0x6e: {  	_ =	shalt  }
0x6f: {  	_ =	shalt  }
0x70: {  	_ =	shalt  }
0x71: {  	_ =	shalt  }
0x72: {  	_ =	shalt  }
0x73: {  	_ =	shalt  }
0x74: {  	_ =	shalt  }
0x75: {  	_ =	shalt  }
0x76: {  	_ =	shalt  }
0x77: {  	_ =	shalt  }
0x78: {  	_ =	shalt  }
0x79: {  	_ =	shalt  }
0x7a: {  	_ =	shalt  }
0x7b: {  	_ =	shalt  }
0x7c: {  	_ =	shalt  }
0x7d: {  	_ =	shalt  }
0x7e: {  	_ =	shalt  }
0x7f: {  	_ =	shalt  }
0x80: {  	_ =	shalt  }
0x81: {  	_ =	shalt  }
0x82: {  	_ =	shalt  }
0x83: {  	_ =	shalt  }
0x84: {  	_ =	shalt  }
0x85: {  	_ =	shalt  }
0x86: {  	_ =	shalt  }
0x87: {  	_ =	shalt  }
.Lfunc_end0:
.L_simem_size_0:
called_computation_lowered:
.L_overlay_start_0:
0x88: {  	s2 =	sld [smem:$0x3FD9]  }
0x89: {  	s3 =	sld [smem:$0x3FFE];
	_ =	sdelay $0x1  }
0x8a: {  	s1 =	srdreg.scid  }
0x8b: {  	s0 =	sand.u32 $0x1, s1  }
0x8c: {  	s16 =	sshll.u32 s0, $0xA;
	s2 =	sadd.s32 s3, s2  }
0x8d: {  	s2 =	sadd.s32 s2, s16  }
0x8e: {  	[smem:$0x3FB8] =	sst s2  }
0x8f: {  	_ = 	snop  }
0x90: {  	(tm) =	ssettm $0x1  }
0x91: {  	s17 =	sld [smem:$0x3FFB];
	_ =	sdelay $0x3  }
0x92: {  	_ =	strace s17  }
0x93: {  	s2 =	sld [smem:$0x3FFC];
	_ =	sdelay $0x3  }
0x94: {  	_ =	strace s2  }
0x95: {  	s2 =	sld [smem:$0x3FFD];
	_ =	sdelay $0x3  }
0x96: {  	_ =	strace s2  }
0x97: {  	_ =	strace $0x8FFFFFFF  }
0x98: {  	s18 =	sld [smem:$0x3FDB];
	_ =	sdelay $0x1  }
0x99: {  	s19 =	simm.s32 $_scs_section_size  }
0x9a: {  	s4 =	simm.s32 $_size__tile_overlayer_lowered;
	s5 =	simm.s32 $_tile_overlayer_lowered  }
0x9b: {  	s22 =	simm.s32 $0x1BFF;
	s21 =	sshll.u32 s5, $0x1;
	s2 =	sadd.s32 s19, s18  }
0x9c: {  	s6 =	simm.s32 $0x0;
	s20 =	sshll.u32 s4, $0x1;
	s4 =	sadd.s32 s21, s2  }
0x9d: {  	[timem:s6], [sflag:s22] =	dma.local [hbm:s4], s20  }
0x9e: {  	_ =	swait.ge [sflag:s22], s20  }
0x9f: {  	s3 =	ssub.s32 $0x0, s20;
	[sflag:s22] =	ssyncset.done $0x0  }
0xa0: {  	[sflag:s22] =	ssyncadd.s32 s3;
	_ =	sdelay $0x1  }
0xa1: {  	s23 =	simm.s32 $0x1B8B  }
0xa2: {  	_ =	swait.ge [sflag:s23], $0x1  }
0xa3: {  	[sflag:s23] =	ssyncset.done $0x0  }
0xa4: {  	s25 =	simm.s32 $0x1B8E;
	s24 =	sld [smem:$0x3FFE];
	[sflag:s23] =	ssyncadd.s32 $0xFFFFFFFF  }
0xa5: {  	s26 =	simm.s32 $execute0_lowered;
	[smem:$0x3FD2] =	sst s25  }
0xa6: {  	s4 =	sshll.u32 s26, $0x1;
	_ =	strace $0x80000046;
	[dreg:$0x1] =	wrdreg $0xFFFFFFFF  }
0xa7: {  	s28 =	simm.s32 $_size_execute0_lowered;
	s2 =	sadd.s32 s2, s4;
	[dreg:$0x0] =	wrdreg $0x0  }
0xa8: {  	s4 =	sshll.u32 s28, $0x1;
	[dreg:$0x2] =	wrdreg s2  }
0xa9: {  	[dreg:$0x3] =	wrdreg s4  }
0xaa: {  	[dreg:$0x4] =	wrdreg $0xC0  }
0xab: {  	_ =	task [dreg:s6], $0x5FFFF  }
0xac: {  	[dreg:$0x1] =	wrdreg $0xFFFFFFFF  }
0xad: {  	[dreg:$0x0] =	wrdreg $0x60  }
0xae: {  	[dreg:$0x2] =	wrdreg s24  }
0xaf: {  	[dreg:$0x3] =	wrdreg $0x9  }
0xb0: {  	_ =	task.clear_ibuf [dreg:s6], $0x4FFFF;
	_ =	strace $0x90000046  }
0xb1: {  	s29 =	simm.s32 $0x9;
	_ =	strace $0x80000048  }
0xb2: {  	_ =	swait.ge [sflag:s29], $0x1  }
0xb3: {  	[sflag:s29] =	ssyncadd.s32 $0xFFFFFFFF  }
0xb4: {  	_ =	strace $0x90000048  }
0xb5: {  	_ =	sfence  }
0xb6: {  	s30 =	sld [smem:$0x0];
	_ =	sdelay $0x2  }
0xb7: {  	s31 =	sshll.u32 s1, $0xD;
	s1 =	sshrl.u32 s1, $0x2  }
0xb8: {  	s3 =	sand.u32 $0x4000, s31;
	s1 =	sadd.s32 s1, s30  }
0xb9: {  	s0 =	sor.u32 s3, s0;
	s1 =	sshll.u32 s1, $0x11  }
0xba: {  	s0 =	sor.u32 s1, s0  }
0xbb: {  	s0 =	sadd.s32 $0x8F2B, s0  }
0xbc: {  	[sflag:s0] =	ssyncadd.remote.s32 $0x1  }
0xbd: {  	_ =	sfence.sel $0xFFFF  }
0xbe: {  	[dreg:$0x0] =	wrdreg $0xFFFFFFFF;
	(pc) =	sbr.abs _section_cstart, $3  }
0xbf: {  	[dreg:$0x1] =	wrdreg $0xFFFFFFFF  }
0xc0: {  	_ =	task.clear_ibuf [dreg:s6], $0x2FFFF;
	_ =	strace $0x9FFFFFFF  }
0xc1: {  	(tm) =	ssettm $0x7FFFFFFF  }
tec
execute0_lowered:
.L_overlay_start_1:
0x0: {  	(tag) =	ssettag $0x1  }
0x1: {  	s1 =	srdreg.scid;
	s0 =	stileid.u32  }
0x2: {  	s4 =	rddreg [dreg:$0x0];
	s2 =	simm.s32 $0x0;
	s9 =	simm.s32 $0x1400  }
0x3: {  	s10 =	simm.s32 $0x5400;
	s11 =	simm.s32 $0x100;
	s12 =	simm.s32 $0x9400  }
0x4: {  	s13 =	simm.s32 $0xB;
	s14 =	simm.s32 $0xC;
	s15 =	simm.s32 $0x7  }
0x5: {  	s16 =	simm.s32 $0x8;
	s17 =	simm.s32 $0x9;
	s18 =	simm.s32 $0xA  }
0x6: {  	s19 =	simm.s32 $0x0;
	s5 =	sand.u32 $0x1, s1;
	s3 =	sshll.u32 s0, $0x1  }
0x7: {  	[smem:$0x7FF] =	sst s2;
	s7 =	smul.u32 $0x28000, s0;
	s3 =	sor.u32 s5, s3  }
0x8: {  	_ =	strace $0x80000047;
	s8 =	ssub.s32 $0x2, s5;
	s5 =	smul.u32 $0x14000, s5  }
0x9: {  	s6 =	smul.u32 $0x280, s3;
	s7 =	sadd.s32 s7, s4;
	s30 =	sshrl.u32 s8, $0x1  }
0xa: {  	s3 =	sadd.s32 $0x10E00, s4;
	s8 =	ssub.s32 s8, s30;
	s31 =	sadd.s32 s5, s7  }
0xb: {  	s7 =	simm.s32 $0xD;
	s6 =	sadd.s32 s6, s4;
	s5 =	smax.u32 s8, $0x1  }
0xc: {  	s8 =	simm.s32 $0x80;
	s4 =	sadd.s32 $0x6E00, s6;
	s6 =	sadd.s32 $0x38000, s31  }
.LBB2_1:
0xd: {  	[tilespmem:s2], [sflag:$0xD] =	stream.linear.gather [hbm4b:s4+s2], $0x1400, $0x38;
	[tilespmem:$0x19400] =	vst v63  }
0xe: {  	s20 =	smul.u32 $0xAB, s2  }
0xf: {  	p1 =	por $0x0, $0x0;
	_ =	swait.ge [sflag:s7], $0x1400  }
0x10: {  	s22 =	simm.s32 $0x3;
	[sflag:s7] =	ssyncset.done $0x0;
	s20 =	sshrl.u32 s20, $0xA  }
0x11: {  	s22 =	smul.u32 @!p1 $0xAB, s22;
	[sflag:s7] =	ssyncadd.s32 $0xFFFFEC00;
	s20 =	sand.u32 $0x3F, s20  }
0x12: {  	[tilespmem:s9], [sflag:$0x1] =	stream.indirect.gather [hbm4b:s3+s8], $0x80, s2, s8, $0xb8;
	[tilespmem:$0x19400] =	vst v63  }
0x13: {  	s23 =	simm.s32 $0x180;
	s21 =	simm.s32 $0x1;
	s20 =	smul.u32 $0x6, s20  }
0x14: {  	[tilespmem:s10], [sflag:$0x2] =	stream.indirect.gather [hbm4b:s3+s8], $0x80, s8, s8, $0xb8;
	[tilespmem:$0x19400] =	vst v63  }
0x15: {  	s24 =	simm.s32 $0x2;
	p0 =	por p1, p1;
	s20 =	ssub.s32 $0x0, s20  }
0x16: {  	p1 =	por @!p1 $0x1, $0x1;
	s25 =	sand.u32 $0xFF, s20;
	s20 =	sshrl.u32 @!p0 s22, $0xA  }
0x17: {  	[tilespmem:s12], [sflag:$0x3] =	stream.indirect.gather [hbm4b:s3+s8], $0x80, s11, s8, $0xb8;
	[tilespmem:$0x19400] =	vst v63  }
0x18: {  	s30 =	smul.u32 $0xAB, s21;
	s26 =	sadd.s32 $0x1, s25;
	s20 =	sand.u32 @!p0 $0x3F, s20  }
0x19: {  	p2 =	por p1, p0;
	s29 =	smul.u32 @!p0 $0x6, s20;
	_ =	swait.ge [sflag:s26], $0x4000  }
0x1a: {  	s28 =	sshll.u32 s25, $0xE;
	s25 =	sadd.s32 $0x7, s25;
	[sflag:s26] =	ssyncset.done $0x0  }
0x1b: {  	s28 =	sor.u32 $0x1400, s28;
	s29 =	ssub.s32 @!p0 $0x3, s29;
	[sflag:s26] =	ssyncadd.s32 $0xFFFFC000  }
0x1c: {  	[hbm4b:s6+s2] =	stream.linear.scatter [tilespmem:s28], [sflag:s25], $0x4000, $0x38;
	[tilespmem:$0x19400] =	vst v63  }
0x1d: {  	s22 =	sadd.s32 $0x800, s6;
	s20 =	simm.s32 $0x200;
	s29 =	sand.u32 @!p0 $0xFF, s29  }
0x1e: {  	s25 =	simm.s32 @!p0 $0x80;
	s26 =	sadd.s32 @!p2 $0x7, s29;
	s28 =	sshll.u32 @!p0 s29, $0xE  }
.LBB2_2:
0x1f: {  	p3 =	sgt.u32 s21, $0x24;
	_ =	swait.ge @!p2 [sflag:s26], $0x4000  }
0x20: {  	s29 =	sadd.s32 @!p0 $0x1, s29;
	s31 =	smov.u32 s24;
	s1 =	smov.u32 s22  }
0x21: {  	s0 =	sadd.s32 $0x3, s21;
	s30 =	sshrl.u32 s30, $0xA;
	[sflag:s26] =	ssyncset.done @!p2 $0x0  }
0x22: {  	s30 =	sand.u32 $0x3F, s30;
	[sflag:s26] =	ssyncadd.s32 @!p2 $0xFFFFC000;
	s26 =	sor.u32 @!p0 $0x1400, s28  }
0x23: {  	[tilespmem:s26], [sflag:s29] =	stream.indirect.gather @!p0 [hbm4b:s3+s25], $0x80, s23, s25, $0xb8;
	[tilespmem:$0x19400] =	vst v63  }
0x24: {  	s24 =	sadd.s32 $0x1, s24;
	p2 =	slt.u32 @!p3 s21, $0x3;
	s25 =	smul.u32 $0x6, s30  }
0x25: {  	p1 =	sne.s32 s24, $0x28;
	s26 =	smul.u32 @!p3 $0xAB, s0;
	s23 =	smov.u32 s20  }
0x26: {  	p0 =	por p3, p3;
	s25 =	ssub.s32 s21, s25;
	s21 =	smov.u32 s31  }
0x27: {  	s22 =	sadd.s32 $0x800, s22;
	s26 =	sshrl.u32 @!p0 s26, $0xA;
	s25 =	sand.u32 $0xFF, s25  }
0x28: {  	s26 =	sand.u32 @!p0 $0x3F, s26;
	s28 =	sadd.s32 $0x1, s25;
	s29 =	sshll.u32 s25, $0xE  }
0x29: {  	s20 =	sadd.s32 $0x80, s20;
	s26 =	smul.u32 @!p0 $0x6, s26;
	s30 =	sadd.s32 $0x7, s25  }
.Ltmp0:
0x2a: {  	s25 =	simm.s32 @!p0 $0x80;
	_ =	swait.ge [sflag:s28], $0x4000;
	(pc) =	sbr.rel @p1 .LBB2_2-.Ltmp0, $4  }
0x2b: {  	s31 =	sor.u32 $0x1400, s29;
	s0 =	ssub.s32 @!p0 s0, s26;
	[sflag:s28] =	ssyncset.done $0x0  }
0x2c: {  	p2 =	por p2, p0;
	s29 =	sand.u32 @!p0 $0xFF, s0;
	[sflag:s28] =	ssyncadd.s32 $0xFFFFC000  }
0x2d: {  	[hbm4b:s1+s2] =	stream.linear.scatter [tilespmem:s31], [sflag:s30], $0x4000, $0x38;
	[tilespmem:$0x19400] =	vst v63  }
0x2e: {  	s26 =	sadd.s32 @!p2 $0x7, s29;
	s28 =	sshll.u32 @!p0 s29, $0xE;
	s30 =	smul.u32 $0xAB, s21  }
0x2f: {  	_ =	swait.ge @!p2 [sflag:s26], $0x4000  }
0x30: {  	s0 =	sadd.s32 @!p0 $0x1, s29;
	s1 =	sshrl.u32 s30, $0xA;
	[sflag:s26] =	ssyncset.done @!p2 $0x0  }
0x31: {  	s24 =	sor.u32 @!p0 $0x1400, s28;
	s1 =	sand.u32 $0x3F, s1;
	[sflag:s26] =	ssyncadd.s32 @!p2 $0xFFFFC000  }
0x32: {  	[tilespmem:s24], [sflag:s0] =	stream.indirect.gather @!p0 [hbm4b:s3+s25], $0x80, s23, s25, $0xb8;
	[tilespmem:$0x19400] =	vst v63  }
0x33: {  	p1 =	sgt.u32 s21, $0x24;
	s0 =	sadd.s32 $0x3, s21;
	s1 =	smul.u32 $0x6, s1  }
0x34: {  	s23 =	smul.u32 @!p1 $0xAB, s0  }
0x35: {  	p0 =	por p1, p1  }
0x36: {  	s1 =	ssub.s32 s21, s1;
	s23 =	sshrl.u32 @!p0 s23, $0xA  }
0x37: {  	s1 =	sand.u32 $0xFF, s1;
	s23 =	sand.u32 @!p0 $0x3F, s23  }
0x38: {  	p1 =	slt.u32 @!p1 s21, $0x3;
	s30 =	sadd.s32 $0x1, s1;
	s23 =	smul.u32 @!p0 $0x6, s23  }
0x39: {  	p1 =	por p1, p0;
	s31 =	sshll.u32 s1, $0xE;
	_ =	swait.ge [sflag:s30], $0x4000  }
0x3a: {  	s1 =	sadd.s32 $0x7, s1;
	[sflag:s30] =	ssyncset.done $0x0;
	s0 =	ssub.s32 @!p0 s0, s23  }
0x3b: {  	s24 =	sor.u32 $0x1400, s31;
	[sflag:s30] =	ssyncadd.s32 $0xFFFFC000;
	s0 =	sand.u32 @!p0 $0xFF, s0  }
0x3c: {  	[hbm4b:s22+s2] =	stream.linear.scatter [tilespmem:s24], [sflag:s1], $0x4000, $0x38;
	[tilespmem:$0x19400] =	vst v63  }
0x3d: {  	s1 =	sadd.s32 @!p1 $0x7, s0  }
0x3e: {  	_ =	swait.ge @!p1 [sflag:s1], $0x4000  }
0x3f: {  	s21 =	simm.s32 @!p0 $0x80;
	s22 =	sshll.u32 @!p0 s0, $0xE;
	[sflag:s1] =	ssyncset.done @!p1 $0x0  }
0x40: {  	s0 =	sadd.s32 @!p0 $0x1, s0;
	[sflag:s1] =	ssyncadd.s32 @!p1 $0xFFFFC000;
	s1 =	sor.u32 @!p0 $0x1400, s22  }
0x41: {  	[tilespmem:s1], [sflag:s0] =	stream.indirect.gather @!p0 [hbm4b:s3+s21], $0x80, s20, s21, $0xb8;
	[tilespmem:$0x19400] =	vst v63  }
0x42: {  	_ =	swait.ge [sflag:s13], $0x4000  }
0x43: {  	[sflag:s13] =	ssyncset.done $0x0  }
0x44: {  	[sflag:s13] =	ssyncadd.s32 $0xFFFFC000  }
0x45: {  	_ =	swait.ge [sflag:s14], $0x4000  }
0x46: {  	[sflag:s14] =	ssyncset.done $0x0  }
0x47: {  	[sflag:s14] =	ssyncadd.s32 $0xFFFFC000  }
0x48: {  	_ =	swait.ge [sflag:s15], $0x4000  }
0x49: {  	[sflag:s15] =	ssyncset.done $0x0  }
0x4a: {  	[sflag:s15] =	ssyncadd.s32 $0xFFFFC000  }
0x4b: {  	_ =	swait.ge [sflag:s16], $0x4000  }
0x4c: {  	[sflag:s16] =	ssyncset.done $0x0  }
0x4d: {  	s19 =	sadd.s32 $0x1, s19;
	[sflag:s16] =	ssyncadd.s32 $0xFFFFC000  }
0x4e: {  	p0 =	sne.s32 s19, s5;
	_ =	swait.ge [sflag:s17], $0x4000  }
.Ltmp1:
0x4f: {  	[sflag:s17] =	ssyncset.done $0x0;
	(pc) =	sbr.rel @p0 .LBB2_1-.Ltmp1, $4  }
0x50: {  	[sflag:s17] =	ssyncadd.s32 $0xFFFFC000  }
0x51: {  	_ =	swait.ge [sflag:s18], $0x4000  }
0x52: {  	[sflag:s18] =	ssyncset.done $0x0  }
0x53: {  	[sflag:s18] =	ssyncadd.s32 $0xFFFFC000  }
0x54: {  	_ =	sfence.sel $0x180000  }
0x55: {  	[bflag:$0x0] =	sbarrier.arrive $0xFFFF  }
0x56: {  	_ =	strace $0x90000047  }
0x57: {  	s0 =	stileid.u32;
	[bflag:$0x2] =	sbarrier.arrive $0xFFFF  }
0x58: {  	p0 =	sne.s32 s0, $0x0;
	s0 =	rddreg [dreg:$0x1]  }
0x59: {  	s0 =	sadd.s32 @!p0 $0x100000, s0  }
0x5a: {  	[sflag:s0] =	ssyncadd.tile.s32 @!p0 $0x1;
	_ =	shalt  }
.Lfunc_end2:
_tile_overlayer_lowered:
.L_overlay_start_2:
0x5b: {  	(tag) =	ssettag $0x2  }
0x5c: {  	s0 =	rddreg [dreg:$0x0];
	s2 =	stileid.u32  }
0x5d: {  	s1 =	rddreg [dreg:$0x1];
	p0 =	sne.s32 s2, $0x0  }
0x5e: {  	s3 =	rddreg [dreg:$0x2];
	[bflag:$0x3] =	sbarrier.arrive $0xFFFF;
	s2 =	simm.s32 @!p0 $0x1C0D  }
0x5f: {  	[timem:s3], [sflag:s2] =	dma.local @!p0 [hbm:s0], s1  }
0x60: {  	s0 =	simm.s32 @!p0 $0xD  }
0x61: {  	_ =	swait.ge @!p0 [sflag:s0], s1  }
0x62: {  	s1 =	ssub.s32 @!p0 $0x0, s1;
	[sflag:s0] =	ssyncset.done @!p0 $0x0  }
0x63: {  	[sflag:s0] =	ssyncadd.s32 @!p0 s1  }
0x64: {  	[bflag:$0x3] =	sbarrier.arrive $0xFFFF  }
0x65: {  	_ =	shalt  }

// kernel: kernel.19.cloned.1.call-start
scs
__scs_entry_jumppad:
0x0: {  	(pc) =	sbr.rel $0x88, $3  }
0x1: {  	(tag) =	ssettag $0x0;
	lr =	simm.s32 $0x1  }
0x2: {  	[smem:$0x3F91] =	sst lr;
	_ =	strace $0xD0000000  }
0x3: {  	_ = 	snop  }
0x4: {  	_ = 	snop  }
0x5: {  	_ = 	snop  }
0x6: {  	_ = 	snop  }
0x7: {  	_ = 	snop  }
__scs_overlays_trampoline_lowered:
0x8: {  	[smem:$0x3FA0] =	sst s0  }
0x9: {  	[smem:$0x3FA1] =	sst s1  }
0xa: {  	[smem:$0x3FA2] =	sst s2  }
0xb: {  	[smem:$0x3FA3] =	sst s3  }
0xc: {  	[smem:$0x3FA4] =	sst s4  }
0xd: {  	[smem:$0x3FA5] =	sst s5  }
0xe: {  	[smem:$0x3FA6] =	sst s6  }
0xf: {  	[smem:$0x3FA7] =	sst s7  }
0x10: {  	[smem:$0x3FA8] =	sst s8  }
0x11: {  	[smem:$0x3FA9] =	sst s9;
	s0 =	simm.s32 @!p0 $0x0  }
0x12: {  	s1 =	sld [smem:$0x3F8F];
	s0 =	simm.s32 @p0 $0x1  }
0x13: {  	[smem:$0x3FAA] =	sst s0;
	s0 =	simm.s32 @!p1 $0x0  }
0x14: {  	s2 =	sld [smem:$0x3F8E];
	s0 =	simm.s32 @p1 $0x1  }
0x15: {  	[smem:$0x3FAB] =	sst s0;
	s0 =	simm.s32 @!p2 $0x0  }
0x16: {  	s3 =	sld [smem:$0x3FDB];
	s0 =	simm.s32 @p2 $0x1  }
0x17: {  	s4 =	simm.s32 $0x1BF5;
	[smem:$0x3FAD] =	sst s0  }
0x18: {  	s0 =	sld [smem:$0x3F90];
	_ =	swait.ge [sflag:s4], $0x0  }
0x19: {  	s7 =	sld [smem:$0x3F91]  }
0x1a: {  	s8 =	sadd.s32 $0xFFFFE003, lr  }
0x1b: {  	s9 =	sadd.s32 $0xFFFFFEF7, lr;
	s5 =	simm.s32 $0xFFFFFFFF;
	p2 =	slt.u32 s8, $0xFFFFF086  }
0x1c: {  	p1 =	slt.u32 s9, $0xF7A;
	s5 =	simm.s32 @!p2 $0x0  }
0x1d: {  	s5 =	simm.s32 @p1 $0x1;
	p0 =	seq.s32 s7, s2  }
0x1e: {  	s7 =	smul.u32 @!p0 $0xF7A, s2;
	p2 =	seq.s32 @!p0 s5, $0x0  }
0x1f: {  	s9 =	smul.u32 $0xF7A, s1;
	s8 =	simm.s32 @!p0 $0x1BF5;
	p2 =	por !p2, p0  }
0x20: {  	[sflag:s8] =	ssyncset.s32 @!p0 $0xFFFFF086;
	s6 =	sadd.s32 @!p0 s3, s7;
	s7 =	simm.s32 @!p0 $0x108  }
0x21: {  	s3 =	sadd.s32 s3, s9;
	s6 =	sadd.s32 @!p0 $0x88, s6;
	s7 =	simm.s32 @p2 $0x1082  }
0x22: {  	[simem:s7], [sflag:s8] =	dma.local @!p0 [hbm:s6], $0xF7A  }
0x23: {  	s9 =	sor.u32 $0xD0000000, s2;
	s6 =	simm.s32 $0x108;
	_ =	swait.ge @!p0 [sflag:s8], $0x0  }
0x24: {  	s3 =	sadd.s32 $0x88, s3;
	s6 =	simm.s32 @!p1 $0x1082;
	[sflag:s4] =	ssyncset.s32 $0xFFFFF086  }
0x25: {  	[simem:s6], [sflag:s4] =	dma.local [hbm:s3], $0xF7A  }
0x26: {  	[smem:$0x3F91] =	sst s1;
	(tag) =	ssettag s2;
	_ =	strace s9  }
0x27: {  	s1 =	sld [smem:$0x3FA1]  }
0x28: {  	s2 =	sld [smem:$0x3FA2]  }
0x29: {  	s4 =	sld [smem:$0x3FA4]  }
0x2a: {  	p0 =	seq.s32 s5, $0x0;
	s5 =	sld [smem:$0x3FA5]  }
0x2b: {  	s6 =	sld [smem:$0x3FA6]  }
0x2c: {  	s7 =	sld [smem:$0x3FA7]  }
0x2d: {  	s3 =	simm.s32 $0x108;
	s8 =	sld [smem:$0x3FA8]  }
0x2e: {  	s3 =	simm.s32 @!p0 $0x1082;
	s9 =	sld [smem:$0x3FA9]  }
0x2f: {  	lr =	sadd.s32 s0, s3;
	s0 =	sld [smem:$0x3FA0]  }
0x30: {  	s3 =	sld [smem:$0x3FA3]  }
0x31: {  	[smem:$0x3FAC] =	sst s10  }
0x32: {  	s10 =	sld [smem:$0x3FAA];
	_ =	sdelay $0x3  }
0x33: {  	p0 =	seq.s32 s10, $0x1;
	s10 =	sld [smem:$0x3FAC];
	_ =	sdelay $0x3  }
0x34: {  	[smem:$0x3FAC] =	sst s10  }
0x35: {  	s10 =	sld [smem:$0x3FAB];
	_ =	sdelay $0x3  }
0x36: {  	p1 =	seq.s32 s10, $0x1;
	s10 =	sld [smem:$0x3FAC];
	_ =	sdelay $0x3  }
0x37: {  	[smem:$0x3FAC] =	sst s10  }
0x38: {  	s10 =	sld [smem:$0x3FAD]  }
0x39: {  	_ = 	snop;
	(pc) =	sbr.ind lr, $3  }
0x3a: {  	_ = 	snop  }
0x3b: {  	_ = 	snop  }
0x3c: {  	p2 =	seq.s32 s10, $0x1;
	s10 =	sld [smem:$0x3FAC]  }
0x3d: {  	_ =	shalt  }
0x3e: {  	_ =	shalt  }
0x3f: {  	_ =	shalt  }
0x40: {  	_ =	shalt  }
0x41: {  	_ =	shalt  }
0x42: {  	_ =	shalt  }
0x43: {  	_ =	shalt  }
0x44: {  	_ =	shalt  }
0x45: {  	_ =	shalt  }
0x46: {  	_ =	shalt  }
0x47: {  	_ =	shalt  }
0x48: {  	_ =	shalt  }
0x49: {  	_ =	shalt  }
0x4a: {  	_ =	shalt  }
0x4b: {  	_ =	shalt  }
0x4c: {  	_ =	shalt  }
0x4d: {  	_ =	shalt  }
0x4e: {  	_ =	shalt  }
0x4f: {  	_ =	shalt  }
0x50: {  	_ =	shalt  }
0x51: {  	_ =	shalt  }
0x52: {  	_ =	shalt  }
0x53: {  	_ =	shalt  }
0x54: {  	_ =	shalt  }
0x55: {  	_ =	shalt  }
0x56: {  	_ =	shalt  }
0x57: {  	_ =	shalt  }
0x58: {  	_ =	shalt  }
0x59: {  	_ =	shalt  }
0x5a: {  	_ =	shalt  }
0x5b: {  	_ =	shalt  }
0x5c: {  	_ =	shalt  }
0x5d: {  	_ =	shalt  }
0x5e: {  	_ =	shalt  }
0x5f: {  	_ =	shalt  }
0x60: {  	_ =	shalt  }
0x61: {  	_ =	shalt  }
0x62: {  	_ =	shalt  }
0x63: {  	_ =	shalt  }
0x64: {  	_ =	shalt  }
0x65: {  	_ =	shalt  }
0x66: {  	_ =	shalt  }
0x67: {  	_ =	shalt  }
0x68: {  	_ =	shalt  }
0x69: {  	_ =	shalt  }
0x6a: {  	_ =	shalt  }
0x6b: {  	_ =	shalt  }
0x6c: {  	_ =	shalt  }
0x6d: {  	_ =	shalt  }
0x6e: {  	_ =	shalt  }
0x6f: {  	_ =	shalt  }
0x70: {  	_ =	shalt  }
0x71: {  	_ =	shalt  }
0x72: {  	_ =	shalt  }
0x73: {  	_ =	shalt  }
0x74: {  	_ =	shalt  }
0x75: {  	_ =	shalt  }
0x76: {  	_ =	shalt  }
0x77: {  	_ =	shalt  }
0x78: {  	_ =	shalt  }
0x79: {  	_ =	shalt  }
0x7a: {  	_ =	shalt  }
0x7b: {  	_ =	shalt  }
0x7c: {  	_ =	shalt  }
0x7d: {  	_ =	shalt  }
0x7e: {  	_ =	shalt  }
0x7f: {  	_ =	shalt  }
0x80: {  	_ =	shalt  }
0x81: {  	_ =	shalt  }
0x82: {  	_ =	shalt  }
0x83: {  	_ =	shalt  }
0x84: {  	_ =	shalt  }
0x85: {  	_ =	shalt  }
0x86: {  	_ =	shalt  }
0x87: {  	_ =	shalt  }
.Lfunc_end0:
.L_simem_size_0:
called_computation.1_lowered:
.L_overlay_start_0:
0x88: {  	s2 =	sld [smem:$0x3FD9]  }
0x89: {  	s3 =	sld [smem:$0x3FFE];
	_ =	sdelay $0x1  }
0x8a: {  	s1 =	srdreg.scid  }
0x8b: {  	s0 =	sand.u32 $0x1, s1  }
0x8c: {  	s16 =	sshll.u32 s0, $0xA;
	s2 =	sadd.s32 s3, s2  }
0x8d: {  	s2 =	sadd.s32 s2, s16  }
0x8e: {  	[smem:$0x3FB8] =	sst s2  }
0x8f: {  	_ = 	snop  }
0x90: {  	(tm) =	ssettm $0x1  }
0x91: {  	s17 =	sld [smem:$0x3FFB];
	_ =	sdelay $0x3  }
0x92: {  	_ =	strace s17  }
0x93: {  	s2 =	sld [smem:$0x3FFC];
	_ =	sdelay $0x3  }
0x94: {  	_ =	strace s2  }
0x95: {  	s2 =	sld [smem:$0x3FFD];
	_ =	sdelay $0x3  }
0x96: {  	_ =	strace s2  }
0x97: {  	_ =	strace $0x8FFFFFFF  }
0x98: {  	s18 =	sld [smem:$0x3FDB];
	_ =	sdelay $0x1  }
0x99: {  	s19 =	simm.s32 $_scs_section_size  }
0x9a: {  	s4 =	simm.s32 $_size__tile_overlayer_lowered;
	s5 =	simm.s32 $_tile_overlayer_lowered  }
0x9b: {  	s22 =	simm.s32 $0x1BFF;
	s21 =	sshll.u32 s5, $0x1;
	s2 =	sadd.s32 s19, s18  }
0x9c: {  	s6 =	simm.s32 $0x0;
	s20 =	sshll.u32 s4, $0x1;
	s4 =	sadd.s32 s21, s2  }
0x9d: {  	[timem:s6], [sflag:s22] =	dma.local [hbm:s4], s20  }
0x9e: {  	_ =	swait.ge [sflag:s22], s20  }
0x9f: {  	s3 =	ssub.s32 $0x0, s20;
	[sflag:s22] =	ssyncset.done $0x0  }
0xa0: {  	[sflag:s22] =	ssyncadd.s32 s3;
	_ =	sdelay $0x1  }
0xa1: {  	s23 =	simm.s32 $0x1B8B  }
0xa2: {  	_ =	swait.ge [sflag:s23], $0x1  }
0xa3: {  	[sflag:s23] =	ssyncset.done $0x0  }
0xa4: {  	s25 =	simm.s32 $0x1B8E;
	s24 =	sld [smem:$0x3FFE];
	[sflag:s23] =	ssyncadd.s32 $0xFFFFFFFF  }
0xa5: {  	s26 =	simm.s32 $execute0_lowered;
	[smem:$0x3FD2] =	sst s25  }
0xa6: {  	s4 =	sshll.u32 s26, $0x1;
	_ =	strace $0x80000049;
	[dreg:$0x1] =	wrdreg $0xFFFFFFFF  }
0xa7: {  	s28 =	simm.s32 $_size_execute0_lowered;
	s2 =	sadd.s32 s2, s4;
	[dreg:$0x0] =	wrdreg $0x0  }
0xa8: {  	s4 =	sshll.u32 s28, $0x1;
	[dreg:$0x2] =	wrdreg s2  }
0xa9: {  	[dreg:$0x3] =	wrdreg s4  }
0xaa: {  	[dreg:$0x4] =	wrdreg $0xC0  }
0xab: {  	_ =	task [dreg:s6], $0x5FFFF  }
0xac: {  	[dreg:$0x1] =	wrdreg $0xFFFFFFFF  }
0xad: {  	[dreg:$0x0] =	wrdreg $0x60  }
0xae: {  	[dreg:$0x2] =	wrdreg s24  }
0xaf: {  	[dreg:$0x3] =	wrdreg $0xB4000  }
0xb0: {  	[dreg:$0x4] =	wrdreg $0x9  }
0xb1: {  	_ =	task.clear_ibuf [dreg:s6], $0x5FFFF;
	_ =	strace $0x90000049  }
0xb2: {  	s29 =	simm.s32 $0x9;
	_ =	strace $0x8000004B  }
0xb3: {  	_ =	swait.ge [sflag:s29], $0x1  }
0xb4: {  	[sflag:s29] =	ssyncadd.s32 $0xFFFFFFFF  }
0xb5: {  	_ =	strace $0x9000004B  }
0xb6: {  	_ =	sfence  }
0xb7: {  	s30 =	sld [smem:$0x0];
	_ =	sdelay $0x2  }
0xb8: {  	s31 =	sshll.u32 s1, $0xD;
	s1 =	sshrl.u32 s1, $0x2  }
0xb9: {  	s3 =	sand.u32 $0x4000, s31;
	s1 =	sadd.s32 s1, s30  }
0xba: {  	s0 =	sor.u32 s3, s0;
	s1 =	sshll.u32 s1, $0x11  }
0xbb: {  	s0 =	sor.u32 s1, s0  }
0xbc: {  	s0 =	sadd.s32 $0x8F2B, s0  }
0xbd: {  	[sflag:s0] =	ssyncadd.remote.s32 $0x1  }
0xbe: {  	_ =	sfence.sel $0xFFFF  }
0xbf: {  	[dreg:$0x0] =	wrdreg $0xFFFFFFFF;
	(pc) =	sbr.abs _section_cstart, $3  }
0xc0: {  	[dreg:$0x1] =	wrdreg $0xFFFFFFFF  }
0xc1: {  	_ =	task.clear_ibuf [dreg:s6], $0x2FFFF;
	_ =	strace $0x9FFFFFFF  }
0xc2: {  	(tm) =	ssettm $0x7FFFFFFF  }
0xc3: {  	_ =	shalt  }
tec
execute0_lowered:
.L_overlay_start_1:
0x0: {  	(tag) =	ssettag $0x1  }
0x1: {  	s0 =	srdreg.scid  }
0x2: {  	s20 =	stileid.u32;
	s3 =	rddreg [dreg:$0x0]  }
0x3: {  	s1 =	rddreg [dreg:$0x1];
	s23 =	smul.u32 $0x280, s20  }
0x4: {  	s2 =	simm.s32 $0x0;
	s0 =	sand.u32 $0x1, s0;
	s25 =	smul.u32 $0x2800, s20  }
0x5: {  	s4 =	sshll.u32 s20, $0x1;
	[smem:$0x7FF] =	sst s2;
	s7 =	smul.u32 $0x28000, s0  }
0x6: {  	s4 =	sor.u32 s0, s4;
	s8 =	ssub.s32 $0x2, s0;
	s0 =	smul.u32 $0x14000, s0  }
0x7: {  	s6 =	sadd.s32 $0x7AA200, s3;
	s5 =	smul.u32 $0x280, s4;
	s9 =	sshrl.u32 s8, $0x1  }
0x8: {  	s4 =	smul.u32 $0x14000, s4;
	s10 =	sor.u32 $0x40, s23;
	s11 =	sadd.s32 $0x80, s23  }
0x9: {  	s14 =	sadd.s32 $0xC0, s23;
	s16 =	sadd.s32 $0x100, s23;
	s17 =	sadd.s32 $0x140, s23  }
0xa: {  	s21 =	sadd.s32 $0x180, s23;
	s24 =	sadd.s32 $0x1C0, s23;
	s12 =	sshll.u32 s10, $0x4  }
0xb: {  	s13 =	sshll.u32 s11, $0x4;
	s15 =	sshll.u32 s14, $0x4;
	s18 =	sshll.u32 s16, $0x4  }
0xc: {  	s19 =	sshll.u32 s17, $0x4;
	s22 =	sshll.u32 s21, $0x4;
	s26 =	sshll.u32 s24, $0x4  }
0xd: {  	s14 =	sshll.u32 s14, $0x7;
	s24 =	sshll.u32 s24, $0x7;
	s5 =	sadd.s32 s5, s3  }
0xe: {  	s3 =	sadd.s32 s7, s3;
	s7 =	ssub.s32 s8, s9;
	s9 =	smul.u32 $0x50000, s20  }
0xf: {  	s4 =	sadd.s32 s6, s4;
	s20 =	smul.u32 $0x28000, s20;
	s3 =	sadd.s32 $0x2BA000, s3  }
0x10: {  	s8 =	sadd.s32 $0x240, s23;
	[dreg:$0x3] =	wrdreg s4;
	s4 =	sadd.s32 s25, s3  }
0x11: {  	s24 =	sadd.s32 s24, s1;
	s12 =	sadd.s32 s12, s3;
	[dreg:$0x4] =	wrdreg s4  }
0x12: {  	s5 =	sadd.s32 $0xBE00, s5;
	s13 =	sadd.s32 s13, s3;
	[dreg:$0x5] =	wrdreg s12  }
0x13: {  	s6 =	sadd.s32 s20, s6;
	s15 =	sadd.s32 s15, s3;
	[dreg:$0x6] =	wrdreg s13  }
0x14: {  	s18 =	sadd.s32 s18, s3;
	s19 =	sadd.s32 s19, s3;
	[dreg:$0x7] =	wrdreg s15  }
0x15: {  	s22 =	sadd.s32 s22, s3;
	s20 =	sshll.u32 s16, $0x7;
	[dreg:$0x8] =	wrdreg s18  }
0x16: {  	s0 =	sadd.s32 s0, s6;
	s6 =	sadd.s32 $0x200, s23;
	[dreg:$0x9] =	wrdreg s19  }
0x17: {  	[dreg:$0xa] =	wrdreg s22;
	s23 =	sadd.s32 s26, s3;
	s26 =	sshll.u32 s8, $0x4  }
0x18: {  	s12 =	sshll.u32 s10, $0x7;
	s13 =	sshll.u32 s11, $0x7;
	s19 =	sadd.s32 s14, s1  }
0x19: {  	s22 =	sshll.u32 s17, $0x7;
	s10 =	simm.s32 $0x80;
	s11 =	simm.s32 $0x2  }
0x1a: {  	[dreg:$0xb] =	wrdreg s23;
	s25 =	sshll.u32 s6, $0x4;
	s18 =	sadd.s32 s13, s1  }
0x1b: {  	s23 =	sshll.u32 s21, $0x7;
	s22 =	sadd.s32 s22, s1;
	s4 =	sadd.s32 s25, s3  }
0x1c: {  	s28 =	sadd.s32 $0x800, s0;
	s3 =	sadd.s32 s26, s3;
	[dreg:$0xc] =	wrdreg s4  }
0x1d: {  	s23 =	sadd.s32 s23, s1;
	[dreg:$0xd] =	wrdreg s3;
	s4 =	sshrl.u32 s9, $0x2  }
0x1e: {  	s9 =	smax.u32 s7, $0x1;
	_ =	strace $0x8000004A;
	[dreg:$0xe] =	wrdreg s5  }
0x1f: {  	s25 =	sshll.u32 s6, $0x7;
	s3 =	sadd.s32 s12, s1;
	[dreg:$0xf] =	wrdreg s9  }
0x20: {  	s26 =	sshll.u32 s8, $0x7;
	s25 =	sadd.s32 s25, s1;
	[dreg:$0x10] =	wrdreg s3  }
0x21: {  	s26 =	sadd.s32 s26, s1;
	s7 =	simm.s32 $0x9400;
	[dreg:$0x11] =	wrdreg s18  }
0x22: {  	s12 =	simm.s32 $0x0;
	[dreg:$0x12] =	wrdreg s19;
	s3 =	sadd.s32 s20, s1  }
0x23: {  	s15 =	sadd.s32 s4, s1;
	s9 =	simm.s32 $0x3;
	[dreg:$0x13] =	wrdreg s3  }
0x24: {  	s29 =	sadd.s32 $0x2000, s15;
	s30 =	sadd.s32 $0x4000, s15;
	s31 =	sadd.s32 $0x6000, s15  }
0x25: {  	s8 =	sadd.s32 $0x8000, s15;
	s0 =	sadd.s32 $0xA000, s15;
	s3 =	sadd.s32 $0xC000, s15  }
0x26: {  	v0 =	vimm.f32 $0.0e+00;
	s4 =	sadd.s32 $0xE000, s15;
	s5 =	sadd.s32 $0x10000, s15;
	s6 =	sadd.s32 $0x12000, s15  }
.LBB2_1:
0x27: {  	s13 =	simm.s32 $0x0;
	s14 =	simm.s32 $0x200  }
.LBB2_2:
0x28: {  	p0 =	sne.s32 s14, $0x7E00;
	[tilespmem:s13+$0x9470] =	vst v0  }
0x29: {  	[tilespmem:s13+$0x9400] =	vst v0  }
0x2a: {  	[tilespmem:s13+$0x9410] =	vst v0  }
.Ltmp0:
0x2b: {  	[tilespmem:s13+$0x9420] =	vst v0;
	(pc) =	sbr.rel @p0 .LBB2_2-.Ltmp0, $4  }
0x2c: {  	[tilespmem:s13+$0x9430] =	vst v0  }
0x2d: {  	[tilespmem:s13+$0x9440] =	vst v0  }
0x2e: {  	[tilespmem:s13+$0x9450] =	vst v0  }
0x2f: {  	[tilespmem:s13+$0x9460] =	vst v0;
	s13 =	sshra.s32 s14, $0x2;
	s14 =	sadd.s32 $0x200, s14  }
0x30: {  	[tilespmem:s13+$0x9470] =	vst v0  }
0x31: {  	[tilespmem:s13+$0x9400] =	vst v0  }
0x32: {  	[tilespmem:s13+$0x9410] =	vst v0  }
0x33: {  	[tilespmem:s13+$0x9420] =	vst v0  }
0x34: {  	[tilespmem:s13+$0x9430] =	vst v0  }
0x35: {  	[tilespmem:s13+$0x9440] =	vst v0  }
0x36: {  	[tilespmem:s13+$0x9450] =	vst v0  }
0x37: {  	[tilespmem:s13+$0x9460] =	vst v0  }
0x38: {  	[spmem:s15] =	stream.linear.scatter [tilespmem:s7], [sflag:$0x3], $0x2000, $0x38;
	[tilespmem:$0x1F400] =	vst v63  }
0x39: {  	_ =	swait.ge [sflag:s9], $0x2000  }
0x3a: {  	[sflag:s9] =	ssyncset.done $0x0  }
0x3b: {  	[sflag:s9] =	ssyncadd.s32 $0xFFFFE000  }
0x3c: {  	[spmem:s29] =	stream.linear.scatter [tilespmem:s7], [sflag:$0x3], $0x2000, $0x38;
	[tilespmem:$0x1F400] =	vst v63  }
0x3d: {  	_ =	swait.ge [sflag:s9], $0x2000  }
0x3e: {  	[sflag:s9] =	ssyncset.done $0x0  }
0x3f: {  	[sflag:s9] =	ssyncadd.s32 $0xFFFFE000  }
0x40: {  	[spmem:s30] =	stream.linear.scatter [tilespmem:s7], [sflag:$0x3], $0x2000, $0x38;
	[tilespmem:$0x1F400] =	vst v63  }
0x41: {  	_ =	swait.ge [sflag:s9], $0x2000  }
0x42: {  	[sflag:s9] =	ssyncset.done $0x0  }
0x43: {  	[sflag:s9] =	ssyncadd.s32 $0xFFFFE000  }
0x44: {  	[spmem:s31] =	stream.linear.scatter [tilespmem:s7], [sflag:$0x3], $0x2000, $0x38;
	[tilespmem:$0x1F400] =	vst v63  }
0x45: {  	_ =	swait.ge [sflag:s9], $0x2000  }
0x46: {  	[sflag:s9] =	ssyncset.done $0x0  }
0x47: {  	[sflag:s9] =	ssyncadd.s32 $0xFFFFE000  }
0x48: {  	[spmem:s8] =	stream.linear.scatter [tilespmem:s7], [sflag:$0x3], $0x2000, $0x38;
	[tilespmem:$0x1F400] =	vst v63  }
0x49: {  	_ =	swait.ge [sflag:s9], $0x2000  }
0x4a: {  	[sflag:s9] =	ssyncset.done $0x0  }
0x4b: {  	[sflag:s9] =	ssyncadd.s32 $0xFFFFE000  }
0x4c: {  	[spmem:s0] =	stream.linear.scatter [tilespmem:s7], [sflag:$0x3], $0x2000, $0x38;
	[tilespmem:$0x1F400] =	vst v63  }
0x4d: {  	_ =	swait.ge [sflag:s9], $0x2000  }
0x4e: {  	[sflag:s9] =	ssyncset.done $0x0  }
0x4f: {  	[sflag:s9] =	ssyncadd.s32 $0xFFFFE000  }
0x50: {  	[spmem:s3] =	stream.linear.scatter [tilespmem:s7], [sflag:$0x3], $0x2000, $0x38;
	[tilespmem:$0x1F400] =	vst v63  }
0x51: {  	_ =	swait.ge [sflag:s9], $0x2000  }
0x52: {  	[sflag:s9] =	ssyncset.done $0x0  }
0x53: {  	[sflag:s9] =	ssyncadd.s32 $0xFFFFE000  }
0x54: {  	[spmem:s4] =	stream.linear.scatter [tilespmem:s7], [sflag:$0x3], $0x2000, $0x38;
	[tilespmem:$0x1F400] =	vst v63  }
0x55: {  	_ =	swait.ge [sflag:s9], $0x2000  }
0x56: {  	[sflag:s9] =	ssyncset.done $0x0  }
0x57: {  	[sflag:s9] =	ssyncadd.s32 $0xFFFFE000  }
0x58: {  	[spmem:s5] =	stream.linear.scatter [tilespmem:s7], [sflag:$0x3], $0x2000, $0x38;
	[tilespmem:$0x1F400] =	vst v63  }
0x59: {  	_ =	swait.ge [sflag:s9], $0x2000  }
0x5a: {  	[sflag:s9] =	ssyncset.done $0x0  }
0x5b: {  	[sflag:s9] =	ssyncadd.s32 $0xFFFFE000  }
0x5c: {  	[spmem:s6] =	stream.linear.scatter [tilespmem:s7], [sflag:$0x3], $0x2000, $0x38;
	[tilespmem:$0x1F400] =	vst v63  }
0x5d: {  	_ =	swait.ge [sflag:s9], $0x2000  }
0x5e: {  	[sflag:s9] =	ssyncset.done $0x0  }
0x5f: {  	[sflag:s9] =	ssyncadd.s32 $0xFFFFE000  }
0x60: {  	[bflag:$0x0] =	sbarrier.arrive $0xFFFF  }
0x61: {  	s13 =	simm.s32 $0x0;
	s14 =	rddreg [dreg:$0xe]  }
0x62: {  	[tilespmem:s13], [sflag:$0x3] =	stream.linear.gather [hbm4b:s14+s13], $0x1400, $0x38;
	[tilespmem:$0x1F400] =	vst v63  }
0x63: {  	s16 =	simm.s32 $0x1400;
	s19 =	simm.s32 $0x0;
	_ =	swait.ge [sflag:s9], $0x1400  }
0x64: {  	s20 =	simm.s32 $0x1;
	s14 =	sand.u32 $0x1, s19;
	[sflag:s9] =	ssyncset.done $0x0  }
0x65: {  	s17 =	sadd.s32 $0x1, s14;
	s18 =	rddreg [dreg:$0x3];
	[sflag:s9] =	ssyncadd.s32 $0xFFFFEC00  }
0x66: {  	[tilespmem:s16], [sflag:$0x1] =	stream.linear.gather [hbm4b:s18+s13], $0x4000, $0x38;
	[tilespmem:$0x1F400] =	vst v63  }
0x67: {  	s16 =	sand.u32 $0x1, s20;
	_ =	swait.ge [sflag:s17], $0x4000  }
0x68: {  	s14 =	sshll.u32 s14, $0xE;
	s18 =	sshll.u32 s16, $0xE;
	[sflag:s17] =	ssyncset.done $0x0  }
0x69: {  	s16 =	sadd.s32 $0x1, s16;
	s21 =	sor.u32 $0x1400, s18;
	[sflag:s17] =	ssyncadd.s32 $0xFFFFC000  }
0x6a: {  	[tilespmem:s21], [sflag:s16] =	stream.linear.gather [hbm4b:s28+s2], $0x4000, $0x38;
	[tilespmem:$0x1F400] =	vst v63  }
0x6b: {  	s14 =	sor.u32 $0x1400, s14;
	s18 =	simm.s32 $0x1  }
0x6c: {  	[spmem:s1] =	stream.indirect.scatter.add.f32 [tilespmem:s14], [sflag:$0x3], $0x80, s13, s10, $0xb8;
	[tilespmem:$0x1F400] =	vst v63  }
0x6d: {  	s17 =	simm.s32 $0x3;
	s16 =	simm.s32 $0x2;
	_ =	swait.ge [sflag:s9], $0x4000  }
0x6e: {  	s13 =	sadd.s32 $0x800, s28;
	s14 =	simm.s32 $0x80;
	[sflag:s9] =	ssyncset.done $0x0  }
.LBB2_4:
0x6f: {  	s18 =	sand.u32 $0x1, s18  }
0x70: {  	[sflag:s9] =	ssyncadd.s32 $0xFFFFC000;
	s19 =	smov.u32 s17;
	s20 =	sadd.s32 $0x1, s17  }
0x71: {  	p0 =	sne.s32 s17, $0x27;
	s17 =	sadd.s32 $0x1, s18;
	s18 =	sshll.u32 s18, $0xE  }
0x72: {  	s21 =	sand.u32 $0x1, s16;
	s16 =	smov.u32 s19;
	_ =	swait.ge [sflag:s17], $0x4000  }
0x73: {  	s19 =	sshll.u32 s21, $0xE;
	[sflag:s17] =	ssyncset.done $0x0  }
0x74: {  	[sflag:s17] =	ssyncadd.s32 $0xFFFFC000;
	s17 =	sor.u32 $0x1400, s19;
	s19 =	sadd.s32 $0x1, s21  }
0x75: {  	[tilespmem:s17], [sflag:s19] =	stream.linear.gather [hbm4b:s13+s2], $0x4000, $0x38;
	[tilespmem:$0x1F400] =	vst v63  }
.Ltmp1:
0x76: {  	_ = 	snop;
	(pc) =	sbr.rel @p0 .LBB2_4-.Ltmp1, $4  }
0x77: {  	s17 =	sor.u32 $0x1400, s18  }
0x78: {  	[spmem:s1] =	stream.indirect.scatter.add.f32 [tilespmem:s17], [sflag:$0x3], $0x80, s14, s10, $0xb8;
	[tilespmem:$0x1F400] =	vst v63  }
0x79: {  	s13 =	sadd.s32 $0x800, s13;
	s18 =	sadd.s32 $0xFFFFFFFF, s16;
	_ =	swait.ge [sflag:s9], $0x4000  }
0x7a: {  	s14 =	sadd.s32 $0x80, s14;
	s17 =	smov.u32 s20;
	[sflag:s9] =	ssyncset.done $0x0  }
0x7b: {  	s17 =	sand.u32 $0x1, s18  }
0x7c: {  	[sflag:s9] =	ssyncadd.s32 $0xFFFFC000;
	s18 =	sadd.s32 $0x1, s17  }
0x7d: {  	s16 =	sand.u32 $0x1, s16;
	_ =	swait.ge [sflag:s18], $0x4000  }
0x7e: {  	s19 =	sshll.u32 s16, $0xE;
	s16 =	sadd.s32 $0x1, s16;
	[sflag:s18] =	ssyncset.done $0x0  }
0x7f: {  	s21 =	sor.u32 $0x1400, s19;
	[sflag:s18] =	ssyncadd.s32 $0xFFFFC000;
	s18 =	sshll.u32 s17, $0xE  }
0x80: {  	[tilespmem:s21], [sflag:s16] =	stream.linear.gather [hbm4b:s13+s2], $0x4000, $0x38;
	[tilespmem:$0x1F400] =	vst v63  }
0x81: {  	s13 =	sor.u32 $0x1400, s18  }
0x82: {  	[spmem:s1] =	stream.indirect.scatter.add.f32 [tilespmem:s13], [sflag:$0x3], $0x80, s14, s10, $0xb8;
	[tilespmem:$0x1F400] =	vst v63  }
0x83: {  	_ =	swait.ge [sflag:s9], $0x4000  }
0x84: {  	[sflag:s9] =	ssyncset.done $0x0  }
0x85: {  	[sflag:s9] =	ssyncadd.s32 $0xFFFFC000  }
0x86: {  	_ =	swait.ge [sflag:s11], $0x4000  }
0x87: {  	[sflag:s11] =	ssyncset.done $0x0  }
0x88: {  	s20 =	simm.s32 $0x5400;
	s19 =	simm.s32 $0x1380;
	[sflag:s11] =	ssyncadd.s32 $0xFFFFC000  }
0x89: {  	[spmem:s1] =	stream.indirect.scatter.add.f32 [tilespmem:s20], [sflag:$0x3], $0x80, s19, s10, $0xb8;
	[tilespmem:$0x1F400] =	vst v63  }
0x8a: {  	_ =	swait.ge [sflag:s9], $0x4000  }
0x8b: {  	[sflag:s9] =	ssyncset.done $0x0  }
0x8c: {  	[sflag:s9] =	ssyncadd.s32 $0xFFFFC000  }
0x8d: {  	[bflag:$0x0] =	sbarrier.arrive $0xFFFF  }
0x8e: {  	[tilespmem:s7], [sflag:$0x3] =	stream.linear.gather [spmem:s15], $0x2000, $0x38;
	[tilespmem:$0x1F400] =	vst v63  }
0x8f: {  	_ =	swait.ge [sflag:s9], $0x2000  }
0x90: {  	[sflag:s9] =	ssyncset.done $0x0  }
0x91: {  	s21 =	rddreg [dreg:$0x4];
	[sflag:s9] =	ssyncadd.s32 $0xFFFFE000  }
0x92: {  	[hbm4b:s21+s2] =	stream.linear.scatter [tilespmem:s7], [sflag:$0x3], $0x2000, $0x38;
	[tilespmem:$0x1F400] =	vst v63  }
0x93: {  	_ =	swait.ge [sflag:s9], $0x2000  }
0x94: {  	[sflag:s9] =	ssyncset.done $0x0  }
0x95: {  	s14 =	rddreg [dreg:$0x10];
	[sflag:s9] =	ssyncadd.s32 $0xFFFFE000  }
0x96: {  	[tilespmem:s7], [sflag:$0x3] =	stream.linear.gather [spmem:s14], $0x2000, $0x38;
	[tilespmem:$0x1F400] =	vst v63  }
0x97: {  	_ =	swait.ge [sflag:s9], $0x2000  }
0x98: {  	[sflag:s9] =	ssyncset.done $0x0  }
0x99: {  	s16 =	rddreg [dreg:$0x5];
	[sflag:s9] =	ssyncadd.s32 $0xFFFFE000  }
0x9a: {  	[hbm4b:s16+s2] =	stream.linear.scatter [tilespmem:s7], [sflag:$0x3], $0x2000, $0x38;
	[tilespmem:$0x1F400] =	vst v63  }
0x9b: {  	_ =	swait.ge [sflag:s9], $0x2000  }
0x9c: {  	[sflag:s9] =	ssyncset.done $0x0  }
0x9d: {  	s17 =	rddreg [dreg:$0x11];
	[sflag:s9] =	ssyncadd.s32 $0xFFFFE000  }
0x9e: {  	[tilespmem:s7], [sflag:$0x3] =	stream.linear.gather [spmem:s17], $0x2000, $0x38;
	[tilespmem:$0x1F400] =	vst v63  }
0x9f: {  	_ =	swait.ge [sflag:s9], $0x2000  }
0xa0: {  	[sflag:s9] =	ssyncset.done $0x0  }
0xa1: {  	s18 =	rddreg [dreg:$0x6];
	[sflag:s9] =	ssyncadd.s32 $0xFFFFE000  }
0xa2: {  	[hbm4b:s18+s2] =	stream.linear.scatter [tilespmem:s7], [sflag:$0x3], $0x2000, $0x38;
	[tilespmem:$0x1F400] =	vst v63  }
0xa3: {  	_ =	swait.ge [sflag:s9], $0x2000  }
0xa4: {  	[sflag:s9] =	ssyncset.done $0x0  }
0xa5: {  	s19 =	rddreg [dreg:$0x12];
	[sflag:s9] =	ssyncadd.s32 $0xFFFFE000  }
0xa6: {  	[tilespmem:s7], [sflag:$0x3] =	stream.linear.gather [spmem:s19], $0x2000, $0x38;
	[tilespmem:$0x1F400] =	vst v63  }
0xa7: {  	_ =	swait.ge [sflag:s9], $0x2000  }
0xa8: {  	[sflag:s9] =	ssyncset.done $0x0  }
0xa9: {  	s20 =	rddreg [dreg:$0x7];
	[sflag:s9] =	ssyncadd.s32 $0xFFFFE000  }
0xaa: {  	[hbm4b:s20+s2] =	stream.linear.scatter [tilespmem:s7], [sflag:$0x3], $0x2000, $0x38;
	[tilespmem:$0x1F400] =	vst v63  }
0xab: {  	_ =	swait.ge [sflag:s9], $0x2000  }
0xac: {  	[sflag:s9] =	ssyncset.done $0x0  }
0xad: {  	s21 =	rddreg [dreg:$0x13];
	[sflag:s9] =	ssyncadd.s32 $0xFFFFE000  }
0xae: {  	[tilespmem:s7], [sflag:$0x3] =	stream.linear.gather [spmem:s21], $0x2000, $0x38;
	[tilespmem:$0x1F400] =	vst v63  }
0xaf: {  	_ =	swait.ge [sflag:s9], $0x2000  }
0xb0: {  	[sflag:s9] =	ssyncset.done $0x0  }
0xb1: {  	s14 =	rddreg [dreg:$0x8];
	[sflag:s9] =	ssyncadd.s32 $0xFFFFE000  }
0xb2: {  	[hbm4b:s14+s2] =	stream.linear.scatter [tilespmem:s7], [sflag:$0x3], $0x2000, $0x38;
	[tilespmem:$0x1F400] =	vst v63  }
0xb3: {  	_ =	swait.ge [sflag:s9], $0x2000  }
0xb4: {  	[sflag:s9] =	ssyncset.done $0x0  }
0xb5: {  	[sflag:s9] =	ssyncadd.s32 $0xFFFFE000  }
0xb6: {  	[tilespmem:s7], [sflag:$0x3] =	stream.linear.gather [spmem:s22], $0x2000, $0x38;
	[tilespmem:$0x1F400] =	vst v63  }
0xb7: {  	_ =	swait.ge [sflag:s9], $0x2000  }
0xb8: {  	[sflag:s9] =	ssyncset.done $0x0  }
0xb9: {  	s16 =	rddreg [dreg:$0x9];
	[sflag:s9] =	ssyncadd.s32 $0xFFFFE000  }
0xba: {  	[hbm4b:s16+s2] =	stream.linear.scatter [tilespmem:s7], [sflag:$0x3], $0x2000, $0x38;
	[tilespmem:$0x1F400] =	vst v63  }
0xbb: {  	_ =	swait.ge [sflag:s9], $0x2000  }
0xbc: {  	[sflag:s9] =	ssyncset.done $0x0  }
0xbd: {  	[sflag:s9] =	ssyncadd.s32 $0xFFFFE000  }
0xbe: {  	[tilespmem:s7], [sflag:$0x3] =	stream.linear.gather [spmem:s23], $0x2000, $0x38;
	[tilespmem:$0x1F400] =	vst v63  }
0xbf: {  	_ =	swait.ge [sflag:s9], $0x2000  }
0xc0: {  	[sflag:s9] =	ssyncset.done $0x0  }
0xc1: {  	s17 =	rddreg [dreg:$0xa];
	[sflag:s9] =	ssyncadd.s32 $0xFFFFE000  }
0xc2: {  	[hbm4b:s17+s2] =	stream.linear.scatter [tilespmem:s7], [sflag:$0x3], $0x2000, $0x38;
	[tilespmem:$0x1F400] =	vst v63  }
0xc3: {  	_ =	swait.ge [sflag:s9], $0x2000  }
0xc4: {  	[sflag:s9] =	ssyncset.done $0x0  }
0xc5: {  	[sflag:s9] =	ssyncadd.s32 $0xFFFFE000  }
0xc6: {  	[tilespmem:s7], [sflag:$0x3] =	stream.linear.gather [spmem:s24], $0x2000, $0x38;
	[tilespmem:$0x1F400] =	vst v63  }
0xc7: {  	_ =	swait.ge [sflag:s9], $0x2000  }
0xc8: {  	[sflag:s9] =	ssyncset.done $0x0  }
0xc9: {  	s18 =	rddreg [dreg:$0xb];
	[sflag:s9] =	ssyncadd.s32 $0xFFFFE000  }
0xca: {  	[hbm4b:s18+s2] =	stream.linear.scatter [tilespmem:s7], [sflag:$0x3], $0x2000, $0x38;
	[tilespmem:$0x1F400] =	vst v63  }
0xcb: {  	_ =	swait.ge [sflag:s9], $0x2000  }
0xcc: {  	[sflag:s9] =	ssyncset.done $0x0  }
0xcd: {  	[sflag:s9] =	ssyncadd.s32 $0xFFFFE000  }
0xce: {  	[tilespmem:s7], [sflag:$0x3] =	stream.linear.gather [spmem:s25], $0x2000, $0x38;
	[tilespmem:$0x1F400] =	vst v63  }
0xcf: {  	_ =	swait.ge [sflag:s9], $0x2000  }
0xd0: {  	[sflag:s9] =	ssyncset.done $0x0  }
0xd1: {  	s19 =	rddreg [dreg:$0xc];
	[sflag:s9] =	ssyncadd.s32 $0xFFFFE000  }
0xd2: {  	[hbm4b:s19+s2] =	stream.linear.scatter [tilespmem:s7], [sflag:$0x3], $0x2000, $0x38;
	[tilespmem:$0x1F400] =	vst v63  }
0xd3: {  	_ =	swait.ge [sflag:s9], $0x2000  }
0xd4: {  	[sflag:s9] =	ssyncset.done $0x0  }
0xd5: {  	[sflag:s9] =	ssyncadd.s32 $0xFFFFE000  }
0xd6: {  	[tilespmem:s7], [sflag:$0x3] =	stream.linear.gather [spmem:s26], $0x2000, $0x38;
	[tilespmem:$0x1F400] =	vst v63  }
0xd7: {  	_ =	swait.ge [sflag:s9], $0x2000  }
0xd8: {  	[sflag:s9] =	ssyncset.done $0x0  }
0xd9: {  	s20 =	rddreg [dreg:$0xd];
	[sflag:s9] =	ssyncadd.s32 $0xFFFFE000  }
0xda: {  	[hbm4b:s20+s2] =	stream.linear.scatter [tilespmem:s7], [sflag:$0x3], $0x2000, $0x38;
	[tilespmem:$0x1F400] =	vst v63  }
0xdb: {  	_ =	swait.ge [sflag:s9], $0x2000  }
0xdc: {  	s12 =	sadd.s32 $0x1, s12;
	s21 =	rddreg [dreg:$0xf]  }
0xdd: {  	p0 =	sne.s32 s12, s21  }
.Ltmp2:
0xde: {  	_ = 	snop;
	(pc) =	sbr.rel @p0 .LBB2_1-.Ltmp2, $3  }
0xdf: {  	_ =	sdelay $0x1  }
0xe0: {  	[sflag:s9] =	ssyncset.done $0x0  }
0xe1: {  	[sflag:s9] =	ssyncadd.s32 $0xFFFFE000  }
0xe2: {  	_ =	sfence.sel $0x180000  }
0xe3: {  	[bflag:$0x0] =	sbarrier.arrive $0xFFFF  }
0xe4: {  	_ =	strace $0x9000004A  }
0xe5: {  	s0 =	stileid.u32;
	[bflag:$0x2] =	sbarrier.arrive $0xFFFF  }
0xe6: {  	p0 =	sne.s32 s0, $0x0;
	s0 =	rddreg [dreg:$0x2]  }
0xe7: {  	s0 =	sadd.s32 @!p0 $0x100000, s0  }
0xe8: {  	[sflag:s0] =	ssyncadd.tile.s32 @!p0 $0x1;
	_ =	shalt  }
.Lfunc_end2:
_tile_overlayer_lowered:
.L_overlay_start_2:
0xe9: {  	(tag) =	ssettag $0x2  }
0xea: {  	s0 =	rddreg [dreg:$0x0];
	s2 =	stileid.u32  }
0xeb: {  	s1 =	rddreg [dreg:$0x1];
	p0 =	sne.s32 s2, $0x0  }
0xec: {  	s3 =	rddreg [dreg:$0x2];
	[bflag:$0x3] =	sbarrier.arrive $0xFFFF;
	s2 =	simm.s32 @!p0 $0x1C03  }
0xed: {  	[timem:s3], [sflag:s2] =	dma.local @!p0 [hbm:s0], s1  }
0xee: {  	s0 =	simm.s32 @!p0 $0x3  }
0xef: {  	_ =	swait.ge @!p0 [sflag:s0], s1  }
0xf0: {  	s1 =	ssub.s32 @!p0 $0x0, s1;
	[sflag:s0] =	ssyncset.done @!p0 $0x0  }
0xf1: {  	[sflag:s0] =	ssyncadd.s32 @!p0 s1  }
0xf2: {  	[bflag:$0x3] =	sbarrier.arrive $0xFFFF  }
0xf3: {  	_ =	shalt  }

// kernel: kernel.22.cloned.1.call-start
scs
__scs_entry_jumppad:
0x0: {  	(pc) =	sbr.rel $0x88, $3  }
0x1: {  	(tag) =	ssettag $0x0;
	lr =	simm.s32 $0x1  }
0x2: {  	[smem:$0x3F91] =	sst lr;
	_ =	strace $0xD0000000  }
0x3: {  	_ = 	snop  }
0x4: {  	_ = 	snop  }
0x5: {  	_ = 	snop  }
0x6: {  	_ = 	snop  }
0x7: {  	_ = 	snop  }
__scs_overlays_trampoline_lowered:
0x8: {  	[smem:$0x3FA0] =	sst s0  }
0x9: {  	[smem:$0x3FA1] =	sst s1  }
0xa: {  	[smem:$0x3FA2] =	sst s2  }
0xb: {  	[smem:$0x3FA3] =	sst s3  }
0xc: {  	[smem:$0x3FA4] =	sst s4  }
0xd: {  	[smem:$0x3FA5] =	sst s5  }
0xe: {  	[smem:$0x3FA6] =	sst s6  }
0xf: {  	[smem:$0x3FA7] =	sst s7  }
0x10: {  	[smem:$0x3FA8] =	sst s8  }
0x11: {  	[smem:$0x3FA9] =	sst s9;
	s0 =	simm.s32 @!p0 $0x0  }
0x12: {  	s1 =	sld [smem:$0x3F8F];
	s0 =	simm.s32 @p0 $0x1  }
0x13: {  	[smem:$0x3FAA] =	sst s0;
	s0 =	simm.s32 @!p1 $0x0  }
0x14: {  	s2 =	sld [smem:$0x3F8E];
	s0 =	simm.s32 @p1 $0x1  }
0x15: {  	[smem:$0x3FAB] =	sst s0;
	s0 =	simm.s32 @!p2 $0x0  }
0x16: {  	s3 =	sld [smem:$0x3FDB];
	s0 =	simm.s32 @p2 $0x1  }
0x17: {  	s4 =	simm.s32 $0x1BF5;
	[smem:$0x3FAD] =	sst s0  }
0x18: {  	s0 =	sld [smem:$0x3F90];
	_ =	swait.ge [sflag:s4], $0x0  }
0x19: {  	s7 =	sld [smem:$0x3F91]  }
0x1a: {  	s8 =	sadd.s32 $0xFFFFE003, lr  }
0x1b: {  	s9 =	sadd.s32 $0xFFFFFEF7, lr;
	s5 =	simm.s32 $0xFFFFFFFF;
	p2 =	slt.u32 s8, $0xFFFFF086  }
0x1c: {  	p1 =	slt.u32 s9, $0xF7A;
	s5 =	simm.s32 @!p2 $0x0  }
0x1d: {  	s5 =	simm.s32 @p1 $0x1;
	p0 =	seq.s32 s7, s2  }
0x1e: {  	s7 =	smul.u32 @!p0 $0xF7A, s2;
	p2 =	seq.s32 @!p0 s5, $0x0  }
0x1f: {  	s9 =	smul.u32 $0xF7A, s1;
	s8 =	simm.s32 @!p0 $0x1BF5;
	p2 =	por !p2, p0  }
0x20: {  	[sflag:s8] =	ssyncset.s32 @!p0 $0xFFFFF086;
	s6 =	sadd.s32 @!p0 s3, s7;
	s7 =	simm.s32 @!p0 $0x108  }
0x21: {  	s3 =	sadd.s32 s3, s9;
	s6 =	sadd.s32 @!p0 $0x88, s6;
	s7 =	simm.s32 @p2 $0x1082  }
0x22: {  	[simem:s7], [sflag:s8] =	dma.local @!p0 [hbm:s6], $0xF7A  }
0x23: {  	s9 =	sor.u32 $0xD0000000, s2;
	s6 =	simm.s32 $0x108;
	_ =	swait.ge @!p0 [sflag:s8], $0x0  }
0x24: {  	s3 =	sadd.s32 $0x88, s3;
	s6 =	simm.s32 @!p1 $0x1082;
	[sflag:s4] =	ssyncset.s32 $0xFFFFF086  }
0x25: {  	[simem:s6], [sflag:s4] =	dma.local [hbm:s3], $0xF7A  }
0x26: {  	[smem:$0x3F91] =	sst s1;
	(tag) =	ssettag s2;
	_ =	strace s9  }
0x27: {  	s1 =	sld [smem:$0x3FA1]  }
0x28: {  	s2 =	sld [smem:$0x3FA2]  }
0x29: {  	s4 =	sld [smem:$0x3FA4]  }
0x2a: {  	p0 =	seq.s32 s5, $0x0;
	s5 =	sld [smem:$0x3FA5]  }
0x2b: {  	s6 =	sld [smem:$0x3FA6]  }
0x2c: {  	s7 =	sld [smem:$0x3FA7]  }
0x2d: {  	s3 =	simm.s32 $0x108;
	s8 =	sld [smem:$0x3FA8]  }
0x2e: {  	s3 =	simm.s32 @!p0 $0x1082;
	s9 =	sld [smem:$0x3FA9]  }
0x2f: {  	lr =	sadd.s32 s0, s3;
	s0 =	sld [smem:$0x3FA0]  }
0x30: {  	s3 =	sld [smem:$0x3FA3]  }
0x31: {  	[smem:$0x3FAC] =	sst s10  }
0x32: {  	s10 =	sld [smem:$0x3FAA];
	_ =	sdelay $0x3  }
0x33: {  	p0 =	seq.s32 s10, $0x1;
	s10 =	sld [smem:$0x3FAC];
	_ =	sdelay $0x3  }
0x34: {  	[smem:$0x3FAC] =	sst s10  }
0x35: {  	s10 =	sld [smem:$0x3FAB];
	_ =	sdelay $0x3  }
0x36: {  	p1 =	seq.s32 s10, $0x1;
	s10 =	sld [smem:$0x3FAC];
	_ =	sdelay $0x3  }
0x37: {  	[smem:$0x3FAC] =	sst s10  }
0x38: {  	s10 =	sld [smem:$0x3FAD]  }
0x39: {  	_ = 	snop;
	(pc) =	sbr.ind lr, $3  }
0x3a: {  	_ = 	snop  }
0x3b: {  	_ = 	snop  }
0x3c: {  	p2 =	seq.s32 s10, $0x1;
	s10 =	sld [smem:$0x3FAC]  }
0x3d: {  	_ =	shalt  }
0x3e: {  	_ =	shalt  }
0x3f: {  	_ =	shalt  }
0x40: {  	_ =	shalt  }
0x41: {  	_ =	shalt  }
0x42: {  	_ =	shalt  }
0x43: {  	_ =	shalt  }
0x44: {  	_ =	shalt  }
0x45: {  	_ =	shalt  }
0x46: {  	_ =	shalt  }
0x47: {  	_ =	shalt  }
0x48: {  	_ =	shalt  }
0x49: {  	_ =	shalt  }
0x4a: {  	_ =	shalt  }
0x4b: {  	_ =	shalt  }
0x4c: {  	_ =	shalt  }
0x4d: {  	_ =	shalt  }
0x4e: {  	_ =	shalt  }
0x4f: {  	_ =	shalt  }
0x50: {  	_ =	shalt  }
0x51: {  	_ =	shalt  }
0x52: {  	_ =	shalt  }
0x53: {  	_ =	shalt  }
0x54: {  	_ =	shalt  }
0x55: {  	_ =	shalt  }
0x56: {  	_ =	shalt  }
0x57: {  	_ =	shalt  }
0x58: {  	_ =	shalt  }
0x59: {  	_ =	shalt  }
0x5a: {  	_ =	shalt  }
0x5b: {  	_ =	shalt  }
0x5c: {  	_ =	shalt  }
0x5d: {  	_ =	shalt  }
0x5e: {  	_ =	shalt  }
0x5f: {  	_ =	shalt  }
0x60: {  	_ =	shalt  }
0x61: {  	_ =	shalt  }
0x62: {  	_ =	shalt  }
0x63: {  	_ =	shalt  }
0x64: {  	_ =	shalt  }
0x65: {  	_ =	shalt  }
0x66: {  	_ =	shalt  }
0x67: {  	_ =	shalt  }
0x68: {  	_ =	shalt  }
0x69: {  	_ =	shalt  }
0x6a: {  	_ =	shalt  }
0x6b: {  	_ =	shalt  }
0x6c: {  	_ =	shalt  }
0x6d: {  	_ =	shalt  }
0x6e: {  	_ =	shalt  }
0x6f: {  	_ =	shalt  }
0x70: {  	_ =	shalt  }
0x71: {  	_ =	shalt  }
0x72: {  	_ =	shalt  }
0x73: {  	_ =	shalt  }
0x74: {  	_ =	shalt  }
0x75: {  	_ =	shalt  }
0x76: {  	_ =	shalt  }
0x77: {  	_ =	shalt  }
0x78: {  	_ =	shalt  }
0x79: {  	_ =	shalt  }
0x7a: {  	_ =	shalt  }
0x7b: {  	_ =	shalt  }
0x7c: {  	_ =	shalt  }
0x7d: {  	_ =	shalt  }
0x7e: {  	_ =	shalt  }
0x7f: {  	_ =	shalt  }
0x80: {  	_ =	shalt  }
0x81: {  	_ =	shalt  }
0x82: {  	_ =	shalt  }
0x83: {  	_ =	shalt  }
0x84: {  	_ =	shalt  }
0x85: {  	_ =	shalt  }
0x86: {  	_ =	shalt  }
0x87: {  	_ =	shalt  }
.Lfunc_end0:
.L_simem_size_0:
called_computation.2_lowered:
.L_overlay_start_0:
0x88: {  	s2 =	sld [smem:$0x3FD9]  }
0x89: {  	s3 =	sld [smem:$0x3FFE];
	_ =	sdelay $0x1  }
0x8a: {  	s1 =	srdreg.scid  }
0x8b: {  	s0 =	sand.u32 $0x1, s1  }
0x8c: {  	s16 =	sshll.u32 s0, $0xA;
	s2 =	sadd.s32 s3, s2  }
0x8d: {  	s2 =	sadd.s32 s2, s16  }
0x8e: {  	[smem:$0x3FB8] =	sst s2  }
0x8f: {  	_ = 	snop  }
0x90: {  	(tm) =	ssettm $0x1  }
0x91: {  	s17 =	sld [smem:$0x3FFB];
	_ =	sdelay $0x3  }
0x92: {  	_ =	strace s17  }
0x93: {  	s2 =	sld [smem:$0x3FFC];
	_ =	sdelay $0x3  }
0x94: {  	_ =	strace s2  }
0x95: {  	s2 =	sld [smem:$0x3FFD];
	_ =	sdelay $0x3  }
0x96: {  	_ =	strace s2  }
0x97: {  	_ =	strace $0x8FFFFFFF  }
0x98: {  	s18 =	sld [smem:$0x3FDB];
	_ =	sdelay $0x1  }
0x99: {  	s19 =	simm.s32 $_scs_section_size  }
0x9a: {  	s4 =	simm.s32 $_size__tile_overlayer_lowered;
	s5 =	simm.s32 $_tile_overlayer_lowered  }
0x9b: {  	s22 =	simm.s32 $0x1BFF;
	s21 =	sshll.u32 s5, $0x1;
	s2 =	sadd.s32 s19, s18  }
0x9c: {  	s6 =	simm.s32 $0x0;
	s20 =	sshll.u32 s4, $0x1;
	s4 =	sadd.s32 s21, s2  }
0x9d: {  	[timem:s6], [sflag:s22] =	dma.local [hbm:s4], s20  }
0x9e: {  	_ =	swait.ge [sflag:s22], s20  }
0x9f: {  	s3 =	ssub.s32 $0x0, s20;
	[sflag:s22] =	ssyncset.done $0x0  }
0xa0: {  	[sflag:s22] =	ssyncadd.s32 s3;
	_ =	sdelay $0x1  }
0xa1: {  	s23 =	simm.s32 $0x1B8B  }
0xa2: {  	_ =	swait.ge [sflag:s23], $0x1  }
0xa3: {  	[sflag:s23] =	ssyncset.done $0x0  }
0xa4: {  	s25 =	simm.s32 $0x1B8E;
	s24 =	sld [smem:$0x3FFE];
	[sflag:s23] =	ssyncadd.s32 $0xFFFFFFFF  }
0xa5: {  	s26 =	simm.s32 $execute0_lowered;
	[smem:$0x3FD2] =	sst s25  }
0xa6: {  	s4 =	sshll.u32 s26, $0x1;
	_ =	strace $0x8000004C;
	[dreg:$0x1] =	wrdreg $0xFFFFFFFF  }
0xa7: {  	s28 =	simm.s32 $_size_execute0_lowered;
	s2 =	sadd.s32 s2, s4;
	[dreg:$0x0] =	wrdreg $0x0  }
0xa8: {  	s4 =	sshll.u32 s28, $0x1;
	[dreg:$0x2] =	wrdreg s2  }
0xa9: {  	[dreg:$0x3] =	wrdreg s4  }
0xaa: {  	[dreg:$0x4] =	wrdreg $0xC0  }
0xab: {  	_ =	task [dreg:s6], $0x5FFFF  }
0xac: {  	[dreg:$0x1] =	wrdreg $0xFFFFFFFF  }
0xad: {  	[dreg:$0x0] =	wrdreg $0x60  }
0xae: {  	[dreg:$0x2] =	wrdreg s24  }
0xaf: {  	[dreg:$0x3] =	wrdreg $0x9  }
0xb0: {  	_ =	task.clear_ibuf [dreg:s6], $0x4FFFF;
	_ =	strace $0x9000004C  }
0xb1: {  	s29 =	simm.s32 $0x9;
	_ =	strace $0x8000004E  }
0xb2: {  	_ =	swait.ge [sflag:s29], $0x1  }
0xb3: {  	[sflag:s29] =	ssyncadd.s32 $0xFFFFFFFF  }
0xb4: {  	_ =	strace $0x9000004E  }
0xb5: {  	_ =	sfence  }
0xb6: {  	s30 =	sld [smem:$0x0];
	_ =	sdelay $0x2  }
0xb7: {  	s31 =	sshll.u32 s1, $0xD;
	s1 =	sshrl.u32 s1, $0x2  }
0xb8: {  	s3 =	sand.u32 $0x4000, s31;
	s1 =	sadd.s32 s1, s30  }
0xb9: {  	s0 =	sor.u32 s3, s0;
	s1 =	sshll.u32 s1, $0x11  }
0xba: {  	s0 =	sor.u32 s1, s0  }
0xbb: {  	s0 =	sadd.s32 $0x8F2B, s0  }
0xbc: {  	[sflag:s0] =	ssyncadd.remote.s32 $0x1  }
0xbd: {  	_ =	sfence.sel $0xFFFF  }
0xbe: {  	[dreg:$0x0] =	wrdreg $0xFFFFFFFF;
	(pc) =	sbr.abs _section_cstart, $3  }
0xbf: {  	[dreg:$0x1] =	wrdreg $0xFFFFFFFF  }
0xc0: {  	_ =	task.clear_ibuf [dreg:s6], $0x2FFFF;
	_ =	strace $0x9FFFFFFF  }
0xc1: {  	(tm) =	ssettm $0x7FFFFFFF  }
tec
execute0_lowered:
.L_overlay_start_1:
0x0: {  	(tag) =	ssettag $0x1  }
0x1: {  	s1 =	srdreg.scid;
	s0 =	stileid.u32  }
0x2: {  	s4 =	rddreg [dreg:$0x0];
	s2 =	simm.s32 $0x0;
	s9 =	simm.s32 $0x1400  }
0x3: {  	s10 =	simm.s32 $0x5400;
	s11 =	simm.s32 $0x100;
	s12 =	simm.s32 $0x9400  }
0x4: {  	s13 =	simm.s32 $0xB;
	s14 =	simm.s32 $0xC;
	s15 =	simm.s32 $0x7  }
0x5: {  	s16 =	simm.s32 $0x8;
	s17 =	simm.s32 $0x9;
	s18 =	simm.s32 $0xA  }
0x6: {  	s19 =	simm.s32 $0x0;
	s5 =	sand.u32 $0x1, s1;
	s3 =	sshll.u32 s0, $0x1  }
0x7: {  	[smem:$0x7FF] =	sst s2;
	s7 =	smul.u32 $0x28000, s0;
	s3 =	sor.u32 s5, s3  }
0x8: {  	_ =	strace $0x8000004D;
	s8 =	ssub.s32 $0x2, s5;
	s5 =	smul.u32 $0x14000, s5  }
0x9: {  	s6 =	smul.u32 $0x280, s3;
	s7 =	sadd.s32 s7, s4;
	s30 =	sshrl.u32 s8, $0x1  }
0xa: {  	s3 =	sadd.s32 $0x2BA000, s4;
	s8 =	ssub.s32 s8, s30;
	s31 =	sadd.s32 s5, s7  }
0xb: {  	s7 =	simm.s32 $0xD;
	s6 =	sadd.s32 s6, s4;
	s5 =	smax.u32 s8, $0x1  }
0xc: {  	s8 =	simm.s32 $0x80;
	s4 =	sadd.s32 $0x6E00, s6;
	s6 =	sadd.s32 $0x10E00, s31  }
.LBB2_1:
0xd: {  	[tilespmem:s2], [sflag:$0xD] =	stream.linear.gather [hbm4b:s4+s2], $0x1400, $0x38;
	[tilespmem:$0x19400] =	vst v63  }
0xe: {  	s20 =	smul.u32 $0xAB, s2  }
0xf: {  	p1 =	por $0x0, $0x0;
	_ =	swait.ge [sflag:s7], $0x1400  }
0x10: {  	s22 =	simm.s32 $0x3;
	[sflag:s7] =	ssyncset.done $0x0;
	s20 =	sshrl.u32 s20, $0xA  }
0x11: {  	s22 =	smul.u32 @!p1 $0xAB, s22;
	[sflag:s7] =	ssyncadd.s32 $0xFFFFEC00;
	s20 =	sand.u32 $0x3F, s20  }
0x12: {  	[tilespmem:s9], [sflag:$0x1] =	stream.indirect.gather [hbm4b:s3+s8], $0x80, s2, s8, $0xb8;
	[tilespmem:$0x19400] =	vst v63  }
0x13: {  	s23 =	simm.s32 $0x180;
	s21 =	simm.s32 $0x1;
	s20 =	smul.u32 $0x6, s20  }
0x14: {  	[tilespmem:s10], [sflag:$0x2] =	stream.indirect.gather [hbm4b:s3+s8], $0x80, s8, s8, $0xb8;
	[tilespmem:$0x19400] =	vst v63  }
0x15: {  	s24 =	simm.s32 $0x2;
	p0 =	por p1, p1;
	s20 =	ssub.s32 $0x0, s20  }
0x16: {  	p1 =	por @!p1 $0x1, $0x1;
	s25 =	sand.u32 $0xFF, s20;
	s20 =	sshrl.u32 @!p0 s22, $0xA  }
0x17: {  	[tilespmem:s12], [sflag:$0x3] =	stream.indirect.gather [hbm4b:s3+s8], $0x80, s11, s8, $0xb8;
	[tilespmem:$0x19400] =	vst v63  }
0x18: {  	s30 =	smul.u32 $0xAB, s21;
	s26 =	sadd.s32 $0x1, s25;
	s20 =	sand.u32 @!p0 $0x3F, s20  }
0x19: {  	p2 =	por p1, p0;
	s29 =	smul.u32 @!p0 $0x6, s20;
	_ =	swait.ge [sflag:s26], $0x4000  }
0x1a: {  	s28 =	sshll.u32 s25, $0xE;
	s25 =	sadd.s32 $0x7, s25;
	[sflag:s26] =	ssyncset.done $0x0  }
0x1b: {  	s28 =	sor.u32 $0x1400, s28;
	s29 =	ssub.s32 @!p0 $0x3, s29;
	[sflag:s26] =	ssyncadd.s32 $0xFFFFC000  }
0x1c: {  	[hbm4b:s6+s2] =	stream.linear.scatter [tilespmem:s28], [sflag:s25], $0x4000, $0x38;
	[tilespmem:$0x19400] =	vst v63  }
0x1d: {  	s22 =	sadd.s32 $0x800, s6;
	s20 =	simm.s32 $0x200;
	s29 =	sand.u32 @!p0 $0xFF, s29  }
0x1e: {  	s25 =	simm.s32 @!p0 $0x80;
	s26 =	sadd.s32 @!p2 $0x7, s29;
	s28 =	sshll.u32 @!p0 s29, $0xE  }
.LBB2_2:
0x1f: {  	p3 =	sgt.u32 s21, $0x24;
	_ =	swait.ge @!p2 [sflag:s26], $0x4000  }
0x20: {  	s29 =	sadd.s32 @!p0 $0x1, s29;
	s31 =	smov.u32 s24;
	s1 =	smov.u32 s22  }
0x21: {  	s0 =	sadd.s32 $0x3, s21;
	s30 =	sshrl.u32 s30, $0xA;
	[sflag:s26] =	ssyncset.done @!p2 $0x0  }
0x22: {  	s30 =	sand.u32 $0x3F, s30;
	[sflag:s26] =	ssyncadd.s32 @!p2 $0xFFFFC000;
	s26 =	sor.u32 @!p0 $0x1400, s28  }
0x23: {  	[tilespmem:s26], [sflag:s29] =	stream.indirect.gather @!p0 [hbm4b:s3+s25], $0x80, s23, s25, $0xb8;
	[tilespmem:$0x19400] =	vst v63  }
0x24: {  	s24 =	sadd.s32 $0x1, s24;
	p2 =	slt.u32 @!p3 s21, $0x3;
	s25 =	smul.u32 $0x6, s30  }
0x25: {  	p1 =	sne.s32 s24, $0x28;
	s26 =	smul.u32 @!p3 $0xAB, s0;
	s23 =	smov.u32 s20  }
0x26: {  	p0 =	por p3, p3;
	s25 =	ssub.s32 s21, s25;
	s21 =	smov.u32 s31  }
0x27: {  	s22 =	sadd.s32 $0x800, s22;
	s26 =	sshrl.u32 @!p0 s26, $0xA;
	s25 =	sand.u32 $0xFF, s25  }
0x28: {  	s26 =	sand.u32 @!p0 $0x3F, s26;
	s28 =	sadd.s32 $0x1, s25;
	s29 =	sshll.u32 s25, $0xE  }
0x29: {  	s20 =	sadd.s32 $0x80, s20;
	s26 =	smul.u32 @!p0 $0x6, s26;
	s30 =	sadd.s32 $0x7, s25  }
.Ltmp0:
0x2a: {  	s25 =	simm.s32 @!p0 $0x80;
	_ =	swait.ge [sflag:s28], $0x4000;
	(pc) =	sbr.rel @p1 .LBB2_2-.Ltmp0, $4  }
0x2b: {  	s31 =	sor.u32 $0x1400, s29;
	s0 =	ssub.s32 @!p0 s0, s26;
	[sflag:s28] =	ssyncset.done $0x0  }
0x2c: {  	p2 =	por p2, p0;
	s29 =	sand.u32 @!p0 $0xFF, s0;
	[sflag:s28] =	ssyncadd.s32 $0xFFFFC000  }
0x2d: {  	[hbm4b:s1+s2] =	stream.linear.scatter [tilespmem:s31], [sflag:s30], $0x4000, $0x38;
	[tilespmem:$0x19400] =	vst v63  }
0x2e: {  	s26 =	sadd.s32 @!p2 $0x7, s29;
	s28 =	sshll.u32 @!p0 s29, $0xE;
	s30 =	smul.u32 $0xAB, s21  }
0x2f: {  	_ =	swait.ge @!p2 [sflag:s26], $0x4000  }
0x30: {  	s0 =	sadd.s32 @!p0 $0x1, s29;
	s1 =	sshrl.u32 s30, $0xA;
	[sflag:s26] =	ssyncset.done @!p2 $0x0  }
0x31: {  	s24 =	sor.u32 @!p0 $0x1400, s28;
	s1 =	sand.u32 $0x3F, s1;
	[sflag:s26] =	ssyncadd.s32 @!p2 $0xFFFFC000  }
0x32: {  	[tilespmem:s24], [sflag:s0] =	stream.indirect.gather @!p0 [hbm4b:s3+s25], $0x80, s23, s25, $0xb8;
	[tilespmem:$0x19400] =	vst v63  }
0x33: {  	p1 =	sgt.u32 s21, $0x24;
	s0 =	sadd.s32 $0x3, s21;
	s1 =	smul.u32 $0x6, s1  }
0x34: {  	s23 =	smul.u32 @!p1 $0xAB, s0  }
0x35: {  	p0 =	por p1, p1  }
0x36: {  	s1 =	ssub.s32 s21, s1;
	s23 =	sshrl.u32 @!p0 s23, $0xA  }
0x37: {  	s1 =	sand.u32 $0xFF, s1;
	s23 =	sand.u32 @!p0 $0x3F, s23  }
0x38: {  	p1 =	slt.u32 @!p1 s21, $0x3;
	s30 =	sadd.s32 $0x1, s1;
	s23 =	smul.u32 @!p0 $0x6, s23  }
0x39: {  	p1 =	por p1, p0;
	s31 =	sshll.u32 s1, $0xE;
	_ =	swait.ge [sflag:s30], $0x4000  }
0x3a: {  	s1 =	sadd.s32 $0x7, s1;
	[sflag:s30] =	ssyncset.done $0x0;
	s0 =	ssub.s32 @!p0 s0, s23  }
0x3b: {  	s24 =	sor.u32 $0x1400, s31;
	[sflag:s30] =	ssyncadd.s32 $0xFFFFC000;
	s0 =	sand.u32 @!p0 $0xFF, s0  }
0x3c: {  	[hbm4b:s22+s2] =	stream.linear.scatter [tilespmem:s24], [sflag:s1], $0x4000, $0x38;
	[tilespmem:$0x19400] =	vst v63  }
0x3d: {  	s1 =	sadd.s32 @!p1 $0x7, s0  }
0x3e: {  	_ =	swait.ge @!p1 [sflag:s1], $0x4000  }
0x3f: {  	s21 =	simm.s32 @!p0 $0x80;
	s22 =	sshll.u32 @!p0 s0, $0xE;
	[sflag:s1] =	ssyncset.done @!p1 $0x0  }
0x40: {  	s0 =	sadd.s32 @!p0 $0x1, s0;
	[sflag:s1] =	ssyncadd.s32 @!p1 $0xFFFFC000;
	s1 =	sor.u32 @!p0 $0x1400, s22  }
0x41: {  	[tilespmem:s1], [sflag:s0] =	stream.indirect.gather @!p0 [hbm4b:s3+s21], $0x80, s20, s21, $0xb8;
	[tilespmem:$0x19400] =	vst v63  }
0x42: {  	_ =	swait.ge [sflag:s13], $0x4000  }
0x43: {  	[sflag:s13] =	ssyncset.done $0x0  }
0x44: {  	[sflag:s13] =	ssyncadd.s32 $0xFFFFC000  }
0x45: {  	_ =	swait.ge [sflag:s14], $0x4000  }
0x46: {  	[sflag:s14] =	ssyncset.done $0x0  }
0x47: {  	[sflag:s14] =	ssyncadd.s32 $0xFFFFC000  }
0x48: {  	_ =	swait.ge [sflag:s15], $0x4000  }
0x49: {  	[sflag:s15] =	ssyncset.done $0x0  }
0x4a: {  	[sflag:s15] =	ssyncadd.s32 $0xFFFFC000  }
0x4b: {  	_ =	swait.ge [sflag:s16], $0x4000  }
0x4c: {  	[sflag:s16] =	ssyncset.done $0x0  }
0x4d: {  	s19 =	sadd.s32 $0x1, s19;
	[sflag:s16] =	ssyncadd.s32 $0xFFFFC000  }
0x4e: {  	p0 =	sne.s32 s19, s5;
	_ =	swait.ge [sflag:s17], $0x4000  }
.Ltmp1:
0x4f: {  	[sflag:s17] =	ssyncset.done $0x0;
	(pc) =	sbr.rel @p0 .LBB2_1-.Ltmp1, $4  }
0x50: {  	[sflag:s17] =	ssyncadd.s32 $0xFFFFC000  }
0x51: {  	_ =	swait.ge [sflag:s18], $0x4000  }
0x52: {  	[sflag:s18] =	ssyncset.done $0x0  }
0x53: {  	[sflag:s18] =	ssyncadd.s32 $0xFFFFC000  }
0x54: {  	_ =	sfence.sel $0x180000  }
0x55: {  	[bflag:$0x0] =	sbarrier.arrive $0xFFFF  }
0x56: {  	_ =	strace $0x9000004D  }
0x57: {  	s0 =	stileid.u32;
	[bflag:$0x2] =	sbarrier.arrive $0xFFFF  }
0x58: {  	p0 =	sne.s32 s0, $0x0;
	s0 =	rddreg [dreg:$0x1]  }
0x59: {  	s0 =	sadd.s32 @!p0 $0x100000, s0  }
0x5a: {  	[sflag:s0] =	ssyncadd.tile.s32 @!p0 $0x1;
	_ =	shalt  }
.Lfunc_end2:
_tile_overlayer_lowered:
.L_overlay_start_2:
0x5b: {  	(tag) =	ssettag $0x2  }
0x5c: {  	s0 =	rddreg [dreg:$0x0];
	s2 =	stileid.u32  }
0x5d: {  	s1 =	rddreg [dreg:$0x1];
	p0 =	sne.s32 s2, $0x0  }
0x5e: {  	s3 =	rddreg [dreg:$0x2];
	[bflag:$0x3] =	sbarrier.arrive $0xFFFF;
	s2 =	simm.s32 @!p0 $0x1C0D  }
0x5f: {  	[timem:s3], [sflag:s2] =	dma.local @!p0 [hbm:s0], s1  }
0x60: {  	s0 =	simm.s32 @!p0 $0xD  }
0x61: {  	_ =	swait.ge @!p0 [sflag:s0], s1  }
0x62: {  	s1 =	ssub.s32 @!p0 $0x0, s1;
	[sflag:s0] =	ssyncset.done @!p0 $0x0  }
0x63: {  	[sflag:s0] =	ssyncadd.s32 @!p0 s1  }
0x64: {  	[bflag:$0x3] =	sbarrier.arrive $0xFFFF  }
0x65: {  	_ =	shalt  }

// kernel: kernel.25.cloned.1.call-start
scs
__scs_entry_jumppad:
0x0: {  	(pc) =	sbr.rel $0x88, $3  }
0x1: {  	(tag) =	ssettag $0x0;
	lr =	simm.s32 $0x1  }
0x2: {  	[smem:$0x3F91] =	sst lr;
	_ =	strace $0xD0000000  }
0x3: {  	_ = 	snop  }
0x4: {  	_ = 	snop  }
0x5: {  	_ = 	snop  }
0x6: {  	_ = 	snop  }
0x7: {  	_ = 	snop  }
__scs_overlays_trampoline_lowered:
0x8: {  	[smem:$0x3FA0] =	sst s0  }
0x9: {  	[smem:$0x3FA1] =	sst s1  }
0xa: {  	[smem:$0x3FA2] =	sst s2  }
0xb: {  	[smem:$0x3FA3] =	sst s3  }
0xc: {  	[smem:$0x3FA4] =	sst s4  }
0xd: {  	[smem:$0x3FA5] =	sst s5  }
0xe: {  	[smem:$0x3FA6] =	sst s6  }
0xf: {  	[smem:$0x3FA7] =	sst s7  }
0x10: {  	[smem:$0x3FA8] =	sst s8  }
0x11: {  	[smem:$0x3FA9] =	sst s9;
	s0 =	simm.s32 @!p0 $0x0  }
0x12: {  	s1 =	sld [smem:$0x3F8F];
	s0 =	simm.s32 @p0 $0x1  }
0x13: {  	[smem:$0x3FAA] =	sst s0;
	s0 =	simm.s32 @!p1 $0x0  }
0x14: {  	s2 =	sld [smem:$0x3F8E];
	s0 =	simm.s32 @p1 $0x1  }
0x15: {  	[smem:$0x3FAB] =	sst s0;
	s0 =	simm.s32 @!p2 $0x0  }
0x16: {  	s3 =	sld [smem:$0x3FDB];
	s0 =	simm.s32 @p2 $0x1  }
0x17: {  	s4 =	simm.s32 $0x1BF5;
	[smem:$0x3FAD] =	sst s0  }
0x18: {  	s0 =	sld [smem:$0x3F90];
	_ =	swait.ge [sflag:s4], $0x0  }
0x19: {  	s7 =	sld [smem:$0x3F91]  }
0x1a: {  	s8 =	sadd.s32 $0xFFFFE003, lr  }
0x1b: {  	s9 =	sadd.s32 $0xFFFFFEF7, lr;
	s5 =	simm.s32 $0xFFFFFFFF;
	p2 =	slt.u32 s8, $0xFFFFF086  }
0x1c: {  	p1 =	slt.u32 s9, $0xF7A;
	s5 =	simm.s32 @!p2 $0x0  }
0x1d: {  	s5 =	simm.s32 @p1 $0x1;
	p0 =	seq.s32 s7, s2  }
0x1e: {  	s7 =	smul.u32 @!p0 $0xF7A, s2;
	p2 =	seq.s32 @!p0 s5, $0x0  }
0x1f: {  	s9 =	smul.u32 $0xF7A, s1;
	s8 =	simm.s32 @!p0 $0x1BF5;
	p2 =	por !p2, p0  }
0x20: {  	[sflag:s8] =	ssyncset.s32 @!p0 $0xFFFFF086;
	s6 =	sadd.s32 @!p0 s3, s7;
	s7 =	simm.s32 @!p0 $0x108  }
0x21: {  	s3 =	sadd.s32 s3, s9;
	s6 =	sadd.s32 @!p0 $0x88, s6;
	s7 =	simm.s32 @p2 $0x1082  }
0x22: {  	[simem:s7], [sflag:s8] =	dma.local @!p0 [hbm:s6], $0xF7A  }
0x23: {  	s9 =	sor.u32 $0xD0000000, s2;
	s6 =	simm.s32 $0x108;
	_ =	swait.ge @!p0 [sflag:s8], $0x0  }
0x24: {  	s3 =	sadd.s32 $0x88, s3;
	s6 =	simm.s32 @!p1 $0x1082;
	[sflag:s4] =	ssyncset.s32 $0xFFFFF086  }
0x25: {  	[simem:s6], [sflag:s4] =	dma.local [hbm:s3], $0xF7A  }
0x26: {  	[smem:$0x3F91] =	sst s1;
	(tag) =	ssettag s2;
	_ =	strace s9  }
0x27: {  	s1 =	sld [smem:$0x3FA1]  }
0x28: {  	s2 =	sld [smem:$0x3FA2]  }
0x29: {  	s4 =	sld [smem:$0x3FA4]  }
0x2a: {  	p0 =	seq.s32 s5, $0x0;
	s5 =	sld [smem:$0x3FA5]  }
0x2b: {  	s6 =	sld [smem:$0x3FA6]  }
0x2c: {  	s7 =	sld [smem:$0x3FA7]  }
0x2d: {  	s3 =	simm.s32 $0x108;
	s8 =	sld [smem:$0x3FA8]  }
0x2e: {  	s3 =	simm.s32 @!p0 $0x1082;
	s9 =	sld [smem:$0x3FA9]  }
0x2f: {  	lr =	sadd.s32 s0, s3;
	s0 =	sld [smem:$0x3FA0]  }
0x30: {  	s3 =	sld [smem:$0x3FA3]  }
0x31: {  	[smem:$0x3FAC] =	sst s10  }
0x32: {  	s10 =	sld [smem:$0x3FAA];
	_ =	sdelay $0x3  }
0x33: {  	p0 =	seq.s32 s10, $0x1;
	s10 =	sld [smem:$0x3FAC];
	_ =	sdelay $0x3  }
0x34: {  	[smem:$0x3FAC] =	sst s10  }
0x35: {  	s10 =	sld [smem:$0x3FAB];
	_ =	sdelay $0x3  }
0x36: {  	p1 =	seq.s32 s10, $0x1;
	s10 =	sld [smem:$0x3FAC];
	_ =	sdelay $0x3  }
0x37: {  	[smem:$0x3FAC] =	sst s10  }
0x38: {  	s10 =	sld [smem:$0x3FAD]  }
0x39: {  	_ = 	snop;
	(pc) =	sbr.ind lr, $3  }
0x3a: {  	_ = 	snop  }
0x3b: {  	_ = 	snop  }
0x3c: {  	p2 =	seq.s32 s10, $0x1;
	s10 =	sld [smem:$0x3FAC]  }
0x3d: {  	_ =	shalt  }
0x3e: {  	_ =	shalt  }
0x3f: {  	_ =	shalt  }
0x40: {  	_ =	shalt  }
0x41: {  	_ =	shalt  }
0x42: {  	_ =	shalt  }
0x43: {  	_ =	shalt  }
0x44: {  	_ =	shalt  }
0x45: {  	_ =	shalt  }
0x46: {  	_ =	shalt  }
0x47: {  	_ =	shalt  }
0x48: {  	_ =	shalt  }
0x49: {  	_ =	shalt  }
0x4a: {  	_ =	shalt  }
0x4b: {  	_ =	shalt  }
0x4c: {  	_ =	shalt  }
0x4d: {  	_ =	shalt  }
0x4e: {  	_ =	shalt  }
0x4f: {  	_ =	shalt  }
0x50: {  	_ =	shalt  }
0x51: {  	_ =	shalt  }
0x52: {  	_ =	shalt  }
0x53: {  	_ =	shalt  }
0x54: {  	_ =	shalt  }
0x55: {  	_ =	shalt  }
0x56: {  	_ =	shalt  }
0x57: {  	_ =	shalt  }
0x58: {  	_ =	shalt  }
0x59: {  	_ =	shalt  }
0x5a: {  	_ =	shalt  }
0x5b: {  	_ =	shalt  }
0x5c: {  	_ =	shalt  }
0x5d: {  	_ =	shalt  }
0x5e: {  	_ =	shalt  }
0x5f: {  	_ =	shalt  }
0x60: {  	_ =	shalt  }
0x61: {  	_ =	shalt  }
0x62: {  	_ =	shalt  }
0x63: {  	_ =	shalt  }
0x64: {  	_ =	shalt  }
0x65: {  	_ =	shalt  }
0x66: {  	_ =	shalt  }
0x67: {  	_ =	shalt  }
0x68: {  	_ =	shalt  }
0x69: {  	_ =	shalt  }
0x6a: {  	_ =	shalt  }
0x6b: {  	_ =	shalt  }
0x6c: {  	_ =	shalt  }
0x6d: {  	_ =	shalt  }
0x6e: {  	_ =	shalt  }
0x6f: {  	_ =	shalt  }
0x70: {  	_ =	shalt  }
0x71: {  	_ =	shalt  }
0x72: {  	_ =	shalt  }
0x73: {  	_ =	shalt  }
0x74: {  	_ =	shalt  }
0x75: {  	_ =	shalt  }
0x76: {  	_ =	shalt  }
0x77: {  	_ =	shalt  }
0x78: {  	_ =	shalt  }
0x79: {  	_ =	shalt  }
0x7a: {  	_ =	shalt  }
0x7b: {  	_ =	shalt  }
0x7c: {  	_ =	shalt  }
0x7d: {  	_ =	shalt  }
0x7e: {  	_ =	shalt  }
0x7f: {  	_ =	shalt  }
0x80: {  	_ =	shalt  }
0x81: {  	_ =	shalt  }
0x82: {  	_ =	shalt  }
0x83: {  	_ =	shalt  }
0x84: {  	_ =	shalt  }
0x85: {  	_ =	shalt  }
0x86: {  	_ =	shalt  }
0x87: {  	_ =	shalt  }
.Lfunc_end0:
.L_simem_size_0:
called_computation.3_lowered:
.L_overlay_start_0:
0x88: {  	s2 =	sld [smem:$0x3FD9]  }
0x89: {  	s3 =	sld [smem:$0x3FFE];
	_ =	sdelay $0x1  }
0x8a: {  	s1 =	srdreg.scid  }
0x8b: {  	s0 =	sand.u32 $0x1, s1  }
0x8c: {  	s16 =	sshll.u32 s0, $0xA;
	s2 =	sadd.s32 s3, s2  }
0x8d: {  	s2 =	sadd.s32 s2, s16  }
0x8e: {  	[smem:$0x3FB8] =	sst s2  }
0x8f: {  	_ = 	snop  }
0x90: {  	(tm) =	ssettm $0x1  }
0x91: {  	s17 =	sld [smem:$0x3FFB];
	_ =	sdelay $0x3  }
0x92: {  	_ =	strace s17  }
0x93: {  	s2 =	sld [smem:$0x3FFC];
	_ =	sdelay $0x3  }
0x94: {  	_ =	strace s2  }
0x95: {  	s2 =	sld [smem:$0x3FFD];
	_ =	sdelay $0x3  }
0x96: {  	_ =	strace s2  }
0x97: {  	_ =	strace $0x8FFFFFFF  }
0x98: {  	s18 =	sld [smem:$0x3FDB];
	_ =	sdelay $0x1  }
0x99: {  	s19 =	simm.s32 $_scs_section_size  }
0x9a: {  	s4 =	simm.s32 $_size__tile_overlayer_lowered;
	s5 =	simm.s32 $_tile_overlayer_lowered  }
0x9b: {  	s22 =	simm.s32 $0x1BFF;
	s21 =	sshll.u32 s5, $0x1;
	s2 =	sadd.s32 s19, s18  }
0x9c: {  	s6 =	simm.s32 $0x0;
	s20 =	sshll.u32 s4, $0x1;
	s4 =	sadd.s32 s21, s2  }
0x9d: {  	[timem:s6], [sflag:s22] =	dma.local [hbm:s4], s20  }
0x9e: {  	_ =	swait.ge [sflag:s22], s20  }
0x9f: {  	s3 =	ssub.s32 $0x0, s20;
	[sflag:s22] =	ssyncset.done $0x0  }
0xa0: {  	[sflag:s22] =	ssyncadd.s32 s3;
	_ =	sdelay $0x1  }
0xa1: {  	s23 =	simm.s32 $0x1B8B  }
0xa2: {  	_ =	swait.ge [sflag:s23], $0x1  }
0xa3: {  	[sflag:s23] =	ssyncset.done $0x0  }
0xa4: {  	s25 =	simm.s32 $0x1B8E;
	s24 =	sld [smem:$0x3FFE];
	[sflag:s23] =	ssyncadd.s32 $0xFFFFFFFF  }
0xa5: {  	s26 =	simm.s32 $execute0_lowered;
	[smem:$0x3FD2] =	sst s25  }
0xa6: {  	s4 =	sshll.u32 s26, $0x1;
	_ =	strace $0x8000004F;
	[dreg:$0x1] =	wrdreg $0xFFFFFFFF  }
0xa7: {  	s28 =	simm.s32 $_size_execute0_lowered;
	s2 =	sadd.s32 s2, s4;
	[dreg:$0x0] =	wrdreg $0x0  }
0xa8: {  	s4 =	sshll.u32 s28, $0x1;
	[dreg:$0x2] =	wrdreg s2  }
0xa9: {  	[dreg:$0x3] =	wrdreg s4  }
0xaa: {  	[dreg:$0x4] =	wrdreg $0xC0  }
0xab: {  	_ =	task [dreg:s6], $0x5FFFF  }
0xac: {  	[dreg:$0x1] =	wrdreg $0xFFFFFFFF  }
0xad: {  	[dreg:$0x0] =	wrdreg $0x60  }
0xae: {  	[dreg:$0x2] =	wrdreg s24  }
0xaf: {  	[dreg:$0x3] =	wrdreg $0xB4000  }
0xb0: {  	[dreg:$0x4] =	wrdreg $0x9  }
0xb1: {  	_ =	task.clear_ibuf [dreg:s6], $0x5FFFF;
	_ =	strace $0x9000004F  }
0xb2: {  	s29 =	simm.s32 $0x9;
	_ =	strace $0x80000051  }
0xb3: {  	_ =	swait.ge [sflag:s29], $0x1  }
0xb4: {  	[sflag:s29] =	ssyncadd.s32 $0xFFFFFFFF  }
0xb5: {  	_ =	strace $0x90000051  }
0xb6: {  	_ =	sfence  }
0xb7: {  	s30 =	sld [smem:$0x0];
	_ =	sdelay $0x2  }
0xb8: {  	s31 =	sshll.u32 s1, $0xD;
	s1 =	sshrl.u32 s1, $0x2  }
0xb9: {  	s3 =	sand.u32 $0x4000, s31;
	s1 =	sadd.s32 s1, s30  }
0xba: {  	s0 =	sor.u32 s3, s0;
	s1 =	sshll.u32 s1, $0x11  }
0xbb: {  	s0 =	sor.u32 s1, s0  }
0xbc: {  	s0 =	sadd.s32 $0x8F2B, s0  }
0xbd: {  	[sflag:s0] =	ssyncadd.remote.s32 $0x1  }
0xbe: {  	_ =	sfence.sel $0xFFFF  }
0xbf: {  	[dreg:$0x0] =	wrdreg $0xFFFFFFFF;
	(pc) =	sbr.abs _section_cstart, $3  }
0xc0: {  	[dreg:$0x1] =	wrdreg $0xFFFFFFFF  }
0xc1: {  	_ =	task.clear_ibuf [dreg:s6], $0x2FFFF;
	_ =	strace $0x9FFFFFFF  }
0xc2: {  	(tm) =	ssettm $0x7FFFFFFF  }
0xc3: {  	_ =	shalt  }
tec
execute0_lowered:
.L_overlay_start_1:
0x0: {  	(tag) =	ssettag $0x1  }
0x1: {  	s0 =	srdreg.scid  }
0x2: {  	s20 =	stileid.u32;
	s3 =	rddreg [dreg:$0x0]  }
0x3: {  	s1 =	rddreg [dreg:$0x1];
	s23 =	smul.u32 $0x280, s20  }
0x4: {  	s2 =	simm.s32 $0x0;
	s0 =	sand.u32 $0x1, s0;
	s25 =	smul.u32 $0x2800, s20  }
0x5: {  	s4 =	sshll.u32 s20, $0x1;
	[smem:$0x7FF] =	sst s2;
	s7 =	smul.u32 $0x28000, s0  }
0x6: {  	s4 =	sor.u32 s0, s4;
	s8 =	ssub.s32 $0x2, s0;
	s0 =	smul.u32 $0x14000, s0  }
0x7: {  	s6 =	sadd.s32 $0x7AA200, s3;
	s5 =	smul.u32 $0x280, s4;
	s9 =	sshrl.u32 s8, $0x1  }
0x8: {  	s4 =	smul.u32 $0x14000, s4;
	s10 =	sor.u32 $0x40, s23;
	s11 =	sadd.s32 $0x80, s23  }
0x9: {  	s14 =	sadd.s32 $0xC0, s23;
	s16 =	sadd.s32 $0x100, s23;
	s17 =	sadd.s32 $0x140, s23  }
0xa: {  	s21 =	sadd.s32 $0x180, s23;
	s24 =	sadd.s32 $0x1C0, s23;
	s12 =	sshll.u32 s10, $0x4  }
0xb: {  	s13 =	sshll.u32 s11, $0x4;
	s15 =	sshll.u32 s14, $0x4;
	s18 =	sshll.u32 s16, $0x4  }
0xc: {  	s19 =	sshll.u32 s17, $0x4;
	s22 =	sshll.u32 s21, $0x4;
	s26 =	sshll.u32 s24, $0x4  }
0xd: {  	s14 =	sshll.u32 s14, $0x7;
	s24 =	sshll.u32 s24, $0x7;
	s5 =	sadd.s32 s5, s3  }
0xe: {  	s3 =	sadd.s32 s7, s3;
	s7 =	ssub.s32 s8, s9;
	s9 =	smul.u32 $0x50000, s20  }
0xf: {  	s4 =	sadd.s32 s6, s4;
	s20 =	smul.u32 $0x28000, s20;
	s3 =	sadd.s32 $0x30AE00, s3  }
0x10: {  	s8 =	sadd.s32 $0x240, s23;
	[dreg:$0x3] =	wrdreg s4;
	s4 =	sadd.s32 s25, s3  }
0x11: {  	s24 =	sadd.s32 s24, s1;
	s12 =	sadd.s32 s12, s3;
	[dreg:$0x4] =	wrdreg s4  }
0x12: {  	s5 =	sadd.s32 $0xBE00, s5;
	s13 =	sadd.s32 s13, s3;
	[dreg:$0x5] =	wrdreg s12  }
0x13: {  	s6 =	sadd.s32 s20, s6;
	s15 =	sadd.s32 s15, s3;
	[dreg:$0x6] =	wrdreg s13  }
0x14: {  	s18 =	sadd.s32 s18, s3;
	s19 =	sadd.s32 s19, s3;
	[dreg:$0x7] =	wrdreg s15  }
0x15: {  	s22 =	sadd.s32 s22, s3;
	s20 =	sshll.u32 s16, $0x7;
	[dreg:$0x8] =	wrdreg s18  }
0x16: {  	s0 =	sadd.s32 s0, s6;
	s6 =	sadd.s32 $0x200, s23;
	[dreg:$0x9] =	wrdreg s19  }
0x17: {  	[dreg:$0xa] =	wrdreg s22;
	s23 =	sadd.s32 s26, s3;
	s26 =	sshll.u32 s8, $0x4  }
0x18: {  	s12 =	sshll.u32 s10, $0x7;
	s13 =	sshll.u32 s11, $0x7;
	s19 =	sadd.s32 s14, s1  }
0x19: {  	s22 =	sshll.u32 s17, $0x7;
	s10 =	simm.s32 $0x80;
	s11 =	simm.s32 $0x2  }
0x1a: {  	[dreg:$0xb] =	wrdreg s23;
	s25 =	sshll.u32 s6, $0x4;
	s18 =	sadd.s32 s13, s1  }
0x1b: {  	s23 =	sshll.u32 s21, $0x7;
	s22 =	sadd.s32 s22, s1;
	s4 =	sadd.s32 s25, s3  }
0x1c: {  	s28 =	sadd.s32 $0x800, s0;
	s3 =	sadd.s32 s26, s3;
	[dreg:$0xc] =	wrdreg s4  }
0x1d: {  	s23 =	sadd.s32 s23, s1;
	[dreg:$0xd] =	wrdreg s3;
	s4 =	sshrl.u32 s9, $0x2  }
0x1e: {  	s9 =	smax.u32 s7, $0x1;
	_ =	strace $0x80000050;
	[dreg:$0xe] =	wrdreg s5  }
0x1f: {  	s25 =	sshll.u32 s6, $0x7;
	s3 =	sadd.s32 s12, s1;
	[dreg:$0xf] =	wrdreg s9  }
0x20: {  	s26 =	sshll.u32 s8, $0x7;
	s25 =	sadd.s32 s25, s1;
	[dreg:$0x10] =	wrdreg s3  }
0x21: {  	s26 =	sadd.s32 s26, s1;
	s7 =	simm.s32 $0x9400;
	[dreg:$0x11] =	wrdreg s18  }
0x22: {  	s12 =	simm.s32 $0x0;
	[dreg:$0x12] =	wrdreg s19;
	s3 =	sadd.s32 s20, s1  }
0x23: {  	s15 =	sadd.s32 s4, s1;
	s9 =	simm.s32 $0x3;
	[dreg:$0x13] =	wrdreg s3  }
0x24: {  	s29 =	sadd.s32 $0x2000, s15;
	s30 =	sadd.s32 $0x4000, s15;
	s31 =	sadd.s32 $0x6000, s15  }
0x25: {  	s8 =	sadd.s32 $0x8000, s15;
	s0 =	sadd.s32 $0xA000, s15;
	s3 =	sadd.s32 $0xC000, s15  }
0x26: {  	v0 =	vimm.f32 $0.0e+00;
	s4 =	sadd.s32 $0xE000, s15;
	s5 =	sadd.s32 $0x10000, s15;
	s6 =	sadd.s32 $0x12000, s15  }
.LBB2_1:
0x27: {  	s13 =	simm.s32 $0x0;
	s14 =	simm.s32 $0x200  }
.LBB2_2:
0x28: {  	p0 =	sne.s32 s14, $0x7E00;
	[tilespmem:s13+$0x9470] =	vst v0  }
0x29: {  	[tilespmem:s13+$0x9400] =	vst v0  }
0x2a: {  	[tilespmem:s13+$0x9410] =	vst v0  }
.Ltmp0:
0x2b: {  	[tilespmem:s13+$0x9420] =	vst v0;
	(pc) =	sbr.rel @p0 .LBB2_2-.Ltmp0, $4  }
0x2c: {  	[tilespmem:s13+$0x9430] =	vst v0  }
0x2d: {  	[tilespmem:s13+$0x9440] =	vst v0  }
0x2e: {  	[tilespmem:s13+$0x9450] =	vst v0  }
0x2f: {  	[tilespmem:s13+$0x9460] =	vst v0;
	s13 =	sshra.s32 s14, $0x2;
	s14 =	sadd.s32 $0x200, s14  }
0x30: {  	[tilespmem:s13+$0x9470] =	vst v0  }
0x31: {  	[tilespmem:s13+$0x9400] =	vst v0  }
0x32: {  	[tilespmem:s13+$0x9410] =	vst v0  }
0x33: {  	[tilespmem:s13+$0x9420] =	vst v0  }
0x34: {  	[tilespmem:s13+$0x9430] =	vst v0  }
0x35: {  	[tilespmem:s13+$0x9440] =	vst v0  }
0x36: {  	[tilespmem:s13+$0x9450] =	vst v0  }
0x37: {  	[tilespmem:s13+$0x9460] =	vst v0  }
0x38: {  	[spmem:s15] =	stream.linear.scatter [tilespmem:s7], [sflag:$0x3], $0x2000, $0x38;
	[tilespmem:$0x1F400] =	vst v63  }
0x39: {  	_ =	swait.ge [sflag:s9], $0x2000  }
0x3a: {  	[sflag:s9] =	ssyncset.done $0x0  }
0x3b: {  	[sflag:s9] =	ssyncadd.s32 $0xFFFFE000  }
0x3c: {  	[spmem:s29] =	stream.linear.scatter [tilespmem:s7], [sflag:$0x3], $0x2000, $0x38;
	[tilespmem:$0x1F400] =	vst v63  }
0x3d: {  	_ =	swait.ge [sflag:s9], $0x2000  }
0x3e: {  	[sflag:s9] =	ssyncset.done $0x0  }
0x3f: {  	[sflag:s9] =	ssyncadd.s32 $0xFFFFE000  }
0x40: {  	[spmem:s30] =	stream.linear.scatter [tilespmem:s7], [sflag:$0x3], $0x2000, $0x38;
	[tilespmem:$0x1F400] =	vst v63  }
0x41: {  	_ =	swait.ge [sflag:s9], $0x2000  }
0x42: {  	[sflag:s9] =	ssyncset.done $0x0  }
0x43: {  	[sflag:s9] =	ssyncadd.s32 $0xFFFFE000  }
0x44: {  	[spmem:s31] =	stream.linear.scatter [tilespmem:s7], [sflag:$0x3], $0x2000, $0x38;
	[tilespmem:$0x1F400] =	vst v63  }
0x45: {  	_ =	swait.ge [sflag:s9], $0x2000  }
0x46: {  	[sflag:s9] =	ssyncset.done $0x0  }
0x47: {  	[sflag:s9] =	ssyncadd.s32 $0xFFFFE000  }
0x48: {  	[spmem:s8] =	stream.linear.scatter [tilespmem:s7], [sflag:$0x3], $0x2000, $0x38;
	[tilespmem:$0x1F400] =	vst v63  }
0x49: {  	_ =	swait.ge [sflag:s9], $0x2000  }
0x4a: {  	[sflag:s9] =	ssyncset.done $0x0  }
0x4b: {  	[sflag:s9] =	ssyncadd.s32 $0xFFFFE000  }
0x4c: {  	[spmem:s0] =	stream.linear.scatter [tilespmem:s7], [sflag:$0x3], $0x2000, $0x38;
	[tilespmem:$0x1F400] =	vst v63  }
0x4d: {  	_ =	swait.ge [sflag:s9], $0x2000  }
0x4e: {  	[sflag:s9] =	ssyncset.done $0x0  }
0x4f: {  	[sflag:s9] =	ssyncadd.s32 $0xFFFFE000  }
0x50: {  	[spmem:s3] =	stream.linear.scatter [tilespmem:s7], [sflag:$0x3], $0x2000, $0x38;
	[tilespmem:$0x1F400] =	vst v63  }
0x51: {  	_ =	swait.ge [sflag:s9], $0x2000  }
0x52: {  	[sflag:s9] =	ssyncset.done $0x0  }
0x53: {  	[sflag:s9] =	ssyncadd.s32 $0xFFFFE000  }
0x54: {  	[spmem:s4] =	stream.linear.scatter [tilespmem:s7], [sflag:$0x3], $0x2000, $0x38;
	[tilespmem:$0x1F400] =	vst v63  }
0x55: {  	_ =	swait.ge [sflag:s9], $0x2000  }
0x56: {  	[sflag:s9] =	ssyncset.done $0x0  }
0x57: {  	[sflag:s9] =	ssyncadd.s32 $0xFFFFE000  }
0x58: {  	[spmem:s5] =	stream.linear.scatter [tilespmem:s7], [sflag:$0x3], $0x2000, $0x38;
	[tilespmem:$0x1F400] =	vst v63  }
0x59: {  	_ =	swait.ge [sflag:s9], $0x2000  }
0x5a: {  	[sflag:s9] =	ssyncset.done $0x0  }
0x5b: {  	[sflag:s9] =	ssyncadd.s32 $0xFFFFE000  }
0x5c: {  	[spmem:s6] =	stream.linear.scatter [tilespmem:s7], [sflag:$0x3], $0x2000, $0x38;
	[tilespmem:$0x1F400] =	vst v63  }
0x5d: {  	_ =	swait.ge [sflag:s9], $0x2000  }
0x5e: {  	[sflag:s9] =	ssyncset.done $0x0  }
0x5f: {  	[sflag:s9] =	ssyncadd.s32 $0xFFFFE000  }
0x60: {  	[bflag:$0x0] =	sbarrier.arrive $0xFFFF  }
0x61: {  	s13 =	simm.s32 $0x0;
	s14 =	rddreg [dreg:$0xe]  }
0x62: {  	[tilespmem:s13], [sflag:$0x3] =	stream.linear.gather [hbm4b:s14+s13], $0x1400, $0x38;
	[tilespmem:$0x1F400] =	vst v63  }
0x63: {  	s16 =	simm.s32 $0x1400;
	s19 =	simm.s32 $0x0;
	_ =	swait.ge [sflag:s9], $0x1400  }
0x64: {  	s20 =	simm.s32 $0x1;
	s14 =	sand.u32 $0x1, s19;
	[sflag:s9] =	ssyncset.done $0x0  }
0x65: {  	s17 =	sadd.s32 $0x1, s14;
	s18 =	rddreg [dreg:$0x3];
	[sflag:s9] =	ssyncadd.s32 $0xFFFFEC00  }
0x66: {  	[tilespmem:s16], [sflag:$0x1] =	stream.linear.gather [hbm4b:s18+s13], $0x4000, $0x38;
	[tilespmem:$0x1F400] =	vst v63  }
0x67: {  	s16 =	sand.u32 $0x1, s20;
	_ =	swait.ge [sflag:s17], $0x4000  }
0x68: {  	s14 =	sshll.u32 s14, $0xE;
	s18 =	sshll.u32 s16, $0xE;
	[sflag:s17] =	ssyncset.done $0x0  }
0x69: {  	s16 =	sadd.s32 $0x1, s16;
	s21 =	sor.u32 $0x1400, s18;
	[sflag:s17] =	ssyncadd.s32 $0xFFFFC000  }
0x6a: {  	[tilespmem:s21], [sflag:s16] =	stream.linear.gather [hbm4b:s28+s2], $0x4000, $0x38;
	[tilespmem:$0x1F400] =	vst v63  }
0x6b: {  	s14 =	sor.u32 $0x1400, s14;
	s18 =	simm.s32 $0x1  }
0x6c: {  	[spmem:s1] =	stream.indirect.scatter.add.f32 [tilespmem:s14], [sflag:$0x3], $0x80, s13, s10, $0xb8;
	[tilespmem:$0x1F400] =	vst v63  }
0x6d: {  	s17 =	simm.s32 $0x3;
	s16 =	simm.s32 $0x2;
	_ =	swait.ge [sflag:s9], $0x4000  }
0x6e: {  	s13 =	sadd.s32 $0x800, s28;
	s14 =	simm.s32 $0x80;
	[sflag:s9] =	ssyncset.done $0x0  }
.LBB2_4:
0x6f: {  	s18 =	sand.u32 $0x1, s18  }
0x70: {  	[sflag:s9] =	ssyncadd.s32 $0xFFFFC000;
	s19 =	smov.u32 s17;
	s20 =	sadd.s32 $0x1, s17  }
0x71: {  	p0 =	sne.s32 s17, $0x27;
	s17 =	sadd.s32 $0x1, s18;
	s18 =	sshll.u32 s18, $0xE  }
0x72: {  	s21 =	sand.u32 $0x1, s16;
	s16 =	smov.u32 s19;
	_ =	swait.ge [sflag:s17], $0x4000  }
0x73: {  	s19 =	sshll.u32 s21, $0xE;
	[sflag:s17] =	ssyncset.done $0x0  }
0x74: {  	[sflag:s17] =	ssyncadd.s32 $0xFFFFC000;
	s17 =	sor.u32 $0x1400, s19;
	s19 =	sadd.s32 $0x1, s21  }
0x75: {  	[tilespmem:s17], [sflag:s19] =	stream.linear.gather [hbm4b:s13+s2], $0x4000, $0x38;
	[tilespmem:$0x1F400] =	vst v63  }
.Ltmp1:
0x76: {  	_ = 	snop;
	(pc) =	sbr.rel @p0 .LBB2_4-.Ltmp1, $4  }
0x77: {  	s17 =	sor.u32 $0x1400, s18  }
0x78: {  	[spmem:s1] =	stream.indirect.scatter.add.f32 [tilespmem:s17], [sflag:$0x3], $0x80, s14, s10, $0xb8;
	[tilespmem:$0x1F400] =	vst v63  }
0x79: {  	s13 =	sadd.s32 $0x800, s13;
	s18 =	sadd.s32 $0xFFFFFFFF, s16;
	_ =	swait.ge [sflag:s9], $0x4000  }
0x7a: {  	s14 =	sadd.s32 $0x80, s14;
	s17 =	smov.u32 s20;
	[sflag:s9] =	ssyncset.done $0x0  }
0x7b: {  	s17 =	sand.u32 $0x1, s18  }
0x7c: {  	[sflag:s9] =	ssyncadd.s32 $0xFFFFC000;
	s18 =	sadd.s32 $0x1, s17  }
0x7d: {  	s16 =	sand.u32 $0x1, s16;
	_ =	swait.ge [sflag:s18], $0x4000  }
0x7e: {  	s19 =	sshll.u32 s16, $0xE;
	s16 =	sadd.s32 $0x1, s16;
	[sflag:s18] =	ssyncset.done $0x0  }
0x7f: {  	s21 =	sor.u32 $0x1400, s19;
	[sflag:s18] =	ssyncadd.s32 $0xFFFFC000;
	s18 =	sshll.u32 s17, $0xE  }
0x80: {  	[tilespmem:s21], [sflag:s16] =	stream.linear.gather [hbm4b:s13+s2], $0x4000, $0x38;
	[tilespmem:$0x1F400] =	vst v63  }
0x81: {  	s13 =	sor.u32 $0x1400, s18  }
0x82: {  	[spmem:s1] =	stream.indirect.scatter.add.f32 [tilespmem:s13], [sflag:$0x3], $0x80, s14, s10, $0xb8;
	[tilespmem:$0x1F400] =	vst v63  }
0x83: {  	_ =	swait.ge [sflag:s9], $0x4000  }
0x84: {  	[sflag:s9] =	ssyncset.done $0x0  }
0x85: {  	[sflag:s9] =	ssyncadd.s32 $0xFFFFC000  }
0x86: {  	_ =	swait.ge [sflag:s11], $0x4000  }
0x87: {  	[sflag:s11] =	ssyncset.done $0x0  }
0x88: {  	s20 =	simm.s32 $0x5400;
	s19 =	simm.s32 $0x1380;
	[sflag:s11] =	ssyncadd.s32 $0xFFFFC000  }
0x89: {  	[spmem:s1] =	stream.indirect.scatter.add.f32 [tilespmem:s20], [sflag:$0x3], $0x80, s19, s10, $0xb8;
	[tilespmem:$0x1F400] =	vst v63  }
0x8a: {  	_ =	swait.ge [sflag:s9], $0x4000  }
0x8b: {  	[sflag:s9] =	ssyncset.done $0x0  }
0x8c: {  	[sflag:s9] =	ssyncadd.s32 $0xFFFFC000  }
0x8d: {  	[bflag:$0x0] =	sbarrier.arrive $0xFFFF  }
0x8e: {  	[tilespmem:s7], [sflag:$0x3] =	stream.linear.gather [spmem:s15], $0x2000, $0x38;
	[tilespmem:$0x1F400] =	vst v63  }
0x8f: {  	_ =	swait.ge [sflag:s9], $0x2000  }
0x90: {  	[sflag:s9] =	ssyncset.done $0x0  }
0x91: {  	s21 =	rddreg [dreg:$0x4];
	[sflag:s9] =	ssyncadd.s32 $0xFFFFE000  }
0x92: {  	[hbm4b:s21+s2] =	stream.linear.scatter [tilespmem:s7], [sflag:$0x3], $0x2000, $0x38;
	[tilespmem:$0x1F400] =	vst v63  }
0x93: {  	_ =	swait.ge [sflag:s9], $0x2000  }
0x94: {  	[sflag:s9] =	ssyncset.done $0x0  }
0x95: {  	s14 =	rddreg [dreg:$0x10];
	[sflag:s9] =	ssyncadd.s32 $0xFFFFE000  }
0x96: {  	[tilespmem:s7], [sflag:$0x3] =	stream.linear.gather [spmem:s14], $0x2000, $0x38;
	[tilespmem:$0x1F400] =	vst v63  }
0x97: {  	_ =	swait.ge [sflag:s9], $0x2000  }
0x98: {  	[sflag:s9] =	ssyncset.done $0x0  }
0x99: {  	s16 =	rddreg [dreg:$0x5];
	[sflag:s9] =	ssyncadd.s32 $0xFFFFE000  }
0x9a: {  	[hbm4b:s16+s2] =	stream.linear.scatter [tilespmem:s7], [sflag:$0x3], $0x2000, $0x38;
	[tilespmem:$0x1F400] =	vst v63  }
0x9b: {  	_ =	swait.ge [sflag:s9], $0x2000  }
0x9c: {  	[sflag:s9] =	ssyncset.done $0x0  }
0x9d: {  	s17 =	rddreg [dreg:$0x11];
	[sflag:s9] =	ssyncadd.s32 $0xFFFFE000  }
0x9e: {  	[tilespmem:s7], [sflag:$0x3] =	stream.linear.gather [spmem:s17], $0x2000, $0x38;
	[tilespmem:$0x1F400] =	vst v63  }
0x9f: {  	_ =	swait.ge [sflag:s9], $0x2000  }
0xa0: {  	[sflag:s9] =	ssyncset.done $0x0  }
0xa1: {  	s18 =	rddreg [dreg:$0x6];
	[sflag:s9] =	ssyncadd.s32 $0xFFFFE000  }
0xa2: {  	[hbm4b:s18+s2] =	stream.linear.scatter [tilespmem:s7], [sflag:$0x3], $0x2000, $0x38;
	[tilespmem:$0x1F400] =	vst v63  }
0xa3: {  	_ =	swait.ge [sflag:s9], $0x2000  }
0xa4: {  	[sflag:s9] =	ssyncset.done $0x0  }
0xa5: {  	s19 =	rddreg [dreg:$0x12];
	[sflag:s9] =	ssyncadd.s32 $0xFFFFE000  }
0xa6: {  	[tilespmem:s7], [sflag:$0x3] =	stream.linear.gather [spmem:s19], $0x2000, $0x38;
	[tilespmem:$0x1F400] =	vst v63  }
0xa7: {  	_ =	swait.ge [sflag:s9], $0x2000  }
0xa8: {  	[sflag:s9] =	ssyncset.done $0x0  }
0xa9: {  	s20 =	rddreg [dreg:$0x7];
	[sflag:s9] =	ssyncadd.s32 $0xFFFFE000  }
0xaa: {  	[hbm4b:s20+s2] =	stream.linear.scatter [tilespmem:s7], [sflag:$0x3], $0x2000, $0x38;
	[tilespmem:$0x1F400] =	vst v63  }
0xab: {  	_ =	swait.ge [sflag:s9], $0x2000  }
0xac: {  	[sflag:s9] =	ssyncset.done $0x0  }
0xad: {  	s21 =	rddreg [dreg:$0x13];
	[sflag:s9] =	ssyncadd.s32 $0xFFFFE000  }
0xae: {  	[tilespmem:s7], [sflag:$0x3] =	stream.linear.gather [spmem:s21], $0x2000, $0x38;
	[tilespmem:$0x1F400] =	vst v63  }
0xaf: {  	_ =	swait.ge [sflag:s9], $0x2000  }
0xb0: {  	[sflag:s9] =	ssyncset.done $0x0  }
0xb1: {  	s14 =	rddreg [dreg:$0x8];
	[sflag:s9] =	ssyncadd.s32 $0xFFFFE000  }
0xb2: {  	[hbm4b:s14+s2] =	stream.linear.scatter [tilespmem:s7], [sflag:$0x3], $0x2000, $0x38;
	[tilespmem:$0x1F400] =	vst v63  }
0xb3: {  	_ =	swait.ge [sflag:s9], $0x2000  }
0xb4: {  	[sflag:s9] =	ssyncset.done $0x0  }
0xb5: {  	[sflag:s9] =	ssyncadd.s32 $0xFFFFE000  }
0xb6: {  	[tilespmem:s7], [sflag:$0x3] =	stream.linear.gather [spmem:s22], $0x2000, $0x38;
	[tilespmem:$0x1F400] =	vst v63  }
0xb7: {  	_ =	swait.ge [sflag:s9], $0x2000  }
0xb8: {  	[sflag:s9] =	ssyncset.done $0x0  }
0xb9: {  	s16 =	rddreg [dreg:$0x9];
	[sflag:s9] =	ssyncadd.s32 $0xFFFFE000  }
0xba: {  	[hbm4b:s16+s2] =	stream.linear.scatter [tilespmem:s7], [sflag:$0x3], $0x2000, $0x38;
	[tilespmem:$0x1F400] =	vst v63  }
0xbb: {  	_ =	swait.ge [sflag:s9], $0x2000  }
0xbc: {  	[sflag:s9] =	ssyncset.done $0x0  }
0xbd: {  	[sflag:s9] =	ssyncadd.s32 $0xFFFFE000  }
0xbe: {  	[tilespmem:s7], [sflag:$0x3] =	stream.linear.gather [spmem:s23], $0x2000, $0x38;
	[tilespmem:$0x1F400] =	vst v63  }
0xbf: {  	_ =	swait.ge [sflag:s9], $0x2000  }
0xc0: {  	[sflag:s9] =	ssyncset.done $0x0  }
0xc1: {  	s17 =	rddreg [dreg:$0xa];
	[sflag:s9] =	ssyncadd.s32 $0xFFFFE000  }
0xc2: {  	[hbm4b:s17+s2] =	stream.linear.scatter [tilespmem:s7], [sflag:$0x3], $0x2000, $0x38;
	[tilespmem:$0x1F400] =	vst v63  }
0xc3: {  	_ =	swait.ge [sflag:s9], $0x2000  }
0xc4: {  	[sflag:s9] =	ssyncset.done $0x0  }
0xc5: {  	[sflag:s9] =	ssyncadd.s32 $0xFFFFE000  }
0xc6: {  	[tilespmem:s7], [sflag:$0x3] =	stream.linear.gather [spmem:s24], $0x2000, $0x38;
	[tilespmem:$0x1F400] =	vst v63  }
0xc7: {  	_ =	swait.ge [sflag:s9], $0x2000  }
0xc8: {  	[sflag:s9] =	ssyncset.done $0x0  }
0xc9: {  	s18 =	rddreg [dreg:$0xb];
	[sflag:s9] =	ssyncadd.s32 $0xFFFFE000  }
0xca: {  	[hbm4b:s18+s2] =	stream.linear.scatter [tilespmem:s7], [sflag:$0x3], $0x2000, $0x38;
	[tilespmem:$0x1F400] =	vst v63  }
0xcb: {  	_ =	swait.ge [sflag:s9], $0x2000  }
0xcc: {  	[sflag:s9] =	ssyncset.done $0x0  }
0xcd: {  	[sflag:s9] =	ssyncadd.s32 $0xFFFFE000  }
0xce: {  	[tilespmem:s7], [sflag:$0x3] =	stream.linear.gather [spmem:s25], $0x2000, $0x38;
	[tilespmem:$0x1F400] =	vst v63  }
0xcf: {  	_ =	swait.ge [sflag:s9], $0x2000  }
0xd0: {  	[sflag:s9] =	ssyncset.done $0x0  }
0xd1: {  	s19 =	rddreg [dreg:$0xc];
	[sflag:s9] =	ssyncadd.s32 $0xFFFFE000  }
0xd2: {  	[hbm4b:s19+s2] =	stream.linear.scatter [tilespmem:s7], [sflag:$0x3], $0x2000, $0x38;
	[tilespmem:$0x1F400] =	vst v63  }
0xd3: {  	_ =	swait.ge [sflag:s9], $0x2000  }
0xd4: {  	[sflag:s9] =	ssyncset.done $0x0  }
0xd5: {  	[sflag:s9] =	ssyncadd.s32 $0xFFFFE000  }
0xd6: {  	[tilespmem:s7], [sflag:$0x3] =	stream.linear.gather [spmem:s26], $0x2000, $0x38;
	[tilespmem:$0x1F400] =	vst v63  }
0xd7: {  	_ =	swait.ge [sflag:s9], $0x2000  }
0xd8: {  	[sflag:s9] =	ssyncset.done $0x0  }
0xd9: {  	s20 =	rddreg [dreg:$0xd];
	[sflag:s9] =	ssyncadd.s32 $0xFFFFE000  }
0xda: {  	[hbm4b:s20+s2] =	stream.linear.scatter [tilespmem:s7], [sflag:$0x3], $0x2000, $0x38;
	[tilespmem:$0x1F400] =	vst v63  }
0xdb: {  	_ =	swait.ge [sflag:s9], $0x2000  }
0xdc: {  	s12 =	sadd.s32 $0x1, s12;
	s21 =	rddreg [dreg:$0xf]  }
0xdd: {  	p0 =	sne.s32 s12, s21  }
.Ltmp2:
0xde: {  	_ = 	snop;
	(pc) =	sbr.rel @p0 .LBB2_1-.Ltmp2, $3  }
0xdf: {  	_ =	sdelay $0x1  }
0xe0: {  	[sflag:s9] =	ssyncset.done $0x0  }
0xe1: {  	[sflag:s9] =	ssyncadd.s32 $0xFFFFE000  }
0xe2: {  	_ =	sfence.sel $0x180000  }
0xe3: {  	[bflag:$0x0] =	sbarrier.arrive $0xFFFF  }
0xe4: {  	_ =	strace $0x90000050  }
0xe5: {  	s0 =	stileid.u32;
	[bflag:$0x2] =	sbarrier.arrive $0xFFFF  }
0xe6: {  	p0 =	sne.s32 s0, $0x0;
	s0 =	rddreg [dreg:$0x2]  }
0xe7: {  	s0 =	sadd.s32 @!p0 $0x100000, s0  }
0xe8: {  	[sflag:s0] =	ssyncadd.tile.s32 @!p0 $0x1;
	_ =	shalt  }
.Lfunc_end2:
_tile_overlayer_lowered:
.L_overlay_start_2:
0xe9: {  	(tag) =	ssettag $0x2  }
0xea: {  	s0 =	rddreg [dreg:$0x0];
	s2 =	stileid.u32  }
0xeb: {  	s1 =	rddreg [dreg:$0x1];
	p0 =	sne.s32 s2, $0x0  }
0xec: {  	s3 =	rddreg [dreg:$0x2];
	[bflag:$0x3] =	sbarrier.arrive $0xFFFF;
	s2 =	simm.s32 @!p0 $0x1C03  }
0xed: {  	[timem:s3], [sflag:s2] =	dma.local @!p0 [hbm:s0], s1  }
0xee: {  	s0 =	simm.s32 @!p0 $0x3  }
0xef: {  	_ =	swait.ge @!p0 [sflag:s0], s1  }
0xf0: {  	s1 =	ssub.s32 @!p0 $0x0, s1;
	[sflag:s0] =	ssyncset.done @!p0 $0x0  }
0xf1: {  	[sflag:s0] =	ssyncadd.s32 @!p0 s1  }
0xf2: {  	[bflag:$0x3] =	sbarrier.arrive $0xFFFF  }
0xf3: {  	_ =	shalt  }

// kernel: kernel.28.cloned.1.call-start
scs
__scs_entry_jumppad:
0x0: {  	(pc) =	sbr.rel $0x88, $3  }
0x1: {  	(tag) =	ssettag $0x0;
	lr =	simm.s32 $0x1  }
0x2: {  	[smem:$0x3F91] =	sst lr;
	_ =	strace $0xD0000000  }
0x3: {  	_ = 	snop  }
0x4: {  	_ = 	snop  }
0x5: {  	_ = 	snop  }
0x6: {  	_ = 	snop  }
0x7: {  	_ = 	snop  }
__scs_overlays_trampoline_lowered:
0x8: {  	[smem:$0x3FA0] =	sst s0  }
0x9: {  	[smem:$0x3FA1] =	sst s1  }
0xa: {  	[smem:$0x3FA2] =	sst s2  }
0xb: {  	[smem:$0x3FA3] =	sst s3  }
0xc: {  	[smem:$0x3FA4] =	sst s4  }
0xd: {  	[smem:$0x3FA5] =	sst s5  }
0xe: {  	[smem:$0x3FA6] =	sst s6  }
0xf: {  	[smem:$0x3FA7] =	sst s7  }
0x10: {  	[smem:$0x3FA8] =	sst s8  }
0x11: {  	[smem:$0x3FA9] =	sst s9;
	s0 =	simm.s32 @!p0 $0x0  }
0x12: {  	s1 =	sld [smem:$0x3F8F];
	s0 =	simm.s32 @p0 $0x1  }
0x13: {  	[smem:$0x3FAA] =	sst s0;
	s0 =	simm.s32 @!p1 $0x0  }
0x14: {  	s2 =	sld [smem:$0x3F8E];
	s0 =	simm.s32 @p1 $0x1  }
0x15: {  	[smem:$0x3FAB] =	sst s0;
	s0 =	simm.s32 @!p2 $0x0  }
0x16: {  	s3 =	sld [smem:$0x3FDB];
	s0 =	simm.s32 @p2 $0x1  }
0x17: {  	s4 =	simm.s32 $0x1BF5;
	[smem:$0x3FAD] =	sst s0  }
0x18: {  	s0 =	sld [smem:$0x3F90];
	_ =	swait.ge [sflag:s4], $0x0  }
0x19: {  	s7 =	sld [smem:$0x3F91]  }
0x1a: {  	s8 =	sadd.s32 $0xFFFFE003, lr  }
0x1b: {  	s9 =	sadd.s32 $0xFFFFFEF7, lr;
	s5 =	simm.s32 $0xFFFFFFFF;
	p2 =	slt.u32 s8, $0xFFFFF086  }
0x1c: {  	p1 =	slt.u32 s9, $0xF7A;
	s5 =	simm.s32 @!p2 $0x0  }
0x1d: {  	s5 =	simm.s32 @p1 $0x1;
	p0 =	seq.s32 s7, s2  }
0x1e: {  	s7 =	smul.u32 @!p0 $0xF7A, s2;
	p2 =	seq.s32 @!p0 s5, $0x0  }
0x1f: {  	s9 =	smul.u32 $0xF7A, s1;
	s8 =	simm.s32 @!p0 $0x1BF5;
	p2 =	por !p2, p0  }
0x20: {  	[sflag:s8] =	ssyncset.s32 @!p0 $0xFFFFF086;
	s6 =	sadd.s32 @!p0 s3, s7;
	s7 =	simm.s32 @!p0 $0x108  }
0x21: {  	s3 =	sadd.s32 s3, s9;
	s6 =	sadd.s32 @!p0 $0x88, s6;
	s7 =	simm.s32 @p2 $0x1082  }
0x22: {  	[simem:s7], [sflag:s8] =	dma.local @!p0 [hbm:s6], $0xF7A  }
0x23: {  	s9 =	sor.u32 $0xD0000000, s2;
	s6 =	simm.s32 $0x108;
	_ =	swait.ge @!p0 [sflag:s8], $0x0  }
0x24: {  	s3 =	sadd.s32 $0x88, s3;
	s6 =	simm.s32 @!p1 $0x1082;
	[sflag:s4] =	ssyncset.s32 $0xFFFFF086  }
0x25: {  	[simem:s6], [sflag:s4] =	dma.local [hbm:s3], $0xF7A  }
0x26: {  	[smem:$0x3F91] =	sst s1;
	(tag) =	ssettag s2;
	_ =	strace s9  }
0x27: {  	s1 =	sld [smem:$0x3FA1]  }
0x28: {  	s2 =	sld [smem:$0x3FA2]  }
0x29: {  	s4 =	sld [smem:$0x3FA4]  }
0x2a: {  	p0 =	seq.s32 s5, $0x0;
	s5 =	sld [smem:$0x3FA5]  }
0x2b: {  	s6 =	sld [smem:$0x3FA6]  }
0x2c: {  	s7 =	sld [smem:$0x3FA7]  }
0x2d: {  	s3 =	simm.s32 $0x108;
	s8 =	sld [smem:$0x3FA8]  }
0x2e: {  	s3 =	simm.s32 @!p0 $0x1082;
	s9 =	sld [smem:$0x3FA9]  }
0x2f: {  	lr =	sadd.s32 s0, s3;
	s0 =	sld [smem:$0x3FA0]  }
0x30: {  	s3 =	sld [smem:$0x3FA3]  }
0x31: {  	[smem:$0x3FAC] =	sst s10  }
0x32: {  	s10 =	sld [smem:$0x3FAA];
	_ =	sdelay $0x3  }
0x33: {  	p0 =	seq.s32 s10, $0x1;
	s10 =	sld [smem:$0x3FAC];
	_ =	sdelay $0x3  }
0x34: {  	[smem:$0x3FAC] =	sst s10  }
0x35: {  	s10 =	sld [smem:$0x3FAB];
	_ =	sdelay $0x3  }
0x36: {  	p1 =	seq.s32 s10, $0x1;
	s10 =	sld [smem:$0x3FAC];
	_ =	sdelay $0x3  }
0x37: {  	[smem:$0x3FAC] =	sst s10  }
0x38: {  	s10 =	sld [smem:$0x3FAD]  }
0x39: {  	_ = 	snop;
	(pc) =	sbr.ind lr, $3  }
0x3a: {  	_ = 	snop  }
0x3b: {  	_ = 	snop  }
0x3c: {  	p2 =	seq.s32 s10, $0x1;
	s10 =	sld [smem:$0x3FAC]  }
0x3d: {  	_ =	shalt  }
0x3e: {  	_ =	shalt  }
0x3f: {  	_ =	shalt  }
0x40: {  	_ =	shalt  }
0x41: {  	_ =	shalt  }
0x42: {  	_ =	shalt  }
0x43: {  	_ =	shalt  }
0x44: {  	_ =	shalt  }
0x45: {  	_ =	shalt  }
0x46: {  	_ =	shalt  }
0x47: {  	_ =	shalt  }
0x48: {  	_ =	shalt  }
0x49: {  	_ =	shalt  }
0x4a: {  	_ =	shalt  }
0x4b: {  	_ =	shalt  }
0x4c: {  	_ =	shalt  }
0x4d: {  	_ =	shalt  }
0x4e: {  	_ =	shalt  }
0x4f: {  	_ =	shalt  }
0x50: {  	_ =	shalt  }
0x51: {  	_ =	shalt  }
0x52: {  	_ =	shalt  }
0x53: {  	_ =	shalt  }
0x54: {  	_ =	shalt  }
0x55: {  	_ =	shalt  }
0x56: {  	_ =	shalt  }
0x57: {  	_ =	shalt  }
0x58: {  	_ =	shalt  }
0x59: {  	_ =	shalt  }
0x5a: {  	_ =	shalt  }
0x5b: {  	_ =	shalt  }
0x5c: {  	_ =	shalt  }
0x5d: {  	_ =	shalt  }
0x5e: {  	_ =	shalt  }
0x5f: {  	_ =	shalt  }
0x60: {  	_ =	shalt  }
0x61: {  	_ =	shalt  }
0x62: {  	_ =	shalt  }
0x63: {  	_ =	shalt  }
0x64: {  	_ =	shalt  }
0x65: {  	_ =	shalt  }
0x66: {  	_ =	shalt  }
0x67: {  	_ =	shalt  }
0x68: {  	_ =	shalt  }
0x69: {  	_ =	shalt  }
0x6a: {  	_ =	shalt  }
0x6b: {  	_ =	shalt  }
0x6c: {  	_ =	shalt  }
0x6d: {  	_ =	shalt  }
0x6e: {  	_ =	shalt  }
0x6f: {  	_ =	shalt  }
0x70: {  	_ =	shalt  }
0x71: {  	_ =	shalt  }
0x72: {  	_ =	shalt  }
0x73: {  	_ =	shalt  }
0x74: {  	_ =	shalt  }
0x75: {  	_ =	shalt  }
0x76: {  	_ =	shalt  }
0x77: {  	_ =	shalt  }
0x78: {  	_ =	shalt  }
0x79: {  	_ =	shalt  }
0x7a: {  	_ =	shalt  }
0x7b: {  	_ =	shalt  }
0x7c: {  	_ =	shalt  }
0x7d: {  	_ =	shalt  }
0x7e: {  	_ =	shalt  }
0x7f: {  	_ =	shalt  }
0x80: {  	_ =	shalt  }
0x81: {  	_ =	shalt  }
0x82: {  	_ =	shalt  }
0x83: {  	_ =	shalt  }
0x84: {  	_ =	shalt  }
0x85: {  	_ =	shalt  }
0x86: {  	_ =	shalt  }
0x87: {  	_ =	shalt  }
.Lfunc_end0:
.L_simem_size_0:
called_computation.4_lowered:
.L_overlay_start_0:
0x88: {  	s2 =	sld [smem:$0x3FD9]  }
0x89: {  	s3 =	sld [smem:$0x3FFE];
	_ =	sdelay $0x1  }
0x8a: {  	s1 =	srdreg.scid  }
0x8b: {  	s0 =	sand.u32 $0x1, s1  }
0x8c: {  	s16 =	sshll.u32 s0, $0xA;
	s2 =	sadd.s32 s3, s2  }
0x8d: {  	s2 =	sadd.s32 s2, s16  }
0x8e: {  	[smem:$0x3FB8] =	sst s2  }
0x8f: {  	_ = 	snop  }
0x90: {  	(tm) =	ssettm $0x1  }
0x91: {  	s17 =	sld [smem:$0x3FFB];
	_ =	sdelay $0x3  }
0x92: {  	_ =	strace s17  }
0x93: {  	s2 =	sld [smem:$0x3FFC];
	_ =	sdelay $0x3  }
0x94: {  	_ =	strace s2  }
0x95: {  	s2 =	sld [smem:$0x3FFD];
	_ =	sdelay $0x3  }
0x96: {  	_ =	strace s2  }
0x97: {  	_ =	strace $0x8FFFFFFF  }
0x98: {  	s18 =	sld [smem:$0x3FDB];
	_ =	sdelay $0x1  }
0x99: {  	s19 =	simm.s32 $_scs_section_size  }
0x9a: {  	s4 =	simm.s32 $_size__tile_overlayer_lowered;
	s5 =	simm.s32 $_tile_overlayer_lowered  }
0x9b: {  	s22 =	simm.s32 $0x1BFF;
	s21 =	sshll.u32 s5, $0x1;
	s2 =	sadd.s32 s19, s18  }
0x9c: {  	s6 =	simm.s32 $0x0;
	s20 =	sshll.u32 s4, $0x1;
	s4 =	sadd.s32 s21, s2  }
0x9d: {  	[timem:s6], [sflag:s22] =	dma.local [hbm:s4], s20  }
0x9e: {  	_ =	swait.ge [sflag:s22], s20  }
0x9f: {  	s3 =	ssub.s32 $0x0, s20;
	[sflag:s22] =	ssyncset.done $0x0  }
0xa0: {  	[sflag:s22] =	ssyncadd.s32 s3;
	_ =	sdelay $0x1  }
0xa1: {  	s23 =	simm.s32 $0x1B8B  }
0xa2: {  	_ =	swait.ge [sflag:s23], $0x1  }
0xa3: {  	[sflag:s23] =	ssyncset.done $0x0  }
0xa4: {  	s25 =	simm.s32 $0x1B8E;
	s24 =	sld [smem:$0x3FFE];
	[sflag:s23] =	ssyncadd.s32 $0xFFFFFFFF  }
0xa5: {  	s26 =	simm.s32 $execute0_lowered;
	[smem:$0x3FD2] =	sst s25  }
0xa6: {  	s4 =	sshll.u32 s26, $0x1;
	_ =	strace $0x80000052;
	[dreg:$0x1] =	wrdreg $0xFFFFFFFF  }
0xa7: {  	s28 =	simm.s32 $_size_execute0_lowered;
	s2 =	sadd.s32 s2, s4;
	[dreg:$0x0] =	wrdreg $0x0  }
0xa8: {  	s4 =	sshll.u32 s28, $0x1;
	[dreg:$0x2] =	wrdreg s2  }
0xa9: {  	[dreg:$0x3] =	wrdreg s4  }
0xaa: {  	[dreg:$0x4] =	wrdreg $0xC0  }
0xab: {  	_ =	task [dreg:s6], $0x5FFFF  }
0xac: {  	[dreg:$0x1] =	wrdreg $0xFFFFFFFF  }
0xad: {  	[dreg:$0x0] =	wrdreg $0x60  }
0xae: {  	[dreg:$0x2] =	wrdreg s24  }
0xaf: {  	[dreg:$0x3] =	wrdreg $0x9  }
0xb0: {  	_ =	task.clear_ibuf [dreg:s6], $0x4FFFF;
	_ =	strace $0x90000052  }
0xb1: {  	s29 =	simm.s32 $0x9;
	_ =	strace $0x80000054  }
0xb2: {  	_ =	swait.ge [sflag:s29], $0x1  }
0xb3: {  	[sflag:s29] =	ssyncadd.s32 $0xFFFFFFFF  }
0xb4: {  	_ =	strace $0x90000054  }
0xb5: {  	_ =	sfence  }
0xb6: {  	s30 =	sld [smem:$0x0];
	_ =	sdelay $0x2  }
0xb7: {  	s31 =	sshll.u32 s1, $0xD;
	s1 =	sshrl.u32 s1, $0x2  }
0xb8: {  	s3 =	sand.u32 $0x4000, s31;
	s1 =	sadd.s32 s1, s30  }
0xb9: {  	s0 =	sor.u32 s3, s0;
	s1 =	sshll.u32 s1, $0x11  }
0xba: {  	s0 =	sor.u32 s1, s0  }
0xbb: {  	s0 =	sadd.s32 $0x8F2B, s0  }
0xbc: {  	[sflag:s0] =	ssyncadd.remote.s32 $0x1  }
0xbd: {  	_ =	sfence.sel $0xFFFF  }
0xbe: {  	[dreg:$0x0] =	wrdreg $0xFFFFFFFF;
	(pc) =	sbr.abs _section_cstart, $3  }
0xbf: {  	[dreg:$0x1] =	wrdreg $0xFFFFFFFF  }
0xc0: {  	_ =	task.clear_ibuf [dreg:s6], $0x2FFFF;
	_ =	strace $0x9FFFFFFF  }
0xc1: {  	(tm) =	ssettm $0x7FFFFFFF  }
tec
execute0_lowered:
.L_overlay_start_1:
0x0: {  	(tag) =	ssettag $0x1  }
0x1: {  	s1 =	srdreg.scid;
	s0 =	stileid.u32  }
0x2: {  	s4 =	rddreg [dreg:$0x0];
	s2 =	simm.s32 $0x0;
	s9 =	simm.s32 $0x1400  }
0x3: {  	s10 =	simm.s32 $0x5400;
	s11 =	simm.s32 $0x100;
	s12 =	simm.s32 $0x9400  }
0x4: {  	s13 =	simm.s32 $0xB;
	s14 =	simm.s32 $0xC;
	s15 =	simm.s32 $0x7  }
0x5: {  	s16 =	simm.s32 $0x8;
	s17 =	simm.s32 $0x9;
	s18 =	simm.s32 $0xA  }
0x6: {  	s19 =	simm.s32 $0x0;
	s5 =	sand.u32 $0x1, s1;
	s3 =	sshll.u32 s0, $0x1  }
0x7: {  	[smem:$0x7FF] =	sst s2;
	s7 =	smul.u32 $0x28000, s0;
	s3 =	sor.u32 s5, s3  }
0x8: {  	_ =	strace $0x80000053;
	s8 =	ssub.s32 $0x2, s5;
	s5 =	smul.u32 $0x14000, s5  }
0x9: {  	s6 =	smul.u32 $0x280, s3;
	s7 =	sadd.s32 s7, s4;
	s30 =	sshrl.u32 s8, $0x1  }
0xa: {  	s3 =	sadd.s32 $0x2BA000, s4;
	s8 =	ssub.s32 s8, s30;
	s31 =	sadd.s32 s5, s7  }
0xb: {  	s7 =	simm.s32 $0xD;
	s6 =	sadd.s32 s6, s4;
	s5 =	smax.u32 s8, $0x1  }
0xc: {  	s8 =	simm.s32 $0x80;
	s4 =	sadd.s32 $0x6E00, s6;
	s6 =	sadd.s32 $0x10E00, s31  }
.LBB2_1:
0xd: {  	[tilespmem:s2], [sflag:$0xD] =	stream.linear.gather [hbm4b:s4+s2], $0x1400, $0x38;
	[tilespmem:$0x19400] =	vst v63  }
0xe: {  	s20 =	smul.u32 $0xAB, s2  }
0xf: {  	p1 =	por $0x0, $0x0;
	_ =	swait.ge [sflag:s7], $0x1400  }
0x10: {  	s22 =	simm.s32 $0x3;
	[sflag:s7] =	ssyncset.done $0x0;
	s20 =	sshrl.u32 s20, $0xA  }
0x11: {  	s22 =	smul.u32 @!p1 $0xAB, s22;
	[sflag:s7] =	ssyncadd.s32 $0xFFFFEC00;
	s20 =	sand.u32 $0x3F, s20  }
0x12: {  	[tilespmem:s9], [sflag:$0x1] =	stream.indirect.gather [hbm4b:s3+s8], $0x80, s2, s8, $0xb8;
	[tilespmem:$0x19400] =	vst v63  }
0x13: {  	s23 =	simm.s32 $0x180;
	s21 =	simm.s32 $0x1;
	s20 =	smul.u32 $0x6, s20  }
0x14: {  	[tilespmem:s10], [sflag:$0x2] =	stream.indirect.gather [hbm4b:s3+s8], $0x80, s8, s8, $0xb8;
	[tilespmem:$0x19400] =	vst v63  }
0x15: {  	s24 =	simm.s32 $0x2;
	p0 =	por p1, p1;
	s20 =	ssub.s32 $0x0, s20  }
0x16: {  	p1 =	por @!p1 $0x1, $0x1;
	s25 =	sand.u32 $0xFF, s20;
	s20 =	sshrl.u32 @!p0 s22, $0xA  }
0x17: {  	[tilespmem:s12], [sflag:$0x3] =	stream.indirect.gather [hbm4b:s3+s8], $0x80, s11, s8, $0xb8;
	[tilespmem:$0x19400] =	vst v63  }
0x18: {  	s30 =	smul.u32 $0xAB, s21;
	s26 =	sadd.s32 $0x1, s25;
	s20 =	sand.u32 @!p0 $0x3F, s20  }
0x19: {  	p2 =	por p1, p0;
	s29 =	smul.u32 @!p0 $0x6, s20;
	_ =	swait.ge [sflag:s26], $0x4000  }
0x1a: {  	s28 =	sshll.u32 s25, $0xE;
	s25 =	sadd.s32 $0x7, s25;
	[sflag:s26] =	ssyncset.done $0x0  }
0x1b: {  	s28 =	sor.u32 $0x1400, s28;
	s29 =	ssub.s32 @!p0 $0x3, s29;
	[sflag:s26] =	ssyncadd.s32 $0xFFFFC000  }
0x1c: {  	[hbm4b:s6+s2] =	stream.linear.scatter [tilespmem:s28], [sflag:s25], $0x4000, $0x38;
	[tilespmem:$0x19400] =	vst v63  }
0x1d: {  	s22 =	sadd.s32 $0x800, s6;
	s20 =	simm.s32 $0x200;
	s29 =	sand.u32 @!p0 $0xFF, s29  }
0x1e: {  	s25 =	simm.s32 @!p0 $0x80;
	s26 =	sadd.s32 @!p2 $0x7, s29;
	s28 =	sshll.u32 @!p0 s29, $0xE  }
.LBB2_2:
0x1f: {  	p3 =	sgt.u32 s21, $0x24;
	_ =	swait.ge @!p2 [sflag:s26], $0x4000  }
0x20: {  	s29 =	sadd.s32 @!p0 $0x1, s29;
	s31 =	smov.u32 s24;
	s1 =	smov.u32 s22  }
0x21: {  	s0 =	sadd.s32 $0x3, s21;
	s30 =	sshrl.u32 s30, $0xA;
	[sflag:s26] =	ssyncset.done @!p2 $0x0  }
0x22: {  	s30 =	sand.u32 $0x3F, s30;
	[sflag:s26] =	ssyncadd.s32 @!p2 $0xFFFFC000;
	s26 =	sor.u32 @!p0 $0x1400, s28  }
0x23: {  	[tilespmem:s26], [sflag:s29] =	stream.indirect.gather @!p0 [hbm4b:s3+s25], $0x80, s23, s25, $0xb8;
	[tilespmem:$0x19400] =	vst v63  }
0x24: {  	s24 =	sadd.s32 $0x1, s24;
	p2 =	slt.u32 @!p3 s21, $0x3;
	s25 =	smul.u32 $0x6, s30  }
0x25: {  	p1 =	sne.s32 s24, $0x28;
	s26 =	smul.u32 @!p3 $0xAB, s0;
	s23 =	smov.u32 s20  }
0x26: {  	p0 =	por p3, p3;
	s25 =	ssub.s32 s21, s25;
	s21 =	smov.u32 s31  }
0x27: {  	s22 =	sadd.s32 $0x800, s22;
	s26 =	sshrl.u32 @!p0 s26, $0xA;
	s25 =	sand.u32 $0xFF, s25  }
0x28: {  	s26 =	sand.u32 @!p0 $0x3F, s26;
	s28 =	sadd.s32 $0x1, s25;
	s29 =	sshll.u32 s25, $0xE  }
0x29: {  	s20 =	sadd.s32 $0x80, s20;
	s26 =	smul.u32 @!p0 $0x6, s26;
	s30 =	sadd.s32 $0x7, s25  }
.Ltmp0:
0x2a: {  	s25 =	simm.s32 @!p0 $0x80;
	_ =	swait.ge [sflag:s28], $0x4000;
	(pc) =	sbr.rel @p1 .LBB2_2-.Ltmp0, $4  }
0x2b: {  	s31 =	sor.u32 $0x1400, s29;
	s0 =	ssub.s32 @!p0 s0, s26;
	[sflag:s28] =	ssyncset.done $0x0  }
0x2c: {  	p2 =	por p2, p0;
	s29 =	sand.u32 @!p0 $0xFF, s0;
	[sflag:s28] =	ssyncadd.s32 $0xFFFFC000  }
0x2d: {  	[hbm4b:s1+s2] =	stream.linear.scatter [tilespmem:s31], [sflag:s30], $0x4000, $0x38;
	[tilespmem:$0x19400] =	vst v63  }
0x2e: {  	s26 =	sadd.s32 @!p2 $0x7, s29;
	s28 =	sshll.u32 @!p0 s29, $0xE;
	s30 =	smul.u32 $0xAB, s21  }
0x2f: {  	_ =	swait.ge @!p2 [sflag:s26], $0x4000  }
0x30: {  	s0 =	sadd.s32 @!p0 $0x1, s29;
	s1 =	sshrl.u32 s30, $0xA;
	[sflag:s26] =	ssyncset.done @!p2 $0x0  }
0x31: {  	s24 =	sor.u32 @!p0 $0x1400, s28;
	s1 =	sand.u32 $0x3F, s1;
	[sflag:s26] =	ssyncadd.s32 @!p2 $0xFFFFC000  }
0x32: {  	[tilespmem:s24], [sflag:s0] =	stream.indirect.gather @!p0 [hbm4b:s3+s25], $0x80, s23, s25, $0xb8;
	[tilespmem:$0x19400] =	vst v63  }
0x33: {  	p1 =	sgt.u32 s21, $0x24;
	s0 =	sadd.s32 $0x3, s21;
	s1 =	smul.u32 $0x6, s1  }
0x34: {  	s23 =	smul.u32 @!p1 $0xAB, s0  }
0x35: {  	p0 =	por p1, p1  }
0x36: {  	s1 =	ssub.s32 s21, s1;
	s23 =	sshrl.u32 @!p0 s23, $0xA  }
0x37: {  	s1 =	sand.u32 $0xFF, s1;
	s23 =	sand.u32 @!p0 $0x3F, s23  }
0x38: {  	p1 =	slt.u32 @!p1 s21, $0x3;
	s30 =	sadd.s32 $0x1, s1;
	s23 =	smul.u32 @!p0 $0x6, s23  }
0x39: {  	p1 =	por p1, p0;
	s31 =	sshll.u32 s1, $0xE;
	_ =	swait.ge [sflag:s30], $0x4000  }
0x3a: {  	s1 =	sadd.s32 $0x7, s1;
	[sflag:s30] =	ssyncset.done $0x0;
	s0 =	ssub.s32 @!p0 s0, s23  }
0x3b: {  	s24 =	sor.u32 $0x1400, s31;
	[sflag:s30] =	ssyncadd.s32 $0xFFFFC000;
	s0 =	sand.u32 @!p0 $0xFF, s0  }
0x3c: {  	[hbm4b:s22+s2] =	stream.linear.scatter [tilespmem:s24], [sflag:s1], $0x4000, $0x38;
	[tilespmem:$0x19400] =	vst v63  }
0x3d: {  	s1 =	sadd.s32 @!p1 $0x7, s0  }
0x3e: {  	_ =	swait.ge @!p1 [sflag:s1], $0x4000  }
0x3f: {  	s21 =	simm.s32 @!p0 $0x80;
	s22 =	sshll.u32 @!p0 s0, $0xE;
	[sflag:s1] =	ssyncset.done @!p1 $0x0  }
0x40: {  	s0 =	sadd.s32 @!p0 $0x1, s0;
	[sflag:s1] =	ssyncadd.s32 @!p1 $0xFFFFC000;
	s1 =	sor.u32 @!p0 $0x1400, s22  }
0x41: {  	[tilespmem:s1], [sflag:s0] =	stream.indirect.gather @!p0 [hbm4b:s3+s21], $0x80, s20, s21, $0xb8;
	[tilespmem:$0x19400] =	vst v63  }
0x42: {  	_ =	swait.ge [sflag:s13], $0x4000  }
0x43: {  	[sflag:s13] =	ssyncset.done $0x0  }
0x44: {  	[sflag:s13] =	ssyncadd.s32 $0xFFFFC000  }
0x45: {  	_ =	swait.ge [sflag:s14], $0x4000  }
0x46: {  	[sflag:s14] =	ssyncset.done $0x0  }
0x47: {  	[sflag:s14] =	ssyncadd.s32 $0xFFFFC000  }
0x48: {  	_ =	swait.ge [sflag:s15], $0x4000  }
0x49: {  	[sflag:s15] =	ssyncset.done $0x0  }
0x4a: {  	[sflag:s15] =	ssyncadd.s32 $0xFFFFC000  }
0x4b: {  	_ =	swait.ge [sflag:s16], $0x4000  }
0x4c: {  	[sflag:s16] =	ssyncset.done $0x0  }
0x4d: {  	s19 =	sadd.s32 $0x1, s19;
	[sflag:s16] =	ssyncadd.s32 $0xFFFFC000  }
0x4e: {  	p0 =	sne.s32 s19, s5;
	_ =	swait.ge [sflag:s17], $0x4000  }
.Ltmp1:
0x4f: {  	[sflag:s17] =	ssyncset.done $0x0;
	(pc) =	sbr.rel @p0 .LBB2_1-.Ltmp1, $4  }
0x50: {  	[sflag:s17] =	ssyncadd.s32 $0xFFFFC000  }
0x51: {  	_ =	swait.ge [sflag:s18], $0x4000  }
0x52: {  	[sflag:s18] =	ssyncset.done $0x0  }
0x53: {  	[sflag:s18] =	ssyncadd.s32 $0xFFFFC000  }
0x54: {  	_ =	sfence.sel $0x180000  }
0x55: {  	[bflag:$0x0] =	sbarrier.arrive $0xFFFF  }
0x56: {  	_ =	strace $0x90000053  }
0x57: {  	s0 =	stileid.u32;
	[bflag:$0x2] =	sbarrier.arrive $0xFFFF  }
0x58: {  	p0 =	sne.s32 s0, $0x0;
	s0 =	rddreg [dreg:$0x1]  }
0x59: {  	s0 =	sadd.s32 @!p0 $0x100000, s0  }
0x5a: {  	[sflag:s0] =	ssyncadd.tile.s32 @!p0 $0x1;
	_ =	shalt  }
.Lfunc_end2:
_tile_overlayer_lowered:
.L_overlay_start_2:
0x5b: {  	(tag) =	ssettag $0x2  }
0x5c: {  	s0 =	rddreg [dreg:$0x0];
	s2 =	stileid.u32  }
0x5d: {  	s1 =	rddreg [dreg:$0x1];
	p0 =	sne.s32 s2, $0x0  }
0x5e: {  	s3 =	rddreg [dreg:$0x2];
	[bflag:$0x3] =	sbarrier.arrive $0xFFFF;
	s2 =	simm.s32 @!p0 $0x1C0D  }
0x5f: {  	[timem:s3], [sflag:s2] =	dma.local @!p0 [hbm:s0], s1  }
0x60: {  	s0 =	simm.s32 @!p0 $0xD  }
0x61: {  	_ =	swait.ge @!p0 [sflag:s0], s1  }
0x62: {  	s1 =	ssub.s32 @!p0 $0x0, s1;
	[sflag:s0] =	ssyncset.done @!p0 $0x0  }
0x63: {  	[sflag:s0] =	ssyncadd.s32 @!p0 s1  }
0x64: {  	[bflag:$0x3] =	sbarrier.arrive $0xFFFF  }
0x65: {  	_ =	shalt  }

// kernel: kernel.31.cloned.1.call-start
scs
__scs_entry_jumppad:
0x0: {  	(pc) =	sbr.rel $0x88, $3  }
0x1: {  	(tag) =	ssettag $0x0;
	lr =	simm.s32 $0x1  }
0x2: {  	[smem:$0x3F91] =	sst lr;
	_ =	strace $0xD0000000  }
0x3: {  	_ = 	snop  }
0x4: {  	_ = 	snop  }
0x5: {  	_ = 	snop  }
0x6: {  	_ = 	snop  }
0x7: {  	_ = 	snop  }
__scs_overlays_trampoline_lowered:
0x8: {  	[smem:$0x3FA0] =	sst s0  }
0x9: {  	[smem:$0x3FA1] =	sst s1  }
0xa: {  	[smem:$0x3FA2] =	sst s2  }
0xb: {  	[smem:$0x3FA3] =	sst s3  }
0xc: {  	[smem:$0x3FA4] =	sst s4  }
0xd: {  	[smem:$0x3FA5] =	sst s5  }
0xe: {  	[smem:$0x3FA6] =	sst s6  }
0xf: {  	[smem:$0x3FA7] =	sst s7  }
0x10: {  	[smem:$0x3FA8] =	sst s8  }
0x11: {  	[smem:$0x3FA9] =	sst s9;
	s0 =	simm.s32 @!p0 $0x0  }
0x12: {  	s1 =	sld [smem:$0x3F8F];
	s0 =	simm.s32 @p0 $0x1  }
0x13: {  	[smem:$0x3FAA] =	sst s0;
	s0 =	simm.s32 @!p1 $0x0  }
0x14: {  	s2 =	sld [smem:$0x3F8E];
	s0 =	simm.s32 @p1 $0x1  }
0x15: {  	[smem:$0x3FAB] =	sst s0;
	s0 =	simm.s32 @!p2 $0x0  }
0x16: {  	s3 =	sld [smem:$0x3FDB];
	s0 =	simm.s32 @p2 $0x1  }
0x17: {  	s4 =	simm.s32 $0x1BF5;
	[smem:$0x3FAD] =	sst s0  }
0x18: {  	s0 =	sld [smem:$0x3F90];
	_ =	swait.ge [sflag:s4], $0x0  }
0x19: {  	s7 =	sld [smem:$0x3F91]  }
0x1a: {  	s8 =	sadd.s32 $0xFFFFE003, lr  }
0x1b: {  	s9 =	sadd.s32 $0xFFFFFEF7, lr;
	s5 =	simm.s32 $0xFFFFFFFF;
	p2 =	slt.u32 s8, $0xFFFFF086  }
0x1c: {  	p1 =	slt.u32 s9, $0xF7A;
	s5 =	simm.s32 @!p2 $0x0  }
0x1d: {  	s5 =	simm.s32 @p1 $0x1;
	p0 =	seq.s32 s7, s2  }
0x1e: {  	s7 =	smul.u32 @!p0 $0xF7A, s2;
	p2 =	seq.s32 @!p0 s5, $0x0  }
0x1f: {  	s9 =	smul.u32 $0xF7A, s1;
	s8 =	simm.s32 @!p0 $0x1BF5;
	p2 =	por !p2, p0  }
0x20: {  	[sflag:s8] =	ssyncset.s32 @!p0 $0xFFFFF086;
	s6 =	sadd.s32 @!p0 s3, s7;
	s7 =	simm.s32 @!p0 $0x108  }
0x21: {  	s3 =	sadd.s32 s3, s9;
	s6 =	sadd.s32 @!p0 $0x88, s6;
	s7 =	simm.s32 @p2 $0x1082  }
0x22: {  	[simem:s7], [sflag:s8] =	dma.local @!p0 [hbm:s6], $0xF7A  }
0x23: {  	s9 =	sor.u32 $0xD0000000, s2;
	s6 =	simm.s32 $0x108;
	_ =	swait.ge @!p0 [sflag:s8], $0x0  }
0x24: {  	s3 =	sadd.s32 $0x88, s3;
	s6 =	simm.s32 @!p1 $0x1082;
	[sflag:s4] =	ssyncset.s32 $0xFFFFF086  }
0x25: {  	[simem:s6], [sflag:s4] =	dma.local [hbm:s3], $0xF7A  }
0x26: {  	[smem:$0x3F91] =	sst s1;
	(tag) =	ssettag s2;
	_ =	strace s9  }
0x27: {  	s1 =	sld [smem:$0x3FA1]  }
0x28: {  	s2 =	sld [smem:$0x3FA2]  }
0x29: {  	s4 =	sld [smem:$0x3FA4]  }
0x2a: {  	p0 =	seq.s32 s5, $0x0;
	s5 =	sld [smem:$0x3FA5]  }
0x2b: {  	s6 =	sld [smem:$0x3FA6]  }
0x2c: {  	s7 =	sld [smem:$0x3FA7]  }
0x2d: {  	s3 =	simm.s32 $0x108;
	s8 =	sld [smem:$0x3FA8]  }
0x2e: {  	s3 =	simm.s32 @!p0 $0x1082;
	s9 =	sld [smem:$0x3FA9]  }
0x2f: {  	lr =	sadd.s32 s0, s3;
	s0 =	sld [smem:$0x3FA0]  }
0x30: {  	s3 =	sld [smem:$0x3FA3]  }
0x31: {  	[smem:$0x3FAC] =	sst s10  }
0x32: {  	s10 =	sld [smem:$0x3FAA];
	_ =	sdelay $0x3  }
0x33: {  	p0 =	seq.s32 s10, $0x1;
	s10 =	sld [smem:$0x3FAC];
	_ =	sdelay $0x3  }
0x34: {  	[smem:$0x3FAC] =	sst s10  }
0x35: {  	s10 =	sld [smem:$0x3FAB];
	_ =	sdelay $0x3  }
0x36: {  	p1 =	seq.s32 s10, $0x1;
	s10 =	sld [smem:$0x3FAC];
	_ =	sdelay $0x3  }
0x37: {  	[smem:$0x3FAC] =	sst s10  }
0x38: {  	s10 =	sld [smem:$0x3FAD]  }
0x39: {  	_ = 	snop;
	(pc) =	sbr.ind lr, $3  }
0x3a: {  	_ = 	snop  }
0x3b: {  	_ = 	snop  }
0x3c: {  	p2 =	seq.s32 s10, $0x1;
	s10 =	sld [smem:$0x3FAC]  }
0x3d: {  	_ =	shalt  }
0x3e: {  	_ =	shalt  }
0x3f: {  	_ =	shalt  }
0x40: {  	_ =	shalt  }
0x41: {  	_ =	shalt  }
0x42: {  	_ =	shalt  }
0x43: {  	_ =	shalt  }
0x44: {  	_ =	shalt  }
0x45: {  	_ =	shalt  }
0x46: {  	_ =	shalt  }
0x47: {  	_ =	shalt  }
0x48: {  	_ =	shalt  }
0x49: {  	_ =	shalt  }
0x4a: {  	_ =	shalt  }
0x4b: {  	_ =	shalt  }
0x4c: {  	_ =	shalt  }
0x4d: {  	_ =	shalt  }
0x4e: {  	_ =	shalt  }
0x4f: {  	_ =	shalt  }
0x50: {  	_ =	shalt  }
0x51: {  	_ =	shalt  }
0x52: {  	_ =	shalt  }
0x53: {  	_ =	shalt  }
0x54: {  	_ =	shalt  }
0x55: {  	_ =	shalt  }
0x56: {  	_ =	shalt  }
0x57: {  	_ =	shalt  }
0x58: {  	_ =	shalt  }
0x59: {  	_ =	shalt  }
0x5a: {  	_ =	shalt  }
0x5b: {  	_ =	shalt  }
0x5c: {  	_ =	shalt  }
0x5d: {  	_ =	shalt  }
0x5e: {  	_ =	shalt  }
0x5f: {  	_ =	shalt  }
0x60: {  	_ =	shalt  }
0x61: {  	_ =	shalt  }
0x62: {  	_ =	shalt  }
0x63: {  	_ =	shalt  }
0x64: {  	_ =	shalt  }
0x65: {  	_ =	shalt  }
0x66: {  	_ =	shalt  }
0x67: {  	_ =	shalt  }
0x68: {  	_ =	shalt  }
0x69: {  	_ =	shalt  }
0x6a: {  	_ =	shalt  }
0x6b: {  	_ =	shalt  }
0x6c: {  	_ =	shalt  }
0x6d: {  	_ =	shalt  }
0x6e: {  	_ =	shalt  }
0x6f: {  	_ =	shalt  }
0x70: {  	_ =	shalt  }
0x71: {  	_ =	shalt  }
0x72: {  	_ =	shalt  }
0x73: {  	_ =	shalt  }
0x74: {  	_ =	shalt  }
0x75: {  	_ =	shalt  }
0x76: {  	_ =	shalt  }
0x77: {  	_ =	shalt  }
0x78: {  	_ =	shalt  }
0x79: {  	_ =	shalt  }
0x7a: {  	_ =	shalt  }
0x7b: {  	_ =	shalt  }
0x7c: {  	_ =	shalt  }
0x7d: {  	_ =	shalt  }
0x7e: {  	_ =	shalt  }
0x7f: {  	_ =	shalt  }
0x80: {  	_ =	shalt  }
0x81: {  	_ =	shalt  }
0x82: {  	_ =	shalt  }
0x83: {  	_ =	shalt  }
0x84: {  	_ =	shalt  }
0x85: {  	_ =	shalt  }
0x86: {  	_ =	shalt  }
0x87: {  	_ =	shalt  }
.Lfunc_end0:
.L_simem_size_0:
called_computation.5_lowered:
.L_overlay_start_0:
0x88: {  	s2 =	sld [smem:$0x3FD9]  }
0x89: {  	s3 =	sld [smem:$0x3FFE];
	_ =	sdelay $0x1  }
0x8a: {  	s1 =	srdreg.scid  }
0x8b: {  	s0 =	sand.u32 $0x1, s1  }
0x8c: {  	s16 =	sshll.u32 s0, $0xA;
	s2 =	sadd.s32 s3, s2  }
0x8d: {  	s2 =	sadd.s32 s2, s16  }
0x8e: {  	[smem:$0x3FB8] =	sst s2  }
0x8f: {  	_ = 	snop  }
0x90: {  	(tm) =	ssettm $0x1  }
0x91: {  	s17 =	sld [smem:$0x3FFB];
	_ =	sdelay $0x3  }
0x92: {  	_ =	strace s17  }
0x93: {  	s2 =	sld [smem:$0x3FFC];
	_ =	sdelay $0x3  }
0x94: {  	_ =	strace s2  }
0x95: {  	s2 =	sld [smem:$0x3FFD];
	_ =	sdelay $0x3  }
0x96: {  	_ =	strace s2  }
0x97: {  	_ =	strace $0x8FFFFFFF  }
0x98: {  	s18 =	sld [smem:$0x3FDB];
	_ =	sdelay $0x1  }
0x99: {  	s19 =	simm.s32 $_scs_section_size  }
0x9a: {  	s4 =	simm.s32 $_size__tile_overlayer_lowered;
	s5 =	simm.s32 $_tile_overlayer_lowered  }
0x9b: {  	s22 =	simm.s32 $0x1BFF;
	s21 =	sshll.u32 s5, $0x1;
	s2 =	sadd.s32 s19, s18  }
0x9c: {  	s6 =	simm.s32 $0x0;
	s20 =	sshll.u32 s4, $0x1;
	s4 =	sadd.s32 s21, s2  }
0x9d: {  	[timem:s6], [sflag:s22] =	dma.local [hbm:s4], s20  }
0x9e: {  	_ =	swait.ge [sflag:s22], s20  }
0x9f: {  	s3 =	ssub.s32 $0x0, s20;
	[sflag:s22] =	ssyncset.done $0x0  }
0xa0: {  	[sflag:s22] =	ssyncadd.s32 s3;
	_ =	sdelay $0x1  }
0xa1: {  	s23 =	simm.s32 $0x1B8B  }
0xa2: {  	_ =	swait.ge [sflag:s23], $0x1  }
0xa3: {  	[sflag:s23] =	ssyncset.done $0x0  }
0xa4: {  	s25 =	simm.s32 $0x1B8E;
	s24 =	sld [smem:$0x3FFE];
	[sflag:s23] =	ssyncadd.s32 $0xFFFFFFFF  }
0xa5: {  	s26 =	simm.s32 $execute0_lowered;
	[smem:$0x3FD2] =	sst s25  }
0xa6: {  	s4 =	sshll.u32 s26, $0x1;
	_ =	strace $0x80000055;
	[dreg:$0x1] =	wrdreg $0xFFFFFFFF  }
0xa7: {  	s28 =	simm.s32 $_size_execute0_lowered;
	s2 =	sadd.s32 s2, s4;
	[dreg:$0x0] =	wrdreg $0x0  }
0xa8: {  	s4 =	sshll.u32 s28, $0x1;
	[dreg:$0x2] =	wrdreg s2  }
0xa9: {  	[dreg:$0x3] =	wrdreg s4  }
0xaa: {  	[dreg:$0x4] =	wrdreg $0xC0  }
0xab: {  	_ =	task [dreg:s6], $0x5FFFF  }
0xac: {  	[dreg:$0x1] =	wrdreg $0xFFFFFFFF  }
0xad: {  	[dreg:$0x0] =	wrdreg $0x60  }
0xae: {  	[dreg:$0x2] =	wrdreg s24  }
0xaf: {  	[dreg:$0x3] =	wrdreg $0xB4000  }
0xb0: {  	[dreg:$0x4] =	wrdreg $0x9  }
0xb1: {  	_ =	task.clear_ibuf [dreg:s6], $0x5FFFF;
	_ =	strace $0x90000055  }
0xb2: {  	s29 =	simm.s32 $0x9;
	_ =	strace $0x80000057  }
0xb3: {  	_ =	swait.ge [sflag:s29], $0x1  }
0xb4: {  	[sflag:s29] =	ssyncadd.s32 $0xFFFFFFFF  }
0xb5: {  	_ =	strace $0x90000057  }
0xb6: {  	_ =	sfence  }
0xb7: {  	s30 =	sld [smem:$0x0];
	_ =	sdelay $0x2  }
0xb8: {  	s31 =	sshll.u32 s1, $0xD;
	s1 =	sshrl.u32 s1, $0x2  }
0xb9: {  	s3 =	sand.u32 $0x4000, s31;
	s1 =	sadd.s32 s1, s30  }
0xba: {  	s0 =	sor.u32 s3, s0;
	s1 =	sshll.u32 s1, $0x11  }
0xbb: {  	s0 =	sor.u32 s1, s0  }
0xbc: {  	s0 =	sadd.s32 $0x8F2B, s0  }
0xbd: {  	[sflag:s0] =	ssyncadd.remote.s32 $0x1  }
0xbe: {  	_ =	sfence.sel $0xFFFF  }
0xbf: {  	[dreg:$0x0] =	wrdreg $0xFFFFFFFF;
	(pc) =	sbr.abs _section_cstart, $3  }
0xc0: {  	[dreg:$0x1] =	wrdreg $0xFFFFFFFF  }
0xc1: {  	_ =	task.clear_ibuf [dreg:s6], $0x2FFFF;
	_ =	strace $0x9FFFFFFF  }
0xc2: {  	(tm) =	ssettm $0x7FFFFFFF  }
0xc3: {  	_ =	shalt  }
tec
execute0_lowered:
.L_overlay_start_1:
0x0: {  	(tag) =	ssettag $0x1  }
0x1: {  	s0 =	srdreg.scid  }
0x2: {  	s20 =	stileid.u32;
	s3 =	rddreg [dreg:$0x0]  }
0x3: {  	s1 =	rddreg [dreg:$0x1];
	s23 =	smul.u32 $0x280, s20  }
0x4: {  	s2 =	simm.s32 $0x0;
	s0 =	sand.u32 $0x1, s0;
	s25 =	smul.u32 $0x2800, s20  }
0x5: {  	s4 =	sshll.u32 s20, $0x1;
	[smem:$0x7FF] =	sst s2;
	s7 =	smul.u32 $0x28000, s0  }
0x6: {  	s4 =	sor.u32 s0, s4;
	s8 =	ssub.s32 $0x2, s0;
	s0 =	smul.u32 $0x14000, s0  }
0x7: {  	s6 =	sadd.s32 $0x7AA200, s3;
	s5 =	smul.u32 $0x280, s4;
	s9 =	sshrl.u32 s8, $0x1  }
0x8: {  	s4 =	smul.u32 $0x14000, s4;
	s10 =	sor.u32 $0x40, s23;
	s11 =	sadd.s32 $0x80, s23  }
0x9: {  	s14 =	sadd.s32 $0xC0, s23;
	s16 =	sadd.s32 $0x100, s23;
	s17 =	sadd.s32 $0x140, s23  }
0xa: {  	s21 =	sadd.s32 $0x180, s23;
	s24 =	sadd.s32 $0x1C0, s23;
	s12 =	sshll.u32 s10, $0x4  }
0xb: {  	s13 =	sshll.u32 s11, $0x4;
	s15 =	sshll.u32 s14, $0x4;
	s18 =	sshll.u32 s16, $0x4  }
0xc: {  	s19 =	sshll.u32 s17, $0x4;
	s22 =	sshll.u32 s21, $0x4;
	s26 =	sshll.u32 s24, $0x4  }
0xd: {  	s14 =	sshll.u32 s14, $0x7;
	s24 =	sshll.u32 s24, $0x7;
	s5 =	sadd.s32 s5, s3  }
0xe: {  	s3 =	sadd.s32 s7, s3;
	s7 =	ssub.s32 s8, s9;
	s9 =	smul.u32 $0x50000, s20  }
0xf: {  	s4 =	sadd.s32 s6, s4;
	s20 =	smul.u32 $0x28000, s20;
	s3 =	sadd.s32 $0x10E00, s3  }
0x10: {  	s8 =	sadd.s32 $0x240, s23;
	[dreg:$0x3] =	wrdreg s4;
	s4 =	sadd.s32 s25, s3  }
0x11: {  	s24 =	sadd.s32 s24, s1;
	s12 =	sadd.s32 s12, s3;
	[dreg:$0x4] =	wrdreg s4  }
0x12: {  	s5 =	sadd.s32 $0xBE00, s5;
	s13 =	sadd.s32 s13, s3;
	[dreg:$0x5] =	wrdreg s12  }
0x13: {  	s6 =	sadd.s32 s20, s6;
	s15 =	sadd.s32 s15, s3;
	[dreg:$0x6] =	wrdreg s13  }
0x14: {  	s18 =	sadd.s32 s18, s3;
	s19 =	sadd.s32 s19, s3;
	[dreg:$0x7] =	wrdreg s15  }
0x15: {  	s22 =	sadd.s32 s22, s3;
	s20 =	sshll.u32 s16, $0x7;
	[dreg:$0x8] =	wrdreg s18  }
0x16: {  	s0 =	sadd.s32 s0, s6;
	s6 =	sadd.s32 $0x200, s23;
	[dreg:$0x9] =	wrdreg s19  }
0x17: {  	[dreg:$0xa] =	wrdreg s22;
	s23 =	sadd.s32 s26, s3;
	s26 =	sshll.u32 s8, $0x4  }
0x18: {  	s12 =	sshll.u32 s10, $0x7;
	s13 =	sshll.u32 s11, $0x7;
	s19 =	sadd.s32 s14, s1  }
0x19: {  	s22 =	sshll.u32 s17, $0x7;
	s10 =	simm.s32 $0x80;
	s11 =	simm.s32 $0x2  }
0x1a: {  	[dreg:$0xb] =	wrdreg s23;
	s25 =	sshll.u32 s6, $0x4;
	s18 =	sadd.s32 s13, s1  }
0x1b: {  	s23 =	sshll.u32 s21, $0x7;
	s22 =	sadd.s32 s22, s1;
	s4 =	sadd.s32 s25, s3  }
0x1c: {  	s28 =	sadd.s32 $0x800, s0;
	s3 =	sadd.s32 s26, s3;
	[dreg:$0xc] =	wrdreg s4  }
0x1d: {  	s23 =	sadd.s32 s23, s1;
	[dreg:$0xd] =	wrdreg s3;
	s4 =	sshrl.u32 s9, $0x2  }
0x1e: {  	s9 =	smax.u32 s7, $0x1;
	_ =	strace $0x80000056;
	[dreg:$0xe] =	wrdreg s5  }
0x1f: {  	s25 =	sshll.u32 s6, $0x7;
	s3 =	sadd.s32 s12, s1;
	[dreg:$0xf] =	wrdreg s9  }
0x20: {  	s26 =	sshll.u32 s8, $0x7;
	s25 =	sadd.s32 s25, s1;
	[dreg:$0x10] =	wrdreg s3  }
0x21: {  	s26 =	sadd.s32 s26, s1;
	s7 =	simm.s32 $0x9400;
	[dreg:$0x11] =	wrdreg s18  }
0x22: {  	s12 =	simm.s32 $0x0;
	[dreg:$0x12] =	wrdreg s19;
	s3 =	sadd.s32 s20, s1  }
0x23: {  	s15 =	sadd.s32 s4, s1;
	s9 =	simm.s32 $0x3;
	[dreg:$0x13] =	wrdreg s3  }
0x24: {  	s29 =	sadd.s32 $0x2000, s15;
	s30 =	sadd.s32 $0x4000, s15;
	s31 =	sadd.s32 $0x6000, s15  }
0x25: {  	s8 =	sadd.s32 $0x8000, s15;
	s0 =	sadd.s32 $0xA000, s15;
	s3 =	sadd.s32 $0xC000, s15  }
0x26: {  	v0 =	vimm.f32 $0.0e+00;
	s4 =	sadd.s32 $0xE000, s15;
	s5 =	sadd.s32 $0x10000, s15;
	s6 =	sadd.s32 $0x12000, s15  }
.LBB2_1:
0x27: {  	s13 =	simm.s32 $0x0;
	s14 =	simm.s32 $0x200  }
.LBB2_2:
0x28: {  	p0 =	sne.s32 s14, $0x7E00;
	[tilespmem:s13+$0x9470] =	vst v0  }
0x29: {  	[tilespmem:s13+$0x9400] =	vst v0  }
0x2a: {  	[tilespmem:s13+$0x9410] =	vst v0  }
.Ltmp0:
0x2b: {  	[tilespmem:s13+$0x9420] =	vst v0;
	(pc) =	sbr.rel @p0 .LBB2_2-.Ltmp0, $4  }
0x2c: {  	[tilespmem:s13+$0x9430] =	vst v0  }
0x2d: {  	[tilespmem:s13+$0x9440] =	vst v0  }
0x2e: {  	[tilespmem:s13+$0x9450] =	vst v0  }
0x2f: {  	[tilespmem:s13+$0x9460] =	vst v0;
	s13 =	sshra.s32 s14, $0x2;
	s14 =	sadd.s32 $0x200, s14  }
0x30: {  	[tilespmem:s13+$0x9470] =	vst v0  }
0x31: {  	[tilespmem:s13+$0x9400] =	vst v0  }
0x32: {  	[tilespmem:s13+$0x9410] =	vst v0  }
0x33: {  	[tilespmem:s13+$0x9420] =	vst v0  }
0x34: {  	[tilespmem:s13+$0x9430] =	vst v0  }
0x35: {  	[tilespmem:s13+$0x9440] =	vst v0  }
0x36: {  	[tilespmem:s13+$0x9450] =	vst v0  }
0x37: {  	[tilespmem:s13+$0x9460] =	vst v0  }
0x38: {  	[spmem:s15] =	stream.linear.scatter [tilespmem:s7], [sflag:$0x3], $0x2000, $0x38;
	[tilespmem:$0x1F400] =	vst v63  }
0x39: {  	_ =	swait.ge [sflag:s9], $0x2000  }
0x3a: {  	[sflag:s9] =	ssyncset.done $0x0  }
0x3b: {  	[sflag:s9] =	ssyncadd.s32 $0xFFFFE000  }
0x3c: {  	[spmem:s29] =	stream.linear.scatter [tilespmem:s7], [sflag:$0x3], $0x2000, $0x38;
	[tilespmem:$0x1F400] =	vst v63  }
0x3d: {  	_ =	swait.ge [sflag:s9], $0x2000  }
0x3e: {  	[sflag:s9] =	ssyncset.done $0x0  }
0x3f: {  	[sflag:s9] =	ssyncadd.s32 $0xFFFFE000  }
0x40: {  	[spmem:s30] =	stream.linear.scatter [tilespmem:s7], [sflag:$0x3], $0x2000, $0x38;
	[tilespmem:$0x1F400] =	vst v63  }
0x41: {  	_ =	swait.ge [sflag:s9], $0x2000  }
0x42: {  	[sflag:s9] =	ssyncset.done $0x0  }
0x43: {  	[sflag:s9] =	ssyncadd.s32 $0xFFFFE000  }
0x44: {  	[spmem:s31] =	stream.linear.scatter [tilespmem:s7], [sflag:$0x3], $0x2000, $0x38;
	[tilespmem:$0x1F400] =	vst v63  }
0x45: {  	_ =	swait.ge [sflag:s9], $0x2000  }
0x46: {  	[sflag:s9] =	ssyncset.done $0x0  }
0x47: {  	[sflag:s9] =	ssyncadd.s32 $0xFFFFE000  }
0x48: {  	[spmem:s8] =	stream.linear.scatter [tilespmem:s7], [sflag:$0x3], $0x2000, $0x38;
	[tilespmem:$0x1F400] =	vst v63  }
0x49: {  	_ =	swait.ge [sflag:s9], $0x2000  }
0x4a: {  	[sflag:s9] =	ssyncset.done $0x0  }
0x4b: {  	[sflag:s9] =	ssyncadd.s32 $0xFFFFE000  }
0x4c: {  	[spmem:s0] =	stream.linear.scatter [tilespmem:s7], [sflag:$0x3], $0x2000, $0x38;
	[tilespmem:$0x1F400] =	vst v63  }
0x4d: {  	_ =	swait.ge [sflag:s9], $0x2000  }
0x4e: {  	[sflag:s9] =	ssyncset.done $0x0  }
0x4f: {  	[sflag:s9] =	ssyncadd.s32 $0xFFFFE000  }
0x50: {  	[spmem:s3] =	stream.linear.scatter [tilespmem:s7], [sflag:$0x3], $0x2000, $0x38;
	[tilespmem:$0x1F400] =	vst v63  }
0x51: {  	_ =	swait.ge [sflag:s9], $0x2000  }
0x52: {  	[sflag:s9] =	ssyncset.done $0x0  }
0x53: {  	[sflag:s9] =	ssyncadd.s32 $0xFFFFE000  }
0x54: {  	[spmem:s4] =	stream.linear.scatter [tilespmem:s7], [sflag:$0x3], $0x2000, $0x38;
	[tilespmem:$0x1F400] =	vst v63  }
0x55: {  	_ =	swait.ge [sflag:s9], $0x2000  }
0x56: {  	[sflag:s9] =	ssyncset.done $0x0  }
0x57: {  	[sflag:s9] =	ssyncadd.s32 $0xFFFFE000  }
0x58: {  	[spmem:s5] =	stream.linear.scatter [tilespmem:s7], [sflag:$0x3], $0x2000, $0x38;
	[tilespmem:$0x1F400] =	vst v63  }
0x59: {  	_ =	swait.ge [sflag:s9], $0x2000  }
0x5a: {  	[sflag:s9] =	ssyncset.done $0x0  }
0x5b: {  	[sflag:s9] =	ssyncadd.s32 $0xFFFFE000  }
0x5c: {  	[spmem:s6] =	stream.linear.scatter [tilespmem:s7], [sflag:$0x3], $0x2000, $0x38;
	[tilespmem:$0x1F400] =	vst v63  }
0x5d: {  	_ =	swait.ge [sflag:s9], $0x2000  }
0x5e: {  	[sflag:s9] =	ssyncset.done $0x0  }
0x5f: {  	[sflag:s9] =	ssyncadd.s32 $0xFFFFE000  }
0x60: {  	[bflag:$0x0] =	sbarrier.arrive $0xFFFF  }
0x61: {  	s13 =	simm.s32 $0x0;
	s14 =	rddreg [dreg:$0xe]  }
0x62: {  	[tilespmem:s13], [sflag:$0x3] =	stream.linear.gather [hbm4b:s14+s13], $0x1400, $0x38;
	[tilespmem:$0x1F400] =	vst v63  }
0x63: {  	s16 =	simm.s32 $0x1400;
	s19 =	simm.s32 $0x0;
	_ =	swait.ge [sflag:s9], $0x1400  }
0x64: {  	s20 =	simm.s32 $0x1;
	s14 =	sand.u32 $0x1, s19;
	[sflag:s9] =	ssyncset.done $0x0  }
0x65: {  	s17 =	sadd.s32 $0x1, s14;
	s18 =	rddreg [dreg:$0x3];
	[sflag:s9] =	ssyncadd.s32 $0xFFFFEC00  }
0x66: {  	[tilespmem:s16], [sflag:$0x1] =	stream.linear.gather [hbm4b:s18+s13], $0x4000, $0x38;
	[tilespmem:$0x1F400] =	vst v63  }
0x67: {  	s16 =	sand.u32 $0x1, s20;
	_ =	swait.ge [sflag:s17], $0x4000  }
0x68: {  	s14 =	sshll.u32 s14, $0xE;
	s18 =	sshll.u32 s16, $0xE;
	[sflag:s17] =	ssyncset.done $0x0  }
0x69: {  	s16 =	sadd.s32 $0x1, s16;
	s21 =	sor.u32 $0x1400, s18;
	[sflag:s17] =	ssyncadd.s32 $0xFFFFC000  }
0x6a: {  	[tilespmem:s21], [sflag:s16] =	stream.linear.gather [hbm4b:s28+s2], $0x4000, $0x38;
	[tilespmem:$0x1F400] =	vst v63  }
0x6b: {  	s14 =	sor.u32 $0x1400, s14;
	s18 =	simm.s32 $0x1  }
0x6c: {  	[spmem:s1] =	stream.indirect.scatter.add.f32 [tilespmem:s14], [sflag:$0x3], $0x80, s13, s10, $0xb8;
	[tilespmem:$0x1F400] =	vst v63  }
0x6d: {  	s17 =	simm.s32 $0x3;
	s16 =	simm.s32 $0x2;
	_ =	swait.ge [sflag:s9], $0x4000  }
0x6e: {  	s13 =	sadd.s32 $0x800, s28;
	s14 =	simm.s32 $0x80;
	[sflag:s9] =	ssyncset.done $0x0  }
.LBB2_4:
0x6f: {  	s18 =	sand.u32 $0x1, s18  }
0x70: {  	[sflag:s9] =	ssyncadd.s32 $0xFFFFC000;
	s19 =	smov.u32 s17;
	s20 =	sadd.s32 $0x1, s17  }
0x71: {  	p0 =	sne.s32 s17, $0x27;
	s17 =	sadd.s32 $0x1, s18;
	s18 =	sshll.u32 s18, $0xE  }
0x72: {  	s21 =	sand.u32 $0x1, s16;
	s16 =	smov.u32 s19;
	_ =	swait.ge [sflag:s17], $0x4000  }
0x73: {  	s19 =	sshll.u32 s21, $0xE;
	[sflag:s17] =	ssyncset.done $0x0  }
0x74: {  	[sflag:s17] =	ssyncadd.s32 $0xFFFFC000;
	s17 =	sor.u32 $0x1400, s19;
	s19 =	sadd.s32 $0x1, s21  }
0x75: {  	[tilespmem:s17], [sflag:s19] =	stream.linear.gather [hbm4b:s13+s2], $0x4000, $0x38;
	[tilespmem:$0x1F400] =	vst v63  }
.Ltmp1:
0x76: {  	_ = 	snop;
	(pc) =	sbr.rel @p0 .LBB2_4-.Ltmp1, $4  }
0x77: {  	s17 =	sor.u32 $0x1400, s18  }
0x78: {  	[spmem:s1] =	stream.indirect.scatter.add.f32 [tilespmem:s17], [sflag:$0x3], $0x80, s14, s10, $0xb8;
	[tilespmem:$0x1F400] =	vst v63  }
0x79: {  	s13 =	sadd.s32 $0x800, s13;
	s18 =	sadd.s32 $0xFFFFFFFF, s16;
	_ =	swait.ge [sflag:s9], $0x4000  }
0x7a: {  	s14 =	sadd.s32 $0x80, s14;
	s17 =	smov.u32 s20;
	[sflag:s9] =	ssyncset.done $0x0  }
0x7b: {  	s17 =	sand.u32 $0x1, s18  }
0x7c: {  	[sflag:s9] =	ssyncadd.s32 $0xFFFFC000;
	s18 =	sadd.s32 $0x1, s17  }
0x7d: {  	s16 =	sand.u32 $0x1, s16;
	_ =	swait.ge [sflag:s18], $0x4000  }
0x7e: {  	s19 =	sshll.u32 s16, $0xE;
	s16 =	sadd.s32 $0x1, s16;
	[sflag:s18] =	ssyncset.done $0x0  }
0x7f: {  	s21 =	sor.u32 $0x1400, s19;
	[sflag:s18] =	ssyncadd.s32 $0xFFFFC000;
	s18 =	sshll.u32 s17, $0xE  }
0x80: {  	[tilespmem:s21], [sflag:s16] =	stream.linear.gather [hbm4b:s13+s2], $0x4000, $0x38;
	[tilespmem:$0x1F400] =	vst v63  }
0x81: {  	s13 =	sor.u32 $0x1400, s18  }
0x82: {  	[spmem:s1] =	stream.indirect.scatter.add.f32 [tilespmem:s13], [sflag:$0x3], $0x80, s14, s10, $0xb8;
	[tilespmem:$0x1F400] =	vst v63  }
0x83: {  	_ =	swait.ge [sflag:s9], $0x4000  }
0x84: {  	[sflag:s9] =	ssyncset.done $0x0  }
0x85: {  	[sflag:s9] =	ssyncadd.s32 $0xFFFFC000  }
0x86: {  	_ =	swait.ge [sflag:s11], $0x4000  }
0x87: {  	[sflag:s11] =	ssyncset.done $0x0  }
0x88: {  	s20 =	simm.s32 $0x5400;
	s19 =	simm.s32 $0x1380;
	[sflag:s11] =	ssyncadd.s32 $0xFFFFC000  }
0x89: {  	[spmem:s1] =	stream.indirect.scatter.add.f32 [tilespmem:s20], [sflag:$0x3], $0x80, s19, s10, $0xb8;
	[tilespmem:$0x1F400] =	vst v63  }
0x8a: {  	_ =	swait.ge [sflag:s9], $0x4000  }
0x8b: {  	[sflag:s9] =	ssyncset.done $0x0  }
0x8c: {  	[sflag:s9] =	ssyncadd.s32 $0xFFFFC000  }
0x8d: {  	[bflag:$0x0] =	sbarrier.arrive $0xFFFF  }
0x8e: {  	[tilespmem:s7], [sflag:$0x3] =	stream.linear.gather [spmem:s15], $0x2000, $0x38;
	[tilespmem:$0x1F400] =	vst v63  }
0x8f: {  	_ =	swait.ge [sflag:s9], $0x2000  }
0x90: {  	[sflag:s9] =	ssyncset.done $0x0  }
0x91: {  	s21 =	rddreg [dreg:$0x4];
	[sflag:s9] =	ssyncadd.s32 $0xFFFFE000  }
0x92: {  	[hbm4b:s21+s2] =	stream.linear.scatter [tilespmem:s7], [sflag:$0x3], $0x2000, $0x38;
	[tilespmem:$0x1F400] =	vst v63  }
0x93: {  	_ =	swait.ge [sflag:s9], $0x2000  }
0x94: {  	[sflag:s9] =	ssyncset.done $0x0  }
0x95: {  	s14 =	rddreg [dreg:$0x10];
	[sflag:s9] =	ssyncadd.s32 $0xFFFFE000  }
0x96: {  	[tilespmem:s7], [sflag:$0x3] =	stream.linear.gather [spmem:s14], $0x2000, $0x38;
	[tilespmem:$0x1F400] =	vst v63  }
0x97: {  	_ =	swait.ge [sflag:s9], $0x2000  }
0x98: {  	[sflag:s9] =	ssyncset.done $0x0  }
0x99: {  	s16 =	rddreg [dreg:$0x5];
	[sflag:s9] =	ssyncadd.s32 $0xFFFFE000  }
0x9a: {  	[hbm4b:s16+s2] =	stream.linear.scatter [tilespmem:s7], [sflag:$0x3], $0x2000, $0x38;
	[tilespmem:$0x1F400] =	vst v63  }
0x9b: {  	_ =	swait.ge [sflag:s9], $0x2000  }
0x9c: {  	[sflag:s9] =	ssyncset.done $0x0  }
0x9d: {  	s17 =	rddreg [dreg:$0x11];
	[sflag:s9] =	ssyncadd.s32 $0xFFFFE000  }
0x9e: {  	[tilespmem:s7], [sflag:$0x3] =	stream.linear.gather [spmem:s17], $0x2000, $0x38;
	[tilespmem:$0x1F400] =	vst v63  }
0x9f: {  	_ =	swait.ge [sflag:s9], $0x2000  }
0xa0: {  	[sflag:s9] =	ssyncset.done $0x0  }
0xa1: {  	s18 =	rddreg [dreg:$0x6];
	[sflag:s9] =	ssyncadd.s32 $0xFFFFE000  }
0xa2: {  	[hbm4b:s18+s2] =	stream.linear.scatter [tilespmem:s7], [sflag:$0x3], $0x2000, $0x38;
	[tilespmem:$0x1F400] =	vst v63  }
0xa3: {  	_ =	swait.ge [sflag:s9], $0x2000  }
0xa4: {  	[sflag:s9] =	ssyncset.done $0x0  }
0xa5: {  	s19 =	rddreg [dreg:$0x12];
	[sflag:s9] =	ssyncadd.s32 $0xFFFFE000  }
0xa6: {  	[tilespmem:s7], [sflag:$0x3] =	stream.linear.gather [spmem:s19], $0x2000, $0x38;
	[tilespmem:$0x1F400] =	vst v63  }
0xa7: {  	_ =	swait.ge [sflag:s9], $0x2000  }
0xa8: {  	[sflag:s9] =	ssyncset.done $0x0  }
0xa9: {  	s20 =	rddreg [dreg:$0x7];
	[sflag:s9] =	ssyncadd.s32 $0xFFFFE000  }
0xaa: {  	[hbm4b:s20+s2] =	stream.linear.scatter [tilespmem:s7], [sflag:$0x3], $0x2000, $0x38;
	[tilespmem:$0x1F400] =	vst v63  }
0xab: {  	_ =	swait.ge [sflag:s9], $0x2000  }
0xac: {  	[sflag:s9] =	ssyncset.done $0x0  }
0xad: {  	s21 =	rddreg [dreg:$0x13];
	[sflag:s9] =	ssyncadd.s32 $0xFFFFE000  }
0xae: {  	[tilespmem:s7], [sflag:$0x3] =	stream.linear.gather [spmem:s21], $0x2000, $0x38;
	[tilespmem:$0x1F400] =	vst v63  }
0xaf: {  	_ =	swait.ge [sflag:s9], $0x2000  }
0xb0: {  	[sflag:s9] =	ssyncset.done $0x0  }
0xb1: {  	s14 =	rddreg [dreg:$0x8];
	[sflag:s9] =	ssyncadd.s32 $0xFFFFE000  }
0xb2: {  	[hbm4b:s14+s2] =	stream.linear.scatter [tilespmem:s7], [sflag:$0x3], $0x2000, $0x38;
	[tilespmem:$0x1F400] =	vst v63  }
0xb3: {  	_ =	swait.ge [sflag:s9], $0x2000  }
0xb4: {  	[sflag:s9] =	ssyncset.done $0x0  }
0xb5: {  	[sflag:s9] =	ssyncadd.s32 $0xFFFFE000  }
0xb6: {  	[tilespmem:s7], [sflag:$0x3] =	stream.linear.gather [spmem:s22], $0x2000, $0x38;
	[tilespmem:$0x1F400] =	vst v63  }
0xb7: {  	_ =	swait.ge [sflag:s9], $0x2000  }
0xb8: {  	[sflag:s9] =	ssyncset.done $0x0  }
0xb9: {  	s16 =	rddreg [dreg:$0x9];
	[sflag:s9] =	ssyncadd.s32 $0xFFFFE000  }
0xba: {  	[hbm4b:s16+s2] =	stream.linear.scatter [tilespmem:s7], [sflag:$0x3], $0x2000, $0x38;
	[tilespmem:$0x1F400] =	vst v63  }
0xbb: {  	_ =	swait.ge [sflag:s9], $0x2000  }
0xbc: {  	[sflag:s9] =	ssyncset.done $0x0  }
0xbd: {  	[sflag:s9] =	ssyncadd.s32 $0xFFFFE000  }
0xbe: {  	[tilespmem:s7], [sflag:$0x3] =	stream.linear.gather [spmem:s23], $0x2000, $0x38;
	[tilespmem:$0x1F400] =	vst v63  }
0xbf: {  	_ =	swait.ge [sflag:s9], $0x2000  }
0xc0: {  	[sflag:s9] =	ssyncset.done $0x0  }
0xc1: {  	s17 =	rddreg [dreg:$0xa];
	[sflag:s9] =	ssyncadd.s32 $0xFFFFE000  }
0xc2: {  	[hbm4b:s17+s2] =	stream.linear.scatter [tilespmem:s7], [sflag:$0x3], $0x2000, $0x38;
	[tilespmem:$0x1F400] =	vst v63  }
0xc3: {  	_ =	swait.ge [sflag:s9], $0x2000  }
0xc4: {  	[sflag:s9] =	ssyncset.done $0x0  }
0xc5: {  	[sflag:s9] =	ssyncadd.s32 $0xFFFFE000  }
0xc6: {  	[tilespmem:s7], [sflag:$0x3] =	stream.linear.gather [spmem:s24], $0x2000, $0x38;
	[tilespmem:$0x1F400] =	vst v63  }
0xc7: {  	_ =	swait.ge [sflag:s9], $0x2000  }
0xc8: {  	[sflag:s9] =	ssyncset.done $0x0  }
0xc9: {  	s18 =	rddreg [dreg:$0xb];
	[sflag:s9] =	ssyncadd.s32 $0xFFFFE000  }
0xca: {  	[hbm4b:s18+s2] =	stream.linear.scatter [tilespmem:s7], [sflag:$0x3], $0x2000, $0x38;
	[tilespmem:$0x1F400] =	vst v63  }
0xcb: {  	_ =	swait.ge [sflag:s9], $0x2000  }
0xcc: {  	[sflag:s9] =	ssyncset.done $0x0  }
0xcd: {  	[sflag:s9] =	ssyncadd.s32 $0xFFFFE000  }
0xce: {  	[tilespmem:s7], [sflag:$0x3] =	stream.linear.gather [spmem:s25], $0x2000, $0x38;
	[tilespmem:$0x1F400] =	vst v63  }
0xcf: {  	_ =	swait.ge [sflag:s9], $0x2000  }
0xd0: {  	[sflag:s9] =	ssyncset.done $0x0  }
0xd1: {  	s19 =	rddreg [dreg:$0xc];
	[sflag:s9] =	ssyncadd.s32 $0xFFFFE000  }
0xd2: {  	[hbm4b:s19+s2] =	stream.linear.scatter [tilespmem:s7], [sflag:$0x3], $0x2000, $0x38;
	[tilespmem:$0x1F400] =	vst v63  }
0xd3: {  	_ =	swait.ge [sflag:s9], $0x2000  }
0xd4: {  	[sflag:s9] =	ssyncset.done $0x0  }
0xd5: {  	[sflag:s9] =	ssyncadd.s32 $0xFFFFE000  }
0xd6: {  	[tilespmem:s7], [sflag:$0x3] =	stream.linear.gather [spmem:s26], $0x2000, $0x38;
	[tilespmem:$0x1F400] =	vst v63  }
0xd7: {  	_ =	swait.ge [sflag:s9], $0x2000  }
0xd8: {  	[sflag:s9] =	ssyncset.done $0x0  }
0xd9: {  	s20 =	rddreg [dreg:$0xd];
	[sflag:s9] =	ssyncadd.s32 $0xFFFFE000  }
0xda: {  	[hbm4b:s20+s2] =	stream.linear.scatter [tilespmem:s7], [sflag:$0x3], $0x2000, $0x38;
	[tilespmem:$0x1F400] =	vst v63  }
0xdb: {  	_ =	swait.ge [sflag:s9], $0x2000  }
0xdc: {  	s12 =	sadd.s32 $0x1, s12;
	s21 =	rddreg [dreg:$0xf]  }
0xdd: {  	p0 =	sne.s32 s12, s21  }
.Ltmp2:
0xde: {  	_ = 	snop;
	(pc) =	sbr.rel @p0 .LBB2_1-.Ltmp2, $3  }
0xdf: {  	_ =	sdelay $0x1  }
0xe0: {  	[sflag:s9] =	ssyncset.done $0x0  }
0xe1: {  	[sflag:s9] =	ssyncadd.s32 $0xFFFFE000  }
0xe2: {  	_ =	sfence.sel $0x180000  }
0xe3: {  	[bflag:$0x0] =	sbarrier.arrive $0xFFFF  }
0xe4: {  	_ =	strace $0x90000056  }
0xe5: {  	s0 =	stileid.u32;
	[bflag:$0x2] =	sbarrier.arrive $0xFFFF  }
0xe6: {  	p0 =	sne.s32 s0, $0x0;
	s0 =	rddreg [dreg:$0x2]  }
0xe7: {  	s0 =	sadd.s32 @!p0 $0x100000, s0  }
0xe8: {  	[sflag:s0] =	ssyncadd.tile.s32 @!p0 $0x1;
	_ =	shalt  }
.Lfunc_end2:
_tile_overlayer_lowered:
.L_overlay_start_2:
0xe9: {  	(tag) =	ssettag $0x2  }
0xea: {  	s0 =	rddreg [dreg:$0x0];
	s2 =	stileid.u32  }
0xeb: {  	s1 =	rddreg [dreg:$0x1];
	p0 =	sne.s32 s2, $0x0  }
0xec: {  	s3 =	rddreg [dreg:$0x2];
	[bflag:$0x3] =	sbarrier.arrive $0xFFFF;
	s2 =	simm.s32 @!p0 $0x1C03  }
0xed: {  	[timem:s3], [sflag:s2] =	dma.local @!p0 [hbm:s0], s1  }
0xee: {  	s0 =	simm.s32 @!p0 $0x3  }
0xef: {  	_ =	swait.ge @!p0 [sflag:s0], s1  }
0xf0: {  	s1 =	ssub.s32 @!p0 $0x0, s1;
	[sflag:s0] =	ssyncset.done @!p0 $0x0  }
0xf1: {  	[sflag:s0] =	ssyncadd.s32 @!p0 s1  }
0xf2: {  	[bflag:$0x3] =	sbarrier.arrive $0xFFFF  }
0xf3: {  	_ =	shalt  }

</sc_bundles>
